<compile_context>
chip_gen: v7x
topology: tpu7x:2x2x1
jax: 0.10.2.dev20260603
libtpu: 0.0.44.dev20260713+nightly
codegen_flags: <defaults>
</compile_context>

<pallas_src>
import functools

import jax
import jax.numpy as jnp
from jax import lax
from jax.experimental import pallas as pl
from jax.experimental.pallas import tpu as pltpu
from jax.experimental.pallas import tpu_sc as plsc

_NC = 2
_NS = 16
_L = 16
_BLK = 128
_CBLK = 125
_CHUNK = _CBLK * _BLK


def _make_sc_segsum(n_nodes, n_edges, d_edge):
    epc = n_edges // _NC
    nch = epc // _CHUNK
    hrows = n_nodes // _L
    crows = -(-hrows // _NS) * _NS
    czrows = crows // _NS
    mrg = -(-hrows // 125)

    mesh = plsc.VectorSubcoreMesh(core_axis_name="c", subcore_axis_name="s")

    @functools.partial(
        pl.kernel,
        out_type=(
            jax.ShapeDtypeStruct((_NC, d_edge, n_nodes // _L, _L), jnp.float32),
            jax.ShapeDtypeStruct((_NC, crows, _L), jnp.float32),
        ),
        mesh=mesh,
        compiler_params=pltpu.CompilerParams(use_tc_tiling_on_sc=False,
                                             needs_layout_passes=False),
        scratch_types=[
            pltpu.VMEM((2, _CBLK, _BLK), jnp.float32),
            pltpu.VMEM((2, _CBLK, _BLK), jnp.int32),
            pltpu.VMEM((mrg, 125), jnp.int32),
            pltpu.VMEM((n_nodes // _L, _L), jnp.float32),
            pltpu.VMEM((hrows, _L), jnp.float32),
            pltpu.VMEM_SHARED((crows, _L), jnp.float32),
            pltpu.SemaphoreType.DMA,
            pltpu.SemaphoreType.DMA,
        ],
    )
    def sc_segsum(feat_hbm, col_hbm, midx_hbm, sums_out, cnt_out,
                  val_v, colc_v, midx_v, sum_v, hist_v, cnt_sh, gsem, msem):
        cid = lax.axis_index("c")
        sid = lax.axis_index("s")
        fb = sid // 8
        fr = sid % 8

        def zfill(ref, n):
            def body(i, _):
                ref[i, :] = jnp.zeros((_L,), jnp.float32)
                return 0
            lax.fori_loop(0, n, body, 0)

        zfill(sum_v, n_nodes // _L)
        zfill(hist_v, hrows)
        pltpu.sync_copy(hist_v.at[pl.ds(0, czrows)],
                        cnt_sh.at[pl.ds(sid * czrows, czrows)])
        pltpu.sync_copy(midx_hbm, midx_v)
        plsc.subcore_barrier()

        ebase = cid * (epc // _BLK)

        def gather(k, b):
            d0 = pltpu.async_copy(
                feat_hbm.at[fb, pl.ds(ebase + k * _CBLK, _CBLK), fr],
                val_v.at[b], gsem)
            d1 = pltpu.async_copy(
                col_hbm.at[pl.ds(ebase + k * _CBLK, _CBLK), 1],
                colc_v.at[b], gsem)
            return (d0, d1)

        ones = jnp.ones((_L,), jnp.float32)
        clo = (sid * _CBLK) // _NS
        chi = ((sid + 1) * _CBLK) // _NS

        def process(b):
            def body(i, _):
                for l in range(_BLK // _L):
                    c = colc_v[b, i, pl.ds(l * _L, _L)]
                    v = val_v[b, i, pl.ds(l * _L, _L)]
                    plsc.addupdate_scatter(sum_v, [c >> 4, c & 15], v)
                return 0
            lax.fori_loop(0, _CBLK, body, 0)

            def cbody(i, _):
                for l in range(_BLK // _L):
                    c = colc_v[b, i, pl.ds(l * _L, _L)]
                    plsc.addupdate_scatter(hist_v, [c >> 4, c & 15], ones)
                return 0
            lax.fori_loop(clo, chi, cbody, 0)

        desc = [None, None]
        desc[0] = gather(0, 0)
        for k in range(nch):
            b = k % 2
            desc[b][0].wait()
            desc[b][1].wait()
            if k + 1 < nch:
                desc[1 - b] = gather(k + 1, 1 - b)
            process(b)

        pltpu.sync_copy(sum_v, sums_out.at[cid, sid])

        def mbody(c, _):
            pltpu.async_copy(hist_v.at[pl.ds(c * 125, 125)],
                             cnt_sh.at[midx_v.at[c]], msem, add=True)
            return 0
        lax.fori_loop(0, mrg, mbody, 0)
        pltpu.make_async_copy(cnt_out.at[cid, pl.ds(0, hrows)],
                              hist_v, msem).wait()
        plsc.subcore_barrier()

        @pl.when(sid == 0)
        def _():
            pltpu.sync_copy(cnt_sh, cnt_out.at[cid])

    return sc_segsum


def _tc_pre(x, batch2d, u, w1, b1):
    n, d_node = x.shape
    n_graphs, d_graph = u.shape
    hidden = w1.shape[0]
    d_edge = w1.shape[1] - d_node - d_graph

    def body(x_ref, b_ref, u_ref, w1_ref, b1_ref, out_ref):
        oh = (b_ref[...] == lax.broadcasted_iota(jnp.int32, (n, n_graphs), 1))
        ub = jnp.dot(oh.astype(jnp.float32), u_ref[...],
                     preferred_element_type=jnp.float32)
        out_ref[...] = (lax.dot_general(x_ref[...], w1_ref[:, :d_node],
                                        (((1,), (1,)), ((), ())),
                                        preferred_element_type=jnp.float32)
                        + lax.dot_general(ub, w1_ref[:, d_node + d_edge:],
                                          (((1,), (1,)), ((), ())),
                                          preferred_element_type=jnp.float32)
                        + b1_ref[...])

    return pl.pallas_call(
        body,
        out_shape=jax.ShapeDtypeStruct((n, hidden), jnp.float32),
    )(x, batch2d, u, w1, b1)


def _tc_dense(hpre, s0, s1, c0, c1, d_node, w1, gamma, beta, w2, b2):
    n, hidden = hpre.shape
    d_edge = s0.shape[0]
    d_out = w2.shape[0]

    def body(hp_ref, s0_ref, s1_ref, c0_ref, c1_ref,
             w1_ref, g_ref, be_ref, w2_ref, b2_ref, out_ref):
        sums_t = s0_ref[...] + s1_ref[...]
        cnt = jnp.maximum(c0_ref[...] + c1_ref[...], 1.0)
        e_t = sums_t / cnt
        he = lax.dot_general(e_t, w1_ref[:, d_node:d_node + d_edge],
                             (((0,), (1,)), ((), ())),
                             preferred_element_type=jnp.float32)
        h = hp_ref[...] + he
        mean = jnp.mean(h, axis=0, keepdims=True)
        var = jnp.mean((h - mean) ** 2, axis=0, keepdims=True)
        hn = (h - mean) / jnp.sqrt(var + 1e-5) * g_ref[...] + be_ref[...]
        hr = jnp.maximum(hn, 0.0)
        out_ref[...] = (lax.dot_general(hr, w2_ref[...],
                                        (((1,), (1,)), ((), ())),
                                        preferred_element_type=jnp.float32)
                        + b2_ref[...])

    return pl.pallas_call(
        body,
        out_shape=jax.ShapeDtypeStruct((n, d_out), jnp.float32),
    )(hpre, s0, s1, c0, c1, w1, gamma, beta, w2, b2)


def kernel(x, edge_index, edge_attr, u, batch, W1, b1, gamma, beta, W2, b2):
    n_nodes, d_node = x.shape
    n_edges, d_edge = edge_attr.shape
    hidden = W1.shape[0]

    colc = edge_index.astype(jnp.int32).reshape(2, n_edges // _BLK, _BLK)
    colc = colc.transpose(1, 0, 2)
    featv = edge_attr.T.reshape(d_edge // 8, 8, n_edges // _BLK, _BLK)
    featv = featv.transpose(0, 2, 1, 3)
    hrows = n_nodes // _L
    mrg = -(-hrows // 125)
    midx = jnp.arange(mrg * 125, dtype=jnp.int32).reshape(mrg, 125)

    sc_segsum = _make_sc_segsum(n_nodes, n_edges, d_edge)
    sums, cnt = sc_segsum(featv, colc, midx)
    sums = sums.reshape(_NC, d_edge, n_nodes)

    crows = cnt.shape[1]
    c0 = cnt[0].reshape(1, crows * _L)[:, :n_nodes]
    c1 = cnt[1].reshape(1, crows * _L)[:, :n_nodes]

    hpre = _tc_pre(x, batch.astype(jnp.int32).reshape(n_nodes, 1), u, W1,
                   b1.reshape(1, hidden))
    return _tc_dense(
        hpre, sums[0], sums[1], c0, c1, d_node, W1,
        gamma.reshape(1, hidden), beta.reshape(1, hidden),
        W2, b2.reshape(1, W2.shape[0]),
    )

# --- scband reference (transcript-rebuilt; emitter-appended) ---
"""Pipeline reference for scband-node-model-6279242186980 (READ-ONLY COPY).

The authoritative reference and input builder live on the scoring server;
editing this copy changes nothing except your own understanding.
"""

import jax, jax.numpy as jnp
import numpy as np

N_NODES = 10000
N_EDGES = 320000
D_NODE_IN = 128
D_NODE_OUT = 128
D_EDGE = 16
D_GRAPH = 16
HIDDEN = 128
N_GRAPHS = 16


def setup_inputs(seed: int = 0) -> dict:
    key = jax.random.key(seed)
    ks = jax.random.split(key, 12)
    x = jax.random.normal(ks[0], (N_NODES, D_NODE_IN), dtype=jnp.float32)
    edge_index = jax.random.randint(ks[1], (2, N_EDGES), 0, N_NODES, dtype=jnp.int64)
    edge_attr = jax.random.normal(ks[2], (N_EDGES, D_EDGE), dtype=jnp.float32)
    u = jax.random.normal(ks[3], (N_GRAPHS, D_GRAPH), dtype=jnp.float32)
    batch = jnp.sort(jax.random.randint(ks[4], (N_NODES,), 0, N_GRAPHS, dtype=jnp.int64))
    d_in = D_NODE_IN + D_EDGE + D_GRAPH
    s1 = 1.0 / np.sqrt(d_in)
    W1 = jax.random.uniform(ks[5], (HIDDEN, d_in), dtype=jnp.float32, minval=-s1, maxval=s1)
    b1 = jax.random.uniform(ks[6], (HIDDEN,), dtype=jnp.float32, minval=-s1, maxval=s1)
    gamma = jnp.ones((HIDDEN,), dtype=jnp.float32)
    beta = jnp.zeros((HIDDEN,), dtype=jnp.float32)
    s2 = 1.0 / np.sqrt(HIDDEN)
    W2 = jax.random.uniform(ks[7], (D_NODE_OUT, HIDDEN), dtype=jnp.float32, minval=-s2, maxval=s2)
    b2 = jax.random.uniform(ks[8], (D_NODE_OUT,), dtype=jnp.float32, minval=-s2, maxval=s2)
    return {"x": x, "edge_index": edge_index, "edge_attr": edge_attr, "u": u, "batch": batch,
            "W1": W1, "b1": b1, "gamma": gamma, "beta": beta, "W2": W2, "b2": b2}


def reference(x, edge_index, edge_attr, u, batch, W1, b1, gamma, beta, W2, b2):
    col = edge_index[1]
    n = x.shape[0]
    sums = jax.ops.segment_sum(edge_attr, col, num_segments=n)
    counts = jax.ops.segment_sum(jnp.ones((edge_attr.shape[0],), dtype=edge_attr.dtype), col, num_segments=n)
    e_aggr = sums / jnp.maximum(counts, 1.0)[:, None]
    out = jnp.concatenate([x, e_aggr, u[batch]], axis=1)
    h = out @ W1.T + b1
    mean = jnp.mean(h, axis=0)
    var = jnp.mean((h - mean) ** 2, axis=0)
    h = (h - mean) / jnp.sqrt(var + 1e-5) * gamma + beta
    h = jax.nn.relu(h)
    return h @ W2.T + b2

if __name__ == "__main__":
    import jax
    _d = setup_inputs()
    print(jax.jit(kernel)(*tuple(_d.values())))

</pallas_src>

<mosaic_0001>
#map = affine_map<(d0, d1) -> (0, 0, 0, 0)>
#map1 = affine_map<(d0, d1) -> (0, 0, 0)>
#map2 = affine_map<(d0, d1) -> (0, 0)>
module attributes {stable_mosaic.version = 14 : i64} {
  func.func @sc_segsum(%arg0: i32, %arg1: i32, %arg2: memref<2x2500x8x128xf32, #tpu.memory_space<hbm>>, %arg3: memref<2500x2x128xi32, #tpu.memory_space<hbm>>, %arg4: memref<5x125xi32, #tpu.memory_space<hbm>>, %arg5: memref<2x16x625x16xf32, #tpu.memory_space<hbm>>, %arg6: memref<2x640x16xf32, #tpu.memory_space<hbm>>, %arg7: memref<2x125x128xf32, #tpu.memory_space<vmem>>, %arg8: memref<2x125x128xi32, #tpu.memory_space<vmem>>, %arg9: memref<5x125xi32, #tpu.memory_space<vmem>>, %arg10: memref<625x16xf32, #tpu.memory_space<vmem>>, %arg11: memref<625x16xf32, #tpu.memory_space<vmem>>, %arg12: memref<640x16xf32, #tpu.memory_space<vmem_shared>>, %arg13: memref<!tpu.dma_semaphore, #tpu.memory_space<semaphore_mem>>, %arg14: memref<!tpu.dma_semaphore, #tpu.memory_space<semaphore_mem>>) attributes {dimension_semantics = [#tpu.dimension_semantics<core_parallel>, #tpu.dimension_semantics<subcore_parallel>], iteration_bounds = array<i64: 2, 16>, scalar_prefetch = 0 : i64, scratch_operands = 8 : i64, tpu.core_type = #tpu.core_type<sc_vector_subcore>, window_params = [{transform_indices = #map}, {transform_indices = #map1}, {transform_indices = #map2}, {transform_indices = #map}, {transform_indices = #map1}]} {
    %jit3A = arith.constant 8 : i32
    %div3A = arith.divsi %arg1, %jit3A : i32
    %sign3A = arith.constant 0 : i32
    %sign3A_0 = arith.cmpi sgt, %arg1, %sign3A : i32
    %sign3A_1 = arith.extui %sign3A_0 : i1 to i32
    %sign3A_2 = arith.constant 0 : i32
    %sign3A_3 = arith.cmpi slt, %arg1, %sign3A_2 : i32
    %sign3A_4 = arith.extui %sign3A_3 : i1 to i32
    %sign3A_5 = arith.subi %sign3A_1, %sign3A_4 : i32
    %sign3A_6 = arith.constant 0 : i32
    %sign3A_7 = arith.cmpi sgt, %jit3A, %sign3A_6 : i32
    %sign3A_8 = arith.extui %sign3A_7 : i1 to i32
    %sign3A_9 = arith.constant 0 : i32
    %sign3A_10 = arith.cmpi slt, %jit3A, %sign3A_9 : i32
    %sign3A_11 = arith.extui %sign3A_10 : i1 to i32
    %sign3A_12 = arith.subi %sign3A_8, %sign3A_11 : i32
    %ne3A = arith.cmpi ne, %sign3A_5, %sign3A_12 : i32
    %rem3A = arith.remsi %arg1, %jit3A : i32
    %ne3A_13 = arith.constant 0 : i32
    %ne3A_14 = arith.cmpi ne, %rem3A, %ne3A_13 : i32
    %and3A = arith.andi %ne3A, %ne3A_14 : i1
    %sub3A = arith.constant 1 : i32
    %sub3A_15 = arith.subi %div3A, %sub3A : i32
    %select_n3A = arith.select %and3A, %sub3A_15, %div3A : i32
    %jit3A_16 = arith.constant 8 : i32
    %eq3A = arith.constant 0 : i32
    %eq3A_17 = arith.cmpi eq, %jit3A_16, %eq3A : i32
    %jit3A_18 = arith.constant 1 : i32
    %select_n3A_19 = arith.select %eq3A_17, %jit3A_18, %jit3A_16 : i32
    %rem3A_20 = arith.remsi %arg1, %select_n3A_19 : i32
    %ne3A_21 = arith.constant 0 : i32
    %ne3A_22 = arith.cmpi ne, %rem3A_20, %ne3A_21 : i32
    %lt3A = arith.constant 0 : i32
    %lt3A_23 = arith.cmpi slt, %rem3A_20, %lt3A : i32
    %lt3A_24 = arith.constant 0 : i32
    %lt3A_25 = arith.cmpi slt, %select_n3A_19, %lt3A_24 : i32
    %ne3A_26 = arith.xori %lt3A_23, %lt3A_25 : i1
    %and3A_27 = arith.andi %ne3A_26, %ne3A_22 : i1
    %add3A = arith.addi %rem3A_20, %select_n3A_19 : i32
    %select_n3A_28 = arith.select %and3A_27, %add3A, %rem3A_20 : i32
    %scan3A = arith.constant 0 : i32
    %scan3A_29 = arith.constant 0 : i32
    %scan3A_30 = arith.constant 625 : i32
    %scan3A_31 = arith.addi %scan3A_29, %scan3A_30 : i32
    %scan3A_32 = arith.constant 1 : i32
    %scan3A_33 = scf.for %scan3A_956 = %scan3A_29 to %scan3A_31 step %scan3A_32 iter_args(%scan3A_957 = %scan3A) -> (i32)  : i32 {
      %broadcast_in_dim3A_958 = arith.constant 0.000000e+00 : f32
      %broadcast_in_dim3A_959 = vector.broadcast %broadcast_in_dim3A_958 : f32 to vector<16xf32>
      %swap3A = arith.index_cast %scan3A_956 : i32 to index
      %swap3A_960 = arith.constant 0 : index
      %swap3A_961 = tpu.vector_load %arg10[%swap3A, %swap3A_960] {strides = array<i32>} : memref<625x16xf32, #tpu.memory_space<vmem>>, vector<16xf32>,
      tpu.vector_store %arg10[%swap3A, %swap3A_960], %broadcast_in_dim3A_959 {strides = array<i32>} : memref<625x16xf32, #tpu.memory_space<vmem>>, vector<16xf32>,
      %scan3A_962 = arith.constant 0 : i32
      scf.yield %scan3A_962 : i32
    }
    %scan3A_34 = arith.constant 625 : i32
    %scan3A_35 = arith.constant 0 : i32
    %scan3A_36 = arith.constant 0 : i32
    %scan3A_37 = arith.constant 625 : i32
    %scan3A_38 = arith.addi %scan3A_36, %scan3A_37 : i32
    %scan3A_39 = arith.constant 1 : i32
    %scan3A_40 = scf.for %scan3A_956 = %scan3A_36 to %scan3A_38 step %scan3A_39 iter_args(%scan3A_957 = %scan3A_35) -> (i32)  : i32 {
      %broadcast_in_dim3A_958 = arith.constant 0.000000e+00 : f32
      %broadcast_in_dim3A_959 = vector.broadcast %broadcast_in_dim3A_958 : f32 to vector<16xf32>
      %swap3A = arith.index_cast %scan3A_956 : i32 to index
      %swap3A_960 = arith.constant 0 : index
      %swap3A_961 = tpu.vector_load %arg11[%swap3A, %swap3A_960] {strides = array<i32>} : memref<625x16xf32, #tpu.memory_space<vmem>>, vector<16xf32>,
      tpu.vector_store %arg11[%swap3A, %swap3A_960], %broadcast_in_dim3A_959 {strides = array<i32>} : memref<625x16xf32, #tpu.memory_space<vmem>>, vector<16xf32>,
      %scan3A_962 = arith.constant 0 : i32
      scf.yield %scan3A_962 : i32
    }
    %scan3A_41 = arith.constant 625 : i32
    %mul3A = arith.constant 40 : i32
    %mul3A_42 = arith.muli %arg1, %mul3A : i32
    "tpu.region"() ({
      %run_scoped3A = tpu.sem_alloc : memref<!tpu.dma_semaphore, #tpu.memory_space<semaphore_mem>>
      %dma_start3A_956 = arith.constant 0 : i32
      %dma_start3A_957 = arith.constant 0 : i32
      %dma_start3A_958 = tpu.memref_slice %arg11[%dma_start3A_956, %dma_start3A_957] : memref<625x16xf32, #tpu.memory_space<vmem>> -> memref<40x16xf32, #tpu.memory_space<vmem>>
      %dma_start3A_959 = arith.constant 0 : i32
      %dma_start3A_960 = tpu.memref_slice %arg12[%mul3A_42, %dma_start3A_959] : memref<640x16xf32, #tpu.memory_space<vmem_shared>> -> memref<40x16xf32, #tpu.memory_space<vmem_shared>>
      %dma_start3A_961 = arith.constant 0 : i32
      %dma_start3A_962 = tpu.memref_slice %arg12[%mul3A_42, %dma_start3A_961] : memref<640x16xf32, #tpu.memory_space<vmem_shared>> -> memref<40x16xf32, #tpu.memory_space<vmem_shared>>
      %dma_start3A_963 = arith.constant 0 : i32
      %dma_start3A_964 = arith.constant 0 : i32
      %dma_start3A_965 = tpu.memref_slice %arg11[%dma_start3A_963, %dma_start3A_964] : memref<625x16xf32, #tpu.memory_space<vmem>> -> memref<40x16xf32, #tpu.memory_space<vmem>>
      tpu.enqueue_dma source(%dma_start3A_965 : memref<40x16xf32, #tpu.memory_space<vmem>>) target(%dma_start3A_962 : memref<40x16xf32, #tpu.memory_space<vmem_shared>>) target_semaphore(%run_scoped3A : memref<!tpu.dma_semaphore, #tpu.memory_space<semaphore_mem>>)
      %dma_wait3A_966 = arith.constant 0 : i32
      %dma_wait3A_967 = arith.constant 0 : i32
      %dma_wait3A_968 = tpu.memref_slice %arg11[%dma_wait3A_966, %dma_wait3A_967] : memref<625x16xf32, #tpu.memory_space<vmem>> -> memref<40x16xf32, #tpu.memory_space<vmem>>
      %dma_wait3A_969 = arith.constant 0 : i32
      %dma_wait3A_970 = tpu.memref_slice %arg12[%mul3A_42, %dma_wait3A_969] : memref<640x16xf32, #tpu.memory_space<vmem_shared>> -> memref<40x16xf32, #tpu.memory_space<vmem_shared>>
      %dma_wait3A_971 = arith.constant 0 : i32
      %dma_wait3A_972 = tpu.memref_slice %arg12[%mul3A_42, %dma_wait3A_971] : memref<640x16xf32, #tpu.memory_space<vmem_shared>> -> memref<40x16xf32, #tpu.memory_space<vmem_shared>>
      %dma_wait3A_973 = arith.constant 0 : i32
      %dma_wait3A_974 = arith.constant 0 : i32
      %dma_wait3A_975 = tpu.memref_slice %arg11[%dma_wait3A_973, %dma_wait3A_974] : memref<625x16xf32, #tpu.memory_space<vmem>> -> memref<40x16xf32, #tpu.memory_space<vmem>>
      tpu.wait_dma2 semaphore(%run_scoped3A : memref<!tpu.dma_semaphore, #tpu.memory_space<semaphore_mem>>) src(%dma_wait3A_975 : memref<40x16xf32, #tpu.memory_space<vmem>>) dst(%dma_wait3A_972 : memref<40x16xf32, #tpu.memory_space<vmem_shared>>)
      tpu.yield
    }) : () -> ()
    "tpu.region"() ({
      %run_scoped3A = tpu.sem_alloc : memref<!tpu.dma_semaphore, #tpu.memory_space<semaphore_mem>>
      tpu.enqueue_dma source(%arg4 : memref<5x125xi32, #tpu.memory_space<hbm>>) target(%arg9 : memref<5x125xi32, #tpu.memory_space<vmem>>) target_semaphore(%run_scoped3A : memref<!tpu.dma_semaphore, #tpu.memory_space<semaphore_mem>>)
      tpu.wait_dma2 semaphore(%run_scoped3A : memref<!tpu.dma_semaphore, #tpu.memory_space<semaphore_mem>>) src(%arg4 : memref<5x125xi32, #tpu.memory_space<hbm>>) dst(%arg9 : memref<5x125xi32, #tpu.memory_space<vmem>>)
      tpu.yield
    }) : () -> ()
    %barrier3A = arith.constant 0 : index
    tpu.barrier barrier_id(%barrier3A)
    %mul3A_43 = arith.constant 1250 : i32
    %mul3A_44 = arith.muli %arg0, %mul3A_43 : i32
    %broadcast_in_dim3A = arith.constant 1.000000e+00 : f32
    %broadcast_in_dim3A_45 = vector.broadcast %broadcast_in_dim3A : f32 to vector<16xf32>
    %mul3A_46 = arith.constant 125 : i32
    %mul3A_47 = arith.muli %arg1, %mul3A_46 : i32
    %jit3A_48 = arith.constant 16 : i32
    %div3A_49 = arith.divsi %mul3A_47, %jit3A_48 : i32
    %sign3A_50 = arith.constant 0 : i32
    %sign3A_51 = arith.cmpi sgt, %mul3A_47, %sign3A_50 : i32
    %sign3A_52 = arith.extui %sign3A_51 : i1 to i32
    %sign3A_53 = arith.constant 0 : i32
    %sign3A_54 = arith.cmpi slt, %mul3A_47, %sign3A_53 : i32
    %sign3A_55 = arith.extui %sign3A_54 : i1 to i32
    %sign3A_56 = arith.subi %sign3A_52, %sign3A_55 : i32
    %sign3A_57 = arith.constant 0 : i32
    %sign3A_58 = arith.cmpi sgt, %jit3A_48, %sign3A_57 : i32
    %sign3A_59 = arith.extui %sign3A_58 : i1 to i32
    %sign3A_60 = arith.constant 0 : i32
    %sign3A_61 = arith.cmpi slt, %jit3A_48, %sign3A_60 : i32
    %sign3A_62 = arith.extui %sign3A_61 : i1 to i32
    %sign3A_63 = arith.subi %sign3A_59, %sign3A_62 : i32
    %ne3A_64 = arith.cmpi ne, %sign3A_56, %sign3A_63 : i32
    %rem3A_65 = arith.remsi %mul3A_47, %jit3A_48 : i32
    %ne3A_66 = arith.constant 0 : i32
    %ne3A_67 = arith.cmpi ne, %rem3A_65, %ne3A_66 : i32
    %and3A_68 = arith.andi %ne3A_64, %ne3A_67 : i1
    %sub3A_69 = arith.constant 1 : i32
    %sub3A_70 = arith.subi %div3A_49, %sub3A_69 : i32
    %select_n3A_71 = arith.select %and3A_68, %sub3A_70, %div3A_49 : i32
    %add3A_72 = arith.constant 1 : i32
    %add3A_73 = arith.addi %arg1, %add3A_72 : i32
    %mul3A_74 = arith.constant 125 : i32
    %mul3A_75 = arith.muli %add3A_73, %mul3A_74 : i32
    %jit3A_76 = arith.constant 16 : i32
    %div3A_77 = arith.divsi %mul3A_75, %jit3A_76 : i32
    %sign3A_78 = arith.constant 0 : i32
    %sign3A_79 = arith.cmpi sgt, %mul3A_75, %sign3A_78 : i32
    %sign3A_80 = arith.extui %sign3A_79 : i1 to i32
    %sign3A_81 = arith.constant 0 : i32
    %sign3A_82 = arith.cmpi slt, %mul3A_75, %sign3A_81 : i32
    %sign3A_83 = arith.extui %sign3A_82 : i1 to i32
    %sign3A_84 = arith.subi %sign3A_80, %sign3A_83 : i32
    %sign3A_85 = arith.constant 0 : i32
    %sign3A_86 = arith.cmpi sgt, %jit3A_76, %sign3A_85 : i32
    %sign3A_87 = arith.extui %sign3A_86 : i1 to i32
    %sign3A_88 = arith.constant 0 : i32
    %sign3A_89 = arith.cmpi slt, %jit3A_76, %sign3A_88 : i32
    %sign3A_90 = arith.extui %sign3A_89 : i1 to i32
    %sign3A_91 = arith.subi %sign3A_87, %sign3A_90 : i32
    %ne3A_92 = arith.cmpi ne, %sign3A_84, %sign3A_91 : i32
    %rem3A_93 = arith.remsi %mul3A_75, %jit3A_76 : i32
    %ne3A_94 = arith.constant 0 : i32
    %ne3A_95 = arith.cmpi ne, %rem3A_93, %ne3A_94 : i32
    %and3A_96 = arith.andi %ne3A_92, %ne3A_95 : i1
    %sub3A_97 = arith.constant 1 : i32
    %sub3A_98 = arith.subi %div3A_77, %sub3A_97 : i32
    %select_n3A_99 = arith.select %and3A_96, %sub3A_98, %div3A_77 : i32
    %add3A_100 = arith.constant 0 : i32
    %add3A_101 = arith.addi %mul3A_44, %add3A_100 : i32
    %dma_start3A = arith.constant 0 : i32
    %dma_start3A_102 = arith.constant 0 : i32
    %dma_start3A_103 = arith.constant 0 : i32
    %dma_start3A_104 = tpu.memref_slice %arg7[%dma_start3A, %dma_start3A_102, %dma_start3A_103] : memref<2x125x128xf32, #tpu.memory_space<vmem>> -> memref<1x125x128xf32, #tpu.memory_space<vmem>>
    %dma_start3A_105 = tpu.memref_squeeze %dma_start3A_104 : memref<1x125x128xf32, #tpu.memory_space<vmem>> -> memref<125x128xf32, #tpu.memory_space<vmem>>
    %dma_start3A_106 = arith.constant 0 : i32
    %dma_start3A_107 = tpu.memref_slice %arg2[%select_n3A, %add3A_101, %select_n3A_28, %dma_start3A_106] : memref<2x2500x8x128xf32, #tpu.memory_space<hbm>> -> memref<1x125x1x128xf32, #tpu.memory_space<hbm>>
    %dma_start3A_108 = tpu.memref_squeeze %dma_start3A_107 : memref<1x125x1x128xf32, #tpu.memory_space<hbm>> -> memref<125x128xf32, #tpu.memory_space<hbm>>
    %dma_start3A_109 = arith.constant 0 : i32
    %dma_start3A_110 = arith.constant 0 : i32
    %dma_start3A_111 = tpu.memref_slice %arg7[%dma_start3A, %dma_start3A_109, %dma_start3A_110] : memref<2x125x128xf32, #tpu.memory_space<vmem>> -> memref<1x125x128xf32, #tpu.memory_space<vmem>>
    %dma_start3A_112 = tpu.memref_squeeze %dma_start3A_111 : memref<1x125x128xf32, #tpu.memory_space<vmem>> -> memref<125x128xf32, #tpu.memory_space<vmem>>
    %dma_start3A_113 = arith.constant 0 : i32
    %dma_start3A_114 = tpu.memref_slice %arg2[%select_n3A, %add3A_101, %select_n3A_28, %dma_start3A_113] : memref<2x2500x8x128xf32, #tpu.memory_space<hbm>> -> memref<1x125x1x128xf32, #tpu.memory_space<hbm>>
    %dma_start3A_115 = tpu.memref_squeeze %dma_start3A_114 : memref<1x125x1x128xf32, #tpu.memory_space<hbm>> -> memref<125x128xf32, #tpu.memory_space<hbm>>
    tpu.enqueue_dma source(%dma_start3A_115 : memref<125x128xf32, #tpu.memory_space<hbm>>) target(%dma_start3A_112 : memref<125x128xf32, #tpu.memory_space<vmem>>) target_semaphore(%arg13 : memref<!tpu.dma_semaphore, #tpu.memory_space<semaphore_mem>>)
    %add3A_116 = arith.constant 0 : i32
    %add3A_117 = arith.addi %mul3A_44, %add3A_116 : i32
    %dma_start3A_118 = arith.constant 1 : i32
    %dma_start3A_119 = arith.constant 0 : i32
    %dma_start3A_120 = arith.constant 0 : i32
    %dma_start3A_121 = arith.constant 0 : i32
    %dma_start3A_122 = tpu.memref_slice %arg8[%dma_start3A_119, %dma_start3A_120, %dma_start3A_121] : memref<2x125x128xi32, #tpu.memory_space<vmem>> -> memref<1x125x128xi32, #tpu.memory_space<vmem>>
    %dma_start3A_123 = tpu.memref_squeeze %dma_start3A_122 : memref<1x125x128xi32, #tpu.memory_space<vmem>> -> memref<125x128xi32, #tpu.memory_space<vmem>>
    %dma_start3A_124 = arith.constant 0 : i32
    %dma_start3A_125 = tpu.memref_slice %arg3[%add3A_117, %dma_start3A_118, %dma_start3A_124] : memref<2500x2x128xi32, #tpu.memory_space<hbm>> -> memref<125x1x128xi32, #tpu.memory_space<hbm>>
    %dma_start3A_126 = tpu.memref_squeeze %dma_start3A_125 : memref<125x1x128xi32, #tpu.memory_space<hbm>> -> memref<125x128xi32, #tpu.memory_space<hbm>>
    %dma_start3A_127 = arith.constant 0 : i32
    %dma_start3A_128 = arith.constant 0 : i32
    %dma_start3A_129 = tpu.memref_slice %arg8[%dma_start3A_119, %dma_start3A_127, %dma_start3A_128] : memref<2x125x128xi32, #tpu.memory_space<vmem>> -> memref<1x125x128xi32, #tpu.memory_space<vmem>>
    %dma_start3A_130 = tpu.memref_squeeze %dma_start3A_129 : memref<1x125x128xi32, #tpu.memory_space<vmem>> -> memref<125x128xi32, #tpu.memory_space<vmem>>
    %dma_start3A_131 = arith.constant 0 : i32
    %dma_start3A_132 = tpu.memref_slice %arg3[%add3A_117, %dma_start3A_118, %dma_start3A_131] : memref<2500x2x128xi32, #tpu.memory_space<hbm>> -> memref<125x1x128xi32, #tpu.memory_space<hbm>>
    %dma_start3A_133 = tpu.memref_squeeze %dma_start3A_132 : memref<125x1x128xi32, #tpu.memory_space<hbm>> -> memref<125x128xi32, #tpu.memory_space<hbm>>
    tpu.enqueue_dma source(%dma_start3A_133 : memref<125x128xi32, #tpu.memory_space<hbm>>) target(%dma_start3A_130 : memref<125x128xi32, #tpu.memory_space<vmem>>) target_semaphore(%arg13 : memref<!tpu.dma_semaphore, #tpu.memory_space<semaphore_mem>>)
    %dma_wait3A = arith.constant 0 : i32
    %dma_wait3A_134 = arith.constant 0 : i32
    %dma_wait3A_135 = arith.constant 0 : i32
    %dma_wait3A_136 = tpu.memref_slice %arg7[%dma_wait3A, %dma_wait3A_134, %dma_wait3A_135] : memref<2x125x128xf32, #tpu.memory_space<vmem>> -> memref<1x125x128xf32, #tpu.memory_space<vmem>>
    %dma_wait3A_137 = tpu.memref_squeeze %dma_wait3A_136 : memref<1x125x128xf32, #tpu.memory_space<vmem>> -> memref<125x128xf32, #tpu.memory_space<vmem>>
    %dma_wait3A_138 = arith.constant 0 : i32
    %dma_wait3A_139 = tpu.memref_slice %arg2[%select_n3A, %add3A_101, %select_n3A_28, %dma_wait3A_138] : memref<2x2500x8x128xf32, #tpu.memory_space<hbm>> -> memref<1x125x1x128xf32, #tpu.memory_space<hbm>>
    %dma_wait3A_140 = tpu.memref_squeeze %dma_wait3A_139 : memref<1x125x1x128xf32, #tpu.memory_space<hbm>> -> memref<125x128xf32, #tpu.memory_space<hbm>>
    %dma_wait3A_141 = arith.constant 0 : i32
    %dma_wait3A_142 = arith.constant 0 : i32
    %dma_wait3A_143 = tpu.memref_slice %arg7[%dma_wait3A, %dma_wait3A_141, %dma_wait3A_142] : memref<2x125x128xf32, #tpu.memory_space<vmem>> -> memref<1x125x128xf32, #tpu.memory_space<vmem>>
    %dma_wait3A_144 = tpu.memref_squeeze %dma_wait3A_143 : memref<1x125x128xf32, #tpu.memory_space<vmem>> -> memref<125x128xf32, #tpu.memory_space<vmem>>
    %dma_wait3A_145 = arith.constant 0 : i32
    %dma_wait3A_146 = tpu.memref_slice %arg2[%select_n3A, %add3A_101, %select_n3A_28, %dma_wait3A_145] : memref<2x2500x8x128xf32, #tpu.memory_space<hbm>> -> memref<1x125x1x128xf32, #tpu.memory_space<hbm>>
    %dma_wait3A_147 = tpu.memref_squeeze %dma_wait3A_146 : memref<1x125x1x128xf32, #tpu.memory_space<hbm>> -> memref<125x128xf32, #tpu.memory_space<hbm>>
    tpu.wait_dma2 semaphore(%arg13 : memref<!tpu.dma_semaphore, #tpu.memory_space<semaphore_mem>>) src(%dma_wait3A_147 : memref<125x128xf32, #tpu.memory_space<hbm>>) dst(%dma_wait3A_144 : memref<125x128xf32, #tpu.memory_space<vmem>>)
    %dma_wait3A_148 = arith.constant 1 : i32
    %dma_wait3A_149 = arith.constant 0 : i32
    %dma_wait3A_150 = arith.constant 0 : i32
    %dma_wait3A_151 = arith.constant 0 : i32
    %dma_wait3A_152 = tpu.memref_slice %arg8[%dma_wait3A_149, %dma_wait3A_150, %dma_wait3A_151] : memref<2x125x128xi32, #tpu.memory_space<vmem>> -> memref<1x125x128xi32, #tpu.memory_space<vmem>>
    %dma_wait3A_153 = tpu.memref_squeeze %dma_wait3A_152 : memref<1x125x128xi32, #tpu.memory_space<vmem>> -> memref<125x128xi32, #tpu.memory_space<vmem>>
    %dma_wait3A_154 = arith.constant 0 : i32
    %dma_wait3A_155 = tpu.memref_slice %arg3[%add3A_117, %dma_wait3A_148, %dma_wait3A_154] : memref<2500x2x128xi32, #tpu.memory_space<hbm>> -> memref<125x1x128xi32, #tpu.memory_space<hbm>>
    %dma_wait3A_156 = tpu.memref_squeeze %dma_wait3A_155 : memref<125x1x128xi32, #tpu.memory_space<hbm>> -> memref<125x128xi32, #tpu.memory_space<hbm>>
    %dma_wait3A_157 = arith.constant 0 : i32
    %dma_wait3A_158 = arith.constant 0 : i32
    %dma_wait3A_159 = tpu.memref_slice %arg8[%dma_wait3A_149, %dma_wait3A_157, %dma_wait3A_158] : memref<2x125x128xi32, #tpu.memory_space<vmem>> -> memref<1x125x128xi32, #tpu.memory_space<vmem>>
    %dma_wait3A_160 = tpu.memref_squeeze %dma_wait3A_159 : memref<1x125x128xi32, #tpu.memory_space<vmem>> -> memref<125x128xi32, #tpu.memory_space<vmem>>
    %dma_wait3A_161 = arith.constant 0 : i32
    %dma_wait3A_162 = tpu.memref_slice %arg3[%add3A_117, %dma_wait3A_148, %dma_wait3A_161] : memref<2500x2x128xi32, #tpu.memory_space<hbm>> -> memref<125x1x128xi32, #tpu.memory_space<hbm>>
    %dma_wait3A_163 = tpu.memref_squeeze %dma_wait3A_162 : memref<125x1x128xi32, #tpu.memory_space<hbm>> -> memref<125x128xi32, #tpu.memory_space<hbm>>
    tpu.wait_dma2 semaphore(%arg13 : memref<!tpu.dma_semaphore, #tpu.memory_space<semaphore_mem>>) src(%dma_wait3A_163 : memref<125x128xi32, #tpu.memory_space<hbm>>) dst(%dma_wait3A_160 : memref<125x128xi32, #tpu.memory_space<vmem>>)
    %add3A_164 = arith.constant 125 : i32
    %add3A_165 = arith.addi %mul3A_44, %add3A_164 : i32
    %dma_start3A_166 = arith.constant 1 : i32
    %dma_start3A_167 = arith.constant 0 : i32
    %dma_start3A_168 = arith.constant 0 : i32
    %dma_start3A_169 = tpu.memref_slice %arg7[%dma_start3A_166, %dma_start3A_167, %dma_start3A_168] : memref<2x125x128xf32, #tpu.memory_space<vmem>> -> memref<1x125x128xf32, #tpu.memory_space<vmem>>
    %dma_start3A_170 = tpu.memref_squeeze %dma_start3A_169 : memref<1x125x128xf32, #tpu.memory_space<vmem>> -> memref<125x128xf32, #tpu.memory_space<vmem>>
    %dma_start3A_171 = arith.constant 0 : i32
    %dma_start3A_172 = tpu.memref_slice %arg2[%select_n3A, %add3A_165, %select_n3A_28, %dma_start3A_171] : memref<2x2500x8x128xf32, #tpu.memory_space<hbm>> -> memref<1x125x1x128xf32, #tpu.memory_space<hbm>>
    %dma_start3A_173 = tpu.memref_squeeze %dma_start3A_172 : memref<1x125x1x128xf32, #tpu.memory_space<hbm>> -> memref<125x128xf32, #tpu.memory_space<hbm>>
    %dma_start3A_174 = arith.constant 0 : i32
    %dma_start3A_175 = arith.constant 0 : i32
    %dma_start3A_176 = tpu.memref_slice %arg7[%dma_start3A_166, %dma_start3A_174, %dma_start3A_175] : memref<2x125x128xf32, #tpu.memory_space<vmem>> -> memref<1x125x128xf32, #tpu.memory_space<vmem>>
    %dma_start3A_177 = tpu.memref_squeeze %dma_start3A_176 : memref<1x125x128xf32, #tpu.memory_space<vmem>> -> memref<125x128xf32, #tpu.memory_space<vmem>>
    %dma_start3A_178 = arith.constant 0 : i32
    %dma_start3A_179 = tpu.memref_slice %arg2[%select_n3A, %add3A_165, %select_n3A_28, %dma_start3A_178] : memref<2x2500x8x128xf32, #tpu.memory_space<hbm>> -> memref<1x125x1x128xf32, #tpu.memory_space<hbm>>
    %dma_start3A_180 = tpu.memref_squeeze %dma_start3A_179 : memref<1x125x1x128xf32, #tpu.memory_space<hbm>> -> memref<125x128xf32, #tpu.memory_space<hbm>>
    tpu.enqueue_dma source(%dma_start3A_180 : memref<125x128xf32, #tpu.memory_space<hbm>>) target(%dma_start3A_177 : memref<125x128xf32, #tpu.memory_space<vmem>>) target_semaphore(%arg13 : memref<!tpu.dma_semaphore, #tpu.memory_space<semaphore_mem>>)
    %add3A_181 = arith.constant 125 : i32
    %add3A_182 = arith.addi %mul3A_44, %add3A_181 : i32
    %dma_start3A_183 = arith.constant 1 : i32
    %dma_start3A_184 = arith.constant 1 : i32
    %dma_start3A_185 = arith.constant 0 : i32
    %dma_start3A_186 = arith.constant 0 : i32
    %dma_start3A_187 = tpu.memref_slice %arg8[%dma_start3A_184, %dma_start3A_185, %dma_start3A_186] : memref<2x125x128xi32, #tpu.memory_space<vmem>> -> memref<1x125x128xi32, #tpu.memory_space<vmem>>
    %dma_start3A_188 = tpu.memref_squeeze %dma_start3A_187 : memref<1x125x128xi32, #tpu.memory_space<vmem>> -> memref<125x128xi32, #tpu.memory_space<vmem>>
    %dma_start3A_189 = arith.constant 0 : i32
    %dma_start3A_190 = tpu.memref_slice %arg3[%add3A_182, %dma_start3A_183, %dma_start3A_189] : memref<2500x2x128xi32, #tpu.memory_space<hbm>> -> memref<125x1x128xi32, #tpu.memory_space<hbm>>
    %dma_start3A_191 = tpu.memref_squeeze %dma_start3A_190 : memref<125x1x128xi32, #tpu.memory_space<hbm>> -> memref<125x128xi32, #tpu.memory_space<hbm>>
    %dma_start3A_192 = arith.constant 0 : i32
    %dma_start3A_193 = arith.constant 0 : i32
    %dma_start3A_194 = tpu.memref_slice %arg8[%dma_start3A_184, %dma_start3A_192, %dma_start3A_193] : memref<2x125x128xi32, #tpu.memory_space<vmem>> -> memref<1x125x128xi32, #tpu.memory_space<vmem>>
    %dma_start3A_195 = tpu.memref_squeeze %dma_start3A_194 : memref<1x125x128xi32, #tpu.memory_space<vmem>> -> memref<125x128xi32, #tpu.memory_space<vmem>>
    %dma_start3A_196 = arith.constant 0 : i32
    %dma_start3A_197 = tpu.memref_slice %arg3[%add3A_182, %dma_start3A_183, %dma_start3A_196] : memref<2500x2x128xi32, #tpu.memory_space<hbm>> -> memref<125x1x128xi32, #tpu.memory_space<hbm>>
    %dma_start3A_198 = tpu.memref_squeeze %dma_start3A_197 : memref<125x1x128xi32, #tpu.memory_space<hbm>> -> memref<125x128xi32, #tpu.memory_space<hbm>>
    tpu.enqueue_dma source(%dma_start3A_198 : memref<125x128xi32, #tpu.memory_space<hbm>>) target(%dma_start3A_195 : memref<125x128xi32, #tpu.memory_space<vmem>>) target_semaphore(%arg13 : memref<!tpu.dma_semaphore, #tpu.memory_space<semaphore_mem>>)
    %scan3A_199 = arith.constant 0 : i32
    %scan3A_200 = arith.constant 0 : i32
    %scan3A_201 = arith.constant 125 : i32
    %scan3A_202 = arith.addi %scan3A_200, %scan3A_201 : i32
    %scan3A_203 = arith.constant 1 : i32
    %scan3A_204 = scf.for %scan3A_956 = %scan3A_200 to %scan3A_202 step %scan3A_203 iter_args(%scan3A_957 = %scan3A_199) -> (i32)  : i32 {
      %get3A = arith.constant 0 : i32
      %get3A_958 = arith.index_cast %get3A : i32 to index
      %get3A_959 = arith.index_cast %scan3A_956 : i32 to index
      %get3A_960 = arith.constant 0 : index
      %get3A_961 = tpu.vector_load %arg8[%get3A_958, %get3A_959, %get3A_960] {strides = array<i32>} : memref<2x125x128xi32, #tpu.memory_space<vmem>>, vector<16xi32>,
      %get3A_962 = arith.constant 0 : i32
      %get3A_963 = arith.index_cast %get3A_962 : i32 to index
      %get3A_964 = arith.index_cast %scan3A_956 : i32 to index
      %get3A_965 = arith.constant 0 : index
      %get3A_966 = tpu.vector_load %arg7[%get3A_963, %get3A_964, %get3A_965] {strides = array<i32>} : memref<2x125x128xf32, #tpu.memory_space<vmem>>, vector<16xf32>,
      %shift_right_arithmetic3A = arith.constant 4 : i32
      %shift_right_arithmetic3A_967 = vector.broadcast %shift_right_arithmetic3A : i32 to vector<16xi32>
      %shift_right_arithmetic3A_968 = arith.shrsi %get3A_961, %shift_right_arithmetic3A_967 : vector<16xi32>
      %and3A_969 = arith.constant 15 : i32
      %and3A_970 = vector.broadcast %and3A_969 : i32 to vector<16xi32>
      %and3A_971 = arith.andi %get3A_961, %and3A_970 : vector<16xi32>
      tpu.vector_store_idx %arg10[%shift_right_arithmetic3A_968, %and3A_971], %get3A_966 {add = true} : memref<625x16xf32, #tpu.memory_space<vmem>>[vector<16xi32>, vector<16xi32>], vector<16xf32>,
      %get3A_972 = arith.constant 0 : i32
      %get3A_973 = arith.index_cast %get3A_972 : i32 to index
      %get3A_974 = arith.index_cast %scan3A_956 : i32 to index
      %get3A_975 = arith.constant 16 : index
      %get3A_976 = tpu.vector_load %arg8[%get3A_973, %get3A_974, %get3A_975] {strides = array<i32>} : memref<2x125x128xi32, #tpu.memory_space<vmem>>, vector<16xi32>,
      %get3A_977 = arith.constant 0 : i32
      %get3A_978 = arith.index_cast %get3A_977 : i32 to index
      %get3A_979 = arith.index_cast %scan3A_956 : i32 to index
      %get3A_980 = arith.constant 16 : index
      %get3A_981 = tpu.vector_load %arg7[%get3A_978, %get3A_979, %get3A_980] {strides = array<i32>} : memref<2x125x128xf32, #tpu.memory_space<vmem>>, vector<16xf32>,
      %shift_right_arithmetic3A_982 = arith.constant 4 : i32
      %shift_right_arithmetic3A_983 = vector.broadcast %shift_right_arithmetic3A_982 : i32 to vector<16xi32>
      %shift_right_arithmetic3A_984 = arith.shrsi %get3A_976, %shift_right_arithmetic3A_983 : vector<16xi32>
      %and3A_985 = arith.constant 15 : i32
      %and3A_986 = vector.broadcast %and3A_985 : i32 to vector<16xi32>
      %and3A_987 = arith.andi %get3A_976, %and3A_986 : vector<16xi32>
      tpu.vector_store_idx %arg10[%shift_right_arithmetic3A_984, %and3A_987], %get3A_981 {add = true} : memref<625x16xf32, #tpu.memory_space<vmem>>[vector<16xi32>, vector<16xi32>], vector<16xf32>,
      %get3A_988 = arith.constant 0 : i32
      %get3A_989 = arith.index_cast %get3A_988 : i32 to index
      %get3A_990 = arith.index_cast %scan3A_956 : i32 to index
      %get3A_991 = arith.constant 32 : index
      %get3A_992 = tpu.vector_load %arg8[%get3A_989, %get3A_990, %get3A_991] {strides = array<i32>} : memref<2x125x128xi32, #tpu.memory_space<vmem>>, vector<16xi32>,
      %get3A_993 = arith.constant 0 : i32
      %get3A_994 = arith.index_cast %get3A_993 : i32 to index
      %get3A_995 = arith.index_cast %scan3A_956 : i32 to index
      %get3A_996 = arith.constant 32 : index
      %get3A_997 = tpu.vector_load %arg7[%get3A_994, %get3A_995, %get3A_996] {strides = array<i32>} : memref<2x125x128xf32, #tpu.memory_space<vmem>>, vector<16xf32>,
      %shift_right_arithmetic3A_998 = arith.constant 4 : i32
      %shift_right_arithmetic3A_999 = vector.broadcast %shift_right_arithmetic3A_998 : i32 to vector<16xi32>
      %shift_right_arithmetic3A_1000 = arith.shrsi %get3A_992, %shift_right_arithmetic3A_999 : vector<16xi32>
      %and3A_1001 = arith.constant 15 : i32
      %and3A_1002 = vector.broadcast %and3A_1001 : i32 to vector<16xi32>
      %and3A_1003 = arith.andi %get3A_992, %and3A_1002 : vector<16xi32>
      tpu.vector_store_idx %arg10[%shift_right_arithmetic3A_1000, %and3A_1003], %get3A_997 {add = true} : memref<625x16xf32, #tpu.memory_space<vmem>>[vector<16xi32>, vector<16xi32>], vector<16xf32>,
      %get3A_1004 = arith.constant 0 : i32
      %get3A_1005 = arith.index_cast %get3A_1004 : i32 to index
      %get3A_1006 = arith.index_cast %scan3A_956 : i32 to index
      %get3A_1007 = arith.constant 48 : index
      %get3A_1008 = tpu.vector_load %arg8[%get3A_1005, %get3A_1006, %get3A_1007] {strides = array<i32>} : memref<2x125x128xi32, #tpu.memory_space<vmem>>, vector<16xi32>,
      %get3A_1009 = arith.constant 0 : i32
      %get3A_1010 = arith.index_cast %get3A_1009 : i32 to index
      %get3A_1011 = arith.index_cast %scan3A_956 : i32 to index
      %get3A_1012 = arith.constant 48 : index
      %get3A_1013 = tpu.vector_load %arg7[%get3A_1010, %get3A_1011, %get3A_1012] {strides = array<i32>} : memref<2x125x128xf32, #tpu.memory_space<vmem>>, vector<16xf32>,
      %shift_right_arithmetic3A_1014 = arith.constant 4 : i32
      %shift_right_arithmetic3A_1015 = vector.broadcast %shift_right_arithmetic3A_1014 : i32 to vector<16xi32>
      %shift_right_arithmetic3A_1016 = arith.shrsi %get3A_1008, %shift_right_arithmetic3A_1015 : vector<16xi32>
      %and3A_1017 = arith.constant 15 : i32
      %and3A_1018 = vector.broadcast %and3A_1017 : i32 to vector<16xi32>
      %and3A_1019 = arith.andi %get3A_1008, %and3A_1018 : vector<16xi32>
      tpu.vector_store_idx %arg10[%shift_right_arithmetic3A_1016, %and3A_1019], %get3A_1013 {add = true} : memref<625x16xf32, #tpu.memory_space<vmem>>[vector<16xi32>, vector<16xi32>], vector<16xf32>,
      %get3A_1020 = arith.constant 0 : i32
      %get3A_1021 = arith.index_cast %get3A_1020 : i32 to index
      %get3A_1022 = arith.index_cast %scan3A_956 : i32 to index
      %get3A_1023 = arith.constant 64 : index
      %get3A_1024 = tpu.vector_load %arg8[%get3A_1021, %get3A_1022, %get3A_1023] {strides = array<i32>} : memref<2x125x128xi32, #tpu.memory_space<vmem>>, vector<16xi32>,
      %get3A_1025 = arith.constant 0 : i32
      %get3A_1026 = arith.index_cast %get3A_1025 : i32 to index
      %get3A_1027 = arith.index_cast %scan3A_956 : i32 to index
      %get3A_1028 = arith.constant 64 : index
      %get3A_1029 = tpu.vector_load %arg7[%get3A_1026, %get3A_1027, %get3A_1028] {strides = array<i32>} : memref<2x125x128xf32, #tpu.memory_space<vmem>>, vector<16xf32>,
      %shift_right_arithmetic3A_1030 = arith.constant 4 : i32
      %shift_right_arithmetic3A_1031 = vector.broadcast %shift_right_arithmetic3A_1030 : i32 to vector<16xi32>
      %shift_right_arithmetic3A_1032 = arith.shrsi %get3A_1024, %shift_right_arithmetic3A_1031 : vector<16xi32>
      %and3A_1033 = arith.constant 15 : i32
      %and3A_1034 = vector.broadcast %and3A_1033 : i32 to vector<16xi32>
      %and3A_1035 = arith.andi %get3A_1024, %and3A_1034 : vector<16xi32>
      tpu.vector_store_idx %arg10[%shift_right_arithmetic3A_1032, %and3A_1035], %get3A_1029 {add = true} : memref<625x16xf32, #tpu.memory_space<vmem>>[vector<16xi32>, vector<16xi32>], vector<16xf32>,
      %get3A_1036 = arith.constant 0 : i32
      %get3A_1037 = arith.index_cast %get3A_1036 : i32 to index
      %get3A_1038 = arith.index_cast %scan3A_956 : i32 to index
      %get3A_1039 = arith.constant 80 : index
      %get3A_1040 = tpu.vector_load %arg8[%get3A_1037, %get3A_1038, %get3A_1039] {strides = array<i32>} : memref<2x125x128xi32, #tpu.memory_space<vmem>>, vector<16xi32>,
      %get3A_1041 = arith.constant 0 : i32
      %get3A_1042 = arith.index_cast %get3A_1041 : i32 to index
      %get3A_1043 = arith.index_cast %scan3A_956 : i32 to index
      %get3A_1044 = arith.constant 80 : index
      %get3A_1045 = tpu.vector_load %arg7[%get3A_1042, %get3A_1043, %get3A_1044] {strides = array<i32>} : memref<2x125x128xf32, #tpu.memory_space<vmem>>, vector<16xf32>,
      %shift_right_arithmetic3A_1046 = arith.constant 4 : i32
      %shift_right_arithmetic3A_1047 = vector.broadcast %shift_right_arithmetic3A_1046 : i32 to vector<16xi32>
      %shift_right_arithmetic3A_1048 = arith.shrsi %get3A_1040, %shift_right_arithmetic3A_1047 : vector<16xi32>
      %and3A_1049 = arith.constant 15 : i32
      %and3A_1050 = vector.broadcast %and3A_1049 : i32 to vector<16xi32>
      %and3A_1051 = arith.andi %get3A_1040, %and3A_1050 : vector<16xi32>
      tpu.vector_store_idx %arg10[%shift_right_arithmetic3A_1048, %and3A_1051], %get3A_1045 {add = true} : memref<625x16xf32, #tpu.memory_space<vmem>>[vector<16xi32>, vector<16xi32>], vector<16xf32>,
      %get3A_1052 = arith.constant 0 : i32
      %get3A_1053 = arith.index_cast %get3A_1052 : i32 to index
      %get3A_1054 = arith.index_cast %scan3A_956 : i32 to index
      %get3A_1055 = arith.constant 96 : index
      %get3A_1056 = tpu.vector_load %arg8[%get3A_1053, %get3A_1054, %get3A_1055] {strides = array<i32>} : memref<2x125x128xi32, #tpu.memory_space<vmem>>, vector<16xi32>,
      %get3A_1057 = arith.constant 0 : i32
      %get3A_1058 = arith.index_cast %get3A_1057 : i32 to index
      %get3A_1059 = arith.index_cast %scan3A_956 : i32 to index
      %get3A_1060 = arith.constant 96 : index
      %get3A_1061 = tpu.vector_load %arg7[%get3A_1058, %get3A_1059, %get3A_1060] {strides = array<i32>} : memref<2x125x128xf32, #tpu.memory_space<vmem>>, vector<16xf32>,
      %shift_right_arithmetic3A_1062 = arith.constant 4 : i32
      %shift_right_arithmetic3A_1063 = vector.broadcast %shift_right_arithmetic3A_1062 : i32 to vector<16xi32>
      %shift_right_arithmetic3A_1064 = arith.shrsi %get3A_1056, %shift_right_arithmetic3A_1063 : vector<16xi32>
      %and3A_1065 = arith.constant 15 : i32
      %and3A_1066 = vector.broadcast %and3A_1065 : i32 to vector<16xi32>
      %and3A_1067 = arith.andi %get3A_1056, %and3A_1066 : vector<16xi32>
      tpu.vector_store_idx %arg10[%shift_right_arithmetic3A_1064, %and3A_1067], %get3A_1061 {add = true} : memref<625x16xf32, #tpu.memory_space<vmem>>[vector<16xi32>, vector<16xi32>], vector<16xf32>,
      %get3A_1068 = arith.constant 0 : i32
      %get3A_1069 = arith.index_cast %get3A_1068 : i32 to index
      %get3A_1070 = arith.index_cast %scan3A_956 : i32 to index
      %get3A_1071 = arith.constant 112 : index
      %get3A_1072 = tpu.vector_load %arg8[%get3A_1069, %get3A_1070, %get3A_1071] {strides = array<i32>} : memref<2x125x128xi32, #tpu.memory_space<vmem>>, vector<16xi32>,
      %get3A_1073 = arith.constant 0 : i32
      %get3A_1074 = arith.index_cast %get3A_1073 : i32 to index
      %get3A_1075 = arith.index_cast %scan3A_956 : i32 to index
      %get3A_1076 = arith.constant 112 : index
      %get3A_1077 = tpu.vector_load %arg7[%get3A_1074, %get3A_1075, %get3A_1076] {strides = array<i32>} : memref<2x125x128xf32, #tpu.memory_space<vmem>>, vector<16xf32>,
      %shift_right_arithmetic3A_1078 = arith.constant 4 : i32
      %shift_right_arithmetic3A_1079 = vector.broadcast %shift_right_arithmetic3A_1078 : i32 to vector<16xi32>
      %shift_right_arithmetic3A_1080 = arith.shrsi %get3A_1072, %shift_right_arithmetic3A_1079 : vector<16xi32>
      %and3A_1081 = arith.constant 15 : i32
      %and3A_1082 = vector.broadcast %and3A_1081 : i32 to vector<16xi32>
      %and3A_1083 = arith.andi %get3A_1072, %and3A_1082 : vector<16xi32>
      tpu.vector_store_idx %arg10[%shift_right_arithmetic3A_1080, %and3A_1083], %get3A_1077 {add = true} : memref<625x16xf32, #tpu.memory_space<vmem>>[vector<16xi32>, vector<16xi32>], vector<16xf32>,
      %scan3A_1084 = arith.constant 0 : i32
      scf.yield %scan3A_1084 : i32
    }
    %scan3A_205 = arith.constant 125 : i32
    %while3A = arith.constant 0 : i32
    %while3A_206 = arith.subi %select_n3A_99, %select_n3A_71 : i32
    %while3A_207 = arith.addi %select_n3A_71, %while3A_206 : i32
    %while3A_208 = arith.constant 1 : i32
    %while3A_209 = arith.divsi %while3A_206, %while3A_208 : i32
    %while3A_210 = arith.muli %while3A_209, %while3A_208 : i32
    %while3A_211 = arith.addi %select_n3A_71, %while3A_210 : i32
    %while3A_212 = arith.constant 1 : i32
    %while3A_213 = scf.for %while3A_956 = %select_n3A_71 to %while3A_211 step %while3A_212 iter_args(%while3A_957 = %while3A) -> (i32)  : i32 {
      %get3A = arith.constant 0 : i32
      %get3A_958 = arith.index_cast %get3A : i32 to index
      %get3A_959 = arith.index_cast %while3A_956 : i32 to index
      %get3A_960 = arith.constant 0 : index
      %get3A_961 = tpu.vector_load %arg8[%get3A_958, %get3A_959, %get3A_960] {strides = array<i32>} : memref<2x125x128xi32, #tpu.memory_space<vmem>>, vector<16xi32>,
      %shift_right_arithmetic3A = arith.constant 4 : i32
      %shift_right_arithmetic3A_962 = vector.broadcast %shift_right_arithmetic3A : i32 to vector<16xi32>
      %shift_right_arithmetic3A_963 = arith.shrsi %get3A_961, %shift_right_arithmetic3A_962 : vector<16xi32>
      %and3A_964 = arith.constant 15 : i32
      %and3A_965 = vector.broadcast %and3A_964 : i32 to vector<16xi32>
      %and3A_966 = arith.andi %get3A_961, %and3A_965 : vector<16xi32>
      tpu.vector_store_idx %arg11[%shift_right_arithmetic3A_963, %and3A_966], %broadcast_in_dim3A_45 {add = true} : memref<625x16xf32, #tpu.memory_space<vmem>>[vector<16xi32>, vector<16xi32>], vector<16xf32>,
      %get3A_967 = arith.constant 0 : i32
      %get3A_968 = arith.index_cast %get3A_967 : i32 to index
      %get3A_969 = arith.index_cast %while3A_956 : i32 to index
      %get3A_970 = arith.constant 16 : index
      %get3A_971 = tpu.vector_load %arg8[%get3A_968, %get3A_969, %get3A_970] {strides = array<i32>} : memref<2x125x128xi32, #tpu.memory_space<vmem>>, vector<16xi32>,
      %shift_right_arithmetic3A_972 = arith.constant 4 : i32
      %shift_right_arithmetic3A_973 = vector.broadcast %shift_right_arithmetic3A_972 : i32 to vector<16xi32>
      %shift_right_arithmetic3A_974 = arith.shrsi %get3A_971, %shift_right_arithmetic3A_973 : vector<16xi32>
      %and3A_975 = arith.constant 15 : i32
      %and3A_976 = vector.broadcast %and3A_975 : i32 to vector<16xi32>
      %and3A_977 = arith.andi %get3A_971, %and3A_976 : vector<16xi32>
      tpu.vector_store_idx %arg11[%shift_right_arithmetic3A_974, %and3A_977], %broadcast_in_dim3A_45 {add = true} : memref<625x16xf32, #tpu.memory_space<vmem>>[vector<16xi32>, vector<16xi32>], vector<16xf32>,
      %get3A_978 = arith.constant 0 : i32
      %get3A_979 = arith.index_cast %get3A_978 : i32 to index
      %get3A_980 = arith.index_cast %while3A_956 : i32 to index
      %get3A_981 = arith.constant 32 : index
      %get3A_982 = tpu.vector_load %arg8[%get3A_979, %get3A_980, %get3A_981] {strides = array<i32>} : memref<2x125x128xi32, #tpu.memory_space<vmem>>, vector<16xi32>,
      %shift_right_arithmetic3A_983 = arith.constant 4 : i32
      %shift_right_arithmetic3A_984 = vector.broadcast %shift_right_arithmetic3A_983 : i32 to vector<16xi32>
      %shift_right_arithmetic3A_985 = arith.shrsi %get3A_982, %shift_right_arithmetic3A_984 : vector<16xi32>
      %and3A_986 = arith.constant 15 : i32
      %and3A_987 = vector.broadcast %and3A_986 : i32 to vector<16xi32>
      %and3A_988 = arith.andi %get3A_982, %and3A_987 : vector<16xi32>
      tpu.vector_store_idx %arg11[%shift_right_arithmetic3A_985, %and3A_988], %broadcast_in_dim3A_45 {add = true} : memref<625x16xf32, #tpu.memory_space<vmem>>[vector<16xi32>, vector<16xi32>], vector<16xf32>,
      %get3A_989 = arith.constant 0 : i32
      %get3A_990 = arith.index_cast %get3A_989 : i32 to index
      %get3A_991 = arith.index_cast %while3A_956 : i32 to index
      %get3A_992 = arith.constant 48 : index
      %get3A_993 = tpu.vector_load %arg8[%get3A_990, %get3A_991, %get3A_992] {strides = array<i32>} : memref<2x125x128xi32, #tpu.memory_space<vmem>>, vector<16xi32>,
      %shift_right_arithmetic3A_994 = arith.constant 4 : i32
      %shift_right_arithmetic3A_995 = vector.broadcast %shift_right_arithmetic3A_994 : i32 to vector<16xi32>
      %shift_right_arithmetic3A_996 = arith.shrsi %get3A_993, %shift_right_arithmetic3A_995 : vector<16xi32>
      %and3A_997 = arith.constant 15 : i32
      %and3A_998 = vector.broadcast %and3A_997 : i32 to vector<16xi32>
      %and3A_999 = arith.andi %get3A_993, %and3A_998 : vector<16xi32>
      tpu.vector_store_idx %arg11[%shift_right_arithmetic3A_996, %and3A_999], %broadcast_in_dim3A_45 {add = true} : memref<625x16xf32, #tpu.memory_space<vmem>>[vector<16xi32>, vector<16xi32>], vector<16xf32>,
      %get3A_1000 = arith.constant 0 : i32
      %get3A_1001 = arith.index_cast %get3A_1000 : i32 to index
      %get3A_1002 = arith.index_cast %while3A_956 : i32 to index
      %get3A_1003 = arith.constant 64 : index
      %get3A_1004 = tpu.vector_load %arg8[%get3A_1001, %get3A_1002, %get3A_1003] {strides = array<i32>} : memref<2x125x128xi32, #tpu.memory_space<vmem>>, vector<16xi32>,
      %shift_right_arithmetic3A_1005 = arith.constant 4 : i32
      %shift_right_arithmetic3A_1006 = vector.broadcast %shift_right_arithmetic3A_1005 : i32 to vector<16xi32>
      %shift_right_arithmetic3A_1007 = arith.shrsi %get3A_1004, %shift_right_arithmetic3A_1006 : vector<16xi32>
      %and3A_1008 = arith.constant 15 : i32
      %and3A_1009 = vector.broadcast %and3A_1008 : i32 to vector<16xi32>
      %and3A_1010 = arith.andi %get3A_1004, %and3A_1009 : vector<16xi32>
      tpu.vector_store_idx %arg11[%shift_right_arithmetic3A_1007, %and3A_1010], %broadcast_in_dim3A_45 {add = true} : memref<625x16xf32, #tpu.memory_space<vmem>>[vector<16xi32>, vector<16xi32>], vector<16xf32>,
      %get3A_1011 = arith.constant 0 : i32
      %get3A_1012 = arith.index_cast %get3A_1011 : i32 to index
      %get3A_1013 = arith.index_cast %while3A_956 : i32 to index
      %get3A_1014 = arith.constant 80 : index
      %get3A_1015 = tpu.vector_load %arg8[%get3A_1012, %get3A_1013, %get3A_1014] {strides = array<i32>} : memref<2x125x128xi32, #tpu.memory_space<vmem>>, vector<16xi32>,
      %shift_right_arithmetic3A_1016 = arith.constant 4 : i32
      %shift_right_arithmetic3A_1017 = vector.broadcast %shift_right_arithmetic3A_1016 : i32 to vector<16xi32>
      %shift_right_arithmetic3A_1018 = arith.shrsi %get3A_1015, %shift_right_arithmetic3A_1017 : vector<16xi32>
      %and3A_1019 = arith.constant 15 : i32
      %and3A_1020 = vector.broadcast %and3A_1019 : i32 to vector<16xi32>
      %and3A_1021 = arith.andi %get3A_1015, %and3A_1020 : vector<16xi32>
      tpu.vector_store_idx %arg11[%shift_right_arithmetic3A_1018, %and3A_1021], %broadcast_in_dim3A_45 {add = true} : memref<625x16xf32, #tpu.memory_space<vmem>>[vector<16xi32>, vector<16xi32>], vector<16xf32>,
      %get3A_1022 = arith.constant 0 : i32
      %get3A_1023 = arith.index_cast %get3A_1022 : i32 to index
      %get3A_1024 = arith.index_cast %while3A_956 : i32 to index
      %get3A_1025 = arith.constant 96 : index
      %get3A_1026 = tpu.vector_load %arg8[%get3A_1023, %get3A_1024, %get3A_1025] {strides = array<i32>} : memref<2x125x128xi32, #tpu.memory_space<vmem>>, vector<16xi32>,
      %shift_right_arithmetic3A_1027 = arith.constant 4 : i32
      %shift_right_arithmetic3A_1028 = vector.broadcast %shift_right_arithmetic3A_1027 : i32 to vector<16xi32>
      %shift_right_arithmetic3A_1029 = arith.shrsi %get3A_1026, %shift_right_arithmetic3A_1028 : vector<16xi32>
      %and3A_1030 = arith.constant 15 : i32
      %and3A_1031 = vector.broadcast %and3A_1030 : i32 to vector<16xi32>
      %and3A_1032 = arith.andi %get3A_1026, %and3A_1031 : vector<16xi32>
      tpu.vector_store_idx %arg11[%shift_right_arithmetic3A_1029, %and3A_1032], %broadcast_in_dim3A_45 {add = true} : memref<625x16xf32, #tpu.memory_space<vmem>>[vector<16xi32>, vector<16xi32>], vector<16xf32>,
      %get3A_1033 = arith.constant 0 : i32
      %get3A_1034 = arith.index_cast %get3A_1033 : i32 to index
      %get3A_1035 = arith.index_cast %while3A_956 : i32 to index
      %get3A_1036 = arith.constant 112 : index
      %get3A_1037 = tpu.vector_load %arg8[%get3A_1034, %get3A_1035, %get3A_1036] {strides = array<i32>} : memref<2x125x128xi32, #tpu.memory_space<vmem>>, vector<16xi32>,
      %shift_right_arithmetic3A_1038 = arith.constant 4 : i32
      %shift_right_arithmetic3A_1039 = vector.broadcast %shift_right_arithmetic3A_1038 : i32 to vector<16xi32>
      %shift_right_arithmetic3A_1040 = arith.shrsi %get3A_1037, %shift_right_arithmetic3A_1039 : vector<16xi32>
      %and3A_1041 = arith.constant 15 : i32
      %and3A_1042 = vector.broadcast %and3A_1041 : i32 to vector<16xi32>
      %and3A_1043 = arith.andi %get3A_1037, %and3A_1042 : vector<16xi32>
      tpu.vector_store_idx %arg11[%shift_right_arithmetic3A_1040, %and3A_1043], %broadcast_in_dim3A_45 {add = true} : memref<625x16xf32, #tpu.memory_space<vmem>>[vector<16xi32>, vector<16xi32>], vector<16xf32>,
      %while3A_1044 = arith.constant 0 : i32
      scf.yield %while3A_1044 : i32
    }
    %while3A_214 = arith.constant 1 : i32
    %while3A_215 = scf.for %while3A_956 = %while3A_211 to %while3A_207 step %while3A_214 iter_args(%while3A_957 = %while3A_213) -> (i32)  : i32 {
      %get3A = arith.constant 0 : i32
      %get3A_958 = arith.index_cast %get3A : i32 to index
      %get3A_959 = arith.index_cast %while3A_956 : i32 to index
      %get3A_960 = arith.constant 0 : index
      %get3A_961 = tpu.vector_load %arg8[%get3A_958, %get3A_959, %get3A_960] {strides = array<i32>} : memref<2x125x128xi32, #tpu.memory_space<vmem>>, vector<16xi32>,
      %shift_right_arithmetic3A = arith.constant 4 : i32
      %shift_right_arithmetic3A_962 = vector.broadcast %shift_right_arithmetic3A : i32 to vector<16xi32>
      %shift_right_arithmetic3A_963 = arith.shrsi %get3A_961, %shift_right_arithmetic3A_962 : vector<16xi32>
      %and3A_964 = arith.constant 15 : i32
      %and3A_965 = vector.broadcast %and3A_964 : i32 to vector<16xi32>
      %and3A_966 = arith.andi %get3A_961, %and3A_965 : vector<16xi32>
      tpu.vector_store_idx %arg11[%shift_right_arithmetic3A_963, %and3A_966], %broadcast_in_dim3A_45 {add = true} : memref<625x16xf32, #tpu.memory_space<vmem>>[vector<16xi32>, vector<16xi32>], vector<16xf32>,
      %get3A_967 = arith.constant 0 : i32
      %get3A_968 = arith.index_cast %get3A_967 : i32 to index
      %get3A_969 = arith.index_cast %while3A_956 : i32 to index
      %get3A_970 = arith.constant 16 : index
      %get3A_971 = tpu.vector_load %arg8[%get3A_968, %get3A_969, %get3A_970] {strides = array<i32>} : memref<2x125x128xi32, #tpu.memory_space<vmem>>, vector<16xi32>,
      %shift_right_arithmetic3A_972 = arith.constant 4 : i32
      %shift_right_arithmetic3A_973 = vector.broadcast %shift_right_arithmetic3A_972 : i32 to vector<16xi32>
      %shift_right_arithmetic3A_974 = arith.shrsi %get3A_971, %shift_right_arithmetic3A_973 : vector<16xi32>
      %and3A_975 = arith.constant 15 : i32
      %and3A_976 = vector.broadcast %and3A_975 : i32 to vector<16xi32>
      %and3A_977 = arith.andi %get3A_971, %and3A_976 : vector<16xi32>
      tpu.vector_store_idx %arg11[%shift_right_arithmetic3A_974, %and3A_977], %broadcast_in_dim3A_45 {add = true} : memref<625x16xf32, #tpu.memory_space<vmem>>[vector<16xi32>, vector<16xi32>], vector<16xf32>,
      %get3A_978 = arith.constant 0 : i32
      %get3A_979 = arith.index_cast %get3A_978 : i32 to index
      %get3A_980 = arith.index_cast %while3A_956 : i32 to index
      %get3A_981 = arith.constant 32 : index
      %get3A_982 = tpu.vector_load %arg8[%get3A_979, %get3A_980, %get3A_981] {strides = array<i32>} : memref<2x125x128xi32, #tpu.memory_space<vmem>>, vector<16xi32>,
      %shift_right_arithmetic3A_983 = arith.constant 4 : i32
      %shift_right_arithmetic3A_984 = vector.broadcast %shift_right_arithmetic3A_983 : i32 to vector<16xi32>
      %shift_right_arithmetic3A_985 = arith.shrsi %get3A_982, %shift_right_arithmetic3A_984 : vector<16xi32>
      %and3A_986 = arith.constant 15 : i32
      %and3A_987 = vector.broadcast %and3A_986 : i32 to vector<16xi32>
      %and3A_988 = arith.andi %get3A_982, %and3A_987 : vector<16xi32>
      tpu.vector_store_idx %arg11[%shift_right_arithmetic3A_985, %and3A_988], %broadcast_in_dim3A_45 {add = true} : memref<625x16xf32, #tpu.memory_space<vmem>>[vector<16xi32>, vector<16xi32>], vector<16xf32>,
      %get3A_989 = arith.constant 0 : i32
      %get3A_990 = arith.index_cast %get3A_989 : i32 to index
      %get3A_991 = arith.index_cast %while3A_956 : i32 to index
      %get3A_992 = arith.constant 48 : index
      %get3A_993 = tpu.vector_load %arg8[%get3A_990, %get3A_991, %get3A_992] {strides = array<i32>} : memref<2x125x128xi32, #tpu.memory_space<vmem>>, vector<16xi32>,
      %shift_right_arithmetic3A_994 = arith.constant 4 : i32
      %shift_right_arithmetic3A_995 = vector.broadcast %shift_right_arithmetic3A_994 : i32 to vector<16xi32>
      %shift_right_arithmetic3A_996 = arith.shrsi %get3A_993, %shift_right_arithmetic3A_995 : vector<16xi32>
      %and3A_997 = arith.constant 15 : i32
      %and3A_998 = vector.broadcast %and3A_997 : i32 to vector<16xi32>
      %and3A_999 = arith.andi %get3A_993, %and3A_998 : vector<16xi32>
      tpu.vector_store_idx %arg11[%shift_right_arithmetic3A_996, %and3A_999], %broadcast_in_dim3A_45 {add = true} : memref<625x16xf32, #tpu.memory_space<vmem>>[vector<16xi32>, vector<16xi32>], vector<16xf32>,
      %get3A_1000 = arith.constant 0 : i32
      %get3A_1001 = arith.index_cast %get3A_1000 : i32 to index
      %get3A_1002 = arith.index_cast %while3A_956 : i32 to index
      %get3A_1003 = arith.constant 64 : index
      %get3A_1004 = tpu.vector_load %arg8[%get3A_1001, %get3A_1002, %get3A_1003] {strides = array<i32>} : memref<2x125x128xi32, #tpu.memory_space<vmem>>, vector<16xi32>,
      %shift_right_arithmetic3A_1005 = arith.constant 4 : i32
      %shift_right_arithmetic3A_1006 = vector.broadcast %shift_right_arithmetic3A_1005 : i32 to vector<16xi32>
      %shift_right_arithmetic3A_1007 = arith.shrsi %get3A_1004, %shift_right_arithmetic3A_1006 : vector<16xi32>
      %and3A_1008 = arith.constant 15 : i32
      %and3A_1009 = vector.broadcast %and3A_1008 : i32 to vector<16xi32>
      %and3A_1010 = arith.andi %get3A_1004, %and3A_1009 : vector<16xi32>
      tpu.vector_store_idx %arg11[%shift_right_arithmetic3A_1007, %and3A_1010], %broadcast_in_dim3A_45 {add = true} : memref<625x16xf32, #tpu.memory_space<vmem>>[vector<16xi32>, vector<16xi32>], vector<16xf32>,
      %get3A_1011 = arith.constant 0 : i32
      %get3A_1012 = arith.index_cast %get3A_1011 : i32 to index
      %get3A_1013 = arith.index_cast %while3A_956 : i32 to index
      %get3A_1014 = arith.constant 80 : index
      %get3A_1015 = tpu.vector_load %arg8[%get3A_1012, %get3A_1013, %get3A_1014] {strides = array<i32>} : memref<2x125x128xi32, #tpu.memory_space<vmem>>, vector<16xi32>,
      %shift_right_arithmetic3A_1016 = arith.constant 4 : i32
      %shift_right_arithmetic3A_1017 = vector.broadcast %shift_right_arithmetic3A_1016 : i32 to vector<16xi32>
      %shift_right_arithmetic3A_1018 = arith.shrsi %get3A_1015, %shift_right_arithmetic3A_1017 : vector<16xi32>
      %and3A_1019 = arith.constant 15 : i32
      %and3A_1020 = vector.broadcast %and3A_1019 : i32 to vector<16xi32>
      %and3A_1021 = arith.andi %get3A_1015, %and3A_1020 : vector<16xi32>
      tpu.vector_store_idx %arg11[%shift_right_arithmetic3A_1018, %and3A_1021], %broadcast_in_dim3A_45 {add = true} : memref<625x16xf32, #tpu.memory_space<vmem>>[vector<16xi32>, vector<16xi32>], vector<16xf32>,
      %get3A_1022 = arith.constant 0 : i32
      %get3A_1023 = arith.index_cast %get3A_1022 : i32 to index
      %get3A_1024 = arith.index_cast %while3A_956 : i32 to index
      %get3A_1025 = arith.constant 96 : index
      %get3A_1026 = tpu.vector_load %arg8[%get3A_1023, %get3A_1024, %get3A_1025] {strides = array<i32>} : memref<2x125x128xi32, #tpu.memory_space<vmem>>, vector<16xi32>,
      %shift_right_arithmetic3A_1027 = arith.constant 4 : i32
      %shift_right_arithmetic3A_1028 = vector.broadcast %shift_right_arithmetic3A_1027 : i32 to vector<16xi32>
      %shift_right_arithmetic3A_1029 = arith.shrsi %get3A_1026, %shift_right_arithmetic3A_1028 : vector<16xi32>
      %and3A_1030 = arith.constant 15 : i32
      %and3A_1031 = vector.broadcast %and3A_1030 : i32 to vector<16xi32>
      %and3A_1032 = arith.andi %get3A_1026, %and3A_1031 : vector<16xi32>
      tpu.vector_store_idx %arg11[%shift_right_arithmetic3A_1029, %and3A_1032], %broadcast_in_dim3A_45 {add = true} : memref<625x16xf32, #tpu.memory_space<vmem>>[vector<16xi32>, vector<16xi32>], vector<16xf32>,
      %get3A_1033 = arith.constant 0 : i32
      %get3A_1034 = arith.index_cast %get3A_1033 : i32 to index
      %get3A_1035 = arith.index_cast %while3A_956 : i32 to index
      %get3A_1036 = arith.constant 112 : index
      %get3A_1037 = tpu.vector_load %arg8[%get3A_1034, %get3A_1035, %get3A_1036] {strides = array<i32>} : memref<2x125x128xi32, #tpu.memory_space<vmem>>, vector<16xi32>,
      %shift_right_arithmetic3A_1038 = arith.constant 4 : i32
      %shift_right_arithmetic3A_1039 = vector.broadcast %shift_right_arithmetic3A_1038 : i32 to vector<16xi32>
      %shift_right_arithmetic3A_1040 = arith.shrsi %get3A_1037, %shift_right_arithmetic3A_1039 : vector<16xi32>
      %and3A_1041 = arith.constant 15 : i32
      %and3A_1042 = vector.broadcast %and3A_1041 : i32 to vector<16xi32>
      %and3A_1043 = arith.andi %get3A_1037, %and3A_1042 : vector<16xi32>
      tpu.vector_store_idx %arg11[%shift_right_arithmetic3A_1040, %and3A_1043], %broadcast_in_dim3A_45 {add = true} : memref<625x16xf32, #tpu.memory_space<vmem>>[vector<16xi32>, vector<16xi32>], vector<16xf32>,
      %while3A_1044 = arith.constant 0 : i32
      scf.yield %while3A_1044 : i32
    }
    %dma_wait3A_216 = arith.constant 1 : i32
    %dma_wait3A_217 = arith.constant 0 : i32
    %dma_wait3A_218 = arith.constant 0 : i32
    %dma_wait3A_219 = tpu.memref_slice %arg7[%dma_wait3A_216, %dma_wait3A_217, %dma_wait3A_218] : memref<2x125x128xf32, #tpu.memory_space<vmem>> -> memref<1x125x128xf32, #tpu.memory_space<vmem>>
    %dma_wait3A_220 = tpu.memref_squeeze %dma_wait3A_219 : memref<1x125x128xf32, #tpu.memory_space<vmem>> -> memref<125x128xf32, #tpu.memory_space<vmem>>
    %dma_wait3A_221 = arith.constant 0 : i32
    %dma_wait3A_222 = tpu.memref_slice %arg2[%select_n3A, %add3A_165, %select_n3A_28, %dma_wait3A_221] : memref<2x2500x8x128xf32, #tpu.memory_space<hbm>> -> memref<1x125x1x128xf32, #tpu.memory_space<hbm>>
    %dma_wait3A_223 = tpu.memref_squeeze %dma_wait3A_222 : memref<1x125x1x128xf32, #tpu.memory_space<hbm>> -> memref<125x128xf32, #tpu.memory_space<hbm>>
    %dma_wait3A_224 = arith.constant 0 : i32
    %dma_wait3A_225 = arith.constant 0 : i32
    %dma_wait3A_226 = tpu.memref_slice %arg7[%dma_wait3A_216, %dma_wait3A_224, %dma_wait3A_225] : memref<2x125x128xf32, #tpu.memory_space<vmem>> -> memref<1x125x128xf32, #tpu.memory_space<vmem>>
    %dma_wait3A_227 = tpu.memref_squeeze %dma_wait3A_226 : memref<1x125x128xf32, #tpu.memory_space<vmem>> -> memref<125x128xf32, #tpu.memory_space<vmem>>
    %dma_wait3A_228 = arith.constant 0 : i32
    %dma_wait3A_229 = tpu.memref_slice %arg2[%select_n3A, %add3A_165, %select_n3A_28, %dma_wait3A_228] : memref<2x2500x8x128xf32, #tpu.memory_space<hbm>> -> memref<1x125x1x128xf32, #tpu.memory_space<hbm>>
    %dma_wait3A_230 = tpu.memref_squeeze %dma_wait3A_229 : memref<1x125x1x128xf32, #tpu.memory_space<hbm>> -> memref<125x128xf32, #tpu.memory_space<hbm>>
    tpu.wait_dma2 semaphore(%arg13 : memref<!tpu.dma_semaphore, #tpu.memory_space<semaphore_mem>>) src(%dma_wait3A_230 : memref<125x128xf32, #tpu.memory_space<hbm>>) dst(%dma_wait3A_227 : memref<125x128xf32, #tpu.memory_space<vmem>>)
    %dma_wait3A_231 = arith.constant 1 : i32
    %dma_wait3A_232 = arith.constant 1 : i32
    %dma_wait3A_233 = arith.constant 0 : i32
    %dma_wait3A_234 = arith.constant 0 : i32
    %dma_wait3A_235 = tpu.memref_slice %arg8[%dma_wait3A_232, %dma_wait3A_233, %dma_wait3A_234] : memref<2x125x128xi32, #tpu.memory_space<vmem>> -> memref<1x125x128xi32, #tpu.memory_space<vmem>>
    %dma_wait3A_236 = tpu.memref_squeeze %dma_wait3A_235 : memref<1x125x128xi32, #tpu.memory_space<vmem>> -> memref<125x128xi32, #tpu.memory_space<vmem>>
    %dma_wait3A_237 = arith.constant 0 : i32
    %dma_wait3A_238 = tpu.memref_slice %arg3[%add3A_182, %dma_wait3A_231, %dma_wait3A_237] : memref<2500x2x128xi32, #tpu.memory_space<hbm>> -> memref<125x1x128xi32, #tpu.memory_space<hbm>>
    %dma_wait3A_239 = tpu.memref_squeeze %dma_wait3A_238 : memref<125x1x128xi32, #tpu.memory_space<hbm>> -> memref<125x128xi32, #tpu.memory_space<hbm>>
    %dma_wait3A_240 = arith.constant 0 : i32
    %dma_wait3A_241 = arith.constant 0 : i32
    %dma_wait3A_242 = tpu.memref_slice %arg8[%dma_wait3A_232, %dma_wait3A_240, %dma_wait3A_241] : memref<2x125x128xi32, #tpu.memory_space<vmem>> -> memref<1x125x128xi32, #tpu.memory_space<vmem>>
    %dma_wait3A_243 = tpu.memref_squeeze %dma_wait3A_242 : memref<1x125x128xi32, #tpu.memory_space<vmem>> -> memref<125x128xi32, #tpu.memory_space<vmem>>
    %dma_wait3A_244 = arith.constant 0 : i32
    %dma_wait3A_245 = tpu.memref_slice %arg3[%add3A_182, %dma_wait3A_231, %dma_wait3A_244] : memref<2500x2x128xi32, #tpu.memory_space<hbm>> -> memref<125x1x128xi32, #tpu.memory_space<hbm>>
    %dma_wait3A_246 = tpu.memref_squeeze %dma_wait3A_245 : memref<125x1x128xi32, #tpu.memory_space<hbm>> -> memref<125x128xi32, #tpu.memory_space<hbm>>
    tpu.wait_dma2 semaphore(%arg13 : memref<!tpu.dma_semaphore, #tpu.memory_space<semaphore_mem>>) src(%dma_wait3A_246 : memref<125x128xi32, #tpu.memory_space<hbm>>) dst(%dma_wait3A_243 : memref<125x128xi32, #tpu.memory_space<vmem>>)
    %add3A_247 = arith.constant 250 : i32
    %add3A_248 = arith.addi %mul3A_44, %add3A_247 : i32
    %dma_start3A_249 = arith.constant 0 : i32
    %dma_start3A_250 = arith.constant 0 : i32
    %dma_start3A_251 = arith.constant 0 : i32
    %dma_start3A_252 = tpu.memref_slice %arg7[%dma_start3A_249, %dma_start3A_250, %dma_start3A_251] : memref<2x125x128xf32, #tpu.memory_space<vmem>> -> memref<1x125x128xf32, #tpu.memory_space<vmem>>
    %dma_start3A_253 = tpu.memref_squeeze %dma_start3A_252 : memref<1x125x128xf32, #tpu.memory_space<vmem>> -> memref<125x128xf32, #tpu.memory_space<vmem>>
    %dma_start3A_254 = arith.constant 0 : i32
    %dma_start3A_255 = tpu.memref_slice %arg2[%select_n3A, %add3A_248, %select_n3A_28, %dma_start3A_254] : memref<2x2500x8x128xf32, #tpu.memory_space<hbm>> -> memref<1x125x1x128xf32, #tpu.memory_space<hbm>>
    %dma_start3A_256 = tpu.memref_squeeze %dma_start3A_255 : memref<1x125x1x128xf32, #tpu.memory_space<hbm>> -> memref<125x128xf32, #tpu.memory_space<hbm>>
    %dma_start3A_257 = arith.constant 0 : i32
    %dma_start3A_258 = arith.constant 0 : i32
    %dma_start3A_259 = tpu.memref_slice %arg7[%dma_start3A_249, %dma_start3A_257, %dma_start3A_258] : memref<2x125x128xf32, #tpu.memory_space<vmem>> -> memref<1x125x128xf32, #tpu.memory_space<vmem>>
    %dma_start3A_260 = tpu.memref_squeeze %dma_start3A_259 : memref<1x125x128xf32, #tpu.memory_space<vmem>> -> memref<125x128xf32, #tpu.memory_space<vmem>>
    %dma_start3A_261 = arith.constant 0 : i32
    %dma_start3A_262 = tpu.memref_slice %arg2[%select_n3A, %add3A_248, %select_n3A_28, %dma_start3A_261] : memref<2x2500x8x128xf32, #tpu.memory_space<hbm>> -> memref<1x125x1x128xf32, #tpu.memory_space<hbm>>
    %dma_start3A_263 = tpu.memref_squeeze %dma_start3A_262 : memref<1x125x1x128xf32, #tpu.memory_space<hbm>> -> memref<125x128xf32, #tpu.memory_space<hbm>>
    tpu.enqueue_dma source(%dma_start3A_263 : memref<125x128xf32, #tpu.memory_space<hbm>>) target(%dma_start3A_260 : memref<125x128xf32, #tpu.memory_space<vmem>>) target_semaphore(%arg13 : memref<!tpu.dma_semaphore, #tpu.memory_space<semaphore_mem>>)
    %add3A_264 = arith.constant 250 : i32
    %add3A_265 = arith.addi %mul3A_44, %add3A_264 : i32
    %dma_start3A_266 = arith.constant 1 : i32
    %dma_start3A_267 = arith.constant 0 : i32
    %dma_start3A_268 = arith.constant 0 : i32
    %dma_start3A_269 = arith.constant 0 : i32
    %dma_start3A_270 = tpu.memref_slice %arg8[%dma_start3A_267, %dma_start3A_268, %dma_start3A_269] : memref<2x125x128xi32, #tpu.memory_space<vmem>> -> memref<1x125x128xi32, #tpu.memory_space<vmem>>
    %dma_start3A_271 = tpu.memref_squeeze %dma_start3A_270 : memref<1x125x128xi32, #tpu.memory_space<vmem>> -> memref<125x128xi32, #tpu.memory_space<vmem>>
    %dma_start3A_272 = arith.constant 0 : i32
    %dma_start3A_273 = tpu.memref_slice %arg3[%add3A_265, %dma_start3A_266, %dma_start3A_272] : memref<2500x2x128xi32, #tpu.memory_space<hbm>> -> memref<125x1x128xi32, #tpu.memory_space<hbm>>
    %dma_start3A_274 = tpu.memref_squeeze %dma_start3A_273 : memref<125x1x128xi32, #tpu.memory_space<hbm>> -> memref<125x128xi32, #tpu.memory_space<hbm>>
    %dma_start3A_275 = arith.constant 0 : i32
    %dma_start3A_276 = arith.constant 0 : i32
    %dma_start3A_277 = tpu.memref_slice %arg8[%dma_start3A_267, %dma_start3A_275, %dma_start3A_276] : memref<2x125x128xi32, #tpu.memory_space<vmem>> -> memref<1x125x128xi32, #tpu.memory_space<vmem>>
    %dma_start3A_278 = tpu.memref_squeeze %dma_start3A_277 : memref<1x125x128xi32, #tpu.memory_space<vmem>> -> memref<125x128xi32, #tpu.memory_space<vmem>>
    %dma_start3A_279 = arith.constant 0 : i32
    %dma_start3A_280 = tpu.memref_slice %arg3[%add3A_265, %dma_start3A_266, %dma_start3A_279] : memref<2500x2x128xi32, #tpu.memory_space<hbm>> -> memref<125x1x128xi32, #tpu.memory_space<hbm>>
    %dma_start3A_281 = tpu.memref_squeeze %dma_start3A_280 : memref<125x1x128xi32, #tpu.memory_space<hbm>> -> memref<125x128xi32, #tpu.memory_space<hbm>>
    tpu.enqueue_dma source(%dma_start3A_281 : memref<125x128xi32, #tpu.memory_space<hbm>>) target(%dma_start3A_278 : memref<125x128xi32, #tpu.memory_space<vmem>>) target_semaphore(%arg13 : memref<!tpu.dma_semaphore, #tpu.memory_space<semaphore_mem>>)
    %scan3A_282 = arith.constant 0 : i32
    %scan3A_283 = arith.constant 0 : i32
    %scan3A_284 = arith.constant 125 : i32
    %scan3A_285 = arith.addi %scan3A_283, %scan3A_284 : i32
    %scan3A_286 = arith.constant 1 : i32
    %scan3A_287 = scf.for %scan3A_956 = %scan3A_283 to %scan3A_285 step %scan3A_286 iter_args(%scan3A_957 = %scan3A_282) -> (i32)  : i32 {
      %get3A = arith.constant 1 : i32
      %get3A_958 = arith.index_cast %get3A : i32 to index
      %get3A_959 = arith.index_cast %scan3A_956 : i32 to index
      %get3A_960 = arith.constant 0 : index
      %get3A_961 = tpu.vector_load %arg8[%get3A_958, %get3A_959, %get3A_960] {strides = array<i32>} : memref<2x125x128xi32, #tpu.memory_space<vmem>>, vector<16xi32>,
      %get3A_962 = arith.constant 1 : i32
      %get3A_963 = arith.index_cast %get3A_962 : i32 to index
      %get3A_964 = arith.index_cast %scan3A_956 : i32 to index
      %get3A_965 = arith.constant 0 : index
      %get3A_966 = tpu.vector_load %arg7[%get3A_963, %get3A_964, %get3A_965] {strides = array<i32>} : memref<2x125x128xf32, #tpu.memory_space<vmem>>, vector<16xf32>,
      %shift_right_arithmetic3A = arith.constant 4 : i32
      %shift_right_arithmetic3A_967 = vector.broadcast %shift_right_arithmetic3A : i32 to vector<16xi32>
      %shift_right_arithmetic3A_968 = arith.shrsi %get3A_961, %shift_right_arithmetic3A_967 : vector<16xi32>
      %and3A_969 = arith.constant 15 : i32
      %and3A_970 = vector.broadcast %and3A_969 : i32 to vector<16xi32>
      %and3A_971 = arith.andi %get3A_961, %and3A_970 : vector<16xi32>
      tpu.vector_store_idx %arg10[%shift_right_arithmetic3A_968, %and3A_971], %get3A_966 {add = true} : memref<625x16xf32, #tpu.memory_space<vmem>>[vector<16xi32>, vector<16xi32>], vector<16xf32>,
      %get3A_972 = arith.constant 1 : i32
      %get3A_973 = arith.index_cast %get3A_972 : i32 to index
      %get3A_974 = arith.index_cast %scan3A_956 : i32 to index
      %get3A_975 = arith.constant 16 : index
      %get3A_976 = tpu.vector_load %arg8[%get3A_973, %get3A_974, %get3A_975] {strides = array<i32>} : memref<2x125x128xi32, #tpu.memory_space<vmem>>, vector<16xi32>,
      %get3A_977 = arith.constant 1 : i32
      %get3A_978 = arith.index_cast %get3A_977 : i32 to index
      %get3A_979 = arith.index_cast %scan3A_956 : i32 to index
      %get3A_980 = arith.constant 16 : index
      %get3A_981 = tpu.vector_load %arg7[%get3A_978, %get3A_979, %get3A_980] {strides = array<i32>} : memref<2x125x128xf32, #tpu.memory_space<vmem>>, vector<16xf32>,
      %shift_right_arithmetic3A_982 = arith.constant 4 : i32
      %shift_right_arithmetic3A_983 = vector.broadcast %shift_right_arithmetic3A_982 : i32 to vector<16xi32>
      %shift_right_arithmetic3A_984 = arith.shrsi %get3A_976, %shift_right_arithmetic3A_983 : vector<16xi32>
      %and3A_985 = arith.constant 15 : i32
      %and3A_986 = vector.broadcast %and3A_985 : i32 to vector<16xi32>
      %and3A_987 = arith.andi %get3A_976, %and3A_986 : vector<16xi32>
      tpu.vector_store_idx %arg10[%shift_right_arithmetic3A_984, %and3A_987], %get3A_981 {add = true} : memref<625x16xf32, #tpu.memory_space<vmem>>[vector<16xi32>, vector<16xi32>], vector<16xf32>,
      %get3A_988 = arith.constant 1 : i32
      %get3A_989 = arith.index_cast %get3A_988 : i32 to index
      %get3A_990 = arith.index_cast %scan3A_956 : i32 to index
      %get3A_991 = arith.constant 32 : index
      %get3A_992 = tpu.vector_load %arg8[%get3A_989, %get3A_990, %get3A_991] {strides = array<i32>} : memref<2x125x128xi32, #tpu.memory_space<vmem>>, vector<16xi32>,
      %get3A_993 = arith.constant 1 : i32
      %get3A_994 = arith.index_cast %get3A_993 : i32 to index
      %get3A_995 = arith.index_cast %scan3A_956 : i32 to index
      %get3A_996 = arith.constant 32 : index
      %get3A_997 = tpu.vector_load %arg7[%get3A_994, %get3A_995, %get3A_996] {strides = array<i32>} : memref<2x125x128xf32, #tpu.memory_space<vmem>>, vector<16xf32>,
      %shift_right_arithmetic3A_998 = arith.constant 4 : i32
      %shift_right_arithmetic3A_999 = vector.broadcast %shift_right_arithmetic3A_998 : i32 to vector<16xi32>
      %shift_right_arithmetic3A_1000 = arith.shrsi %get3A_992, %shift_right_arithmetic3A_999 : vector<16xi32>
      %and3A_1001 = arith.constant 15 : i32
      %and3A_1002 = vector.broadcast %and3A_1001 : i32 to vector<16xi32>
      %and3A_1003 = arith.andi %get3A_992, %and3A_1002 : vector<16xi32>
      tpu.vector_store_idx %arg10[%shift_right_arithmetic3A_1000, %and3A_1003], %get3A_997 {add = true} : memref<625x16xf32, #tpu.memory_space<vmem>>[vector<16xi32>, vector<16xi32>], vector<16xf32>,
      %get3A_1004 = arith.constant 1 : i32
      %get3A_1005 = arith.index_cast %get3A_1004 : i32 to index
      %get3A_1006 = arith.index_cast %scan3A_956 : i32 to index
      %get3A_1007 = arith.constant 48 : index
      %get3A_1008 = tpu.vector_load %arg8[%get3A_1005, %get3A_1006, %get3A_1007] {strides = array<i32>} : memref<2x125x128xi32, #tpu.memory_space<vmem>>, vector<16xi32>,
      %get3A_1009 = arith.constant 1 : i32
      %get3A_1010 = arith.index_cast %get3A_1009 : i32 to index
      %get3A_1011 = arith.index_cast %scan3A_956 : i32 to index
      %get3A_1012 = arith.constant 48 : index
      %get3A_1013 = tpu.vector_load %arg7[%get3A_1010, %get3A_1011, %get3A_1012] {strides = array<i32>} : memref<2x125x128xf32, #tpu.memory_space<vmem>>, vector<16xf32>,
      %shift_right_arithmetic3A_1014 = arith.constant 4 : i32
      %shift_right_arithmetic3A_1015 = vector.broadcast %shift_right_arithmetic3A_1014 : i32 to vector<16xi32>
      %shift_right_arithmetic3A_1016 = arith.shrsi %get3A_1008, %shift_right_arithmetic3A_1015 : vector<16xi32>
      %and3A_1017 = arith.constant 15 : i32
      %and3A_1018 = vector.broadcast %and3A_1017 : i32 to vector<16xi32>
      %and3A_1019 = arith.andi %get3A_1008, %and3A_1018 : vector<16xi32>
      tpu.vector_store_idx %arg10[%shift_right_arithmetic3A_1016, %and3A_1019], %get3A_1013 {add = true} : memref<625x16xf32, #tpu.memory_space<vmem>>[vector<16xi32>, vector<16xi32>], vector<16xf32>,
      %get3A_1020 = arith.constant 1 : i32
      %get3A_1021 = arith.index_cast %get3A_1020 : i32 to index
      %get3A_1022 = arith.index_cast %scan3A_956 : i32 to index
      %get3A_1023 = arith.constant 64 : index
      %get3A_1024 = tpu.vector_load %arg8[%get3A_1021, %get3A_1022, %get3A_1023] {strides = array<i32>} : memref<2x125x128xi32, #tpu.memory_space<vmem>>, vector<16xi32>,
      %get3A_1025 = arith.constant 1 : i32
      %get3A_1026 = arith.index_cast %get3A_1025 : i32 to index
      %get3A_1027 = arith.index_cast %scan3A_956 : i32 to index
      %get3A_1028 = arith.constant 64 : index
      %get3A_1029 = tpu.vector_load %arg7[%get3A_1026, %get3A_1027, %get3A_1028] {strides = array<i32>} : memref<2x125x128xf32, #tpu.memory_space<vmem>>, vector<16xf32>,
      %shift_right_arithmetic3A_1030 = arith.constant 4 : i32
      %shift_right_arithmetic3A_1031 = vector.broadcast %shift_right_arithmetic3A_1030 : i32 to vector<16xi32>
      %shift_right_arithmetic3A_1032 = arith.shrsi %get3A_1024, %shift_right_arithmetic3A_1031 : vector<16xi32>
      %and3A_1033 = arith.constant 15 : i32
      %and3A_1034 = vector.broadcast %and3A_1033 : i32 to vector<16xi32>
      %and3A_1035 = arith.andi %get3A_1024, %and3A_1034 : vector<16xi32>
      tpu.vector_store_idx %arg10[%shift_right_arithmetic3A_1032, %and3A_1035], %get3A_1029 {add = true} : memref<625x16xf32, #tpu.memory_space<vmem>>[vector<16xi32>, vector<16xi32>], vector<16xf32>,
      %get3A_1036 = arith.constant 1 : i32
      %get3A_1037 = arith.index_cast %get3A_1036 : i32 to index
      %get3A_1038 = arith.index_cast %scan3A_956 : i32 to index
      %get3A_1039 = arith.constant 80 : index
      %get3A_1040 = tpu.vector_load %arg8[%get3A_1037, %get3A_1038, %get3A_1039] {strides = array<i32>} : memref<2x125x128xi32, #tpu.memory_space<vmem>>, vector<16xi32>,
      %get3A_1041 = arith.constant 1 : i32
      %get3A_1042 = arith.index_cast %get3A_1041 : i32 to index
      %get3A_1043 = arith.index_cast %scan3A_956 : i32 to index
      %get3A_1044 = arith.constant 80 : index
      %get3A_1045 = tpu.vector_load %arg7[%get3A_1042, %get3A_1043, %get3A_1044] {strides = array<i32>} : memref<2x125x128xf32, #tpu.memory_space<vmem>>, vector<16xf32>,
      %shift_right_arithmetic3A_1046 = arith.constant 4 : i32
      %shift_right_arithmetic3A_1047 = vector.broadcast %shift_right_arithmetic3A_1046 : i32 to vector<16xi32>
      %shift_right_arithmetic3A_1048 = arith.shrsi %get3A_1040, %shift_right_arithmetic3A_1047 : vector<16xi32>
      %and3A_1049 = arith.constant 15 : i32
      %and3A_1050 = vector.broadcast %and3A_1049 : i32 to vector<16xi32>
      %and3A_1051 = arith.andi %get3A_1040, %and3A_1050 : vector<16xi32>
      tpu.vector_store_idx %arg10[%shift_right_arithmetic3A_1048, %and3A_1051], %get3A_1045 {add = true} : memref<625x16xf32, #tpu.memory_space<vmem>>[vector<16xi32>, vector<16xi32>], vector<16xf32>,
      %get3A_1052 = arith.constant 1 : i32
      %get3A_1053 = arith.index_cast %get3A_1052 : i32 to index
      %get3A_1054 = arith.index_cast %scan3A_956 : i32 to index
      %get3A_1055 = arith.constant 96 : index
      %get3A_1056 = tpu.vector_load %arg8[%get3A_1053, %get3A_1054, %get3A_1055] {strides = array<i32>} : memref<2x125x128xi32, #tpu.memory_space<vmem>>, vector<16xi32>,
      %get3A_1057 = arith.constant 1 : i32
      %get3A_1058 = arith.index_cast %get3A_1057 : i32 to index
      %get3A_1059 = arith.index_cast %scan3A_956 : i32 to index
      %get3A_1060 = arith.constant 96 : index
      %get3A_1061 = tpu.vector_load %arg7[%get3A_1058, %get3A_1059, %get3A_1060] {strides = array<i32>} : memref<2x125x128xf32, #tpu.memory_space<vmem>>, vector<16xf32>,
      %shift_right_arithmetic3A_1062 = arith.constant 4 : i32
      %shift_right_arithmetic3A_1063 = vector.broadcast %shift_right_arithmetic3A_1062 : i32 to vector<16xi32>
      %shift_right_arithmetic3A_1064 = arith.shrsi %get3A_1056, %shift_right_arithmetic3A_1063 : vector<16xi32>
      %and3A_1065 = arith.constant 15 : i32
      %and3A_1066 = vector.broadcast %and3A_1065 : i32 to vector<16xi32>
      %and3A_1067 = arith.andi %get3A_1056, %and3A_1066 : vector<16xi32>
      tpu.vector_store_idx %arg10[%shift_right_arithmetic3A_1064, %and3A_1067], %get3A_1061 {add = true} : memref<625x16xf32, #tpu.memory_space<vmem>>[vector<16xi32>, vector<16xi32>], vector<16xf32>,
      %get3A_1068 = arith.constant 1 : i32
      %get3A_1069 = arith.index_cast %get3A_1068 : i32 to index
      %get3A_1070 = arith.index_cast %scan3A_956 : i32 to index
      %get3A_1071 = arith.constant 112 : index
      %get3A_1072 = tpu.vector_load %arg8[%get3A_1069, %get3A_1070, %get3A_1071] {strides = array<i32>} : memref<2x125x128xi32, #tpu.memory_space<vmem>>, vector<16xi32>,
      %get3A_1073 = arith.constant 1 : i32
      %get3A_1074 = arith.index_cast %get3A_1073 : i32 to index
      %get3A_1075 = arith.index_cast %scan3A_956 : i32 to index
      %get3A_1076 = arith.constant 112 : index
      %get3A_1077 = tpu.vector_load %arg7[%get3A_1074, %get3A_1075, %get3A_1076] {strides = array<i32>} : memref<2x125x128xf32, #tpu.memory_space<vmem>>, vector<16xf32>,
      %shift_right_arithmetic3A_1078 = arith.constant 4 : i32
      %shift_right_arithmetic3A_1079 = vector.broadcast %shift_right_arithmetic3A_1078 : i32 to vector<16xi32>
      %shift_right_arithmetic3A_1080 = arith.shrsi %get3A_1072, %shift_right_arithmetic3A_1079 : vector<16xi32>
      %and3A_1081 = arith.constant 15 : i32
      %and3A_1082 = vector.broadcast %and3A_1081 : i32 to vector<16xi32>
      %and3A_1083 = arith.andi %get3A_1072, %and3A_1082 : vector<16xi32>
      tpu.vector_store_idx %arg10[%shift_right_arithmetic3A_1080, %and3A_1083], %get3A_1077 {add = true} : memref<625x16xf32, #tpu.memory_space<vmem>>[vector<16xi32>, vector<16xi32>], vector<16xf32>,
      %scan3A_1084 = arith.constant 0 : i32
      scf.yield %scan3A_1084 : i32
    }
    %scan3A_288 = arith.constant 125 : i32
    %while3A_289 = arith.constant 0 : i32
    %while3A_290 = arith.subi %select_n3A_99, %select_n3A_71 : i32
    %while3A_291 = arith.addi %select_n3A_71, %while3A_290 : i32
    %while3A_292 = arith.constant 1 : i32
    %while3A_293 = arith.divsi %while3A_290, %while3A_292 : i32
    %while3A_294 = arith.muli %while3A_293, %while3A_292 : i32
    %while3A_295 = arith.addi %select_n3A_71, %while3A_294 : i32
    %while3A_296 = arith.constant 1 : i32
    %while3A_297 = scf.for %while3A_956 = %select_n3A_71 to %while3A_295 step %while3A_296 iter_args(%while3A_957 = %while3A_289) -> (i32)  : i32 {
      %get3A = arith.constant 1 : i32
      %get3A_958 = arith.index_cast %get3A : i32 to index
      %get3A_959 = arith.index_cast %while3A_956 : i32 to index
      %get3A_960 = arith.constant 0 : index
      %get3A_961 = tpu.vector_load %arg8[%get3A_958, %get3A_959, %get3A_960] {strides = array<i32>} : memref<2x125x128xi32, #tpu.memory_space<vmem>>, vector<16xi32>,
      %shift_right_arithmetic3A = arith.constant 4 : i32
      %shift_right_arithmetic3A_962 = vector.broadcast %shift_right_arithmetic3A : i32 to vector<16xi32>
      %shift_right_arithmetic3A_963 = arith.shrsi %get3A_961, %shift_right_arithmetic3A_962 : vector<16xi32>
      %and3A_964 = arith.constant 15 : i32
      %and3A_965 = vector.broadcast %and3A_964 : i32 to vector<16xi32>
      %and3A_966 = arith.andi %get3A_961, %and3A_965 : vector<16xi32>
      tpu.vector_store_idx %arg11[%shift_right_arithmetic3A_963, %and3A_966], %broadcast_in_dim3A_45 {add = true} : memref<625x16xf32, #tpu.memory_space<vmem>>[vector<16xi32>, vector<16xi32>], vector<16xf32>,
      %get3A_967 = arith.constant 1 : i32
      %get3A_968 = arith.index_cast %get3A_967 : i32 to index
      %get3A_969 = arith.index_cast %while3A_956 : i32 to index
      %get3A_970 = arith.constant 16 : index
      %get3A_971 = tpu.vector_load %arg8[%get3A_968, %get3A_969, %get3A_970] {strides = array<i32>} : memref<2x125x128xi32, #tpu.memory_space<vmem>>, vector<16xi32>,
      %shift_right_arithmetic3A_972 = arith.constant 4 : i32
      %shift_right_arithmetic3A_973 = vector.broadcast %shift_right_arithmetic3A_972 : i32 to vector<16xi32>
      %shift_right_arithmetic3A_974 = arith.shrsi %get3A_971, %shift_right_arithmetic3A_973 : vector<16xi32>
      %and3A_975 = arith.constant 15 : i32
      %and3A_976 = vector.broadcast %and3A_975 : i32 to vector<16xi32>
      %and3A_977 = arith.andi %get3A_971, %and3A_976 : vector<16xi32>
      tpu.vector_store_idx %arg11[%shift_right_arithmetic3A_974, %and3A_977], %broadcast_in_dim3A_45 {add = true} : memref<625x16xf32, #tpu.memory_space<vmem>>[vector<16xi32>, vector<16xi32>], vector<16xf32>,
      %get3A_978 = arith.constant 1 : i32
      %get3A_979 = arith.index_cast %get3A_978 : i32 to index
      %get3A_980 = arith.index_cast %while3A_956 : i32 to index
      %get3A_981 = arith.constant 32 : index
      %get3A_982 = tpu.vector_load %arg8[%get3A_979, %get3A_980, %get3A_981] {strides = array<i32>} : memref<2x125x128xi32, #tpu.memory_space<vmem>>, vector<16xi32>,
      %shift_right_arithmetic3A_983 = arith.constant 4 : i32
      %shift_right_arithmetic3A_984 = vector.broadcast %shift_right_arithmetic3A_983 : i32 to vector<16xi32>
      %shift_right_arithmetic3A_985 = arith.shrsi %get3A_982, %shift_right_arithmetic3A_984 : vector<16xi32>
      %and3A_986 = arith.constant 15 : i32
      %and3A_987 = vector.broadcast %and3A_986 : i32 to vector<16xi32>
      %and3A_988 = arith.andi %get3A_982, %and3A_987 : vector<16xi32>
      tpu.vector_store_idx %arg11[%shift_right_arithmetic3A_985, %and3A_988], %broadcast_in_dim3A_45 {add = true} : memref<625x16xf32, #tpu.memory_space<vmem>>[vector<16xi32>, vector<16xi32>], vector<16xf32>,
      %get3A_989 = arith.constant 1 : i32
      %get3A_990 = arith.index_cast %get3A_989 : i32 to index
      %get3A_991 = arith.index_cast %while3A_956 : i32 to index
      %get3A_992 = arith.constant 48 : index
      %get3A_993 = tpu.vector_load %arg8[%get3A_990, %get3A_991, %get3A_992] {strides = array<i32>} : memref<2x125x128xi32, #tpu.memory_space<vmem>>, vector<16xi32>,
      %shift_right_arithmetic3A_994 = arith.constant 4 : i32
      %shift_right_arithmetic3A_995 = vector.broadcast %shift_right_arithmetic3A_994 : i32 to vector<16xi32>
      %shift_right_arithmetic3A_996 = arith.shrsi %get3A_993, %shift_right_arithmetic3A_995 : vector<16xi32>
      %and3A_997 = arith.constant 15 : i32
      %and3A_998 = vector.broadcast %and3A_997 : i32 to vector<16xi32>
      %and3A_999 = arith.andi %get3A_993, %and3A_998 : vector<16xi32>
      tpu.vector_store_idx %arg11[%shift_right_arithmetic3A_996, %and3A_999], %broadcast_in_dim3A_45 {add = true} : memref<625x16xf32, #tpu.memory_space<vmem>>[vector<16xi32>, vector<16xi32>], vector<16xf32>,
      %get3A_1000 = arith.constant 1 : i32
      %get3A_1001 = arith.index_cast %get3A_1000 : i32 to index
      %get3A_1002 = arith.index_cast %while3A_956 : i32 to index
      %get3A_1003 = arith.constant 64 : index
      %get3A_1004 = tpu.vector_load %arg8[%get3A_1001, %get3A_1002, %get3A_1003] {strides = array<i32>} : memref<2x125x128xi32, #tpu.memory_space<vmem>>, vector<16xi32>,
      %shift_right_arithmetic3A_1005 = arith.constant 4 : i32
      %shift_right_arithmetic3A_1006 = vector.broadcast %shift_right_arithmetic3A_1005 : i32 to vector<16xi32>
      %shift_right_arithmetic3A_1007 = arith.shrsi %get3A_1004, %shift_right_arithmetic3A_1006 : vector<16xi32>
      %and3A_1008 = arith.constant 15 : i32
      %and3A_1009 = vector.broadcast %and3A_1008 : i32 to vector<16xi32>
      %and3A_1010 = arith.andi %get3A_1004, %and3A_1009 : vector<16xi32>
      tpu.vector_store_idx %arg11[%shift_right_arithmetic3A_1007, %and3A_1010], %broadcast_in_dim3A_45 {add = true} : memref<625x16xf32, #tpu.memory_space<vmem>>[vector<16xi32>, vector<16xi32>], vector<16xf32>,
      %get3A_1011 = arith.constant 1 : i32
      %get3A_1012 = arith.index_cast %get3A_1011 : i32 to index
      %get3A_1013 = arith.index_cast %while3A_956 : i32 to index
      %get3A_1014 = arith.constant 80 : index
      %get3A_1015 = tpu.vector_load %arg8[%get3A_1012, %get3A_1013, %get3A_1014] {strides = array<i32>} : memref<2x125x128xi32, #tpu.memory_space<vmem>>, vector<16xi32>,
      %shift_right_arithmetic3A_1016 = arith.constant 4 : i32
      %shift_right_arithmetic3A_1017 = vector.broadcast %shift_right_arithmetic3A_1016 : i32 to vector<16xi32>
      %shift_right_arithmetic3A_1018 = arith.shrsi %get3A_1015, %shift_right_arithmetic3A_1017 : vector<16xi32>
      %and3A_1019 = arith.constant 15 : i32
      %and3A_1020 = vector.broadcast %and3A_1019 : i32 to vector<16xi32>
      %and3A_1021 = arith.andi %get3A_1015, %and3A_1020 : vector<16xi32>
      tpu.vector_store_idx %arg11[%shift_right_arithmetic3A_1018, %and3A_1021], %broadcast_in_dim3A_45 {add = true} : memref<625x16xf32, #tpu.memory_space<vmem>>[vector<16xi32>, vector<16xi32>], vector<16xf32>,
      %get3A_1022 = arith.constant 1 : i32
      %get3A_1023 = arith.index_cast %get3A_1022 : i32 to index
      %get3A_1024 = arith.index_cast %while3A_956 : i32 to index
      %get3A_1025 = arith.constant 96 : index
      %get3A_1026 = tpu.vector_load %arg8[%get3A_1023, %get3A_1024, %get3A_1025] {strides = array<i32>} : memref<2x125x128xi32, #tpu.memory_space<vmem>>, vector<16xi32>,
      %shift_right_arithmetic3A_1027 = arith.constant 4 : i32
      %shift_right_arithmetic3A_1028 = vector.broadcast %shift_right_arithmetic3A_1027 : i32 to vector<16xi32>
      %shift_right_arithmetic3A_1029 = arith.shrsi %get3A_1026, %shift_right_arithmetic3A_1028 : vector<16xi32>
      %and3A_1030 = arith.constant 15 : i32
      %and3A_1031 = vector.broadcast %and3A_1030 : i32 to vector<16xi32>
      %and3A_1032 = arith.andi %get3A_1026, %and3A_1031 : vector<16xi32>
      tpu.vector_store_idx %arg11[%shift_right_arithmetic3A_1029, %and3A_1032], %broadcast_in_dim3A_45 {add = true} : memref<625x16xf32, #tpu.memory_space<vmem>>[vector<16xi32>, vector<16xi32>], vector<16xf32>,
      %get3A_1033 = arith.constant 1 : i32
      %get3A_1034 = arith.index_cast %get3A_1033 : i32 to index
      %get3A_1035 = arith.index_cast %while3A_956 : i32 to index
      %get3A_1036 = arith.constant 112 : index
      %get3A_1037 = tpu.vector_load %arg8[%get3A_1034, %get3A_1035, %get3A_1036] {strides = array<i32>} : memref<2x125x128xi32, #tpu.memory_space<vmem>>, vector<16xi32>,
      %shift_right_arithmetic3A_1038 = arith.constant 4 : i32
      %shift_right_arithmetic3A_1039 = vector.broadcast %shift_right_arithmetic3A_1038 : i32 to vector<16xi32>
      %shift_right_arithmetic3A_1040 = arith.shrsi %get3A_1037, %shift_right_arithmetic3A_1039 : vector<16xi32>
      %and3A_1041 = arith.constant 15 : i32
      %and3A_1042 = vector.broadcast %and3A_1041 : i32 to vector<16xi32>
      %and3A_1043 = arith.andi %get3A_1037, %and3A_1042 : vector<16xi32>
      tpu.vector_store_idx %arg11[%shift_right_arithmetic3A_1040, %and3A_1043], %broadcast_in_dim3A_45 {add = true} : memref<625x16xf32, #tpu.memory_space<vmem>>[vector<16xi32>, vector<16xi32>], vector<16xf32>,
      %while3A_1044 = arith.constant 0 : i32
      scf.yield %while3A_1044 : i32
    }
    %while3A_298 = arith.constant 1 : i32
    %while3A_299 = scf.for %while3A_956 = %while3A_295 to %while3A_291 step %while3A_298 iter_args(%while3A_957 = %while3A_297) -> (i32)  : i32 {
      %get3A = arith.constant 1 : i32
      %get3A_958 = arith.index_cast %get3A : i32 to index
      %get3A_959 = arith.index_cast %while3A_956 : i32 to index
      %get3A_960 = arith.constant 0 : index
      %get3A_961 = tpu.vector_load %arg8[%get3A_958, %get3A_959, %get3A_960] {strides = array<i32>} : memref<2x125x128xi32, #tpu.memory_space<vmem>>, vector<16xi32>,
      %shift_right_arithmetic3A = arith.constant 4 : i32
      %shift_right_arithmetic3A_962 = vector.broadcast %shift_right_arithmetic3A : i32 to vector<16xi32>
      %shift_right_arithmetic3A_963 = arith.shrsi %get3A_961, %shift_right_arithmetic3A_962 : vector<16xi32>
      %and3A_964 = arith.constant 15 : i32
      %and3A_965 = vector.broadcast %and3A_964 : i32 to vector<16xi32>
      %and3A_966 = arith.andi %get3A_961, %and3A_965 : vector<16xi32>
      tpu.vector_store_idx %arg11[%shift_right_arithmetic3A_963, %and3A_966], %broadcast_in_dim3A_45 {add = true} : memref<625x16xf32, #tpu.memory_space<vmem>>[vector<16xi32>, vector<16xi32>], vector<16xf32>,
      %get3A_967 = arith.constant 1 : i32
      %get3A_968 = arith.index_cast %get3A_967 : i32 to index
      %get3A_969 = arith.index_cast %while3A_956 : i32 to index
      %get3A_970 = arith.constant 16 : index
      %get3A_971 = tpu.vector_load %arg8[%get3A_968, %get3A_969, %get3A_970] {strides = array<i32>} : memref<2x125x128xi32, #tpu.memory_space<vmem>>, vector<16xi32>,
      %shift_right_arithmetic3A_972 = arith.constant 4 : i32
      %shift_right_arithmetic3A_973 = vector.broadcast %shift_right_arithmetic3A_972 : i32 to vector<16xi32>
      %shift_right_arithmetic3A_974 = arith.shrsi %get3A_971, %shift_right_arithmetic3A_973 : vector<16xi32>
      %and3A_975 = arith.constant 15 : i32
      %and3A_976 = vector.broadcast %and3A_975 : i32 to vector<16xi32>
      %and3A_977 = arith.andi %get3A_971, %and3A_976 : vector<16xi32>
      tpu.vector_store_idx %arg11[%shift_right_arithmetic3A_974, %and3A_977], %broadcast_in_dim3A_45 {add = true} : memref<625x16xf32, #tpu.memory_space<vmem>>[vector<16xi32>, vector<16xi32>], vector<16xf32>,
      %get3A_978 = arith.constant 1 : i32
      %get3A_979 = arith.index_cast %get3A_978 : i32 to index
      %get3A_980 = arith.index_cast %while3A_956 : i32 to index
      %get3A_981 = arith.constant 32 : index
      %get3A_982 = tpu.vector_load %arg8[%get3A_979, %get3A_980, %get3A_981] {strides = array<i32>} : memref<2x125x128xi32, #tpu.memory_space<vmem>>, vector<16xi32>,
      %shift_right_arithmetic3A_983 = arith.constant 4 : i32
      %shift_right_arithmetic3A_984 = vector.broadcast %shift_right_arithmetic3A_983 : i32 to vector<16xi32>
      %shift_right_arithmetic3A_985 = arith.shrsi %get3A_982, %shift_right_arithmetic3A_984 : vector<16xi32>
      %and3A_986 = arith.constant 15 : i32
      %and3A_987 = vector.broadcast %and3A_986 : i32 to vector<16xi32>
      %and3A_988 = arith.andi %get3A_982, %and3A_987 : vector<16xi32>
      tpu.vector_store_idx %arg11[%shift_right_arithmetic3A_985, %and3A_988], %broadcast_in_dim3A_45 {add = true} : memref<625x16xf32, #tpu.memory_space<vmem>>[vector<16xi32>, vector<16xi32>], vector<16xf32>,
      %get3A_989 = arith.constant 1 : i32
      %get3A_990 = arith.index_cast %get3A_989 : i32 to index
      %get3A_991 = arith.index_cast %while3A_956 : i32 to index
      %get3A_992 = arith.constant 48 : index
      %get3A_993 = tpu.vector_load %arg8[%get3A_990, %get3A_991, %get3A_992] {strides = array<i32>} : memref<2x125x128xi32, #tpu.memory_space<vmem>>, vector<16xi32>,
      %shift_right_arithmetic3A_994 = arith.constant 4 : i32
      %shift_right_arithmetic3A_995 = vector.broadcast %shift_right_arithmetic3A_994 : i32 to vector<16xi32>
      %shift_right_arithmetic3A_996 = arith.shrsi %get3A_993, %shift_right_arithmetic3A_995 : vector<16xi32>
      %and3A_997 = arith.constant 15 : i32
      %and3A_998 = vector.broadcast %and3A_997 : i32 to vector<16xi32>
      %and3A_999 = arith.andi %get3A_993, %and3A_998 : vector<16xi32>
      tpu.vector_store_idx %arg11[%shift_right_arithmetic3A_996, %and3A_999], %broadcast_in_dim3A_45 {add = true} : memref<625x16xf32, #tpu.memory_space<vmem>>[vector<16xi32>, vector<16xi32>], vector<16xf32>,
      %get3A_1000 = arith.constant 1 : i32
      %get3A_1001 = arith.index_cast %get3A_1000 : i32 to index
      %get3A_1002 = arith.index_cast %while3A_956 : i32 to index
      %get3A_1003 = arith.constant 64 : index
      %get3A_1004 = tpu.vector_load %arg8[%get3A_1001, %get3A_1002, %get3A_1003] {strides = array<i32>} : memref<2x125x128xi32, #tpu.memory_space<vmem>>, vector<16xi32>,
      %shift_right_arithmetic3A_1005 = arith.constant 4 : i32
      %shift_right_arithmetic3A_1006 = vector.broadcast %shift_right_arithmetic3A_1005 : i32 to vector<16xi32>
      %shift_right_arithmetic3A_1007 = arith.shrsi %get3A_1004, %shift_right_arithmetic3A_1006 : vector<16xi32>
      %and3A_1008 = arith.constant 15 : i32
      %and3A_1009 = vector.broadcast %and3A_1008 : i32 to vector<16xi32>
      %and3A_1010 = arith.andi %get3A_1004, %and3A_1009 : vector<16xi32>
      tpu.vector_store_idx %arg11[%shift_right_arithmetic3A_1007, %and3A_1010], %broadcast_in_dim3A_45 {add = true} : memref<625x16xf32, #tpu.memory_space<vmem>>[vector<16xi32>, vector<16xi32>], vector<16xf32>,
      %get3A_1011 = arith.constant 1 : i32
      %get3A_1012 = arith.index_cast %get3A_1011 : i32 to index
      %get3A_1013 = arith.index_cast %while3A_956 : i32 to index
      %get3A_1014 = arith.constant 80 : index
      %get3A_1015 = tpu.vector_load %arg8[%get3A_1012, %get3A_1013, %get3A_1014] {strides = array<i32>} : memref<2x125x128xi32, #tpu.memory_space<vmem>>, vector<16xi32>,
      %shift_right_arithmetic3A_1016 = arith.constant 4 : i32
      %shift_right_arithmetic3A_1017 = vector.broadcast %shift_right_arithmetic3A_1016 : i32 to vector<16xi32>
      %shift_right_arithmetic3A_1018 = arith.shrsi %get3A_1015, %shift_right_arithmetic3A_1017 : vector<16xi32>
      %and3A_1019 = arith.constant 15 : i32
      %and3A_1020 = vector.broadcast %and3A_1019 : i32 to vector<16xi32>
      %and3A_1021 = arith.andi %get3A_1015, %and3A_1020 : vector<16xi32>
      tpu.vector_store_idx %arg11[%shift_right_arithmetic3A_1018, %and3A_1021], %broadcast_in_dim3A_45 {add = true} : memref<625x16xf32, #tpu.memory_space<vmem>>[vector<16xi32>, vector<16xi32>], vector<16xf32>,
      %get3A_1022 = arith.constant 1 : i32
      %get3A_1023 = arith.index_cast %get3A_1022 : i32 to index
      %get3A_1024 = arith.index_cast %while3A_956 : i32 to index
      %get3A_1025 = arith.constant 96 : index
      %get3A_1026 = tpu.vector_load %arg8[%get3A_1023, %get3A_1024, %get3A_1025] {strides = array<i32>} : memref<2x125x128xi32, #tpu.memory_space<vmem>>, vector<16xi32>,
      %shift_right_arithmetic3A_1027 = arith.constant 4 : i32
      %shift_right_arithmetic3A_1028 = vector.broadcast %shift_right_arithmetic3A_1027 : i32 to vector<16xi32>
      %shift_right_arithmetic3A_1029 = arith.shrsi %get3A_1026, %shift_right_arithmetic3A_1028 : vector<16xi32>
      %and3A_1030 = arith.constant 15 : i32
      %and3A_1031 = vector.broadcast %and3A_1030 : i32 to vector<16xi32>
      %and3A_1032 = arith.andi %get3A_1026, %and3A_1031 : vector<16xi32>
      tpu.vector_store_idx %arg11[%shift_right_arithmetic3A_1029, %and3A_1032], %broadcast_in_dim3A_45 {add = true} : memref<625x16xf32, #tpu.memory_space<vmem>>[vector<16xi32>, vector<16xi32>], vector<16xf32>,
      %get3A_1033 = arith.constant 1 : i32
      %get3A_1034 = arith.index_cast %get3A_1033 : i32 to index
      %get3A_1035 = arith.index_cast %while3A_956 : i32 to index
      %get3A_1036 = arith.constant 112 : index
      %get3A_1037 = tpu.vector_load %arg8[%get3A_1034, %get3A_1035, %get3A_1036] {strides = array<i32>} : memref<2x125x128xi32, #tpu.memory_space<vmem>>, vector<16xi32>,
      %shift_right_arithmetic3A_1038 = arith.constant 4 : i32
      %shift_right_arithmetic3A_1039 = vector.broadcast %shift_right_arithmetic3A_1038 : i32 to vector<16xi32>
      %shift_right_arithmetic3A_1040 = arith.shrsi %get3A_1037, %shift_right_arithmetic3A_1039 : vector<16xi32>
      %and3A_1041 = arith.constant 15 : i32
      %and3A_1042 = vector.broadcast %and3A_1041 : i32 to vector<16xi32>
      %and3A_1043 = arith.andi %get3A_1037, %and3A_1042 : vector<16xi32>
      tpu.vector_store_idx %arg11[%shift_right_arithmetic3A_1040, %and3A_1043], %broadcast_in_dim3A_45 {add = true} : memref<625x16xf32, #tpu.memory_space<vmem>>[vector<16xi32>, vector<16xi32>], vector<16xf32>,
      %while3A_1044 = arith.constant 0 : i32
      scf.yield %while3A_1044 : i32
    }
    %dma_wait3A_300 = arith.constant 0 : i32
    %dma_wait3A_301 = arith.constant 0 : i32
    %dma_wait3A_302 = arith.constant 0 : i32
    %dma_wait3A_303 = tpu.memref_slice %arg7[%dma_wait3A_300, %dma_wait3A_301, %dma_wait3A_302] : memref<2x125x128xf32, #tpu.memory_space<vmem>> -> memref<1x125x128xf32, #tpu.memory_space<vmem>>
    %dma_wait3A_304 = tpu.memref_squeeze %dma_wait3A_303 : memref<1x125x128xf32, #tpu.memory_space<vmem>> -> memref<125x128xf32, #tpu.memory_space<vmem>>
    %dma_wait3A_305 = arith.constant 0 : i32
    %dma_wait3A_306 = tpu.memref_slice %arg2[%select_n3A, %add3A_248, %select_n3A_28, %dma_wait3A_305] : memref<2x2500x8x128xf32, #tpu.memory_space<hbm>> -> memref<1x125x1x128xf32, #tpu.memory_space<hbm>>
    %dma_wait3A_307 = tpu.memref_squeeze %dma_wait3A_306 : memref<1x125x1x128xf32, #tpu.memory_space<hbm>> -> memref<125x128xf32, #tpu.memory_space<hbm>>
    %dma_wait3A_308 = arith.constant 0 : i32
    %dma_wait3A_309 = arith.constant 0 : i32
    %dma_wait3A_310 = tpu.memref_slice %arg7[%dma_wait3A_300, %dma_wait3A_308, %dma_wait3A_309] : memref<2x125x128xf32, #tpu.memory_space<vmem>> -> memref<1x125x128xf32, #tpu.memory_space<vmem>>
    %dma_wait3A_311 = tpu.memref_squeeze %dma_wait3A_310 : memref<1x125x128xf32, #tpu.memory_space<vmem>> -> memref<125x128xf32, #tpu.memory_space<vmem>>
    %dma_wait3A_312 = arith.constant 0 : i32
    %dma_wait3A_313 = tpu.memref_slice %arg2[%select_n3A, %add3A_248, %select_n3A_28, %dma_wait3A_312] : memref<2x2500x8x128xf32, #tpu.memory_space<hbm>> -> memref<1x125x1x128xf32, #tpu.memory_space<hbm>>
    %dma_wait3A_314 = tpu.memref_squeeze %dma_wait3A_313 : memref<1x125x1x128xf32, #tpu.memory_space<hbm>> -> memref<125x128xf32, #tpu.memory_space<hbm>>
    tpu.wait_dma2 semaphore(%arg13 : memref<!tpu.dma_semaphore, #tpu.memory_space<semaphore_mem>>) src(%dma_wait3A_314 : memref<125x128xf32, #tpu.memory_space<hbm>>) dst(%dma_wait3A_311 : memref<125x128xf32, #tpu.memory_space<vmem>>)
    %dma_wait3A_315 = arith.constant 1 : i32
    %dma_wait3A_316 = arith.constant 0 : i32
    %dma_wait3A_317 = arith.constant 0 : i32
    %dma_wait3A_318 = arith.constant 0 : i32
    %dma_wait3A_319 = tpu.memref_slice %arg8[%dma_wait3A_316, %dma_wait3A_317, %dma_wait3A_318] : memref<2x125x128xi32, #tpu.memory_space<vmem>> -> memref<1x125x128xi32, #tpu.memory_space<vmem>>
    %dma_wait3A_320 = tpu.memref_squeeze %dma_wait3A_319 : memref<1x125x128xi32, #tpu.memory_space<vmem>> -> memref<125x128xi32, #tpu.memory_space<vmem>>
    %dma_wait3A_321 = arith.constant 0 : i32
    %dma_wait3A_322 = tpu.memref_slice %arg3[%add3A_265, %dma_wait3A_315, %dma_wait3A_321] : memref<2500x2x128xi32, #tpu.memory_space<hbm>> -> memref<125x1x128xi32, #tpu.memory_space<hbm>>
    %dma_wait3A_323 = tpu.memref_squeeze %dma_wait3A_322 : memref<125x1x128xi32, #tpu.memory_space<hbm>> -> memref<125x128xi32, #tpu.memory_space<hbm>>
    %dma_wait3A_324 = arith.constant 0 : i32
    %dma_wait3A_325 = arith.constant 0 : i32
    %dma_wait3A_326 = tpu.memref_slice %arg8[%dma_wait3A_316, %dma_wait3A_324, %dma_wait3A_325] : memref<2x125x128xi32, #tpu.memory_space<vmem>> -> memref<1x125x128xi32, #tpu.memory_space<vmem>>
    %dma_wait3A_327 = tpu.memref_squeeze %dma_wait3A_326 : memref<1x125x128xi32, #tpu.memory_space<vmem>> -> memref<125x128xi32, #tpu.memory_space<vmem>>
    %dma_wait3A_328 = arith.constant 0 : i32
    %dma_wait3A_329 = tpu.memref_slice %arg3[%add3A_265, %dma_wait3A_315, %dma_wait3A_328] : memref<2500x2x128xi32, #tpu.memory_space<hbm>> -> memref<125x1x128xi32, #tpu.memory_space<hbm>>
    %dma_wait3A_330 = tpu.memref_squeeze %dma_wait3A_329 : memref<125x1x128xi32, #tpu.memory_space<hbm>> -> memref<125x128xi32, #tpu.memory_space<hbm>>
    tpu.wait_dma2 semaphore(%arg13 : memref<!tpu.dma_semaphore, #tpu.memory_space<semaphore_mem>>) src(%dma_wait3A_330 : memref<125x128xi32, #tpu.memory_space<hbm>>) dst(%dma_wait3A_327 : memref<125x128xi32, #tpu.memory_space<vmem>>)
    %add3A_331 = arith.constant 375 : i32
    %add3A_332 = arith.addi %mul3A_44, %add3A_331 : i32
    %dma_start3A_333 = arith.constant 1 : i32
    %dma_start3A_334 = arith.constant 0 : i32
    %dma_start3A_335 = arith.constant 0 : i32
    %dma_start3A_336 = tpu.memref_slice %arg7[%dma_start3A_333, %dma_start3A_334, %dma_start3A_335] : memref<2x125x128xf32, #tpu.memory_space<vmem>> -> memref<1x125x128xf32, #tpu.memory_space<vmem>>
    %dma_start3A_337 = tpu.memref_squeeze %dma_start3A_336 : memref<1x125x128xf32, #tpu.memory_space<vmem>> -> memref<125x128xf32, #tpu.memory_space<vmem>>
    %dma_start3A_338 = arith.constant 0 : i32
    %dma_start3A_339 = tpu.memref_slice %arg2[%select_n3A, %add3A_332, %select_n3A_28, %dma_start3A_338] : memref<2x2500x8x128xf32, #tpu.memory_space<hbm>> -> memref<1x125x1x128xf32, #tpu.memory_space<hbm>>
    %dma_start3A_340 = tpu.memref_squeeze %dma_start3A_339 : memref<1x125x1x128xf32, #tpu.memory_space<hbm>> -> memref<125x128xf32, #tpu.memory_space<hbm>>
    %dma_start3A_341 = arith.constant 0 : i32
    %dma_start3A_342 = arith.constant 0 : i32
    %dma_start3A_343 = tpu.memref_slice %arg7[%dma_start3A_333, %dma_start3A_341, %dma_start3A_342] : memref<2x125x128xf32, #tpu.memory_space<vmem>> -> memref<1x125x128xf32, #tpu.memory_space<vmem>>
    %dma_start3A_344 = tpu.memref_squeeze %dma_start3A_343 : memref<1x125x128xf32, #tpu.memory_space<vmem>> -> memref<125x128xf32, #tpu.memory_space<vmem>>
    %dma_start3A_345 = arith.constant 0 : i32
    %dma_start3A_346 = tpu.memref_slice %arg2[%select_n3A, %add3A_332, %select_n3A_28, %dma_start3A_345] : memref<2x2500x8x128xf32, #tpu.memory_space<hbm>> -> memref<1x125x1x128xf32, #tpu.memory_space<hbm>>
    %dma_start3A_347 = tpu.memref_squeeze %dma_start3A_346 : memref<1x125x1x128xf32, #tpu.memory_space<hbm>> -> memref<125x128xf32, #tpu.memory_space<hbm>>
    tpu.enqueue_dma source(%dma_start3A_347 : memref<125x128xf32, #tpu.memory_space<hbm>>) target(%dma_start3A_344 : memref<125x128xf32, #tpu.memory_space<vmem>>) target_semaphore(%arg13 : memref<!tpu.dma_semaphore, #tpu.memory_space<semaphore_mem>>)
    %add3A_348 = arith.constant 375 : i32
    %add3A_349 = arith.addi %mul3A_44, %add3A_348 : i32
    %dma_start3A_350 = arith.constant 1 : i32
    %dma_start3A_351 = arith.constant 1 : i32
    %dma_start3A_352 = arith.constant 0 : i32
    %dma_start3A_353 = arith.constant 0 : i32
    %dma_start3A_354 = tpu.memref_slice %arg8[%dma_start3A_351, %dma_start3A_352, %dma_start3A_353] : memref<2x125x128xi32, #tpu.memory_space<vmem>> -> memref<1x125x128xi32, #tpu.memory_space<vmem>>
    %dma_start3A_355 = tpu.memref_squeeze %dma_start3A_354 : memref<1x125x128xi32, #tpu.memory_space<vmem>> -> memref<125x128xi32, #tpu.memory_space<vmem>>
    %dma_start3A_356 = arith.constant 0 : i32
    %dma_start3A_357 = tpu.memref_slice %arg3[%add3A_349, %dma_start3A_350, %dma_start3A_356] : memref<2500x2x128xi32, #tpu.memory_space<hbm>> -> memref<125x1x128xi32, #tpu.memory_space<hbm>>
    %dma_start3A_358 = tpu.memref_squeeze %dma_start3A_357 : memref<125x1x128xi32, #tpu.memory_space<hbm>> -> memref<125x128xi32, #tpu.memory_space<hbm>>
    %dma_start3A_359 = arith.constant 0 : i32
    %dma_start3A_360 = arith.constant 0 : i32
    %dma_start3A_361 = tpu.memref_slice %arg8[%dma_start3A_351, %dma_start3A_359, %dma_start3A_360] : memref<2x125x128xi32, #tpu.memory_space<vmem>> -> memref<1x125x128xi32, #tpu.memory_space<vmem>>
    %dma_start3A_362 = tpu.memref_squeeze %dma_start3A_361 : memref<1x125x128xi32, #tpu.memory_space<vmem>> -> memref<125x128xi32, #tpu.memory_space<vmem>>
    %dma_start3A_363 = arith.constant 0 : i32
    %dma_start3A_364 = tpu.memref_slice %arg3[%add3A_349, %dma_start3A_350, %dma_start3A_363] : memref<2500x2x128xi32, #tpu.memory_space<hbm>> -> memref<125x1x128xi32, #tpu.memory_space<hbm>>
    %dma_start3A_365 = tpu.memref_squeeze %dma_start3A_364 : memref<125x1x128xi32, #tpu.memory_space<hbm>> -> memref<125x128xi32, #tpu.memory_space<hbm>>
    tpu.enqueue_dma source(%dma_start3A_365 : memref<125x128xi32, #tpu.memory_space<hbm>>) target(%dma_start3A_362 : memref<125x128xi32, #tpu.memory_space<vmem>>) target_semaphore(%arg13 : memref<!tpu.dma_semaphore, #tpu.memory_space<semaphore_mem>>)
    %scan3A_366 = arith.constant 0 : i32
    %scan3A_367 = arith.constant 0 : i32
    %scan3A_368 = arith.constant 125 : i32
    %scan3A_369 = arith.addi %scan3A_367, %scan3A_368 : i32
    %scan3A_370 = arith.constant 1 : i32
    %scan3A_371 = scf.for %scan3A_956 = %scan3A_367 to %scan3A_369 step %scan3A_370 iter_args(%scan3A_957 = %scan3A_366) -> (i32)  : i32 {
      %get3A = arith.constant 0 : i32
      %get3A_958 = arith.index_cast %get3A : i32 to index
      %get3A_959 = arith.index_cast %scan3A_956 : i32 to index
      %get3A_960 = arith.constant 0 : index
      %get3A_961 = tpu.vector_load %arg8[%get3A_958, %get3A_959, %get3A_960] {strides = array<i32>} : memref<2x125x128xi32, #tpu.memory_space<vmem>>, vector<16xi32>,
      %get3A_962 = arith.constant 0 : i32
      %get3A_963 = arith.index_cast %get3A_962 : i32 to index
      %get3A_964 = arith.index_cast %scan3A_956 : i32 to index
      %get3A_965 = arith.constant 0 : index
      %get3A_966 = tpu.vector_load %arg7[%get3A_963, %get3A_964, %get3A_965] {strides = array<i32>} : memref<2x125x128xf32, #tpu.memory_space<vmem>>, vector<16xf32>,
      %shift_right_arithmetic3A = arith.constant 4 : i32
      %shift_right_arithmetic3A_967 = vector.broadcast %shift_right_arithmetic3A : i32 to vector<16xi32>
      %shift_right_arithmetic3A_968 = arith.shrsi %get3A_961, %shift_right_arithmetic3A_967 : vector<16xi32>
      %and3A_969 = arith.constant 15 : i32
      %and3A_970 = vector.broadcast %and3A_969 : i32 to vector<16xi32>
      %and3A_971 = arith.andi %get3A_961, %and3A_970 : vector<16xi32>
      tpu.vector_store_idx %arg10[%shift_right_arithmetic3A_968, %and3A_971], %get3A_966 {add = true} : memref<625x16xf32, #tpu.memory_space<vmem>>[vector<16xi32>, vector<16xi32>], vector<16xf32>,
      %get3A_972 = arith.constant 0 : i32
      %get3A_973 = arith.index_cast %get3A_972 : i32 to index
      %get3A_974 = arith.index_cast %scan3A_956 : i32 to index
      %get3A_975 = arith.constant 16 : index
      %get3A_976 = tpu.vector_load %arg8[%get3A_973, %get3A_974, %get3A_975] {strides = array<i32>} : memref<2x125x128xi32, #tpu.memory_space<vmem>>, vector<16xi32>,
      %get3A_977 = arith.constant 0 : i32
      %get3A_978 = arith.index_cast %get3A_977 : i32 to index
      %get3A_979 = arith.index_cast %scan3A_956 : i32 to index
      %get3A_980 = arith.constant 16 : index
      %get3A_981 = tpu.vector_load %arg7[%get3A_978, %get3A_979, %get3A_980] {strides = array<i32>} : memref<2x125x128xf32, #tpu.memory_space<vmem>>, vector<16xf32>,
      %shift_right_arithmetic3A_982 = arith.constant 4 : i32
      %shift_right_arithmetic3A_983 = vector.broadcast %shift_right_arithmetic3A_982 : i32 to vector<16xi32>
      %shift_right_arithmetic3A_984 = arith.shrsi %get3A_976, %shift_right_arithmetic3A_983 : vector<16xi32>
      %and3A_985 = arith.constant 15 : i32
      %and3A_986 = vector.broadcast %and3A_985 : i32 to vector<16xi32>
      %and3A_987 = arith.andi %get3A_976, %and3A_986 : vector<16xi32>
      tpu.vector_store_idx %arg10[%shift_right_arithmetic3A_984, %and3A_987], %get3A_981 {add = true} : memref<625x16xf32, #tpu.memory_space<vmem>>[vector<16xi32>, vector<16xi32>], vector<16xf32>,
      %get3A_988 = arith.constant 0 : i32
      %get3A_989 = arith.index_cast %get3A_988 : i32 to index
      %get3A_990 = arith.index_cast %scan3A_956 : i32 to index
      %get3A_991 = arith.constant 32 : index
      %get3A_992 = tpu.vector_load %arg8[%get3A_989, %get3A_990, %get3A_991] {strides = array<i32>} : memref<2x125x128xi32, #tpu.memory_space<vmem>>, vector<16xi32>,
      %get3A_993 = arith.constant 0 : i32
      %get3A_994 = arith.index_cast %get3A_993 : i32 to index
      %get3A_995 = arith.index_cast %scan3A_956 : i32 to index
      %get3A_996 = arith.constant 32 : index
      %get3A_997 = tpu.vector_load %arg7[%get3A_994, %get3A_995, %get3A_996] {strides = array<i32>} : memref<2x125x128xf32, #tpu.memory_space<vmem>>, vector<16xf32>,
      %shift_right_arithmetic3A_998 = arith.constant 4 : i32
      %shift_right_arithmetic3A_999 = vector.broadcast %shift_right_arithmetic3A_998 : i32 to vector<16xi32>
      %shift_right_arithmetic3A_1000 = arith.shrsi %get3A_992, %shift_right_arithmetic3A_999 : vector<16xi32>
      %and3A_1001 = arith.constant 15 : i32
      %and3A_1002 = vector.broadcast %and3A_1001 : i32 to vector<16xi32>
      %and3A_1003 = arith.andi %get3A_992, %and3A_1002 : vector<16xi32>
      tpu.vector_store_idx %arg10[%shift_right_arithmetic3A_1000, %and3A_1003], %get3A_997 {add = true} : memref<625x16xf32, #tpu.memory_space<vmem>>[vector<16xi32>, vector<16xi32>], vector<16xf32>,
      %get3A_1004 = arith.constant 0 : i32
      %get3A_1005 = arith.index_cast %get3A_1004 : i32 to index
      %get3A_1006 = arith.index_cast %scan3A_956 : i32 to index
      %get3A_1007 = arith.constant 48 : index
      %get3A_1008 = tpu.vector_load %arg8[%get3A_1005, %get3A_1006, %get3A_1007] {strides = array<i32>} : memref<2x125x128xi32, #tpu.memory_space<vmem>>, vector<16xi32>,
      %get3A_1009 = arith.constant 0 : i32
      %get3A_1010 = arith.index_cast %get3A_1009 : i32 to index
      %get3A_1011 = arith.index_cast %scan3A_956 : i32 to index
      %get3A_1012 = arith.constant 48 : index
      %get3A_1013 = tpu.vector_load %arg7[%get3A_1010, %get3A_1011, %get3A_1012] {strides = array<i32>} : memref<2x125x128xf32, #tpu.memory_space<vmem>>, vector<16xf32>,
      %shift_right_arithmetic3A_1014 = arith.constant 4 : i32
      %shift_right_arithmetic3A_1015 = vector.broadcast %shift_right_arithmetic3A_1014 : i32 to vector<16xi32>
      %shift_right_arithmetic3A_1016 = arith.shrsi %get3A_1008, %shift_right_arithmetic3A_1015 : vector<16xi32>
      %and3A_1017 = arith.constant 15 : i32
      %and3A_1018 = vector.broadcast %and3A_1017 : i32 to vector<16xi32>
      %and3A_1019 = arith.andi %get3A_1008, %and3A_1018 : vector<16xi32>
      tpu.vector_store_idx %arg10[%shift_right_arithmetic3A_1016, %and3A_1019], %get3A_1013 {add = true} : memref<625x16xf32, #tpu.memory_space<vmem>>[vector<16xi32>, vector<16xi32>], vector<16xf32>,
      %get3A_1020 = arith.constant 0 : i32
      %get3A_1021 = arith.index_cast %get3A_1020 : i32 to index
      %get3A_1022 = arith.index_cast %scan3A_956 : i32 to index
      %get3A_1023 = arith.constant 64 : index
      %get3A_1024 = tpu.vector_load %arg8[%get3A_1021, %get3A_1022, %get3A_1023] {strides = array<i32>} : memref<2x125x128xi32, #tpu.memory_space<vmem>>, vector<16xi32>,
      %get3A_1025 = arith.constant 0 : i32
      %get3A_1026 = arith.index_cast %get3A_1025 : i32 to index
      %get3A_1027 = arith.index_cast %scan3A_956 : i32 to index
      %get3A_1028 = arith.constant 64 : index
      %get3A_1029 = tpu.vector_load %arg7[%get3A_1026, %get3A_1027, %get3A_1028] {strides = array<i32>} : memref<2x125x128xf32, #tpu.memory_space<vmem>>, vector<16xf32>,
      %shift_right_arithmetic3A_1030 = arith.constant 4 : i32
      %shift_right_arithmetic3A_1031 = vector.broadcast %shift_right_arithmetic3A_1030 : i32 to vector<16xi32>
      %shift_right_arithmetic3A_1032 = arith.shrsi %get3A_1024, %shift_right_arithmetic3A_1031 : vector<16xi32>
      %and3A_1033 = arith.constant 15 : i32
      %and3A_1034 = vector.broadcast %and3A_1033 : i32 to vector<16xi32>
      %and3A_1035 = arith.andi %get3A_1024, %and3A_1034 : vector<16xi32>
      tpu.vector_store_idx %arg10[%shift_right_arithmetic3A_1032, %and3A_1035], %get3A_1029 {add = true} : memref<625x16xf32, #tpu.memory_space<vmem>>[vector<16xi32>, vector<16xi32>], vector<16xf32>,
      %get3A_1036 = arith.constant 0 : i32
      %get3A_1037 = arith.index_cast %get3A_1036 : i32 to index
      %get3A_1038 = arith.index_cast %scan3A_956 : i32 to index
      %get3A_1039 = arith.constant 80 : index
      %get3A_1040 = tpu.vector_load %arg8[%get3A_1037, %get3A_1038, %get3A_1039] {strides = array<i32>} : memref<2x125x128xi32, #tpu.memory_space<vmem>>, vector<16xi32>,
      %get3A_1041 = arith.constant 0 : i32
      %get3A_1042 = arith.index_cast %get3A_1041 : i32 to index
      %get3A_1043 = arith.index_cast %scan3A_956 : i32 to index
      %get3A_1044 = arith.constant 80 : index
      %get3A_1045 = tpu.vector_load %arg7[%get3A_1042, %get3A_1043, %get3A_1044] {strides = array<i32>} : memref<2x125x128xf32, #tpu.memory_space<vmem>>, vector<16xf32>,
      %shift_right_arithmetic3A_1046 = arith.constant 4 : i32
      %shift_right_arithmetic3A_1047 = vector.broadcast %shift_right_arithmetic3A_1046 : i32 to vector<16xi32>
      %shift_right_arithmetic3A_1048 = arith.shrsi %get3A_1040, %shift_right_arithmetic3A_1047 : vector<16xi32>
      %and3A_1049 = arith.constant 15 : i32
      %and3A_1050 = vector.broadcast %and3A_1049 : i32 to vector<16xi32>
      %and3A_1051 = arith.andi %get3A_1040, %and3A_1050 : vector<16xi32>
      tpu.vector_store_idx %arg10[%shift_right_arithmetic3A_1048, %and3A_1051], %get3A_1045 {add = true} : memref<625x16xf32, #tpu.memory_space<vmem>>[vector<16xi32>, vector<16xi32>], vector<16xf32>,
      %get3A_1052 = arith.constant 0 : i32
      %get3A_1053 = arith.index_cast %get3A_1052 : i32 to index
      %get3A_1054 = arith.index_cast %scan3A_956 : i32 to index
      %get3A_1055 = arith.constant 96 : index
      %get3A_1056 = tpu.vector_load %arg8[%get3A_1053, %get3A_1054, %get3A_1055] {strides = array<i32>} : memref<2x125x128xi32, #tpu.memory_space<vmem>>, vector<16xi32>,
      %get3A_1057 = arith.constant 0 : i32
      %get3A_1058 = arith.index_cast %get3A_1057 : i32 to index
      %get3A_1059 = arith.index_cast %scan3A_956 : i32 to index
      %get3A_1060 = arith.constant 96 : index
      %get3A_1061 = tpu.vector_load %arg7[%get3A_1058, %get3A_1059, %get3A_1060] {strides = array<i32>} : memref<2x125x128xf32, #tpu.memory_space<vmem>>, vector<16xf32>,
      %shift_right_arithmetic3A_1062 = arith.constant 4 : i32
      %shift_right_arithmetic3A_1063 = vector.broadcast %shift_right_arithmetic3A_1062 : i32 to vector<16xi32>
      %shift_right_arithmetic3A_1064 = arith.shrsi %get3A_1056, %shift_right_arithmetic3A_1063 : vector<16xi32>
      %and3A_1065 = arith.constant 15 : i32
      %and3A_1066 = vector.broadcast %and3A_1065 : i32 to vector<16xi32>
      %and3A_1067 = arith.andi %get3A_1056, %and3A_1066 : vector<16xi32>
      tpu.vector_store_idx %arg10[%shift_right_arithmetic3A_1064, %and3A_1067], %get3A_1061 {add = true} : memref<625x16xf32, #tpu.memory_space<vmem>>[vector<16xi32>, vector<16xi32>], vector<16xf32>,
      %get3A_1068 = arith.constant 0 : i32
      %get3A_1069 = arith.index_cast %get3A_1068 : i32 to index
      %get3A_1070 = arith.index_cast %scan3A_956 : i32 to index
      %get3A_1071 = arith.constant 112 : index
      %get3A_1072 = tpu.vector_load %arg8[%get3A_1069, %get3A_1070, %get3A_1071] {strides = array<i32>} : memref<2x125x128xi32, #tpu.memory_space<vmem>>, vector<16xi32>,
      %get3A_1073 = arith.constant 0 : i32
      %get3A_1074 = arith.index_cast %get3A_1073 : i32 to index
      %get3A_1075 = arith.index_cast %scan3A_956 : i32 to index
      %get3A_1076 = arith.constant 112 : index
      %get3A_1077 = tpu.vector_load %arg7[%get3A_1074, %get3A_1075, %get3A_1076] {strides = array<i32>} : memref<2x125x128xf32, #tpu.memory_space<vmem>>, vector<16xf32>,
      %shift_right_arithmetic3A_1078 = arith.constant 4 : i32
      %shift_right_arithmetic3A_1079 = vector.broadcast %shift_right_arithmetic3A_1078 : i32 to vector<16xi32>
      %shift_right_arithmetic3A_1080 = arith.shrsi %get3A_1072, %shift_right_arithmetic3A_1079 : vector<16xi32>
      %and3A_1081 = arith.constant 15 : i32
      %and3A_1082 = vector.broadcast %and3A_1081 : i32 to vector<16xi32>
      %and3A_1083 = arith.andi %get3A_1072, %and3A_1082 : vector<16xi32>
      tpu.vector_store_idx %arg10[%shift_right_arithmetic3A_1080, %and3A_1083], %get3A_1077 {add = true} : memref<625x16xf32, #tpu.memory_space<vmem>>[vector<16xi32>, vector<16xi32>], vector<16xf32>,
      %scan3A_1084 = arith.constant 0 : i32
      scf.yield %scan3A_1084 : i32
    }
    %scan3A_372 = arith.constant 125 : i32
    %while3A_373 = arith.constant 0 : i32
    %while3A_374 = arith.subi %select_n3A_99, %select_n3A_71 : i32
    %while3A_375 = arith.addi %select_n3A_71, %while3A_374 : i32
    %while3A_376 = arith.constant 1 : i32
    %while3A_377 = arith.divsi %while3A_374, %while3A_376 : i32
    %while3A_378 = arith.muli %while3A_377, %while3A_376 : i32
    %while3A_379 = arith.addi %select_n3A_71, %while3A_378 : i32
    %while3A_380 = arith.constant 1 : i32
    %while3A_381 = scf.for %while3A_956 = %select_n3A_71 to %while3A_379 step %while3A_380 iter_args(%while3A_957 = %while3A_373) -> (i32)  : i32 {
      %get3A = arith.constant 0 : i32
      %get3A_958 = arith.index_cast %get3A : i32 to index
      %get3A_959 = arith.index_cast %while3A_956 : i32 to index
      %get3A_960 = arith.constant 0 : index
      %get3A_961 = tpu.vector_load %arg8[%get3A_958, %get3A_959, %get3A_960] {strides = array<i32>} : memref<2x125x128xi32, #tpu.memory_space<vmem>>, vector<16xi32>,
      %shift_right_arithmetic3A = arith.constant 4 : i32
      %shift_right_arithmetic3A_962 = vector.broadcast %shift_right_arithmetic3A : i32 to vector<16xi32>
      %shift_right_arithmetic3A_963 = arith.shrsi %get3A_961, %shift_right_arithmetic3A_962 : vector<16xi32>
      %and3A_964 = arith.constant 15 : i32
      %and3A_965 = vector.broadcast %and3A_964 : i32 to vector<16xi32>
      %and3A_966 = arith.andi %get3A_961, %and3A_965 : vector<16xi32>
      tpu.vector_store_idx %arg11[%shift_right_arithmetic3A_963, %and3A_966], %broadcast_in_dim3A_45 {add = true} : memref<625x16xf32, #tpu.memory_space<vmem>>[vector<16xi32>, vector<16xi32>], vector<16xf32>,
      %get3A_967 = arith.constant 0 : i32
      %get3A_968 = arith.index_cast %get3A_967 : i32 to index
      %get3A_969 = arith.index_cast %while3A_956 : i32 to index
      %get3A_970 = arith.constant 16 : index
      %get3A_971 = tpu.vector_load %arg8[%get3A_968, %get3A_969, %get3A_970] {strides = array<i32>} : memref<2x125x128xi32, #tpu.memory_space<vmem>>, vector<16xi32>,
      %shift_right_arithmetic3A_972 = arith.constant 4 : i32
      %shift_right_arithmetic3A_973 = vector.broadcast %shift_right_arithmetic3A_972 : i32 to vector<16xi32>
      %shift_right_arithmetic3A_974 = arith.shrsi %get3A_971, %shift_right_arithmetic3A_973 : vector<16xi32>
      %and3A_975 = arith.constant 15 : i32
      %and3A_976 = vector.broadcast %and3A_975 : i32 to vector<16xi32>
      %and3A_977 = arith.andi %get3A_971, %and3A_976 : vector<16xi32>
      tpu.vector_store_idx %arg11[%shift_right_arithmetic3A_974, %and3A_977], %broadcast_in_dim3A_45 {add = true} : memref<625x16xf32, #tpu.memory_space<vmem>>[vector<16xi32>, vector<16xi32>], vector<16xf32>,
      %get3A_978 = arith.constant 0 : i32
      %get3A_979 = arith.index_cast %get3A_978 : i32 to index
      %get3A_980 = arith.index_cast %while3A_956 : i32 to index
      %get3A_981 = arith.constant 32 : index
      %get3A_982 = tpu.vector_load %arg8[%get3A_979, %get3A_980, %get3A_981] {strides = array<i32>} : memref<2x125x128xi32, #tpu.memory_space<vmem>>, vector<16xi32>,
      %shift_right_arithmetic3A_983 = arith.constant 4 : i32
      %shift_right_arithmetic3A_984 = vector.broadcast %shift_right_arithmetic3A_983 : i32 to vector<16xi32>
      %shift_right_arithmetic3A_985 = arith.shrsi %get3A_982, %shift_right_arithmetic3A_984 : vector<16xi32>
      %and3A_986 = arith.constant 15 : i32
      %and3A_987 = vector.broadcast %and3A_986 : i32 to vector<16xi32>
      %and3A_988 = arith.andi %get3A_982, %and3A_987 : vector<16xi32>
      tpu.vector_store_idx %arg11[%shift_right_arithmetic3A_985, %and3A_988], %broadcast_in_dim3A_45 {add = true} : memref<625x16xf32, #tpu.memory_space<vmem>>[vector<16xi32>, vector<16xi32>], vector<16xf32>,
      %get3A_989 = arith.constant 0 : i32
      %get3A_990 = arith.index_cast %get3A_989 : i32 to index
      %get3A_991 = arith.index_cast %while3A_956 : i32 to index
      %get3A_992 = arith.constant 48 : index
      %get3A_993 = tpu.vector_load %arg8[%get3A_990, %get3A_991, %get3A_992] {strides = array<i32>} : memref<2x125x128xi32, #tpu.memory_space<vmem>>, vector<16xi32>,
      %shift_right_arithmetic3A_994 = arith.constant 4 : i32
      %shift_right_arithmetic3A_995 = vector.broadcast %shift_right_arithmetic3A_994 : i32 to vector<16xi32>
      %shift_right_arithmetic3A_996 = arith.shrsi %get3A_993, %shift_right_arithmetic3A_995 : vector<16xi32>
      %and3A_997 = arith.constant 15 : i32
      %and3A_998 = vector.broadcast %and3A_997 : i32 to vector<16xi32>
      %and3A_999 = arith.andi %get3A_993, %and3A_998 : vector<16xi32>
      tpu.vector_store_idx %arg11[%shift_right_arithmetic3A_996, %and3A_999], %broadcast_in_dim3A_45 {add = true} : memref<625x16xf32, #tpu.memory_space<vmem>>[vector<16xi32>, vector<16xi32>], vector<16xf32>,
      %get3A_1000 = arith.constant 0 : i32
      %get3A_1001 = arith.index_cast %get3A_1000 : i32 to index
      %get3A_1002 = arith.index_cast %while3A_956 : i32 to index
      %get3A_1003 = arith.constant 64 : index
      %get3A_1004 = tpu.vector_load %arg8[%get3A_1001, %get3A_1002, %get3A_1003] {strides = array<i32>} : memref<2x125x128xi32, #tpu.memory_space<vmem>>, vector<16xi32>,
      %shift_right_arithmetic3A_1005 = arith.constant 4 : i32
      %shift_right_arithmetic3A_1006 = vector.broadcast %shift_right_arithmetic3A_1005 : i32 to vector<16xi32>
      %shift_right_arithmetic3A_1007 = arith.shrsi %get3A_1004, %shift_right_arithmetic3A_1006 : vector<16xi32>
      %and3A_1008 = arith.constant 15 : i32
      %and3A_1009 = vector.broadcast %and3A_1008 : i32 to vector<16xi32>
      %and3A_1010 = arith.andi %get3A_1004, %and3A_1009 : vector<16xi32>
      tpu.vector_store_idx %arg11[%shift_right_arithmetic3A_1007, %and3A_1010], %broadcast_in_dim3A_45 {add = true} : memref<625x16xf32, #tpu.memory_space<vmem>>[vector<16xi32>, vector<16xi32>], vector<16xf32>,
      %get3A_1011 = arith.constant 0 : i32
      %get3A_1012 = arith.index_cast %get3A_1011 : i32 to index
      %get3A_1013 = arith.index_cast %while3A_956 : i32 to index
      %get3A_1014 = arith.constant 80 : index
      %get3A_1015 = tpu.vector_load %arg8[%get3A_1012, %get3A_1013, %get3A_1014] {strides = array<i32>} : memref<2x125x128xi32, #tpu.memory_space<vmem>>, vector<16xi32>,
      %shift_right_arithmetic3A_1016 = arith.constant 4 : i32
      %shift_right_arithmetic3A_1017 = vector.broadcast %shift_right_arithmetic3A_1016 : i32 to vector<16xi32>
      %shift_right_arithmetic3A_1018 = arith.shrsi %get3A_1015, %shift_right_arithmetic3A_1017 : vector<16xi32>
      %and3A_1019 = arith.constant 15 : i32
      %and3A_1020 = vector.broadcast %and3A_1019 : i32 to vector<16xi32>
      %and3A_1021 = arith.andi %get3A_1015, %and3A_1020 : vector<16xi32>
      tpu.vector_store_idx %arg11[%shift_right_arithmetic3A_1018, %and3A_1021], %broadcast_in_dim3A_45 {add = true} : memref<625x16xf32, #tpu.memory_space<vmem>>[vector<16xi32>, vector<16xi32>], vector<16xf32>,
      %get3A_1022 = arith.constant 0 : i32
      %get3A_1023 = arith.index_cast %get3A_1022 : i32 to index
      %get3A_1024 = arith.index_cast %while3A_956 : i32 to index
      %get3A_1025 = arith.constant 96 : index
      %get3A_1026 = tpu.vector_load %arg8[%get3A_1023, %get3A_1024, %get3A_1025] {strides = array<i32>} : memref<2x125x128xi32, #tpu.memory_space<vmem>>, vector<16xi32>,
      %shift_right_arithmetic3A_1027 = arith.constant 4 : i32
      %shift_right_arithmetic3A_1028 = vector.broadcast %shift_right_arithmetic3A_1027 : i32 to vector<16xi32>
      %shift_right_arithmetic3A_1029 = arith.shrsi %get3A_1026, %shift_right_arithmetic3A_1028 : vector<16xi32>
      %and3A_1030 = arith.constant 15 : i32
      %and3A_1031 = vector.broadcast %and3A_1030 : i32 to vector<16xi32>
      %and3A_1032 = arith.andi %get3A_1026, %and3A_1031 : vector<16xi32>
      tpu.vector_store_idx %arg11[%shift_right_arithmetic3A_1029, %and3A_1032], %broadcast_in_dim3A_45 {add = true} : memref<625x16xf32, #tpu.memory_space<vmem>>[vector<16xi32>, vector<16xi32>], vector<16xf32>,
      %get3A_1033 = arith.constant 0 : i32
      %get3A_1034 = arith.index_cast %get3A_1033 : i32 to index
      %get3A_1035 = arith.index_cast %while3A_956 : i32 to index
      %get3A_1036 = arith.constant 112 : index
      %get3A_1037 = tpu.vector_load %arg8[%get3A_1034, %get3A_1035, %get3A_1036] {strides = array<i32>} : memref<2x125x128xi32, #tpu.memory_space<vmem>>, vector<16xi32>,
      %shift_right_arithmetic3A_1038 = arith.constant 4 : i32
      %shift_right_arithmetic3A_1039 = vector.broadcast %shift_right_arithmetic3A_1038 : i32 to vector<16xi32>
      %shift_right_arithmetic3A_1040 = arith.shrsi %get3A_1037, %shift_right_arithmetic3A_1039 : vector<16xi32>
      %and3A_1041 = arith.constant 15 : i32
      %and3A_1042 = vector.broadcast %and3A_1041 : i32 to vector<16xi32>
      %and3A_1043 = arith.andi %get3A_1037, %and3A_1042 : vector<16xi32>
      tpu.vector_store_idx %arg11[%shift_right_arithmetic3A_1040, %and3A_1043], %broadcast_in_dim3A_45 {add = true} : memref<625x16xf32, #tpu.memory_space<vmem>>[vector<16xi32>, vector<16xi32>], vector<16xf32>,
      %while3A_1044 = arith.constant 0 : i32
      scf.yield %while3A_1044 : i32
    }
    %while3A_382 = arith.constant 1 : i32
    %while3A_383 = scf.for %while3A_956 = %while3A_379 to %while3A_375 step %while3A_382 iter_args(%while3A_957 = %while3A_381) -> (i32)  : i32 {
      %get3A = arith.constant 0 : i32
      %get3A_958 = arith.index_cast %get3A : i32 to index
      %get3A_959 = arith.index_cast %while3A_956 : i32 to index
      %get3A_960 = arith.constant 0 : index
      %get3A_961 = tpu.vector_load %arg8[%get3A_958, %get3A_959, %get3A_960] {strides = array<i32>} : memref<2x125x128xi32, #tpu.memory_space<vmem>>, vector<16xi32>,
      %shift_right_arithmetic3A = arith.constant 4 : i32
      %shift_right_arithmetic3A_962 = vector.broadcast %shift_right_arithmetic3A : i32 to vector<16xi32>
      %shift_right_arithmetic3A_963 = arith.shrsi %get3A_961, %shift_right_arithmetic3A_962 : vector<16xi32>
      %and3A_964 = arith.constant 15 : i32
      %and3A_965 = vector.broadcast %and3A_964 : i32 to vector<16xi32>
      %and3A_966 = arith.andi %get3A_961, %and3A_965 : vector<16xi32>
      tpu.vector_store_idx %arg11[%shift_right_arithmetic3A_963, %and3A_966], %broadcast_in_dim3A_45 {add = true} : memref<625x16xf32, #tpu.memory_space<vmem>>[vector<16xi32>, vector<16xi32>], vector<16xf32>,
      %get3A_967 = arith.constant 0 : i32
      %get3A_968 = arith.index_cast %get3A_967 : i32 to index
      %get3A_969 = arith.index_cast %while3A_956 : i32 to index
      %get3A_970 = arith.constant 16 : index
      %get3A_971 = tpu.vector_load %arg8[%get3A_968, %get3A_969, %get3A_970] {strides = array<i32>} : memref<2x125x128xi32, #tpu.memory_space<vmem>>, vector<16xi32>,
      %shift_right_arithmetic3A_972 = arith.constant 4 : i32
      %shift_right_arithmetic3A_973 = vector.broadcast %shift_right_arithmetic3A_972 : i32 to vector<16xi32>
      %shift_right_arithmetic3A_974 = arith.shrsi %get3A_971, %shift_right_arithmetic3A_973 : vector<16xi32>
      %and3A_975 = arith.constant 15 : i32
      %and3A_976 = vector.broadcast %and3A_975 : i32 to vector<16xi32>
      %and3A_977 = arith.andi %get3A_971, %and3A_976 : vector<16xi32>
      tpu.vector_store_idx %arg11[%shift_right_arithmetic3A_974, %and3A_977], %broadcast_in_dim3A_45 {add = true} : memref<625x16xf32, #tpu.memory_space<vmem>>[vector<16xi32>, vector<16xi32>], vector<16xf32>,
      %get3A_978 = arith.constant 0 : i32
      %get3A_979 = arith.index_cast %get3A_978 : i32 to index
      %get3A_980 = arith.index_cast %while3A_956 : i32 to index
      %get3A_981 = arith.constant 32 : index
      %get3A_982 = tpu.vector_load %arg8[%get3A_979, %get3A_980, %get3A_981] {strides = array<i32>} : memref<2x125x128xi32, #tpu.memory_space<vmem>>, vector<16xi32>,
      %shift_right_arithmetic3A_983 = arith.constant 4 : i32
      %shift_right_arithmetic3A_984 = vector.broadcast %shift_right_arithmetic3A_983 : i32 to vector<16xi32>
      %shift_right_arithmetic3A_985 = arith.shrsi %get3A_982, %shift_right_arithmetic3A_984 : vector<16xi32>
      %and3A_986 = arith.constant 15 : i32
      %and3A_987 = vector.broadcast %and3A_986 : i32 to vector<16xi32>
      %and3A_988 = arith.andi %get3A_982, %and3A_987 : vector<16xi32>
      tpu.vector_store_idx %arg11[%shift_right_arithmetic3A_985, %and3A_988], %broadcast_in_dim3A_45 {add = true} : memref<625x16xf32, #tpu.memory_space<vmem>>[vector<16xi32>, vector<16xi32>], vector<16xf32>,
      %get3A_989 = arith.constant 0 : i32
      %get3A_990 = arith.index_cast %get3A_989 : i32 to index
      %get3A_991 = arith.index_cast %while3A_956 : i32 to index
      %get3A_992 = arith.constant 48 : index
      %get3A_993 = tpu.vector_load %arg8[%get3A_990, %get3A_991, %get3A_992] {strides = array<i32>} : memref<2x125x128xi32, #tpu.memory_space<vmem>>, vector<16xi32>,
      %shift_right_arithmetic3A_994 = arith.constant 4 : i32
      %shift_right_arithmetic3A_995 = vector.broadcast %shift_right_arithmetic3A_994 : i32 to vector<16xi32>
      %shift_right_arithmetic3A_996 = arith.shrsi %get3A_993, %shift_right_arithmetic3A_995 : vector<16xi32>
      %and3A_997 = arith.constant 15 : i32
      %and3A_998 = vector.broadcast %and3A_997 : i32 to vector<16xi32>
      %and3A_999 = arith.andi %get3A_993, %and3A_998 : vector<16xi32>
      tpu.vector_store_idx %arg11[%shift_right_arithmetic3A_996, %and3A_999], %broadcast_in_dim3A_45 {add = true} : memref<625x16xf32, #tpu.memory_space<vmem>>[vector<16xi32>, vector<16xi32>], vector<16xf32>,
      %get3A_1000 = arith.constant 0 : i32
      %get3A_1001 = arith.index_cast %get3A_1000 : i32 to index
      %get3A_1002 = arith.index_cast %while3A_956 : i32 to index
      %get3A_1003 = arith.constant 64 : index
      %get3A_1004 = tpu.vector_load %arg8[%get3A_1001, %get3A_1002, %get3A_1003] {strides = array<i32>} : memref<2x125x128xi32, #tpu.memory_space<vmem>>, vector<16xi32>,
      %shift_right_arithmetic3A_1005 = arith.constant 4 : i32
      %shift_right_arithmetic3A_1006 = vector.broadcast %shift_right_arithmetic3A_1005 : i32 to vector<16xi32>
      %shift_right_arithmetic3A_1007 = arith.shrsi %get3A_1004, %shift_right_arithmetic3A_1006 : vector<16xi32>
      %and3A_1008 = arith.constant 15 : i32
      %and3A_1009 = vector.broadcast %and3A_1008 : i32 to vector<16xi32>
      %and3A_1010 = arith.andi %get3A_1004, %and3A_1009 : vector<16xi32>
      tpu.vector_store_idx %arg11[%shift_right_arithmetic3A_1007, %and3A_1010], %broadcast_in_dim3A_45 {add = true} : memref<625x16xf32, #tpu.memory_space<vmem>>[vector<16xi32>, vector<16xi32>], vector<16xf32>,
      %get3A_1011 = arith.constant 0 : i32
      %get3A_1012 = arith.index_cast %get3A_1011 : i32 to index
      %get3A_1013 = arith.index_cast %while3A_956 : i32 to index
      %get3A_1014 = arith.constant 80 : index
      %get3A_1015 = tpu.vector_load %arg8[%get3A_1012, %get3A_1013, %get3A_1014] {strides = array<i32>} : memref<2x125x128xi32, #tpu.memory_space<vmem>>, vector<16xi32>,
      %shift_right_arithmetic3A_1016 = arith.constant 4 : i32
      %shift_right_arithmetic3A_1017 = vector.broadcast %shift_right_arithmetic3A_1016 : i32 to vector<16xi32>
      %shift_right_arithmetic3A_1018 = arith.shrsi %get3A_1015, %shift_right_arithmetic3A_1017 : vector<16xi32>
      %and3A_1019 = arith.constant 15 : i32
      %and3A_1020 = vector.broadcast %and3A_1019 : i32 to vector<16xi32>
      %and3A_1021 = arith.andi %get3A_1015, %and3A_1020 : vector<16xi32>
      tpu.vector_store_idx %arg11[%shift_right_arithmetic3A_1018, %and3A_1021], %broadcast_in_dim3A_45 {add = true} : memref<625x16xf32, #tpu.memory_space<vmem>>[vector<16xi32>, vector<16xi32>], vector<16xf32>,
      %get3A_1022 = arith.constant 0 : i32
      %get3A_1023 = arith.index_cast %get3A_1022 : i32 to index
      %get3A_1024 = arith.index_cast %while3A_956 : i32 to index
      %get3A_1025 = arith.constant 96 : index
      %get3A_1026 = tpu.vector_load %arg8[%get3A_1023, %get3A_1024, %get3A_1025] {strides = array<i32>} : memref<2x125x128xi32, #tpu.memory_space<vmem>>, vector<16xi32>,
      %shift_right_arithmetic3A_1027 = arith.constant 4 : i32
      %shift_right_arithmetic3A_1028 = vector.broadcast %shift_right_arithmetic3A_1027 : i32 to vector<16xi32>
      %shift_right_arithmetic3A_1029 = arith.shrsi %get3A_1026, %shift_right_arithmetic3A_1028 : vector<16xi32>
      %and3A_1030 = arith.constant 15 : i32
      %and3A_1031 = vector.broadcast %and3A_1030 : i32 to vector<16xi32>
      %and3A_1032 = arith.andi %get3A_1026, %and3A_1031 : vector<16xi32>
      tpu.vector_store_idx %arg11[%shift_right_arithmetic3A_1029, %and3A_1032], %broadcast_in_dim3A_45 {add = true} : memref<625x16xf32, #tpu.memory_space<vmem>>[vector<16xi32>, vector<16xi32>], vector<16xf32>,
      %get3A_1033 = arith.constant 0 : i32
      %get3A_1034 = arith.index_cast %get3A_1033 : i32 to index
      %get3A_1035 = arith.index_cast %while3A_956 : i32 to index
      %get3A_1036 = arith.constant 112 : index
      %get3A_1037 = tpu.vector_load %arg8[%get3A_1034, %get3A_1035, %get3A_1036] {strides = array<i32>} : memref<2x125x128xi32, #tpu.memory_space<vmem>>, vector<16xi32>,
      %shift_right_arithmetic3A_1038 = arith.constant 4 : i32
      %shift_right_arithmetic3A_1039 = vector.broadcast %shift_right_arithmetic3A_1038 : i32 to vector<16xi32>
      %shift_right_arithmetic3A_1040 = arith.shrsi %get3A_1037, %shift_right_arithmetic3A_1039 : vector<16xi32>
      %and3A_1041 = arith.constant 15 : i32
      %and3A_1042 = vector.broadcast %and3A_1041 : i32 to vector<16xi32>
      %and3A_1043 = arith.andi %get3A_1037, %and3A_1042 : vector<16xi32>
      tpu.vector_store_idx %arg11[%shift_right_arithmetic3A_1040, %and3A_1043], %broadcast_in_dim3A_45 {add = true} : memref<625x16xf32, #tpu.memory_space<vmem>>[vector<16xi32>, vector<16xi32>], vector<16xf32>,
      %while3A_1044 = arith.constant 0 : i32
      scf.yield %while3A_1044 : i32
    }
    %dma_wait3A_384 = arith.constant 1 : i32
    %dma_wait3A_385 = arith.constant 0 : i32
    %dma_wait3A_386 = arith.constant 0 : i32
    %dma_wait3A_387 = tpu.memref_slice %arg7[%dma_wait3A_384, %dma_wait3A_385, %dma_wait3A_386] : memref<2x125x128xf32, #tpu.memory_space<vmem>> -> memref<1x125x128xf32, #tpu.memory_space<vmem>>
    %dma_wait3A_388 = tpu.memref_squeeze %dma_wait3A_387 : memref<1x125x128xf32, #tpu.memory_space<vmem>> -> memref<125x128xf32, #tpu.memory_space<vmem>>
    %dma_wait3A_389 = arith.constant 0 : i32
    %dma_wait3A_390 = tpu.memref_slice %arg2[%select_n3A, %add3A_332, %select_n3A_28, %dma_wait3A_389] : memref<2x2500x8x128xf32, #tpu.memory_space<hbm>> -> memref<1x125x1x128xf32, #tpu.memory_space<hbm>>
    %dma_wait3A_391 = tpu.memref_squeeze %dma_wait3A_390 : memref<1x125x1x128xf32, #tpu.memory_space<hbm>> -> memref<125x128xf32, #tpu.memory_space<hbm>>
    %dma_wait3A_392 = arith.constant 0 : i32
    %dma_wait3A_393 = arith.constant 0 : i32
    %dma_wait3A_394 = tpu.memref_slice %arg7[%dma_wait3A_384, %dma_wait3A_392, %dma_wait3A_393] : memref<2x125x128xf32, #tpu.memory_space<vmem>> -> memref<1x125x128xf32, #tpu.memory_space<vmem>>
    %dma_wait3A_395 = tpu.memref_squeeze %dma_wait3A_394 : memref<1x125x128xf32, #tpu.memory_space<vmem>> -> memref<125x128xf32, #tpu.memory_space<vmem>>
    %dma_wait3A_396 = arith.constant 0 : i32
    %dma_wait3A_397 = tpu.memref_slice %arg2[%select_n3A, %add3A_332, %select_n3A_28, %dma_wait3A_396] : memref<2x2500x8x128xf32, #tpu.memory_space<hbm>> -> memref<1x125x1x128xf32, #tpu.memory_space<hbm>>
    %dma_wait3A_398 = tpu.memref_squeeze %dma_wait3A_397 : memref<1x125x1x128xf32, #tpu.memory_space<hbm>> -> memref<125x128xf32, #tpu.memory_space<hbm>>
    tpu.wait_dma2 semaphore(%arg13 : memref<!tpu.dma_semaphore, #tpu.memory_space<semaphore_mem>>) src(%dma_wait3A_398 : memref<125x128xf32, #tpu.memory_space<hbm>>) dst(%dma_wait3A_395 : memref<125x128xf32, #tpu.memory_space<vmem>>)
    %dma_wait3A_399 = arith.constant 1 : i32
    %dma_wait3A_400 = arith.constant 1 : i32
    %dma_wait3A_401 = arith.constant 0 : i32
    %dma_wait3A_402 = arith.constant 0 : i32
    %dma_wait3A_403 = tpu.memref_slice %arg8[%dma_wait3A_400, %dma_wait3A_401, %dma_wait3A_402] : memref<2x125x128xi32, #tpu.memory_space<vmem>> -> memref<1x125x128xi32, #tpu.memory_space<vmem>>
    %dma_wait3A_404 = tpu.memref_squeeze %dma_wait3A_403 : memref<1x125x128xi32, #tpu.memory_space<vmem>> -> memref<125x128xi32, #tpu.memory_space<vmem>>
    %dma_wait3A_405 = arith.constant 0 : i32
    %dma_wait3A_406 = tpu.memref_slice %arg3[%add3A_349, %dma_wait3A_399, %dma_wait3A_405] : memref<2500x2x128xi32, #tpu.memory_space<hbm>> -> memref<125x1x128xi32, #tpu.memory_space<hbm>>
    %dma_wait3A_407 = tpu.memref_squeeze %dma_wait3A_406 : memref<125x1x128xi32, #tpu.memory_space<hbm>> -> memref<125x128xi32, #tpu.memory_space<hbm>>
    %dma_wait3A_408 = arith.constant 0 : i32
    %dma_wait3A_409 = arith.constant 0 : i32
    %dma_wait3A_410 = tpu.memref_slice %arg8[%dma_wait3A_400, %dma_wait3A_408, %dma_wait3A_409] : memref<2x125x128xi32, #tpu.memory_space<vmem>> -> memref<1x125x128xi32, #tpu.memory_space<vmem>>
    %dma_wait3A_411 = tpu.memref_squeeze %dma_wait3A_410 : memref<1x125x128xi32, #tpu.memory_space<vmem>> -> memref<125x128xi32, #tpu.memory_space<vmem>>
    %dma_wait3A_412 = arith.constant 0 : i32
    %dma_wait3A_413 = tpu.memref_slice %arg3[%add3A_349, %dma_wait3A_399, %dma_wait3A_412] : memref<2500x2x128xi32, #tpu.memory_space<hbm>> -> memref<125x1x128xi32, #tpu.memory_space<hbm>>
    %dma_wait3A_414 = tpu.memref_squeeze %dma_wait3A_413 : memref<125x1x128xi32, #tpu.memory_space<hbm>> -> memref<125x128xi32, #tpu.memory_space<hbm>>
    tpu.wait_dma2 semaphore(%arg13 : memref<!tpu.dma_semaphore, #tpu.memory_space<semaphore_mem>>) src(%dma_wait3A_414 : memref<125x128xi32, #tpu.memory_space<hbm>>) dst(%dma_wait3A_411 : memref<125x128xi32, #tpu.memory_space<vmem>>)
    %add3A_415 = arith.constant 500 : i32
    %add3A_416 = arith.addi %mul3A_44, %add3A_415 : i32
    %dma_start3A_417 = arith.constant 0 : i32
    %dma_start3A_418 = arith.constant 0 : i32
    %dma_start3A_419 = arith.constant 0 : i32
    %dma_start3A_420 = tpu.memref_slice %arg7[%dma_start3A_417, %dma_start3A_418, %dma_start3A_419] : memref<2x125x128xf32, #tpu.memory_space<vmem>> -> memref<1x125x128xf32, #tpu.memory_space<vmem>>
    %dma_start3A_421 = tpu.memref_squeeze %dma_start3A_420 : memref<1x125x128xf32, #tpu.memory_space<vmem>> -> memref<125x128xf32, #tpu.memory_space<vmem>>
    %dma_start3A_422 = arith.constant 0 : i32
    %dma_start3A_423 = tpu.memref_slice %arg2[%select_n3A, %add3A_416, %select_n3A_28, %dma_start3A_422] : memref<2x2500x8x128xf32, #tpu.memory_space<hbm>> -> memref<1x125x1x128xf32, #tpu.memory_space<hbm>>
    %dma_start3A_424 = tpu.memref_squeeze %dma_start3A_423 : memref<1x125x1x128xf32, #tpu.memory_space<hbm>> -> memref<125x128xf32, #tpu.memory_space<hbm>>
    %dma_start3A_425 = arith.constant 0 : i32
    %dma_start3A_426 = arith.constant 0 : i32
    %dma_start3A_427 = tpu.memref_slice %arg7[%dma_start3A_417, %dma_start3A_425, %dma_start3A_426] : memref<2x125x128xf32, #tpu.memory_space<vmem>> -> memref<1x125x128xf32, #tpu.memory_space<vmem>>
    %dma_start3A_428 = tpu.memref_squeeze %dma_start3A_427 : memref<1x125x128xf32, #tpu.memory_space<vmem>> -> memref<125x128xf32, #tpu.memory_space<vmem>>
    %dma_start3A_429 = arith.constant 0 : i32
    %dma_start3A_430 = tpu.memref_slice %arg2[%select_n3A, %add3A_416, %select_n3A_28, %dma_start3A_429] : memref<2x2500x8x128xf32, #tpu.memory_space<hbm>> -> memref<1x125x1x128xf32, #tpu.memory_space<hbm>>
    %dma_start3A_431 = tpu.memref_squeeze %dma_start3A_430 : memref<1x125x1x128xf32, #tpu.memory_space<hbm>> -> memref<125x128xf32, #tpu.memory_space<hbm>>
    tpu.enqueue_dma source(%dma_start3A_431 : memref<125x128xf32, #tpu.memory_space<hbm>>) target(%dma_start3A_428 : memref<125x128xf32, #tpu.memory_space<vmem>>) target_semaphore(%arg13 : memref<!tpu.dma_semaphore, #tpu.memory_space<semaphore_mem>>)
    %add3A_432 = arith.constant 500 : i32
    %add3A_433 = arith.addi %mul3A_44, %add3A_432 : i32
    %dma_start3A_434 = arith.constant 1 : i32
    %dma_start3A_435 = arith.constant 0 : i32
    %dma_start3A_436 = arith.constant 0 : i32
    %dma_start3A_437 = arith.constant 0 : i32
    %dma_start3A_438 = tpu.memref_slice %arg8[%dma_start3A_435, %dma_start3A_436, %dma_start3A_437] : memref<2x125x128xi32, #tpu.memory_space<vmem>> -> memref<1x125x128xi32, #tpu.memory_space<vmem>>
    %dma_start3A_439 = tpu.memref_squeeze %dma_start3A_438 : memref<1x125x128xi32, #tpu.memory_space<vmem>> -> memref<125x128xi32, #tpu.memory_space<vmem>>
    %dma_start3A_440 = arith.constant 0 : i32
    %dma_start3A_441 = tpu.memref_slice %arg3[%add3A_433, %dma_start3A_434, %dma_start3A_440] : memref<2500x2x128xi32, #tpu.memory_space<hbm>> -> memref<125x1x128xi32, #tpu.memory_space<hbm>>
    %dma_start3A_442 = tpu.memref_squeeze %dma_start3A_441 : memref<125x1x128xi32, #tpu.memory_space<hbm>> -> memref<125x128xi32, #tpu.memory_space<hbm>>
    %dma_start3A_443 = arith.constant 0 : i32
    %dma_start3A_444 = arith.constant 0 : i32
    %dma_start3A_445 = tpu.memref_slice %arg8[%dma_start3A_435, %dma_start3A_443, %dma_start3A_444] : memref<2x125x128xi32, #tpu.memory_space<vmem>> -> memref<1x125x128xi32, #tpu.memory_space<vmem>>
    %dma_start3A_446 = tpu.memref_squeeze %dma_start3A_445 : memref<1x125x128xi32, #tpu.memory_space<vmem>> -> memref<125x128xi32, #tpu.memory_space<vmem>>
    %dma_start3A_447 = arith.constant 0 : i32
    %dma_start3A_448 = tpu.memref_slice %arg3[%add3A_433, %dma_start3A_434, %dma_start3A_447] : memref<2500x2x128xi32, #tpu.memory_space<hbm>> -> memref<125x1x128xi32, #tpu.memory_space<hbm>>
    %dma_start3A_449 = tpu.memref_squeeze %dma_start3A_448 : memref<125x1x128xi32, #tpu.memory_space<hbm>> -> memref<125x128xi32, #tpu.memory_space<hbm>>
    tpu.enqueue_dma source(%dma_start3A_449 : memref<125x128xi32, #tpu.memory_space<hbm>>) target(%dma_start3A_446 : memref<125x128xi32, #tpu.memory_space<vmem>>) target_semaphore(%arg13 : memref<!tpu.dma_semaphore, #tpu.memory_space<semaphore_mem>>)
    %scan3A_450 = arith.constant 0 : i32
    %scan3A_451 = arith.constant 0 : i32
    %scan3A_452 = arith.constant 125 : i32
    %scan3A_453 = arith.addi %scan3A_451, %scan3A_452 : i32
    %scan3A_454 = arith.constant 1 : i32
    %scan3A_455 = scf.for %scan3A_956 = %scan3A_451 to %scan3A_453 step %scan3A_454 iter_args(%scan3A_957 = %scan3A_450) -> (i32)  : i32 {
      %get3A = arith.constant 1 : i32
      %get3A_958 = arith.index_cast %get3A : i32 to index
      %get3A_959 = arith.index_cast %scan3A_956 : i32 to index
      %get3A_960 = arith.constant 0 : index
      %get3A_961 = tpu.vector_load %arg8[%get3A_958, %get3A_959, %get3A_960] {strides = array<i32>} : memref<2x125x128xi32, #tpu.memory_space<vmem>>, vector<16xi32>,
      %get3A_962 = arith.constant 1 : i32
      %get3A_963 = arith.index_cast %get3A_962 : i32 to index
      %get3A_964 = arith.index_cast %scan3A_956 : i32 to index
      %get3A_965 = arith.constant 0 : index
      %get3A_966 = tpu.vector_load %arg7[%get3A_963, %get3A_964, %get3A_965] {strides = array<i32>} : memref<2x125x128xf32, #tpu.memory_space<vmem>>, vector<16xf32>,
      %shift_right_arithmetic3A = arith.constant 4 : i32
      %shift_right_arithmetic3A_967 = vector.broadcast %shift_right_arithmetic3A : i32 to vector<16xi32>
      %shift_right_arithmetic3A_968 = arith.shrsi %get3A_961, %shift_right_arithmetic3A_967 : vector<16xi32>
      %and3A_969 = arith.constant 15 : i32
      %and3A_970 = vector.broadcast %and3A_969 : i32 to vector<16xi32>
      %and3A_971 = arith.andi %get3A_961, %and3A_970 : vector<16xi32>
      tpu.vector_store_idx %arg10[%shift_right_arithmetic3A_968, %and3A_971], %get3A_966 {add = true} : memref<625x16xf32, #tpu.memory_space<vmem>>[vector<16xi32>, vector<16xi32>], vector<16xf32>,
      %get3A_972 = arith.constant 1 : i32
      %get3A_973 = arith.index_cast %get3A_972 : i32 to index
      %get3A_974 = arith.index_cast %scan3A_956 : i32 to index
      %get3A_975 = arith.constant 16 : index
      %get3A_976 = tpu.vector_load %arg8[%get3A_973, %get3A_974, %get3A_975] {strides = array<i32>} : memref<2x125x128xi32, #tpu.memory_space<vmem>>, vector<16xi32>,
      %get3A_977 = arith.constant 1 : i32
      %get3A_978 = arith.index_cast %get3A_977 : i32 to index
      %get3A_979 = arith.index_cast %scan3A_956 : i32 to index
      %get3A_980 = arith.constant 16 : index
      %get3A_981 = tpu.vector_load %arg7[%get3A_978, %get3A_979, %get3A_980] {strides = array<i32>} : memref<2x125x128xf32, #tpu.memory_space<vmem>>, vector<16xf32>,
      %shift_right_arithmetic3A_982 = arith.constant 4 : i32
      %shift_right_arithmetic3A_983 = vector.broadcast %shift_right_arithmetic3A_982 : i32 to vector<16xi32>
      %shift_right_arithmetic3A_984 = arith.shrsi %get3A_976, %shift_right_arithmetic3A_983 : vector<16xi32>
      %and3A_985 = arith.constant 15 : i32
      %and3A_986 = vector.broadcast %and3A_985 : i32 to vector<16xi32>
      %and3A_987 = arith.andi %get3A_976, %and3A_986 : vector<16xi32>
      tpu.vector_store_idx %arg10[%shift_right_arithmetic3A_984, %and3A_987], %get3A_981 {add = true} : memref<625x16xf32, #tpu.memory_space<vmem>>[vector<16xi32>, vector<16xi32>], vector<16xf32>,
      %get3A_988 = arith.constant 1 : i32
      %get3A_989 = arith.index_cast %get3A_988 : i32 to index
      %get3A_990 = arith.index_cast %scan3A_956 : i32 to index
      %get3A_991 = arith.constant 32 : index
      %get3A_992 = tpu.vector_load %arg8[%get3A_989, %get3A_990, %get3A_991] {strides = array<i32>} : memref<2x125x128xi32, #tpu.memory_space<vmem>>, vector<16xi32>,
      %get3A_993 = arith.constant 1 : i32
      %get3A_994 = arith.index_cast %get3A_993 : i32 to index
      %get3A_995 = arith.index_cast %scan3A_956 : i32 to index
      %get3A_996 = arith.constant 32 : index
      %get3A_997 = tpu.vector_load %arg7[%get3A_994, %get3A_995, %get3A_996] {strides = array<i32>} : memref<2x125x128xf32, #tpu.memory_space<vmem>>, vector<16xf32>,
      %shift_right_arithmetic3A_998 = arith.constant 4 : i32
      %shift_right_arithmetic3A_999 = vector.broadcast %shift_right_arithmetic3A_998 : i32 to vector<16xi32>
      %shift_right_arithmetic3A_1000 = arith.shrsi %get3A_992, %shift_right_arithmetic3A_999 : vector<16xi32>
      %and3A_1001 = arith.constant 15 : i32
      %and3A_1002 = vector.broadcast %and3A_1001 : i32 to vector<16xi32>
      %and3A_1003 = arith.andi %get3A_992, %and3A_1002 : vector<16xi32>
      tpu.vector_store_idx %arg10[%shift_right_arithmetic3A_1000, %and3A_1003], %get3A_997 {add = true} : memref<625x16xf32, #tpu.memory_space<vmem>>[vector<16xi32>, vector<16xi32>], vector<16xf32>,
      %get3A_1004 = arith.constant 1 : i32
      %get3A_1005 = arith.index_cast %get3A_1004 : i32 to index
      %get3A_1006 = arith.index_cast %scan3A_956 : i32 to index
      %get3A_1007 = arith.constant 48 : index
      %get3A_1008 = tpu.vector_load %arg8[%get3A_1005, %get3A_1006, %get3A_1007] {strides = array<i32>} : memref<2x125x128xi32, #tpu.memory_space<vmem>>, vector<16xi32>,
      %get3A_1009 = arith.constant 1 : i32
      %get3A_1010 = arith.index_cast %get3A_1009 : i32 to index
      %get3A_1011 = arith.index_cast %scan3A_956 : i32 to index
      %get3A_1012 = arith.constant 48 : index
      %get3A_1013 = tpu.vector_load %arg7[%get3A_1010, %get3A_1011, %get3A_1012] {strides = array<i32>} : memref<2x125x128xf32, #tpu.memory_space<vmem>>, vector<16xf32>,
      %shift_right_arithmetic3A_1014 = arith.constant 4 : i32
      %shift_right_arithmetic3A_1015 = vector.broadcast %shift_right_arithmetic3A_1014 : i32 to vector<16xi32>
      %shift_right_arithmetic3A_1016 = arith.shrsi %get3A_1008, %shift_right_arithmetic3A_1015 : vector<16xi32>
      %and3A_1017 = arith.constant 15 : i32
      %and3A_1018 = vector.broadcast %and3A_1017 : i32 to vector<16xi32>
      %and3A_1019 = arith.andi %get3A_1008, %and3A_1018 : vector<16xi32>
      tpu.vector_store_idx %arg10[%shift_right_arithmetic3A_1016, %and3A_1019], %get3A_1013 {add = true} : memref<625x16xf32, #tpu.memory_space<vmem>>[vector<16xi32>, vector<16xi32>], vector<16xf32>,
      %get3A_1020 = arith.constant 1 : i32
      %get3A_1021 = arith.index_cast %get3A_1020 : i32 to index
      %get3A_1022 = arith.index_cast %scan3A_956 : i32 to index
      %get3A_1023 = arith.constant 64 : index
      %get3A_1024 = tpu.vector_load %arg8[%get3A_1021, %get3A_1022, %get3A_1023] {strides = array<i32>} : memref<2x125x128xi32, #tpu.memory_space<vmem>>, vector<16xi32>,
      %get3A_1025 = arith.constant 1 : i32
      %get3A_1026 = arith.index_cast %get3A_1025 : i32 to index
      %get3A_1027 = arith.index_cast %scan3A_956 : i32 to index
      %get3A_1028 = arith.constant 64 : index
      %get3A_1029 = tpu.vector_load %arg7[%get3A_1026, %get3A_1027, %get3A_1028] {strides = array<i32>} : memref<2x125x128xf32, #tpu.memory_space<vmem>>, vector<16xf32>,
      %shift_right_arithmetic3A_1030 = arith.constant 4 : i32
      %shift_right_arithmetic3A_1031 = vector.broadcast %shift_right_arithmetic3A_1030 : i32 to vector<16xi32>
      %shift_right_arithmetic3A_1032 = arith.shrsi %get3A_1024, %shift_right_arithmetic3A_1031 : vector<16xi32>
      %and3A_1033 = arith.constant 15 : i32
      %and3A_1034 = vector.broadcast %and3A_1033 : i32 to vector<16xi32>
      %and3A_1035 = arith.andi %get3A_1024, %and3A_1034 : vector<16xi32>
      tpu.vector_store_idx %arg10[%shift_right_arithmetic3A_1032, %and3A_1035], %get3A_1029 {add = true} : memref<625x16xf32, #tpu.memory_space<vmem>>[vector<16xi32>, vector<16xi32>], vector<16xf32>,
      %get3A_1036 = arith.constant 1 : i32
      %get3A_1037 = arith.index_cast %get3A_1036 : i32 to index
      %get3A_1038 = arith.index_cast %scan3A_956 : i32 to index
      %get3A_1039 = arith.constant 80 : index
      %get3A_1040 = tpu.vector_load %arg8[%get3A_1037, %get3A_1038, %get3A_1039] {strides = array<i32>} : memref<2x125x128xi32, #tpu.memory_space<vmem>>, vector<16xi32>,
      %get3A_1041 = arith.constant 1 : i32
      %get3A_1042 = arith.index_cast %get3A_1041 : i32 to index
      %get3A_1043 = arith.index_cast %scan3A_956 : i32 to index
      %get3A_1044 = arith.constant 80 : index
      %get3A_1045 = tpu.vector_load %arg7[%get3A_1042, %get3A_1043, %get3A_1044] {strides = array<i32>} : memref<2x125x128xf32, #tpu.memory_space<vmem>>, vector<16xf32>,
      %shift_right_arithmetic3A_1046 = arith.constant 4 : i32
      %shift_right_arithmetic3A_1047 = vector.broadcast %shift_right_arithmetic3A_1046 : i32 to vector<16xi32>
      %shift_right_arithmetic3A_1048 = arith.shrsi %get3A_1040, %shift_right_arithmetic3A_1047 : vector<16xi32>
      %and3A_1049 = arith.constant 15 : i32
      %and3A_1050 = vector.broadcast %and3A_1049 : i32 to vector<16xi32>
      %and3A_1051 = arith.andi %get3A_1040, %and3A_1050 : vector<16xi32>
      tpu.vector_store_idx %arg10[%shift_right_arithmetic3A_1048, %and3A_1051], %get3A_1045 {add = true} : memref<625x16xf32, #tpu.memory_space<vmem>>[vector<16xi32>, vector<16xi32>], vector<16xf32>,
      %get3A_1052 = arith.constant 1 : i32
      %get3A_1053 = arith.index_cast %get3A_1052 : i32 to index
      %get3A_1054 = arith.index_cast %scan3A_956 : i32 to index
      %get3A_1055 = arith.constant 96 : index
      %get3A_1056 = tpu.vector_load %arg8[%get3A_1053, %get3A_1054, %get3A_1055] {strides = array<i32>} : memref<2x125x128xi32, #tpu.memory_space<vmem>>, vector<16xi32>,
      %get3A_1057 = arith.constant 1 : i32
      %get3A_1058 = arith.index_cast %get3A_1057 : i32 to index
      %get3A_1059 = arith.index_cast %scan3A_956 : i32 to index
      %get3A_1060 = arith.constant 96 : index
      %get3A_1061 = tpu.vector_load %arg7[%get3A_1058, %get3A_1059, %get3A_1060] {strides = array<i32>} : memref<2x125x128xf32, #tpu.memory_space<vmem>>, vector<16xf32>,
      %shift_right_arithmetic3A_1062 = arith.constant 4 : i32
      %shift_right_arithmetic3A_1063 = vector.broadcast %shift_right_arithmetic3A_1062 : i32 to vector<16xi32>
      %shift_right_arithmetic3A_1064 = arith.shrsi %get3A_1056, %shift_right_arithmetic3A_1063 : vector<16xi32>
      %and3A_1065 = arith.constant 15 : i32
      %and3A_1066 = vector.broadcast %and3A_1065 : i32 to vector<16xi32>
      %and3A_1067 = arith.andi %get3A_1056, %and3A_1066 : vector<16xi32>
      tpu.vector_store_idx %arg10[%shift_right_arithmetic3A_1064, %and3A_1067], %get3A_1061 {add = true} : memref<625x16xf32, #tpu.memory_space<vmem>>[vector<16xi32>, vector<16xi32>], vector<16xf32>,
      %get3A_1068 = arith.constant 1 : i32
      %get3A_1069 = arith.index_cast %get3A_1068 : i32 to index
      %get3A_1070 = arith.index_cast %scan3A_956 : i32 to index
      %get3A_1071 = arith.constant 112 : index
      %get3A_1072 = tpu.vector_load %arg8[%get3A_1069, %get3A_1070, %get3A_1071] {strides = array<i32>} : memref<2x125x128xi32, #tpu.memory_space<vmem>>, vector<16xi32>,
      %get3A_1073 = arith.constant 1 : i32
      %get3A_1074 = arith.index_cast %get3A_1073 : i32 to index
      %get3A_1075 = arith.index_cast %scan3A_956 : i32 to index
      %get3A_1076 = arith.constant 112 : index
      %get3A_1077 = tpu.vector_load %arg7[%get3A_1074, %get3A_1075, %get3A_1076] {strides = array<i32>} : memref<2x125x128xf32, #tpu.memory_space<vmem>>, vector<16xf32>,
      %shift_right_arithmetic3A_1078 = arith.constant 4 : i32
      %shift_right_arithmetic3A_1079 = vector.broadcast %shift_right_arithmetic3A_1078 : i32 to vector<16xi32>
      %shift_right_arithmetic3A_1080 = arith.shrsi %get3A_1072, %shift_right_arithmetic3A_1079 : vector<16xi32>
      %and3A_1081 = arith.constant 15 : i32
      %and3A_1082 = vector.broadcast %and3A_1081 : i32 to vector<16xi32>
      %and3A_1083 = arith.andi %get3A_1072, %and3A_1082 : vector<16xi32>
      tpu.vector_store_idx %arg10[%shift_right_arithmetic3A_1080, %and3A_1083], %get3A_1077 {add = true} : memref<625x16xf32, #tpu.memory_space<vmem>>[vector<16xi32>, vector<16xi32>], vector<16xf32>,
      %scan3A_1084 = arith.constant 0 : i32
      scf.yield %scan3A_1084 : i32
    }
    %scan3A_456 = arith.constant 125 : i32
    %while3A_457 = arith.constant 0 : i32
    %while3A_458 = arith.subi %select_n3A_99, %select_n3A_71 : i32
    %while3A_459 = arith.addi %select_n3A_71, %while3A_458 : i32
    %while3A_460 = arith.constant 1 : i32
    %while3A_461 = arith.divsi %while3A_458, %while3A_460 : i32
    %while3A_462 = arith.muli %while3A_461, %while3A_460 : i32
    %while3A_463 = arith.addi %select_n3A_71, %while3A_462 : i32
    %while3A_464 = arith.constant 1 : i32
    %while3A_465 = scf.for %while3A_956 = %select_n3A_71 to %while3A_463 step %while3A_464 iter_args(%while3A_957 = %while3A_457) -> (i32)  : i32 {
      %get3A = arith.constant 1 : i32
      %get3A_958 = arith.index_cast %get3A : i32 to index
      %get3A_959 = arith.index_cast %while3A_956 : i32 to index
      %get3A_960 = arith.constant 0 : index
      %get3A_961 = tpu.vector_load %arg8[%get3A_958, %get3A_959, %get3A_960] {strides = array<i32>} : memref<2x125x128xi32, #tpu.memory_space<vmem>>, vector<16xi32>,
      %shift_right_arithmetic3A = arith.constant 4 : i32
      %shift_right_arithmetic3A_962 = vector.broadcast %shift_right_arithmetic3A : i32 to vector<16xi32>
      %shift_right_arithmetic3A_963 = arith.shrsi %get3A_961, %shift_right_arithmetic3A_962 : vector<16xi32>
      %and3A_964 = arith.constant 15 : i32
      %and3A_965 = vector.broadcast %and3A_964 : i32 to vector<16xi32>
      %and3A_966 = arith.andi %get3A_961, %and3A_965 : vector<16xi32>
      tpu.vector_store_idx %arg11[%shift_right_arithmetic3A_963, %and3A_966], %broadcast_in_dim3A_45 {add = true} : memref<625x16xf32, #tpu.memory_space<vmem>>[vector<16xi32>, vector<16xi32>], vector<16xf32>,
      %get3A_967 = arith.constant 1 : i32
      %get3A_968 = arith.index_cast %get3A_967 : i32 to index
      %get3A_969 = arith.index_cast %while3A_956 : i32 to index
      %get3A_970 = arith.constant 16 : index
      %get3A_971 = tpu.vector_load %arg8[%get3A_968, %get3A_969, %get3A_970] {strides = array<i32>} : memref<2x125x128xi32, #tpu.memory_space<vmem>>, vector<16xi32>,
      %shift_right_arithmetic3A_972 = arith.constant 4 : i32
      %shift_right_arithmetic3A_973 = vector.broadcast %shift_right_arithmetic3A_972 : i32 to vector<16xi32>
      %shift_right_arithmetic3A_974 = arith.shrsi %get3A_971, %shift_right_arithmetic3A_973 : vector<16xi32>
      %and3A_975 = arith.constant 15 : i32
      %and3A_976 = vector.broadcast %and3A_975 : i32 to vector<16xi32>
      %and3A_977 = arith.andi %get3A_971, %and3A_976 : vector<16xi32>
      tpu.vector_store_idx %arg11[%shift_right_arithmetic3A_974, %and3A_977], %broadcast_in_dim3A_45 {add = true} : memref<625x16xf32, #tpu.memory_space<vmem>>[vector<16xi32>, vector<16xi32>], vector<16xf32>,
      %get3A_978 = arith.constant 1 : i32
      %get3A_979 = arith.index_cast %get3A_978 : i32 to index
      %get3A_980 = arith.index_cast %while3A_956 : i32 to index
      %get3A_981 = arith.constant 32 : index
      %get3A_982 = tpu.vector_load %arg8[%get3A_979, %get3A_980, %get3A_981] {strides = array<i32>} : memref<2x125x128xi32, #tpu.memory_space<vmem>>, vector<16xi32>,
      %shift_right_arithmetic3A_983 = arith.constant 4 : i32
      %shift_right_arithmetic3A_984 = vector.broadcast %shift_right_arithmetic3A_983 : i32 to vector<16xi32>
      %shift_right_arithmetic3A_985 = arith.shrsi %get3A_982, %shift_right_arithmetic3A_984 : vector<16xi32>
      %and3A_986 = arith.constant 15 : i32
      %and3A_987 = vector.broadcast %and3A_986 : i32 to vector<16xi32>
      %and3A_988 = arith.andi %get3A_982, %and3A_987 : vector<16xi32>
      tpu.vector_store_idx %arg11[%shift_right_arithmetic3A_985, %and3A_988], %broadcast_in_dim3A_45 {add = true} : memref<625x16xf32, #tpu.memory_space<vmem>>[vector<16xi32>, vector<16xi32>], vector<16xf32>,
      %get3A_989 = arith.constant 1 : i32
      %get3A_990 = arith.index_cast %get3A_989 : i32 to index
      %get3A_991 = arith.index_cast %while3A_956 : i32 to index
      %get3A_992 = arith.constant 48 : index
      %get3A_993 = tpu.vector_load %arg8[%get3A_990, %get3A_991, %get3A_992] {strides = array<i32>} : memref<2x125x128xi32, #tpu.memory_space<vmem>>, vector<16xi32>,
      %shift_right_arithmetic3A_994 = arith.constant 4 : i32
      %shift_right_arithmetic3A_995 = vector.broadcast %shift_right_arithmetic3A_994 : i32 to vector<16xi32>
      %shift_right_arithmetic3A_996 = arith.shrsi %get3A_993, %shift_right_arithmetic3A_995 : vector<16xi32>
      %and3A_997 = arith.constant 15 : i32
      %and3A_998 = vector.broadcast %and3A_997 : i32 to vector<16xi32>
      %and3A_999 = arith.andi %get3A_993, %and3A_998 : vector<16xi32>
      tpu.vector_store_idx %arg11[%shift_right_arithmetic3A_996, %and3A_999], %broadcast_in_dim3A_45 {add = true} : memref<625x16xf32, #tpu.memory_space<vmem>>[vector<16xi32>, vector<16xi32>], vector<16xf32>,
      %get3A_1000 = arith.constant 1 : i32
      %get3A_1001 = arith.index_cast %get3A_1000 : i32 to index
      %get3A_1002 = arith.index_cast %while3A_956 : i32 to index
      %get3A_1003 = arith.constant 64 : index
      %get3A_1004 = tpu.vector_load %arg8[%get3A_1001, %get3A_1002, %get3A_1003] {strides = array<i32>} : memref<2x125x128xi32, #tpu.memory_space<vmem>>, vector<16xi32>,
      %shift_right_arithmetic3A_1005 = arith.constant 4 : i32
      %shift_right_arithmetic3A_1006 = vector.broadcast %shift_right_arithmetic3A_1005 : i32 to vector<16xi32>
      %shift_right_arithmetic3A_1007 = arith.shrsi %get3A_1004, %shift_right_arithmetic3A_1006 : vector<16xi32>
      %and3A_1008 = arith.constant 15 : i32
      %and3A_1009 = vector.broadcast %and3A_1008 : i32 to vector<16xi32>
      %and3A_1010 = arith.andi %get3A_1004, %and3A_1009 : vector<16xi32>
      tpu.vector_store_idx %arg11[%shift_right_arithmetic3A_1007, %and3A_1010], %broadcast_in_dim3A_45 {add = true} : memref<625x16xf32, #tpu.memory_space<vmem>>[vector<16xi32>, vector<16xi32>], vector<16xf32>,
      %get3A_1011 = arith.constant 1 : i32
      %get3A_1012 = arith.index_cast %get3A_1011 : i32 to index
      %get3A_1013 = arith.index_cast %while3A_956 : i32 to index
      %get3A_1014 = arith.constant 80 : index
      %get3A_1015 = tpu.vector_load %arg8[%get3A_1012, %get3A_1013, %get3A_1014] {strides = array<i32>} : memref<2x125x128xi32, #tpu.memory_space<vmem>>, vector<16xi32>,
      %shift_right_arithmetic3A_1016 = arith.constant 4 : i32
      %shift_right_arithmetic3A_1017 = vector.broadcast %shift_right_arithmetic3A_1016 : i32 to vector<16xi32>
      %shift_right_arithmetic3A_1018 = arith.shrsi %get3A_1015, %shift_right_arithmetic3A_1017 : vector<16xi32>
      %and3A_1019 = arith.constant 15 : i32
      %and3A_1020 = vector.broadcast %and3A_1019 : i32 to vector<16xi32>
      %and3A_1021 = arith.andi %get3A_1015, %and3A_1020 : vector<16xi32>
      tpu.vector_store_idx %arg11[%shift_right_arithmetic3A_1018, %and3A_1021], %broadcast_in_dim3A_45 {add = true} : memref<625x16xf32, #tpu.memory_space<vmem>>[vector<16xi32>, vector<16xi32>], vector<16xf32>,
      %get3A_1022 = arith.constant 1 : i32
      %get3A_1023 = arith.index_cast %get3A_1022 : i32 to index
      %get3A_1024 = arith.index_cast %while3A_956 : i32 to index
      %get3A_1025 = arith.constant 96 : index
      %get3A_1026 = tpu.vector_load %arg8[%get3A_1023, %get3A_1024, %get3A_1025] {strides = array<i32>} : memref<2x125x128xi32, #tpu.memory_space<vmem>>, vector<16xi32>,
      %shift_right_arithmetic3A_1027 = arith.constant 4 : i32
      %shift_right_arithmetic3A_1028 = vector.broadcast %shift_right_arithmetic3A_1027 : i32 to vector<16xi32>
      %shift_right_arithmetic3A_1029 = arith.shrsi %get3A_1026, %shift_right_arithmetic3A_1028 : vector<16xi32>
      %and3A_1030 = arith.constant 15 : i32
      %and3A_1031 = vector.broadcast %and3A_1030 : i32 to vector<16xi32>
      %and3A_1032 = arith.andi %get3A_1026, %and3A_1031 : vector<16xi32>
      tpu.vector_store_idx %arg11[%shift_right_arithmetic3A_1029, %and3A_1032], %broadcast_in_dim3A_45 {add = true} : memref<625x16xf32, #tpu.memory_space<vmem>>[vector<16xi32>, vector<16xi32>], vector<16xf32>,
      %get3A_1033 = arith.constant 1 : i32
      %get3A_1034 = arith.index_cast %get3A_1033 : i32 to index
      %get3A_1035 = arith.index_cast %while3A_956 : i32 to index
      %get3A_1036 = arith.constant 112 : index
      %get3A_1037 = tpu.vector_load %arg8[%get3A_1034, %get3A_1035, %get3A_1036] {strides = array<i32>} : memref<2x125x128xi32, #tpu.memory_space<vmem>>, vector<16xi32>,
      %shift_right_arithmetic3A_1038 = arith.constant 4 : i32
      %shift_right_arithmetic3A_1039 = vector.broadcast %shift_right_arithmetic3A_1038 : i32 to vector<16xi32>
      %shift_right_arithmetic3A_1040 = arith.shrsi %get3A_1037, %shift_right_arithmetic3A_1039 : vector<16xi32>
      %and3A_1041 = arith.constant 15 : i32
      %and3A_1042 = vector.broadcast %and3A_1041 : i32 to vector<16xi32>
      %and3A_1043 = arith.andi %get3A_1037, %and3A_1042 : vector<16xi32>
      tpu.vector_store_idx %arg11[%shift_right_arithmetic3A_1040, %and3A_1043], %broadcast_in_dim3A_45 {add = true} : memref<625x16xf32, #tpu.memory_space<vmem>>[vector<16xi32>, vector<16xi32>], vector<16xf32>,
      %while3A_1044 = arith.constant 0 : i32
      scf.yield %while3A_1044 : i32
    }
    %while3A_466 = arith.constant 1 : i32
    %while3A_467 = scf.for %while3A_956 = %while3A_463 to %while3A_459 step %while3A_466 iter_args(%while3A_957 = %while3A_465) -> (i32)  : i32 {
      %get3A = arith.constant 1 : i32
      %get3A_958 = arith.index_cast %get3A : i32 to index
      %get3A_959 = arith.index_cast %while3A_956 : i32 to index
      %get3A_960 = arith.constant 0 : index
      %get3A_961 = tpu.vector_load %arg8[%get3A_958, %get3A_959, %get3A_960] {strides = array<i32>} : memref<2x125x128xi32, #tpu.memory_space<vmem>>, vector<16xi32>,
      %shift_right_arithmetic3A = arith.constant 4 : i32
      %shift_right_arithmetic3A_962 = vector.broadcast %shift_right_arithmetic3A : i32 to vector<16xi32>
      %shift_right_arithmetic3A_963 = arith.shrsi %get3A_961, %shift_right_arithmetic3A_962 : vector<16xi32>
      %and3A_964 = arith.constant 15 : i32
      %and3A_965 = vector.broadcast %and3A_964 : i32 to vector<16xi32>
      %and3A_966 = arith.andi %get3A_961, %and3A_965 : vector<16xi32>
      tpu.vector_store_idx %arg11[%shift_right_arithmetic3A_963, %and3A_966], %broadcast_in_dim3A_45 {add = true} : memref<625x16xf32, #tpu.memory_space<vmem>>[vector<16xi32>, vector<16xi32>], vector<16xf32>,
      %get3A_967 = arith.constant 1 : i32
      %get3A_968 = arith.index_cast %get3A_967 : i32 to index
      %get3A_969 = arith.index_cast %while3A_956 : i32 to index
      %get3A_970 = arith.constant 16 : index
      %get3A_971 = tpu.vector_load %arg8[%get3A_968, %get3A_969, %get3A_970] {strides = array<i32>} : memref<2x125x128xi32, #tpu.memory_space<vmem>>, vector<16xi32>,
      %shift_right_arithmetic3A_972 = arith.constant 4 : i32
      %shift_right_arithmetic3A_973 = vector.broadcast %shift_right_arithmetic3A_972 : i32 to vector<16xi32>
      %shift_right_arithmetic3A_974 = arith.shrsi %get3A_971, %shift_right_arithmetic3A_973 : vector<16xi32>
      %and3A_975 = arith.constant 15 : i32
      %and3A_976 = vector.broadcast %and3A_975 : i32 to vector<16xi32>
      %and3A_977 = arith.andi %get3A_971, %and3A_976 : vector<16xi32>
      tpu.vector_store_idx %arg11[%shift_right_arithmetic3A_974, %and3A_977], %broadcast_in_dim3A_45 {add = true} : memref<625x16xf32, #tpu.memory_space<vmem>>[vector<16xi32>, vector<16xi32>], vector<16xf32>,
      %get3A_978 = arith.constant 1 : i32
      %get3A_979 = arith.index_cast %get3A_978 : i32 to index
      %get3A_980 = arith.index_cast %while3A_956 : i32 to index
      %get3A_981 = arith.constant 32 : index
      %get3A_982 = tpu.vector_load %arg8[%get3A_979, %get3A_980, %get3A_981] {strides = array<i32>} : memref<2x125x128xi32, #tpu.memory_space<vmem>>, vector<16xi32>,
      %shift_right_arithmetic3A_983 = arith.constant 4 : i32
      %shift_right_arithmetic3A_984 = vector.broadcast %shift_right_arithmetic3A_983 : i32 to vector<16xi32>
      %shift_right_arithmetic3A_985 = arith.shrsi %get3A_982, %shift_right_arithmetic3A_984 : vector<16xi32>
      %and3A_986 = arith.constant 15 : i32
      %and3A_987 = vector.broadcast %and3A_986 : i32 to vector<16xi32>
      %and3A_988 = arith.andi %get3A_982, %and3A_987 : vector<16xi32>
      tpu.vector_store_idx %arg11[%shift_right_arithmetic3A_985, %and3A_988], %broadcast_in_dim3A_45 {add = true} : memref<625x16xf32, #tpu.memory_space<vmem>>[vector<16xi32>, vector<16xi32>], vector<16xf32>,
      %get3A_989 = arith.constant 1 : i32
      %get3A_990 = arith.index_cast %get3A_989 : i32 to index
      %get3A_991 = arith.index_cast %while3A_956 : i32 to index
      %get3A_992 = arith.constant 48 : index
      %get3A_993 = tpu.vector_load %arg8[%get3A_990, %get3A_991, %get3A_992] {strides = array<i32>} : memref<2x125x128xi32, #tpu.memory_space<vmem>>, vector<16xi32>,
      %shift_right_arithmetic3A_994 = arith.constant 4 : i32
      %shift_right_arithmetic3A_995 = vector.broadcast %shift_right_arithmetic3A_994 : i32 to vector<16xi32>
      %shift_right_arithmetic3A_996 = arith.shrsi %get3A_993, %shift_right_arithmetic3A_995 : vector<16xi32>
      %and3A_997 = arith.constant 15 : i32
      %and3A_998 = vector.broadcast %and3A_997 : i32 to vector<16xi32>
      %and3A_999 = arith.andi %get3A_993, %and3A_998 : vector<16xi32>
      tpu.vector_store_idx %arg11[%shift_right_arithmetic3A_996, %and3A_999], %broadcast_in_dim3A_45 {add = true} : memref<625x16xf32, #tpu.memory_space<vmem>>[vector<16xi32>, vector<16xi32>], vector<16xf32>,
      %get3A_1000 = arith.constant 1 : i32
      %get3A_1001 = arith.index_cast %get3A_1000 : i32 to index
      %get3A_1002 = arith.index_cast %while3A_956 : i32 to index
      %get3A_1003 = arith.constant 64 : index
      %get3A_1004 = tpu.vector_load %arg8[%get3A_1001, %get3A_1002, %get3A_1003] {strides = array<i32>} : memref<2x125x128xi32, #tpu.memory_space<vmem>>, vector<16xi32>,
      %shift_right_arithmetic3A_1005 = arith.constant 4 : i32
      %shift_right_arithmetic3A_1006 = vector.broadcast %shift_right_arithmetic3A_1005 : i32 to vector<16xi32>
      %shift_right_arithmetic3A_1007 = arith.shrsi %get3A_1004, %shift_right_arithmetic3A_1006 : vector<16xi32>
      %and3A_1008 = arith.constant 15 : i32
      %and3A_1009 = vector.broadcast %and3A_1008 : i32 to vector<16xi32>
      %and3A_1010 = arith.andi %get3A_1004, %and3A_1009 : vector<16xi32>
      tpu.vector_store_idx %arg11[%shift_right_arithmetic3A_1007, %and3A_1010], %broadcast_in_dim3A_45 {add = true} : memref<625x16xf32, #tpu.memory_space<vmem>>[vector<16xi32>, vector<16xi32>], vector<16xf32>,
      %get3A_1011 = arith.constant 1 : i32
      %get3A_1012 = arith.index_cast %get3A_1011 : i32 to index
      %get3A_1013 = arith.index_cast %while3A_956 : i32 to index
      %get3A_1014 = arith.constant 80 : index
      %get3A_1015 = tpu.vector_load %arg8[%get3A_1012, %get3A_1013, %get3A_1014] {strides = array<i32>} : memref<2x125x128xi32, #tpu.memory_space<vmem>>, vector<16xi32>,
      %shift_right_arithmetic3A_1016 = arith.constant 4 : i32
      %shift_right_arithmetic3A_1017 = vector.broadcast %shift_right_arithmetic3A_1016 : i32 to vector<16xi32>
      %shift_right_arithmetic3A_1018 = arith.shrsi %get3A_1015, %shift_right_arithmetic3A_1017 : vector<16xi32>
      %and3A_1019 = arith.constant 15 : i32
      %and3A_1020 = vector.broadcast %and3A_1019 : i32 to vector<16xi32>
      %and3A_1021 = arith.andi %get3A_1015, %and3A_1020 : vector<16xi32>
      tpu.vector_store_idx %arg11[%shift_right_arithmetic3A_1018, %and3A_1021], %broadcast_in_dim3A_45 {add = true} : memref<625x16xf32, #tpu.memory_space<vmem>>[vector<16xi32>, vector<16xi32>], vector<16xf32>,
      %get3A_1022 = arith.constant 1 : i32
      %get3A_1023 = arith.index_cast %get3A_1022 : i32 to index
      %get3A_1024 = arith.index_cast %while3A_956 : i32 to index
      %get3A_1025 = arith.constant 96 : index
      %get3A_1026 = tpu.vector_load %arg8[%get3A_1023, %get3A_1024, %get3A_1025] {strides = array<i32>} : memref<2x125x128xi32, #tpu.memory_space<vmem>>, vector<16xi32>,
      %shift_right_arithmetic3A_1027 = arith.constant 4 : i32
      %shift_right_arithmetic3A_1028 = vector.broadcast %shift_right_arithmetic3A_1027 : i32 to vector<16xi32>
      %shift_right_arithmetic3A_1029 = arith.shrsi %get3A_1026, %shift_right_arithmetic3A_1028 : vector<16xi32>
      %and3A_1030 = arith.constant 15 : i32
      %and3A_1031 = vector.broadcast %and3A_1030 : i32 to vector<16xi32>
      %and3A_1032 = arith.andi %get3A_1026, %and3A_1031 : vector<16xi32>
      tpu.vector_store_idx %arg11[%shift_right_arithmetic3A_1029, %and3A_1032], %broadcast_in_dim3A_45 {add = true} : memref<625x16xf32, #tpu.memory_space<vmem>>[vector<16xi32>, vector<16xi32>], vector<16xf32>,
      %get3A_1033 = arith.constant 1 : i32
      %get3A_1034 = arith.index_cast %get3A_1033 : i32 to index
      %get3A_1035 = arith.index_cast %while3A_956 : i32 to index
      %get3A_1036 = arith.constant 112 : index
      %get3A_1037 = tpu.vector_load %arg8[%get3A_1034, %get3A_1035, %get3A_1036] {strides = array<i32>} : memref<2x125x128xi32, #tpu.memory_space<vmem>>, vector<16xi32>,
      %shift_right_arithmetic3A_1038 = arith.constant 4 : i32
      %shift_right_arithmetic3A_1039 = vector.broadcast %shift_right_arithmetic3A_1038 : i32 to vector<16xi32>
      %shift_right_arithmetic3A_1040 = arith.shrsi %get3A_1037, %shift_right_arithmetic3A_1039 : vector<16xi32>
      %and3A_1041 = arith.constant 15 : i32
      %and3A_1042 = vector.broadcast %and3A_1041 : i32 to vector<16xi32>
      %and3A_1043 = arith.andi %get3A_1037, %and3A_1042 : vector<16xi32>
      tpu.vector_store_idx %arg11[%shift_right_arithmetic3A_1040, %and3A_1043], %broadcast_in_dim3A_45 {add = true} : memref<625x16xf32, #tpu.memory_space<vmem>>[vector<16xi32>, vector<16xi32>], vector<16xf32>,
      %while3A_1044 = arith.constant 0 : i32
      scf.yield %while3A_1044 : i32
    }
    %dma_wait3A_468 = arith.constant 0 : i32
    %dma_wait3A_469 = arith.constant 0 : i32
    %dma_wait3A_470 = arith.constant 0 : i32
    %dma_wait3A_471 = tpu.memref_slice %arg7[%dma_wait3A_468, %dma_wait3A_469, %dma_wait3A_470] : memref<2x125x128xf32, #tpu.memory_space<vmem>> -> memref<1x125x128xf32, #tpu.memory_space<vmem>>
    %dma_wait3A_472 = tpu.memref_squeeze %dma_wait3A_471 : memref<1x125x128xf32, #tpu.memory_space<vmem>> -> memref<125x128xf32, #tpu.memory_space<vmem>>
    %dma_wait3A_473 = arith.constant 0 : i32
    %dma_wait3A_474 = tpu.memref_slice %arg2[%select_n3A, %add3A_416, %select_n3A_28, %dma_wait3A_473] : memref<2x2500x8x128xf32, #tpu.memory_space<hbm>> -> memref<1x125x1x128xf32, #tpu.memory_space<hbm>>
    %dma_wait3A_475 = tpu.memref_squeeze %dma_wait3A_474 : memref<1x125x1x128xf32, #tpu.memory_space<hbm>> -> memref<125x128xf32, #tpu.memory_space<hbm>>
    %dma_wait3A_476 = arith.constant 0 : i32
    %dma_wait3A_477 = arith.constant 0 : i32
    %dma_wait3A_478 = tpu.memref_slice %arg7[%dma_wait3A_468, %dma_wait3A_476, %dma_wait3A_477] : memref<2x125x128xf32, #tpu.memory_space<vmem>> -> memref<1x125x128xf32, #tpu.memory_space<vmem>>
    %dma_wait3A_479 = tpu.memref_squeeze %dma_wait3A_478 : memref<1x125x128xf32, #tpu.memory_space<vmem>> -> memref<125x128xf32, #tpu.memory_space<vmem>>
    %dma_wait3A_480 = arith.constant 0 : i32
    %dma_wait3A_481 = tpu.memref_slice %arg2[%select_n3A, %add3A_416, %select_n3A_28, %dma_wait3A_480] : memref<2x2500x8x128xf32, #tpu.memory_space<hbm>> -> memref<1x125x1x128xf32, #tpu.memory_space<hbm>>
    %dma_wait3A_482 = tpu.memref_squeeze %dma_wait3A_481 : memref<1x125x1x128xf32, #tpu.memory_space<hbm>> -> memref<125x128xf32, #tpu.memory_space<hbm>>
    tpu.wait_dma2 semaphore(%arg13 : memref<!tpu.dma_semaphore, #tpu.memory_space<semaphore_mem>>) src(%dma_wait3A_482 : memref<125x128xf32, #tpu.memory_space<hbm>>) dst(%dma_wait3A_479 : memref<125x128xf32, #tpu.memory_space<vmem>>)
    %dma_wait3A_483 = arith.constant 1 : i32
    %dma_wait3A_484 = arith.constant 0 : i32
    %dma_wait3A_485 = arith.constant 0 : i32
    %dma_wait3A_486 = arith.constant 0 : i32
    %dma_wait3A_487 = tpu.memref_slice %arg8[%dma_wait3A_484, %dma_wait3A_485, %dma_wait3A_486] : memref<2x125x128xi32, #tpu.memory_space<vmem>> -> memref<1x125x128xi32, #tpu.memory_space<vmem>>
    %dma_wait3A_488 = tpu.memref_squeeze %dma_wait3A_487 : memref<1x125x128xi32, #tpu.memory_space<vmem>> -> memref<125x128xi32, #tpu.memory_space<vmem>>
    %dma_wait3A_489 = arith.constant 0 : i32
    %dma_wait3A_490 = tpu.memref_slice %arg3[%add3A_433, %dma_wait3A_483, %dma_wait3A_489] : memref<2500x2x128xi32, #tpu.memory_space<hbm>> -> memref<125x1x128xi32, #tpu.memory_space<hbm>>
    %dma_wait3A_491 = tpu.memref_squeeze %dma_wait3A_490 : memref<125x1x128xi32, #tpu.memory_space<hbm>> -> memref<125x128xi32, #tpu.memory_space<hbm>>
    %dma_wait3A_492 = arith.constant 0 : i32
    %dma_wait3A_493 = arith.constant 0 : i32
    %dma_wait3A_494 = tpu.memref_slice %arg8[%dma_wait3A_484, %dma_wait3A_492, %dma_wait3A_493] : memref<2x125x128xi32, #tpu.memory_space<vmem>> -> memref<1x125x128xi32, #tpu.memory_space<vmem>>
    %dma_wait3A_495 = tpu.memref_squeeze %dma_wait3A_494 : memref<1x125x128xi32, #tpu.memory_space<vmem>> -> memref<125x128xi32, #tpu.memory_space<vmem>>
    %dma_wait3A_496 = arith.constant 0 : i32
    %dma_wait3A_497 = tpu.memref_slice %arg3[%add3A_433, %dma_wait3A_483, %dma_wait3A_496] : memref<2500x2x128xi32, #tpu.memory_space<hbm>> -> memref<125x1x128xi32, #tpu.memory_space<hbm>>
    %dma_wait3A_498 = tpu.memref_squeeze %dma_wait3A_497 : memref<125x1x128xi32, #tpu.memory_space<hbm>> -> memref<125x128xi32, #tpu.memory_space<hbm>>
    tpu.wait_dma2 semaphore(%arg13 : memref<!tpu.dma_semaphore, #tpu.memory_space<semaphore_mem>>) src(%dma_wait3A_498 : memref<125x128xi32, #tpu.memory_space<hbm>>) dst(%dma_wait3A_495 : memref<125x128xi32, #tpu.memory_space<vmem>>)
    %add3A_499 = arith.constant 625 : i32
    %add3A_500 = arith.addi %mul3A_44, %add3A_499 : i32
    %dma_start3A_501 = arith.constant 1 : i32
    %dma_start3A_502 = arith.constant 0 : i32
    %dma_start3A_503 = arith.constant 0 : i32
    %dma_start3A_504 = tpu.memref_slice %arg7[%dma_start3A_501, %dma_start3A_502, %dma_start3A_503] : memref<2x125x128xf32, #tpu.memory_space<vmem>> -> memref<1x125x128xf32, #tpu.memory_space<vmem>>
    %dma_start3A_505 = tpu.memref_squeeze %dma_start3A_504 : memref<1x125x128xf32, #tpu.memory_space<vmem>> -> memref<125x128xf32, #tpu.memory_space<vmem>>
    %dma_start3A_506 = arith.constant 0 : i32
    %dma_start3A_507 = tpu.memref_slice %arg2[%select_n3A, %add3A_500, %select_n3A_28, %dma_start3A_506] : memref<2x2500x8x128xf32, #tpu.memory_space<hbm>> -> memref<1x125x1x128xf32, #tpu.memory_space<hbm>>
    %dma_start3A_508 = tpu.memref_squeeze %dma_start3A_507 : memref<1x125x1x128xf32, #tpu.memory_space<hbm>> -> memref<125x128xf32, #tpu.memory_space<hbm>>
    %dma_start3A_509 = arith.constant 0 : i32
    %dma_start3A_510 = arith.constant 0 : i32
    %dma_start3A_511 = tpu.memref_slice %arg7[%dma_start3A_501, %dma_start3A_509, %dma_start3A_510] : memref<2x125x128xf32, #tpu.memory_space<vmem>> -> memref<1x125x128xf32, #tpu.memory_space<vmem>>
    %dma_start3A_512 = tpu.memref_squeeze %dma_start3A_511 : memref<1x125x128xf32, #tpu.memory_space<vmem>> -> memref<125x128xf32, #tpu.memory_space<vmem>>
    %dma_start3A_513 = arith.constant 0 : i32
    %dma_start3A_514 = tpu.memref_slice %arg2[%select_n3A, %add3A_500, %select_n3A_28, %dma_start3A_513] : memref<2x2500x8x128xf32, #tpu.memory_space<hbm>> -> memref<1x125x1x128xf32, #tpu.memory_space<hbm>>
    %dma_start3A_515 = tpu.memref_squeeze %dma_start3A_514 : memref<1x125x1x128xf32, #tpu.memory_space<hbm>> -> memref<125x128xf32, #tpu.memory_space<hbm>>
    tpu.enqueue_dma source(%dma_start3A_515 : memref<125x128xf32, #tpu.memory_space<hbm>>) target(%dma_start3A_512 : memref<125x128xf32, #tpu.memory_space<vmem>>) target_semaphore(%arg13 : memref<!tpu.dma_semaphore, #tpu.memory_space<semaphore_mem>>)
    %add3A_516 = arith.constant 625 : i32
    %add3A_517 = arith.addi %mul3A_44, %add3A_516 : i32
    %dma_start3A_518 = arith.constant 1 : i32
    %dma_start3A_519 = arith.constant 1 : i32
    %dma_start3A_520 = arith.constant 0 : i32
    %dma_start3A_521 = arith.constant 0 : i32
    %dma_start3A_522 = tpu.memref_slice %arg8[%dma_start3A_519, %dma_start3A_520, %dma_start3A_521] : memref<2x125x128xi32, #tpu.memory_space<vmem>> -> memref<1x125x128xi32, #tpu.memory_space<vmem>>
    %dma_start3A_523 = tpu.memref_squeeze %dma_start3A_522 : memref<1x125x128xi32, #tpu.memory_space<vmem>> -> memref<125x128xi32, #tpu.memory_space<vmem>>
    %dma_start3A_524 = arith.constant 0 : i32
    %dma_start3A_525 = tpu.memref_slice %arg3[%add3A_517, %dma_start3A_518, %dma_start3A_524] : memref<2500x2x128xi32, #tpu.memory_space<hbm>> -> memref<125x1x128xi32, #tpu.memory_space<hbm>>
    %dma_start3A_526 = tpu.memref_squeeze %dma_start3A_525 : memref<125x1x128xi32, #tpu.memory_space<hbm>> -> memref<125x128xi32, #tpu.memory_space<hbm>>
    %dma_start3A_527 = arith.constant 0 : i32
    %dma_start3A_528 = arith.constant 0 : i32
    %dma_start3A_529 = tpu.memref_slice %arg8[%dma_start3A_519, %dma_start3A_527, %dma_start3A_528] : memref<2x125x128xi32, #tpu.memory_space<vmem>> -> memref<1x125x128xi32, #tpu.memory_space<vmem>>
    %dma_start3A_530 = tpu.memref_squeeze %dma_start3A_529 : memref<1x125x128xi32, #tpu.memory_space<vmem>> -> memref<125x128xi32, #tpu.memory_space<vmem>>
    %dma_start3A_531 = arith.constant 0 : i32
    %dma_start3A_532 = tpu.memref_slice %arg3[%add3A_517, %dma_start3A_518, %dma_start3A_531] : memref<2500x2x128xi32, #tpu.memory_space<hbm>> -> memref<125x1x128xi32, #tpu.memory_space<hbm>>
    %dma_start3A_533 = tpu.memref_squeeze %dma_start3A_532 : memref<125x1x128xi32, #tpu.memory_space<hbm>> -> memref<125x128xi32, #tpu.memory_space<hbm>>
    tpu.enqueue_dma source(%dma_start3A_533 : memref<125x128xi32, #tpu.memory_space<hbm>>) target(%dma_start3A_530 : memref<125x128xi32, #tpu.memory_space<vmem>>) target_semaphore(%arg13 : memref<!tpu.dma_semaphore, #tpu.memory_space<semaphore_mem>>)
    %scan3A_534 = arith.constant 0 : i32
    %scan3A_535 = arith.constant 0 : i32
    %scan3A_536 = arith.constant 125 : i32
    %scan3A_537 = arith.addi %scan3A_535, %scan3A_536 : i32
    %scan3A_538 = arith.constant 1 : i32
    %scan3A_539 = scf.for %scan3A_956 = %scan3A_535 to %scan3A_537 step %scan3A_538 iter_args(%scan3A_957 = %scan3A_534) -> (i32)  : i32 {
      %get3A = arith.constant 0 : i32
      %get3A_958 = arith.index_cast %get3A : i32 to index
      %get3A_959 = arith.index_cast %scan3A_956 : i32 to index
      %get3A_960 = arith.constant 0 : index
      %get3A_961 = tpu.vector_load %arg8[%get3A_958, %get3A_959, %get3A_960] {strides = array<i32>} : memref<2x125x128xi32, #tpu.memory_space<vmem>>, vector<16xi32>,
      %get3A_962 = arith.constant 0 : i32
      %get3A_963 = arith.index_cast %get3A_962 : i32 to index
      %get3A_964 = arith.index_cast %scan3A_956 : i32 to index
      %get3A_965 = arith.constant 0 : index
      %get3A_966 = tpu.vector_load %arg7[%get3A_963, %get3A_964, %get3A_965] {strides = array<i32>} : memref<2x125x128xf32, #tpu.memory_space<vmem>>, vector<16xf32>,
      %shift_right_arithmetic3A = arith.constant 4 : i32
      %shift_right_arithmetic3A_967 = vector.broadcast %shift_right_arithmetic3A : i32 to vector<16xi32>
      %shift_right_arithmetic3A_968 = arith.shrsi %get3A_961, %shift_right_arithmetic3A_967 : vector<16xi32>
      %and3A_969 = arith.constant 15 : i32
      %and3A_970 = vector.broadcast %and3A_969 : i32 to vector<16xi32>
      %and3A_971 = arith.andi %get3A_961, %and3A_970 : vector<16xi32>
      tpu.vector_store_idx %arg10[%shift_right_arithmetic3A_968, %and3A_971], %get3A_966 {add = true} : memref<625x16xf32, #tpu.memory_space<vmem>>[vector<16xi32>, vector<16xi32>], vector<16xf32>,
      %get3A_972 = arith.constant 0 : i32
      %get3A_973 = arith.index_cast %get3A_972 : i32 to index
      %get3A_974 = arith.index_cast %scan3A_956 : i32 to index
      %get3A_975 = arith.constant 16 : index
      %get3A_976 = tpu.vector_load %arg8[%get3A_973, %get3A_974, %get3A_975] {strides = array<i32>} : memref<2x125x128xi32, #tpu.memory_space<vmem>>, vector<16xi32>,
      %get3A_977 = arith.constant 0 : i32
      %get3A_978 = arith.index_cast %get3A_977 : i32 to index
      %get3A_979 = arith.index_cast %scan3A_956 : i32 to index
      %get3A_980 = arith.constant 16 : index
      %get3A_981 = tpu.vector_load %arg7[%get3A_978, %get3A_979, %get3A_980] {strides = array<i32>} : memref<2x125x128xf32, #tpu.memory_space<vmem>>, vector<16xf32>,
      %shift_right_arithmetic3A_982 = arith.constant 4 : i32
      %shift_right_arithmetic3A_983 = vector.broadcast %shift_right_arithmetic3A_982 : i32 to vector<16xi32>
      %shift_right_arithmetic3A_984 = arith.shrsi %get3A_976, %shift_right_arithmetic3A_983 : vector<16xi32>
      %and3A_985 = arith.constant 15 : i32
      %and3A_986 = vector.broadcast %and3A_985 : i32 to vector<16xi32>
      %and3A_987 = arith.andi %get3A_976, %and3A_986 : vector<16xi32>
      tpu.vector_store_idx %arg10[%shift_right_arithmetic3A_984, %and3A_987], %get3A_981 {add = true} : memref<625x16xf32, #tpu.memory_space<vmem>>[vector<16xi32>, vector<16xi32>], vector<16xf32>,
      %get3A_988 = arith.constant 0 : i32
      %get3A_989 = arith.index_cast %get3A_988 : i32 to index
      %get3A_990 = arith.index_cast %scan3A_956 : i32 to index
      %get3A_991 = arith.constant 32 : index
      %get3A_992 = tpu.vector_load %arg8[%get3A_989, %get3A_990, %get3A_991] {strides = array<i32>} : memref<2x125x128xi32, #tpu.memory_space<vmem>>, vector<16xi32>,
      %get3A_993 = arith.constant 0 : i32
      %get3A_994 = arith.index_cast %get3A_993 : i32 to index
      %get3A_995 = arith.index_cast %scan3A_956 : i32 to index
      %get3A_996 = arith.constant 32 : index
      %get3A_997 = tpu.vector_load %arg7[%get3A_994, %get3A_995, %get3A_996] {strides = array<i32>} : memref<2x125x128xf32, #tpu.memory_space<vmem>>, vector<16xf32>,
      %shift_right_arithmetic3A_998 = arith.constant 4 : i32
      %shift_right_arithmetic3A_999 = vector.broadcast %shift_right_arithmetic3A_998 : i32 to vector<16xi32>
      %shift_right_arithmetic3A_1000 = arith.shrsi %get3A_992, %shift_right_arithmetic3A_999 : vector<16xi32>
      %and3A_1001 = arith.constant 15 : i32
      %and3A_1002 = vector.broadcast %and3A_1001 : i32 to vector<16xi32>
      %and3A_1003 = arith.andi %get3A_992, %and3A_1002 : vector<16xi32>
      tpu.vector_store_idx %arg10[%shift_right_arithmetic3A_1000, %and3A_1003], %get3A_997 {add = true} : memref<625x16xf32, #tpu.memory_space<vmem>>[vector<16xi32>, vector<16xi32>], vector<16xf32>,
      %get3A_1004 = arith.constant 0 : i32
      %get3A_1005 = arith.index_cast %get3A_1004 : i32 to index
      %get3A_1006 = arith.index_cast %scan3A_956 : i32 to index
      %get3A_1007 = arith.constant 48 : index
      %get3A_1008 = tpu.vector_load %arg8[%get3A_1005, %get3A_1006, %get3A_1007] {strides = array<i32>} : memref<2x125x128xi32, #tpu.memory_space<vmem>>, vector<16xi32>,
      %get3A_1009 = arith.constant 0 : i32
      %get3A_1010 = arith.index_cast %get3A_1009 : i32 to index
      %get3A_1011 = arith.index_cast %scan3A_956 : i32 to index
      %get3A_1012 = arith.constant 48 : index
      %get3A_1013 = tpu.vector_load %arg7[%get3A_1010, %get3A_1011, %get3A_1012] {strides = array<i32>} : memref<2x125x128xf32, #tpu.memory_space<vmem>>, vector<16xf32>,
      %shift_right_arithmetic3A_1014 = arith.constant 4 : i32
      %shift_right_arithmetic3A_1015 = vector.broadcast %shift_right_arithmetic3A_1014 : i32 to vector<16xi32>
      %shift_right_arithmetic3A_1016 = arith.shrsi %get3A_1008, %shift_right_arithmetic3A_1015 : vector<16xi32>
      %and3A_1017 = arith.constant 15 : i32
      %and3A_1018 = vector.broadcast %and3A_1017 : i32 to vector<16xi32>
      %and3A_1019 = arith.andi %get3A_1008, %and3A_1018 : vector<16xi32>
      tpu.vector_store_idx %arg10[%shift_right_arithmetic3A_1016, %and3A_1019], %get3A_1013 {add = true} : memref<625x16xf32, #tpu.memory_space<vmem>>[vector<16xi32>, vector<16xi32>], vector<16xf32>,
      %get3A_1020 = arith.constant 0 : i32
      %get3A_1021 = arith.index_cast %get3A_1020 : i32 to index
      %get3A_1022 = arith.index_cast %scan3A_956 : i32 to index
      %get3A_1023 = arith.constant 64 : index
      %get3A_1024 = tpu.vector_load %arg8[%get3A_1021, %get3A_1022, %get3A_1023] {strides = array<i32>} : memref<2x125x128xi32, #tpu.memory_space<vmem>>, vector<16xi32>,
      %get3A_1025 = arith.constant 0 : i32
      %get3A_1026 = arith.index_cast %get3A_1025 : i32 to index
      %get3A_1027 = arith.index_cast %scan3A_956 : i32 to index
      %get3A_1028 = arith.constant 64 : index
      %get3A_1029 = tpu.vector_load %arg7[%get3A_1026, %get3A_1027, %get3A_1028] {strides = array<i32>} : memref<2x125x128xf32, #tpu.memory_space<vmem>>, vector<16xf32>,
      %shift_right_arithmetic3A_1030 = arith.constant 4 : i32
      %shift_right_arithmetic3A_1031 = vector.broadcast %shift_right_arithmetic3A_1030 : i32 to vector<16xi32>
      %shift_right_arithmetic3A_1032 = arith.shrsi %get3A_1024, %shift_right_arithmetic3A_1031 : vector<16xi32>
      %and3A_1033 = arith.constant 15 : i32
      %and3A_1034 = vector.broadcast %and3A_1033 : i32 to vector<16xi32>
      %and3A_1035 = arith.andi %get3A_1024, %and3A_1034 : vector<16xi32>
      tpu.vector_store_idx %arg10[%shift_right_arithmetic3A_1032, %and3A_1035], %get3A_1029 {add = true} : memref<625x16xf32, #tpu.memory_space<vmem>>[vector<16xi32>, vector<16xi32>], vector<16xf32>,
      %get3A_1036 = arith.constant 0 : i32
      %get3A_1037 = arith.index_cast %get3A_1036 : i32 to index
      %get3A_1038 = arith.index_cast %scan3A_956 : i32 to index
      %get3A_1039 = arith.constant 80 : index
      %get3A_1040 = tpu.vector_load %arg8[%get3A_1037, %get3A_1038, %get3A_1039] {strides = array<i32>} : memref<2x125x128xi32, #tpu.memory_space<vmem>>, vector<16xi32>,
      %get3A_1041 = arith.constant 0 : i32
      %get3A_1042 = arith.index_cast %get3A_1041 : i32 to index
      %get3A_1043 = arith.index_cast %scan3A_956 : i32 to index
      %get3A_1044 = arith.constant 80 : index
      %get3A_1045 = tpu.vector_load %arg7[%get3A_1042, %get3A_1043, %get3A_1044] {strides = array<i32>} : memref<2x125x128xf32, #tpu.memory_space<vmem>>, vector<16xf32>,
      %shift_right_arithmetic3A_1046 = arith.constant 4 : i32
      %shift_right_arithmetic3A_1047 = vector.broadcast %shift_right_arithmetic3A_1046 : i32 to vector<16xi32>
      %shift_right_arithmetic3A_1048 = arith.shrsi %get3A_1040, %shift_right_arithmetic3A_1047 : vector<16xi32>
      %and3A_1049 = arith.constant 15 : i32
      %and3A_1050 = vector.broadcast %and3A_1049 : i32 to vector<16xi32>
      %and3A_1051 = arith.andi %get3A_1040, %and3A_1050 : vector<16xi32>
      tpu.vector_store_idx %arg10[%shift_right_arithmetic3A_1048, %and3A_1051], %get3A_1045 {add = true} : memref<625x16xf32, #tpu.memory_space<vmem>>[vector<16xi32>, vector<16xi32>], vector<16xf32>,
      %get3A_1052 = arith.constant 0 : i32
      %get3A_1053 = arith.index_cast %get3A_1052 : i32 to index
      %get3A_1054 = arith.index_cast %scan3A_956 : i32 to index
      %get3A_1055 = arith.constant 96 : index
      %get3A_1056 = tpu.vector_load %arg8[%get3A_1053, %get3A_1054, %get3A_1055] {strides = array<i32>} : memref<2x125x128xi32, #tpu.memory_space<vmem>>, vector<16xi32>,
      %get3A_1057 = arith.constant 0 : i32
      %get3A_1058 = arith.index_cast %get3A_1057 : i32 to index
      %get3A_1059 = arith.index_cast %scan3A_956 : i32 to index
      %get3A_1060 = arith.constant 96 : index
      %get3A_1061 = tpu.vector_load %arg7[%get3A_1058, %get3A_1059, %get3A_1060] {strides = array<i32>} : memref<2x125x128xf32, #tpu.memory_space<vmem>>, vector<16xf32>,
      %shift_right_arithmetic3A_1062 = arith.constant 4 : i32
      %shift_right_arithmetic3A_1063 = vector.broadcast %shift_right_arithmetic3A_1062 : i32 to vector<16xi32>
      %shift_right_arithmetic3A_1064 = arith.shrsi %get3A_1056, %shift_right_arithmetic3A_1063 : vector<16xi32>
      %and3A_1065 = arith.constant 15 : i32
      %and3A_1066 = vector.broadcast %and3A_1065 : i32 to vector<16xi32>
      %and3A_1067 = arith.andi %get3A_1056, %and3A_1066 : vector<16xi32>
      tpu.vector_store_idx %arg10[%shift_right_arithmetic3A_1064, %and3A_1067], %get3A_1061 {add = true} : memref<625x16xf32, #tpu.memory_space<vmem>>[vector<16xi32>, vector<16xi32>], vector<16xf32>,
      %get3A_1068 = arith.constant 0 : i32
      %get3A_1069 = arith.index_cast %get3A_1068 : i32 to index
      %get3A_1070 = arith.index_cast %scan3A_956 : i32 to index
      %get3A_1071 = arith.constant 112 : index
      %get3A_1072 = tpu.vector_load %arg8[%get3A_1069, %get3A_1070, %get3A_1071] {strides = array<i32>} : memref<2x125x128xi32, #tpu.memory_space<vmem>>, vector<16xi32>,
      %get3A_1073 = arith.constant 0 : i32
      %get3A_1074 = arith.index_cast %get3A_1073 : i32 to index
      %get3A_1075 = arith.index_cast %scan3A_956 : i32 to index
      %get3A_1076 = arith.constant 112 : index
      %get3A_1077 = tpu.vector_load %arg7[%get3A_1074, %get3A_1075, %get3A_1076] {strides = array<i32>} : memref<2x125x128xf32, #tpu.memory_space<vmem>>, vector<16xf32>,
      %shift_right_arithmetic3A_1078 = arith.constant 4 : i32
      %shift_right_arithmetic3A_1079 = vector.broadcast %shift_right_arithmetic3A_1078 : i32 to vector<16xi32>
      %shift_right_arithmetic3A_1080 = arith.shrsi %get3A_1072, %shift_right_arithmetic3A_1079 : vector<16xi32>
      %and3A_1081 = arith.constant 15 : i32
      %and3A_1082 = vector.broadcast %and3A_1081 : i32 to vector<16xi32>
      %and3A_1083 = arith.andi %get3A_1072, %and3A_1082 : vector<16xi32>
      tpu.vector_store_idx %arg10[%shift_right_arithmetic3A_1080, %and3A_1083], %get3A_1077 {add = true} : memref<625x16xf32, #tpu.memory_space<vmem>>[vector<16xi32>, vector<16xi32>], vector<16xf32>,
      %scan3A_1084 = arith.constant 0 : i32
      scf.yield %scan3A_1084 : i32
    }
    %scan3A_540 = arith.constant 125 : i32
    %while3A_541 = arith.constant 0 : i32
    %while3A_542 = arith.subi %select_n3A_99, %select_n3A_71 : i32
    %while3A_543 = arith.addi %select_n3A_71, %while3A_542 : i32
    %while3A_544 = arith.constant 1 : i32
    %while3A_545 = arith.divsi %while3A_542, %while3A_544 : i32
    %while3A_546 = arith.muli %while3A_545, %while3A_544 : i32
    %while3A_547 = arith.addi %select_n3A_71, %while3A_546 : i32
    %while3A_548 = arith.constant 1 : i32
    %while3A_549 = scf.for %while3A_956 = %select_n3A_71 to %while3A_547 step %while3A_548 iter_args(%while3A_957 = %while3A_541) -> (i32)  : i32 {
      %get3A = arith.constant 0 : i32
      %get3A_958 = arith.index_cast %get3A : i32 to index
      %get3A_959 = arith.index_cast %while3A_956 : i32 to index
      %get3A_960 = arith.constant 0 : index
      %get3A_961 = tpu.vector_load %arg8[%get3A_958, %get3A_959, %get3A_960] {strides = array<i32>} : memref<2x125x128xi32, #tpu.memory_space<vmem>>, vector<16xi32>,
      %shift_right_arithmetic3A = arith.constant 4 : i32
      %shift_right_arithmetic3A_962 = vector.broadcast %shift_right_arithmetic3A : i32 to vector<16xi32>
      %shift_right_arithmetic3A_963 = arith.shrsi %get3A_961, %shift_right_arithmetic3A_962 : vector<16xi32>
      %and3A_964 = arith.constant 15 : i32
      %and3A_965 = vector.broadcast %and3A_964 : i32 to vector<16xi32>
      %and3A_966 = arith.andi %get3A_961, %and3A_965 : vector<16xi32>
      tpu.vector_store_idx %arg11[%shift_right_arithmetic3A_963, %and3A_966], %broadcast_in_dim3A_45 {add = true} : memref<625x16xf32, #tpu.memory_space<vmem>>[vector<16xi32>, vector<16xi32>], vector<16xf32>,
      %get3A_967 = arith.constant 0 : i32
      %get3A_968 = arith.index_cast %get3A_967 : i32 to index
      %get3A_969 = arith.index_cast %while3A_956 : i32 to index
      %get3A_970 = arith.constant 16 : index
      %get3A_971 = tpu.vector_load %arg8[%get3A_968, %get3A_969, %get3A_970] {strides = array<i32>} : memref<2x125x128xi32, #tpu.memory_space<vmem>>, vector<16xi32>,
      %shift_right_arithmetic3A_972 = arith.constant 4 : i32
      %shift_right_arithmetic3A_973 = vector.broadcast %shift_right_arithmetic3A_972 : i32 to vector<16xi32>
      %shift_right_arithmetic3A_974 = arith.shrsi %get3A_971, %shift_right_arithmetic3A_973 : vector<16xi32>
      %and3A_975 = arith.constant 15 : i32
      %and3A_976 = vector.broadcast %and3A_975 : i32 to vector<16xi32>
      %and3A_977 = arith.andi %get3A_971, %and3A_976 : vector<16xi32>
      tpu.vector_store_idx %arg11[%shift_right_arithmetic3A_974, %and3A_977], %broadcast_in_dim3A_45 {add = true} : memref<625x16xf32, #tpu.memory_space<vmem>>[vector<16xi32>, vector<16xi32>], vector<16xf32>,
      %get3A_978 = arith.constant 0 : i32
      %get3A_979 = arith.index_cast %get3A_978 : i32 to index
      %get3A_980 = arith.index_cast %while3A_956 : i32 to index
      %get3A_981 = arith.constant 32 : index
      %get3A_982 = tpu.vector_load %arg8[%get3A_979, %get3A_980, %get3A_981] {strides = array<i32>} : memref<2x125x128xi32, #tpu.memory_space<vmem>>, vector<16xi32>,
      %shift_right_arithmetic3A_983 = arith.constant 4 : i32
      %shift_right_arithmetic3A_984 = vector.broadcast %shift_right_arithmetic3A_983 : i32 to vector<16xi32>
      %shift_right_arithmetic3A_985 = arith.shrsi %get3A_982, %shift_right_arithmetic3A_984 : vector<16xi32>
      %and3A_986 = arith.constant 15 : i32
      %and3A_987 = vector.broadcast %and3A_986 : i32 to vector<16xi32>
      %and3A_988 = arith.andi %get3A_982, %and3A_987 : vector<16xi32>
      tpu.vector_store_idx %arg11[%shift_right_arithmetic3A_985, %and3A_988], %broadcast_in_dim3A_45 {add = true} : memref<625x16xf32, #tpu.memory_space<vmem>>[vector<16xi32>, vector<16xi32>], vector<16xf32>,
      %get3A_989 = arith.constant 0 : i32
      %get3A_990 = arith.index_cast %get3A_989 : i32 to index
      %get3A_991 = arith.index_cast %while3A_956 : i32 to index
      %get3A_992 = arith.constant 48 : index
      %get3A_993 = tpu.vector_load %arg8[%get3A_990, %get3A_991, %get3A_992] {strides = array<i32>} : memref<2x125x128xi32, #tpu.memory_space<vmem>>, vector<16xi32>,
      %shift_right_arithmetic3A_994 = arith.constant 4 : i32
      %shift_right_arithmetic3A_995 = vector.broadcast %shift_right_arithmetic3A_994 : i32 to vector<16xi32>
      %shift_right_arithmetic3A_996 = arith.shrsi %get3A_993, %shift_right_arithmetic3A_995 : vector<16xi32>
      %and3A_997 = arith.constant 15 : i32
      %and3A_998 = vector.broadcast %and3A_997 : i32 to vector<16xi32>
      %and3A_999 = arith.andi %get3A_993, %and3A_998 : vector<16xi32>
      tpu.vector_store_idx %arg11[%shift_right_arithmetic3A_996, %and3A_999], %broadcast_in_dim3A_45 {add = true} : memref<625x16xf32, #tpu.memory_space<vmem>>[vector<16xi32>, vector<16xi32>], vector<16xf32>,
      %get3A_1000 = arith.constant 0 : i32
      %get3A_1001 = arith.index_cast %get3A_1000 : i32 to index
      %get3A_1002 = arith.index_cast %while3A_956 : i32 to index
      %get3A_1003 = arith.constant 64 : index
      %get3A_1004 = tpu.vector_load %arg8[%get3A_1001, %get3A_1002, %get3A_1003] {strides = array<i32>} : memref<2x125x128xi32, #tpu.memory_space<vmem>>, vector<16xi32>,
      %shift_right_arithmetic3A_1005 = arith.constant 4 : i32
      %shift_right_arithmetic3A_1006 = vector.broadcast %shift_right_arithmetic3A_1005 : i32 to vector<16xi32>
      %shift_right_arithmetic3A_1007 = arith.shrsi %get3A_1004, %shift_right_arithmetic3A_1006 : vector<16xi32>
      %and3A_1008 = arith.constant 15 : i32
      %and3A_1009 = vector.broadcast %and3A_1008 : i32 to vector<16xi32>
      %and3A_1010 = arith.andi %get3A_1004, %and3A_1009 : vector<16xi32>
      tpu.vector_store_idx %arg11[%shift_right_arithmetic3A_1007, %and3A_1010], %broadcast_in_dim3A_45 {add = true} : memref<625x16xf32, #tpu.memory_space<vmem>>[vector<16xi32>, vector<16xi32>], vector<16xf32>,
      %get3A_1011 = arith.constant 0 : i32
      %get3A_1012 = arith.index_cast %get3A_1011 : i32 to index
      %get3A_1013 = arith.index_cast %while3A_956 : i32 to index
      %get3A_1014 = arith.constant 80 : index
      %get3A_1015 = tpu.vector_load %arg8[%get3A_1012, %get3A_1013, %get3A_1014] {strides = array<i32>} : memref<2x125x128xi32, #tpu.memory_space<vmem>>, vector<16xi32>,
      %shift_right_arithmetic3A_1016 = arith.constant 4 : i32
      %shift_right_arithmetic3A_1017 = vector.broadcast %shift_right_arithmetic3A_1016 : i32 to vector<16xi32>
      %shift_right_arithmetic3A_1018 = arith.shrsi %get3A_1015, %shift_right_arithmetic3A_1017 : vector<16xi32>
      %and3A_1019 = arith.constant 15 : i32
      %and3A_1020 = vector.broadcast %and3A_1019 : i32 to vector<16xi32>
      %and3A_1021 = arith.andi %get3A_1015, %and3A_1020 : vector<16xi32>
      tpu.vector_store_idx %arg11[%shift_right_arithmetic3A_1018, %and3A_1021], %broadcast_in_dim3A_45 {add = true} : memref<625x16xf32, #tpu.memory_space<vmem>>[vector<16xi32>, vector<16xi32>], vector<16xf32>,
      %get3A_1022 = arith.constant 0 : i32
      %get3A_1023 = arith.index_cast %get3A_1022 : i32 to index
      %get3A_1024 = arith.index_cast %while3A_956 : i32 to index
      %get3A_1025 = arith.constant 96 : index
      %get3A_1026 = tpu.vector_load %arg8[%get3A_1023, %get3A_1024, %get3A_1025] {strides = array<i32>} : memref<2x125x128xi32, #tpu.memory_space<vmem>>, vector<16xi32>,
      %shift_right_arithmetic3A_1027 = arith.constant 4 : i32
      %shift_right_arithmetic3A_1028 = vector.broadcast %shift_right_arithmetic3A_1027 : i32 to vector<16xi32>
      %shift_right_arithmetic3A_1029 = arith.shrsi %get3A_1026, %shift_right_arithmetic3A_1028 : vector<16xi32>
      %and3A_1030 = arith.constant 15 : i32
      %and3A_1031 = vector.broadcast %and3A_1030 : i32 to vector<16xi32>
      %and3A_1032 = arith.andi %get3A_1026, %and3A_1031 : vector<16xi32>
      tpu.vector_store_idx %arg11[%shift_right_arithmetic3A_1029, %and3A_1032], %broadcast_in_dim3A_45 {add = true} : memref<625x16xf32, #tpu.memory_space<vmem>>[vector<16xi32>, vector<16xi32>], vector<16xf32>,
      %get3A_1033 = arith.constant 0 : i32
      %get3A_1034 = arith.index_cast %get3A_1033 : i32 to index
      %get3A_1035 = arith.index_cast %while3A_956 : i32 to index
      %get3A_1036 = arith.constant 112 : index
      %get3A_1037 = tpu.vector_load %arg8[%get3A_1034, %get3A_1035, %get3A_1036] {strides = array<i32>} : memref<2x125x128xi32, #tpu.memory_space<vmem>>, vector<16xi32>,
      %shift_right_arithmetic3A_1038 = arith.constant 4 : i32
      %shift_right_arithmetic3A_1039 = vector.broadcast %shift_right_arithmetic3A_1038 : i32 to vector<16xi32>
      %shift_right_arithmetic3A_1040 = arith.shrsi %get3A_1037, %shift_right_arithmetic3A_1039 : vector<16xi32>
      %and3A_1041 = arith.constant 15 : i32
      %and3A_1042 = vector.broadcast %and3A_1041 : i32 to vector<16xi32>
      %and3A_1043 = arith.andi %get3A_1037, %and3A_1042 : vector<16xi32>
      tpu.vector_store_idx %arg11[%shift_right_arithmetic3A_1040, %and3A_1043], %broadcast_in_dim3A_45 {add = true} : memref<625x16xf32, #tpu.memory_space<vmem>>[vector<16xi32>, vector<16xi32>], vector<16xf32>,
      %while3A_1044 = arith.constant 0 : i32
      scf.yield %while3A_1044 : i32
    }
    %while3A_550 = arith.constant 1 : i32
    %while3A_551 = scf.for %while3A_956 = %while3A_547 to %while3A_543 step %while3A_550 iter_args(%while3A_957 = %while3A_549) -> (i32)  : i32 {
      %get3A = arith.constant 0 : i32
      %get3A_958 = arith.index_cast %get3A : i32 to index
      %get3A_959 = arith.index_cast %while3A_956 : i32 to index
      %get3A_960 = arith.constant 0 : index
      %get3A_961 = tpu.vector_load %arg8[%get3A_958, %get3A_959, %get3A_960] {strides = array<i32>} : memref<2x125x128xi32, #tpu.memory_space<vmem>>, vector<16xi32>,
      %shift_right_arithmetic3A = arith.constant 4 : i32
      %shift_right_arithmetic3A_962 = vector.broadcast %shift_right_arithmetic3A : i32 to vector<16xi32>
      %shift_right_arithmetic3A_963 = arith.shrsi %get3A_961, %shift_right_arithmetic3A_962 : vector<16xi32>
      %and3A_964 = arith.constant 15 : i32
      %and3A_965 = vector.broadcast %and3A_964 : i32 to vector<16xi32>
      %and3A_966 = arith.andi %get3A_961, %and3A_965 : vector<16xi32>
      tpu.vector_store_idx %arg11[%shift_right_arithmetic3A_963, %and3A_966], %broadcast_in_dim3A_45 {add = true} : memref<625x16xf32, #tpu.memory_space<vmem>>[vector<16xi32>, vector<16xi32>], vector<16xf32>,
      %get3A_967 = arith.constant 0 : i32
      %get3A_968 = arith.index_cast %get3A_967 : i32 to index
      %get3A_969 = arith.index_cast %while3A_956 : i32 to index
      %get3A_970 = arith.constant 16 : index
      %get3A_971 = tpu.vector_load %arg8[%get3A_968, %get3A_969, %get3A_970] {strides = array<i32>} : memref<2x125x128xi32, #tpu.memory_space<vmem>>, vector<16xi32>,
      %shift_right_arithmetic3A_972 = arith.constant 4 : i32
      %shift_right_arithmetic3A_973 = vector.broadcast %shift_right_arithmetic3A_972 : i32 to vector<16xi32>
      %shift_right_arithmetic3A_974 = arith.shrsi %get3A_971, %shift_right_arithmetic3A_973 : vector<16xi32>
      %and3A_975 = arith.constant 15 : i32
      %and3A_976 = vector.broadcast %and3A_975 : i32 to vector<16xi32>
      %and3A_977 = arith.andi %get3A_971, %and3A_976 : vector<16xi32>
      tpu.vector_store_idx %arg11[%shift_right_arithmetic3A_974, %and3A_977], %broadcast_in_dim3A_45 {add = true} : memref<625x16xf32, #tpu.memory_space<vmem>>[vector<16xi32>, vector<16xi32>], vector<16xf32>,
      %get3A_978 = arith.constant 0 : i32
      %get3A_979 = arith.index_cast %get3A_978 : i32 to index
      %get3A_980 = arith.index_cast %while3A_956 : i32 to index
      %get3A_981 = arith.constant 32 : index
      %get3A_982 = tpu.vector_load %arg8[%get3A_979, %get3A_980, %get3A_981] {strides = array<i32>} : memref<2x125x128xi32, #tpu.memory_space<vmem>>, vector<16xi32>,
      %shift_right_arithmetic3A_983 = arith.constant 4 : i32
      %shift_right_arithmetic3A_984 = vector.broadcast %shift_right_arithmetic3A_983 : i32 to vector<16xi32>
      %shift_right_arithmetic3A_985 = arith.shrsi %get3A_982, %shift_right_arithmetic3A_984 : vector<16xi32>
      %and3A_986 = arith.constant 15 : i32
      %and3A_987 = vector.broadcast %and3A_986 : i32 to vector<16xi32>
      %and3A_988 = arith.andi %get3A_982, %and3A_987 : vector<16xi32>
      tpu.vector_store_idx %arg11[%shift_right_arithmetic3A_985, %and3A_988], %broadcast_in_dim3A_45 {add = true} : memref<625x16xf32, #tpu.memory_space<vmem>>[vector<16xi32>, vector<16xi32>], vector<16xf32>,
      %get3A_989 = arith.constant 0 : i32
      %get3A_990 = arith.index_cast %get3A_989 : i32 to index
      %get3A_991 = arith.index_cast %while3A_956 : i32 to index
      %get3A_992 = arith.constant 48 : index
      %get3A_993 = tpu.vector_load %arg8[%get3A_990, %get3A_991, %get3A_992] {strides = array<i32>} : memref<2x125x128xi32, #tpu.memory_space<vmem>>, vector<16xi32>,
      %shift_right_arithmetic3A_994 = arith.constant 4 : i32
      %shift_right_arithmetic3A_995 = vector.broadcast %shift_right_arithmetic3A_994 : i32 to vector<16xi32>
      %shift_right_arithmetic3A_996 = arith.shrsi %get3A_993, %shift_right_arithmetic3A_995 : vector<16xi32>
      %and3A_997 = arith.constant 15 : i32
      %and3A_998 = vector.broadcast %and3A_997 : i32 to vector<16xi32>
      %and3A_999 = arith.andi %get3A_993, %and3A_998 : vector<16xi32>
      tpu.vector_store_idx %arg11[%shift_right_arithmetic3A_996, %and3A_999], %broadcast_in_dim3A_45 {add = true} : memref<625x16xf32, #tpu.memory_space<vmem>>[vector<16xi32>, vector<16xi32>], vector<16xf32>,
      %get3A_1000 = arith.constant 0 : i32
      %get3A_1001 = arith.index_cast %get3A_1000 : i32 to index
      %get3A_1002 = arith.index_cast %while3A_956 : i32 to index
      %get3A_1003 = arith.constant 64 : index
      %get3A_1004 = tpu.vector_load %arg8[%get3A_1001, %get3A_1002, %get3A_1003] {strides = array<i32>} : memref<2x125x128xi32, #tpu.memory_space<vmem>>, vector<16xi32>,
      %shift_right_arithmetic3A_1005 = arith.constant 4 : i32
      %shift_right_arithmetic3A_1006 = vector.broadcast %shift_right_arithmetic3A_1005 : i32 to vector<16xi32>
      %shift_right_arithmetic3A_1007 = arith.shrsi %get3A_1004, %shift_right_arithmetic3A_1006 : vector<16xi32>
      %and3A_1008 = arith.constant 15 : i32
      %and3A_1009 = vector.broadcast %and3A_1008 : i32 to vector<16xi32>
      %and3A_1010 = arith.andi %get3A_1004, %and3A_1009 : vector<16xi32>
      tpu.vector_store_idx %arg11[%shift_right_arithmetic3A_1007, %and3A_1010], %broadcast_in_dim3A_45 {add = true} : memref<625x16xf32, #tpu.memory_space<vmem>>[vector<16xi32>, vector<16xi32>], vector<16xf32>,
      %get3A_1011 = arith.constant 0 : i32
      %get3A_1012 = arith.index_cast %get3A_1011 : i32 to index
      %get3A_1013 = arith.index_cast %while3A_956 : i32 to index
      %get3A_1014 = arith.constant 80 : index
      %get3A_1015 = tpu.vector_load %arg8[%get3A_1012, %get3A_1013, %get3A_1014] {strides = array<i32>} : memref<2x125x128xi32, #tpu.memory_space<vmem>>, vector<16xi32>,
      %shift_right_arithmetic3A_1016 = arith.constant 4 : i32
      %shift_right_arithmetic3A_1017 = vector.broadcast %shift_right_arithmetic3A_1016 : i32 to vector<16xi32>
      %shift_right_arithmetic3A_1018 = arith.shrsi %get3A_1015, %shift_right_arithmetic3A_1017 : vector<16xi32>
      %and3A_1019 = arith.constant 15 : i32
      %and3A_1020 = vector.broadcast %and3A_1019 : i32 to vector<16xi32>
      %and3A_1021 = arith.andi %get3A_1015, %and3A_1020 : vector<16xi32>
      tpu.vector_store_idx %arg11[%shift_right_arithmetic3A_1018, %and3A_1021], %broadcast_in_dim3A_45 {add = true} : memref<625x16xf32, #tpu.memory_space<vmem>>[vector<16xi32>, vector<16xi32>], vector<16xf32>,
      %get3A_1022 = arith.constant 0 : i32
      %get3A_1023 = arith.index_cast %get3A_1022 : i32 to index
      %get3A_1024 = arith.index_cast %while3A_956 : i32 to index
      %get3A_1025 = arith.constant 96 : index
      %get3A_1026 = tpu.vector_load %arg8[%get3A_1023, %get3A_1024, %get3A_1025] {strides = array<i32>} : memref<2x125x128xi32, #tpu.memory_space<vmem>>, vector<16xi32>,
      %shift_right_arithmetic3A_1027 = arith.constant 4 : i32
      %shift_right_arithmetic3A_1028 = vector.broadcast %shift_right_arithmetic3A_1027 : i32 to vector<16xi32>
      %shift_right_arithmetic3A_1029 = arith.shrsi %get3A_1026, %shift_right_arithmetic3A_1028 : vector<16xi32>
      %and3A_1030 = arith.constant 15 : i32
      %and3A_1031 = vector.broadcast %and3A_1030 : i32 to vector<16xi32>
      %and3A_1032 = arith.andi %get3A_1026, %and3A_1031 : vector<16xi32>
      tpu.vector_store_idx %arg11[%shift_right_arithmetic3A_1029, %and3A_1032], %broadcast_in_dim3A_45 {add = true} : memref<625x16xf32, #tpu.memory_space<vmem>>[vector<16xi32>, vector<16xi32>], vector<16xf32>,
      %get3A_1033 = arith.constant 0 : i32
      %get3A_1034 = arith.index_cast %get3A_1033 : i32 to index
      %get3A_1035 = arith.index_cast %while3A_956 : i32 to index
      %get3A_1036 = arith.constant 112 : index
      %get3A_1037 = tpu.vector_load %arg8[%get3A_1034, %get3A_1035, %get3A_1036] {strides = array<i32>} : memref<2x125x128xi32, #tpu.memory_space<vmem>>, vector<16xi32>,
      %shift_right_arithmetic3A_1038 = arith.constant 4 : i32
      %shift_right_arithmetic3A_1039 = vector.broadcast %shift_right_arithmetic3A_1038 : i32 to vector<16xi32>
      %shift_right_arithmetic3A_1040 = arith.shrsi %get3A_1037, %shift_right_arithmetic3A_1039 : vector<16xi32>
      %and3A_1041 = arith.constant 15 : i32
      %and3A_1042 = vector.broadcast %and3A_1041 : i32 to vector<16xi32>
      %and3A_1043 = arith.andi %get3A_1037, %and3A_1042 : vector<16xi32>
      tpu.vector_store_idx %arg11[%shift_right_arithmetic3A_1040, %and3A_1043], %broadcast_in_dim3A_45 {add = true} : memref<625x16xf32, #tpu.memory_space<vmem>>[vector<16xi32>, vector<16xi32>], vector<16xf32>,
      %while3A_1044 = arith.constant 0 : i32
      scf.yield %while3A_1044 : i32
    }
    %dma_wait3A_552 = arith.constant 1 : i32
    %dma_wait3A_553 = arith.constant 0 : i32
    %dma_wait3A_554 = arith.constant 0 : i32
    %dma_wait3A_555 = tpu.memref_slice %arg7[%dma_wait3A_552, %dma_wait3A_553, %dma_wait3A_554] : memref<2x125x128xf32, #tpu.memory_space<vmem>> -> memref<1x125x128xf32, #tpu.memory_space<vmem>>
    %dma_wait3A_556 = tpu.memref_squeeze %dma_wait3A_555 : memref<1x125x128xf32, #tpu.memory_space<vmem>> -> memref<125x128xf32, #tpu.memory_space<vmem>>
    %dma_wait3A_557 = arith.constant 0 : i32
    %dma_wait3A_558 = tpu.memref_slice %arg2[%select_n3A, %add3A_500, %select_n3A_28, %dma_wait3A_557] : memref<2x2500x8x128xf32, #tpu.memory_space<hbm>> -> memref<1x125x1x128xf32, #tpu.memory_space<hbm>>
    %dma_wait3A_559 = tpu.memref_squeeze %dma_wait3A_558 : memref<1x125x1x128xf32, #tpu.memory_space<hbm>> -> memref<125x128xf32, #tpu.memory_space<hbm>>
    %dma_wait3A_560 = arith.constant 0 : i32
    %dma_wait3A_561 = arith.constant 0 : i32
    %dma_wait3A_562 = tpu.memref_slice %arg7[%dma_wait3A_552, %dma_wait3A_560, %dma_wait3A_561] : memref<2x125x128xf32, #tpu.memory_space<vmem>> -> memref<1x125x128xf32, #tpu.memory_space<vmem>>
    %dma_wait3A_563 = tpu.memref_squeeze %dma_wait3A_562 : memref<1x125x128xf32, #tpu.memory_space<vmem>> -> memref<125x128xf32, #tpu.memory_space<vmem>>
    %dma_wait3A_564 = arith.constant 0 : i32
    %dma_wait3A_565 = tpu.memref_slice %arg2[%select_n3A, %add3A_500, %select_n3A_28, %dma_wait3A_564] : memref<2x2500x8x128xf32, #tpu.memory_space<hbm>> -> memref<1x125x1x128xf32, #tpu.memory_space<hbm>>
    %dma_wait3A_566 = tpu.memref_squeeze %dma_wait3A_565 : memref<1x125x1x128xf32, #tpu.memory_space<hbm>> -> memref<125x128xf32, #tpu.memory_space<hbm>>
    tpu.wait_dma2 semaphore(%arg13 : memref<!tpu.dma_semaphore, #tpu.memory_space<semaphore_mem>>) src(%dma_wait3A_566 : memref<125x128xf32, #tpu.memory_space<hbm>>) dst(%dma_wait3A_563 : memref<125x128xf32, #tpu.memory_space<vmem>>)
    %dma_wait3A_567 = arith.constant 1 : i32
    %dma_wait3A_568 = arith.constant 1 : i32
    %dma_wait3A_569 = arith.constant 0 : i32
    %dma_wait3A_570 = arith.constant 0 : i32
    %dma_wait3A_571 = tpu.memref_slice %arg8[%dma_wait3A_568, %dma_wait3A_569, %dma_wait3A_570] : memref<2x125x128xi32, #tpu.memory_space<vmem>> -> memref<1x125x128xi32, #tpu.memory_space<vmem>>
    %dma_wait3A_572 = tpu.memref_squeeze %dma_wait3A_571 : memref<1x125x128xi32, #tpu.memory_space<vmem>> -> memref<125x128xi32, #tpu.memory_space<vmem>>
    %dma_wait3A_573 = arith.constant 0 : i32
    %dma_wait3A_574 = tpu.memref_slice %arg3[%add3A_517, %dma_wait3A_567, %dma_wait3A_573] : memref<2500x2x128xi32, #tpu.memory_space<hbm>> -> memref<125x1x128xi32, #tpu.memory_space<hbm>>
    %dma_wait3A_575 = tpu.memref_squeeze %dma_wait3A_574 : memref<125x1x128xi32, #tpu.memory_space<hbm>> -> memref<125x128xi32, #tpu.memory_space<hbm>>
    %dma_wait3A_576 = arith.constant 0 : i32
    %dma_wait3A_577 = arith.constant 0 : i32
    %dma_wait3A_578 = tpu.memref_slice %arg8[%dma_wait3A_568, %dma_wait3A_576, %dma_wait3A_577] : memref<2x125x128xi32, #tpu.memory_space<vmem>> -> memref<1x125x128xi32, #tpu.memory_space<vmem>>
    %dma_wait3A_579 = tpu.memref_squeeze %dma_wait3A_578 : memref<1x125x128xi32, #tpu.memory_space<vmem>> -> memref<125x128xi32, #tpu.memory_space<vmem>>
    %dma_wait3A_580 = arith.constant 0 : i32
    %dma_wait3A_581 = tpu.memref_slice %arg3[%add3A_517, %dma_wait3A_567, %dma_wait3A_580] : memref<2500x2x128xi32, #tpu.memory_space<hbm>> -> memref<125x1x128xi32, #tpu.memory_space<hbm>>
    %dma_wait3A_582 = tpu.memref_squeeze %dma_wait3A_581 : memref<125x1x128xi32, #tpu.memory_space<hbm>> -> memref<125x128xi32, #tpu.memory_space<hbm>>
    tpu.wait_dma2 semaphore(%arg13 : memref<!tpu.dma_semaphore, #tpu.memory_space<semaphore_mem>>) src(%dma_wait3A_582 : memref<125x128xi32, #tpu.memory_space<hbm>>) dst(%dma_wait3A_579 : memref<125x128xi32, #tpu.memory_space<vmem>>)
    %add3A_583 = arith.constant 750 : i32
    %add3A_584 = arith.addi %mul3A_44, %add3A_583 : i32
    %dma_start3A_585 = arith.constant 0 : i32
    %dma_start3A_586 = arith.constant 0 : i32
    %dma_start3A_587 = arith.constant 0 : i32
    %dma_start3A_588 = tpu.memref_slice %arg7[%dma_start3A_585, %dma_start3A_586, %dma_start3A_587] : memref<2x125x128xf32, #tpu.memory_space<vmem>> -> memref<1x125x128xf32, #tpu.memory_space<vmem>>
    %dma_start3A_589 = tpu.memref_squeeze %dma_start3A_588 : memref<1x125x128xf32, #tpu.memory_space<vmem>> -> memref<125x128xf32, #tpu.memory_space<vmem>>
    %dma_start3A_590 = arith.constant 0 : i32
    %dma_start3A_591 = tpu.memref_slice %arg2[%select_n3A, %add3A_584, %select_n3A_28, %dma_start3A_590] : memref<2x2500x8x128xf32, #tpu.memory_space<hbm>> -> memref<1x125x1x128xf32, #tpu.memory_space<hbm>>
    %dma_start3A_592 = tpu.memref_squeeze %dma_start3A_591 : memref<1x125x1x128xf32, #tpu.memory_space<hbm>> -> memref<125x128xf32, #tpu.memory_space<hbm>>
    %dma_start3A_593 = arith.constant 0 : i32
    %dma_start3A_594 = arith.constant 0 : i32
    %dma_start3A_595 = tpu.memref_slice %arg7[%dma_start3A_585, %dma_start3A_593, %dma_start3A_594] : memref<2x125x128xf32, #tpu.memory_space<vmem>> -> memref<1x125x128xf32, #tpu.memory_space<vmem>>
    %dma_start3A_596 = tpu.memref_squeeze %dma_start3A_595 : memref<1x125x128xf32, #tpu.memory_space<vmem>> -> memref<125x128xf32, #tpu.memory_space<vmem>>
    %dma_start3A_597 = arith.constant 0 : i32
    %dma_start3A_598 = tpu.memref_slice %arg2[%select_n3A, %add3A_584, %select_n3A_28, %dma_start3A_597] : memref<2x2500x8x128xf32, #tpu.memory_space<hbm>> -> memref<1x125x1x128xf32, #tpu.memory_space<hbm>>
    %dma_start3A_599 = tpu.memref_squeeze %dma_start3A_598 : memref<1x125x1x128xf32, #tpu.memory_space<hbm>> -> memref<125x128xf32, #tpu.memory_space<hbm>>
    tpu.enqueue_dma source(%dma_start3A_599 : memref<125x128xf32, #tpu.memory_space<hbm>>) target(%dma_start3A_596 : memref<125x128xf32, #tpu.memory_space<vmem>>) target_semaphore(%arg13 : memref<!tpu.dma_semaphore, #tpu.memory_space<semaphore_mem>>)
    %add3A_600 = arith.constant 750 : i32
    %add3A_601 = arith.addi %mul3A_44, %add3A_600 : i32
    %dma_start3A_602 = arith.constant 1 : i32
    %dma_start3A_603 = arith.constant 0 : i32
    %dma_start3A_604 = arith.constant 0 : i32
    %dma_start3A_605 = arith.constant 0 : i32
    %dma_start3A_606 = tpu.memref_slice %arg8[%dma_start3A_603, %dma_start3A_604, %dma_start3A_605] : memref<2x125x128xi32, #tpu.memory_space<vmem>> -> memref<1x125x128xi32, #tpu.memory_space<vmem>>
    %dma_start3A_607 = tpu.memref_squeeze %dma_start3A_606 : memref<1x125x128xi32, #tpu.memory_space<vmem>> -> memref<125x128xi32, #tpu.memory_space<vmem>>
    %dma_start3A_608 = arith.constant 0 : i32
    %dma_start3A_609 = tpu.memref_slice %arg3[%add3A_601, %dma_start3A_602, %dma_start3A_608] : memref<2500x2x128xi32, #tpu.memory_space<hbm>> -> memref<125x1x128xi32, #tpu.memory_space<hbm>>
    %dma_start3A_610 = tpu.memref_squeeze %dma_start3A_609 : memref<125x1x128xi32, #tpu.memory_space<hbm>> -> memref<125x128xi32, #tpu.memory_space<hbm>>
    %dma_start3A_611 = arith.constant 0 : i32
    %dma_start3A_612 = arith.constant 0 : i32
    %dma_start3A_613 = tpu.memref_slice %arg8[%dma_start3A_603, %dma_start3A_611, %dma_start3A_612] : memref<2x125x128xi32, #tpu.memory_space<vmem>> -> memref<1x125x128xi32, #tpu.memory_space<vmem>>
    %dma_start3A_614 = tpu.memref_squeeze %dma_start3A_613 : memref<1x125x128xi32, #tpu.memory_space<vmem>> -> memref<125x128xi32, #tpu.memory_space<vmem>>
    %dma_start3A_615 = arith.constant 0 : i32
    %dma_start3A_616 = tpu.memref_slice %arg3[%add3A_601, %dma_start3A_602, %dma_start3A_615] : memref<2500x2x128xi32, #tpu.memory_space<hbm>> -> memref<125x1x128xi32, #tpu.memory_space<hbm>>
    %dma_start3A_617 = tpu.memref_squeeze %dma_start3A_616 : memref<125x1x128xi32, #tpu.memory_space<hbm>> -> memref<125x128xi32, #tpu.memory_space<hbm>>
    tpu.enqueue_dma source(%dma_start3A_617 : memref<125x128xi32, #tpu.memory_space<hbm>>) target(%dma_start3A_614 : memref<125x128xi32, #tpu.memory_space<vmem>>) target_semaphore(%arg13 : memref<!tpu.dma_semaphore, #tpu.memory_space<semaphore_mem>>)
    %scan3A_618 = arith.constant 0 : i32
    %scan3A_619 = arith.constant 0 : i32
    %scan3A_620 = arith.constant 125 : i32
    %scan3A_621 = arith.addi %scan3A_619, %scan3A_620 : i32
    %scan3A_622 = arith.constant 1 : i32
    %scan3A_623 = scf.for %scan3A_956 = %scan3A_619 to %scan3A_621 step %scan3A_622 iter_args(%scan3A_957 = %scan3A_618) -> (i32)  : i32 {
      %get3A = arith.constant 1 : i32
      %get3A_958 = arith.index_cast %get3A : i32 to index
      %get3A_959 = arith.index_cast %scan3A_956 : i32 to index
      %get3A_960 = arith.constant 0 : index
      %get3A_961 = tpu.vector_load %arg8[%get3A_958, %get3A_959, %get3A_960] {strides = array<i32>} : memref<2x125x128xi32, #tpu.memory_space<vmem>>, vector<16xi32>,
      %get3A_962 = arith.constant 1 : i32
      %get3A_963 = arith.index_cast %get3A_962 : i32 to index
      %get3A_964 = arith.index_cast %scan3A_956 : i32 to index
      %get3A_965 = arith.constant 0 : index
      %get3A_966 = tpu.vector_load %arg7[%get3A_963, %get3A_964, %get3A_965] {strides = array<i32>} : memref<2x125x128xf32, #tpu.memory_space<vmem>>, vector<16xf32>,
      %shift_right_arithmetic3A = arith.constant 4 : i32
      %shift_right_arithmetic3A_967 = vector.broadcast %shift_right_arithmetic3A : i32 to vector<16xi32>
      %shift_right_arithmetic3A_968 = arith.shrsi %get3A_961, %shift_right_arithmetic3A_967 : vector<16xi32>
      %and3A_969 = arith.constant 15 : i32
      %and3A_970 = vector.broadcast %and3A_969 : i32 to vector<16xi32>
      %and3A_971 = arith.andi %get3A_961, %and3A_970 : vector<16xi32>
      tpu.vector_store_idx %arg10[%shift_right_arithmetic3A_968, %and3A_971], %get3A_966 {add = true} : memref<625x16xf32, #tpu.memory_space<vmem>>[vector<16xi32>, vector<16xi32>], vector<16xf32>,
      %get3A_972 = arith.constant 1 : i32
      %get3A_973 = arith.index_cast %get3A_972 : i32 to index
      %get3A_974 = arith.index_cast %scan3A_956 : i32 to index
      %get3A_975 = arith.constant 16 : index
      %get3A_976 = tpu.vector_load %arg8[%get3A_973, %get3A_974, %get3A_975] {strides = array<i32>} : memref<2x125x128xi32, #tpu.memory_space<vmem>>, vector<16xi32>,
      %get3A_977 = arith.constant 1 : i32
      %get3A_978 = arith.index_cast %get3A_977 : i32 to index
      %get3A_979 = arith.index_cast %scan3A_956 : i32 to index
      %get3A_980 = arith.constant 16 : index
      %get3A_981 = tpu.vector_load %arg7[%get3A_978, %get3A_979, %get3A_980] {strides = array<i32>} : memref<2x125x128xf32, #tpu.memory_space<vmem>>, vector<16xf32>,
      %shift_right_arithmetic3A_982 = arith.constant 4 : i32
      %shift_right_arithmetic3A_983 = vector.broadcast %shift_right_arithmetic3A_982 : i32 to vector<16xi32>
      %shift_right_arithmetic3A_984 = arith.shrsi %get3A_976, %shift_right_arithmetic3A_983 : vector<16xi32>
      %and3A_985 = arith.constant 15 : i32
      %and3A_986 = vector.broadcast %and3A_985 : i32 to vector<16xi32>
      %and3A_987 = arith.andi %get3A_976, %and3A_986 : vector<16xi32>
      tpu.vector_store_idx %arg10[%shift_right_arithmetic3A_984, %and3A_987], %get3A_981 {add = true} : memref<625x16xf32, #tpu.memory_space<vmem>>[vector<16xi32>, vector<16xi32>], vector<16xf32>,
      %get3A_988 = arith.constant 1 : i32
      %get3A_989 = arith.index_cast %get3A_988 : i32 to index
      %get3A_990 = arith.index_cast %scan3A_956 : i32 to index
      %get3A_991 = arith.constant 32 : index
      %get3A_992 = tpu.vector_load %arg8[%get3A_989, %get3A_990, %get3A_991] {strides = array<i32>} : memref<2x125x128xi32, #tpu.memory_space<vmem>>, vector<16xi32>,
      %get3A_993 = arith.constant 1 : i32
      %get3A_994 = arith.index_cast %get3A_993 : i32 to index
      %get3A_995 = arith.index_cast %scan3A_956 : i32 to index
      %get3A_996 = arith.constant 32 : index
      %get3A_997 = tpu.vector_load %arg7[%get3A_994, %get3A_995, %get3A_996] {strides = array<i32>} : memref<2x125x128xf32, #tpu.memory_space<vmem>>, vector<16xf32>,
      %shift_right_arithmetic3A_998 = arith.constant 4 : i32
      %shift_right_arithmetic3A_999 = vector.broadcast %shift_right_arithmetic3A_998 : i32 to vector<16xi32>
      %shift_right_arithmetic3A_1000 = arith.shrsi %get3A_992, %shift_right_arithmetic3A_999 : vector<16xi32>
      %and3A_1001 = arith.constant 15 : i32
      %and3A_1002 = vector.broadcast %and3A_1001 : i32 to vector<16xi32>
      %and3A_1003 = arith.andi %get3A_992, %and3A_1002 : vector<16xi32>
      tpu.vector_store_idx %arg10[%shift_right_arithmetic3A_1000, %and3A_1003], %get3A_997 {add = true} : memref<625x16xf32, #tpu.memory_space<vmem>>[vector<16xi32>, vector<16xi32>], vector<16xf32>,
      %get3A_1004 = arith.constant 1 : i32
      %get3A_1005 = arith.index_cast %get3A_1004 : i32 to index
      %get3A_1006 = arith.index_cast %scan3A_956 : i32 to index
      %get3A_1007 = arith.constant 48 : index
      %get3A_1008 = tpu.vector_load %arg8[%get3A_1005, %get3A_1006, %get3A_1007] {strides = array<i32>} : memref<2x125x128xi32, #tpu.memory_space<vmem>>, vector<16xi32>,
      %get3A_1009 = arith.constant 1 : i32
      %get3A_1010 = arith.index_cast %get3A_1009 : i32 to index
      %get3A_1011 = arith.index_cast %scan3A_956 : i32 to index
      %get3A_1012 = arith.constant 48 : index
      %get3A_1013 = tpu.vector_load %arg7[%get3A_1010, %get3A_1011, %get3A_1012] {strides = array<i32>} : memref<2x125x128xf32, #tpu.memory_space<vmem>>, vector<16xf32>,
      %shift_right_arithmetic3A_1014 = arith.constant 4 : i32
      %shift_right_arithmetic3A_1015 = vector.broadcast %shift_right_arithmetic3A_1014 : i32 to vector<16xi32>
      %shift_right_arithmetic3A_1016 = arith.shrsi %get3A_1008, %shift_right_arithmetic3A_1015 : vector<16xi32>
      %and3A_1017 = arith.constant 15 : i32
      %and3A_1018 = vector.broadcast %and3A_1017 : i32 to vector<16xi32>
      %and3A_1019 = arith.andi %get3A_1008, %and3A_1018 : vector<16xi32>
      tpu.vector_store_idx %arg10[%shift_right_arithmetic3A_1016, %and3A_1019], %get3A_1013 {add = true} : memref<625x16xf32, #tpu.memory_space<vmem>>[vector<16xi32>, vector<16xi32>], vector<16xf32>,
      %get3A_1020 = arith.constant 1 : i32
      %get3A_1021 = arith.index_cast %get3A_1020 : i32 to index
      %get3A_1022 = arith.index_cast %scan3A_956 : i32 to index
      %get3A_1023 = arith.constant 64 : index
      %get3A_1024 = tpu.vector_load %arg8[%get3A_1021, %get3A_1022, %get3A_1023] {strides = array<i32>} : memref<2x125x128xi32, #tpu.memory_space<vmem>>, vector<16xi32>,
      %get3A_1025 = arith.constant 1 : i32
      %get3A_1026 = arith.index_cast %get3A_1025 : i32 to index
      %get3A_1027 = arith.index_cast %scan3A_956 : i32 to index
      %get3A_1028 = arith.constant 64 : index
      %get3A_1029 = tpu.vector_load %arg7[%get3A_1026, %get3A_1027, %get3A_1028] {strides = array<i32>} : memref<2x125x128xf32, #tpu.memory_space<vmem>>, vector<16xf32>,
      %shift_right_arithmetic3A_1030 = arith.constant 4 : i32
      %shift_right_arithmetic3A_1031 = vector.broadcast %shift_right_arithmetic3A_1030 : i32 to vector<16xi32>
      %shift_right_arithmetic3A_1032 = arith.shrsi %get3A_1024, %shift_right_arithmetic3A_1031 : vector<16xi32>
      %and3A_1033 = arith.constant 15 : i32
      %and3A_1034 = vector.broadcast %and3A_1033 : i32 to vector<16xi32>
      %and3A_1035 = arith.andi %get3A_1024, %and3A_1034 : vector<16xi32>
      tpu.vector_store_idx %arg10[%shift_right_arithmetic3A_1032, %and3A_1035], %get3A_1029 {add = true} : memref<625x16xf32, #tpu.memory_space<vmem>>[vector<16xi32>, vector<16xi32>], vector<16xf32>,
      %get3A_1036 = arith.constant 1 : i32
      %get3A_1037 = arith.index_cast %get3A_1036 : i32 to index
      %get3A_1038 = arith.index_cast %scan3A_956 : i32 to index
      %get3A_1039 = arith.constant 80 : index
      %get3A_1040 = tpu.vector_load %arg8[%get3A_1037, %get3A_1038, %get3A_1039] {strides = array<i32>} : memref<2x125x128xi32, #tpu.memory_space<vmem>>, vector<16xi32>,
      %get3A_1041 = arith.constant 1 : i32
      %get3A_1042 = arith.index_cast %get3A_1041 : i32 to index
      %get3A_1043 = arith.index_cast %scan3A_956 : i32 to index
      %get3A_1044 = arith.constant 80 : index
      %get3A_1045 = tpu.vector_load %arg7[%get3A_1042, %get3A_1043, %get3A_1044] {strides = array<i32>} : memref<2x125x128xf32, #tpu.memory_space<vmem>>, vector<16xf32>,
      %shift_right_arithmetic3A_1046 = arith.constant 4 : i32
      %shift_right_arithmetic3A_1047 = vector.broadcast %shift_right_arithmetic3A_1046 : i32 to vector<16xi32>
      %shift_right_arithmetic3A_1048 = arith.shrsi %get3A_1040, %shift_right_arithmetic3A_1047 : vector<16xi32>
      %and3A_1049 = arith.constant 15 : i32
      %and3A_1050 = vector.broadcast %and3A_1049 : i32 to vector<16xi32>
      %and3A_1051 = arith.andi %get3A_1040, %and3A_1050 : vector<16xi32>
      tpu.vector_store_idx %arg10[%shift_right_arithmetic3A_1048, %and3A_1051], %get3A_1045 {add = true} : memref<625x16xf32, #tpu.memory_space<vmem>>[vector<16xi32>, vector<16xi32>], vector<16xf32>,
      %get3A_1052 = arith.constant 1 : i32
      %get3A_1053 = arith.index_cast %get3A_1052 : i32 to index
      %get3A_1054 = arith.index_cast %scan3A_956 : i32 to index
      %get3A_1055 = arith.constant 96 : index
      %get3A_1056 = tpu.vector_load %arg8[%get3A_1053, %get3A_1054, %get3A_1055] {strides = array<i32>} : memref<2x125x128xi32, #tpu.memory_space<vmem>>, vector<16xi32>,
      %get3A_1057 = arith.constant 1 : i32
      %get3A_1058 = arith.index_cast %get3A_1057 : i32 to index
      %get3A_1059 = arith.index_cast %scan3A_956 : i32 to index
      %get3A_1060 = arith.constant 96 : index
      %get3A_1061 = tpu.vector_load %arg7[%get3A_1058, %get3A_1059, %get3A_1060] {strides = array<i32>} : memref<2x125x128xf32, #tpu.memory_space<vmem>>, vector<16xf32>,
      %shift_right_arithmetic3A_1062 = arith.constant 4 : i32
      %shift_right_arithmetic3A_1063 = vector.broadcast %shift_right_arithmetic3A_1062 : i32 to vector<16xi32>
      %shift_right_arithmetic3A_1064 = arith.shrsi %get3A_1056, %shift_right_arithmetic3A_1063 : vector<16xi32>
      %and3A_1065 = arith.constant 15 : i32
      %and3A_1066 = vector.broadcast %and3A_1065 : i32 to vector<16xi32>
      %and3A_1067 = arith.andi %get3A_1056, %and3A_1066 : vector<16xi32>
      tpu.vector_store_idx %arg10[%shift_right_arithmetic3A_1064, %and3A_1067], %get3A_1061 {add = true} : memref<625x16xf32, #tpu.memory_space<vmem>>[vector<16xi32>, vector<16xi32>], vector<16xf32>,
      %get3A_1068 = arith.constant 1 : i32
      %get3A_1069 = arith.index_cast %get3A_1068 : i32 to index
      %get3A_1070 = arith.index_cast %scan3A_956 : i32 to index
      %get3A_1071 = arith.constant 112 : index
      %get3A_1072 = tpu.vector_load %arg8[%get3A_1069, %get3A_1070, %get3A_1071] {strides = array<i32>} : memref<2x125x128xi32, #tpu.memory_space<vmem>>, vector<16xi32>,
      %get3A_1073 = arith.constant 1 : i32
      %get3A_1074 = arith.index_cast %get3A_1073 : i32 to index
      %get3A_1075 = arith.index_cast %scan3A_956 : i32 to index
      %get3A_1076 = arith.constant 112 : index
      %get3A_1077 = tpu.vector_load %arg7[%get3A_1074, %get3A_1075, %get3A_1076] {strides = array<i32>} : memref<2x125x128xf32, #tpu.memory_space<vmem>>, vector<16xf32>,
      %shift_right_arithmetic3A_1078 = arith.constant 4 : i32
      %shift_right_arithmetic3A_1079 = vector.broadcast %shift_right_arithmetic3A_1078 : i32 to vector<16xi32>
      %shift_right_arithmetic3A_1080 = arith.shrsi %get3A_1072, %shift_right_arithmetic3A_1079 : vector<16xi32>
      %and3A_1081 = arith.constant 15 : i32
      %and3A_1082 = vector.broadcast %and3A_1081 : i32 to vector<16xi32>
      %and3A_1083 = arith.andi %get3A_1072, %and3A_1082 : vector<16xi32>
      tpu.vector_store_idx %arg10[%shift_right_arithmetic3A_1080, %and3A_1083], %get3A_1077 {add = true} : memref<625x16xf32, #tpu.memory_space<vmem>>[vector<16xi32>, vector<16xi32>], vector<16xf32>,
      %scan3A_1084 = arith.constant 0 : i32
      scf.yield %scan3A_1084 : i32
    }
    %scan3A_624 = arith.constant 125 : i32
    %while3A_625 = arith.constant 0 : i32
    %while3A_626 = arith.subi %select_n3A_99, %select_n3A_71 : i32
    %while3A_627 = arith.addi %select_n3A_71, %while3A_626 : i32
    %while3A_628 = arith.constant 1 : i32
    %while3A_629 = arith.divsi %while3A_626, %while3A_628 : i32
    %while3A_630 = arith.muli %while3A_629, %while3A_628 : i32
    %while3A_631 = arith.addi %select_n3A_71, %while3A_630 : i32
    %while3A_632 = arith.constant 1 : i32
    %while3A_633 = scf.for %while3A_956 = %select_n3A_71 to %while3A_631 step %while3A_632 iter_args(%while3A_957 = %while3A_625) -> (i32)  : i32 {
      %get3A = arith.constant 1 : i32
      %get3A_958 = arith.index_cast %get3A : i32 to index
      %get3A_959 = arith.index_cast %while3A_956 : i32 to index
      %get3A_960 = arith.constant 0 : index
      %get3A_961 = tpu.vector_load %arg8[%get3A_958, %get3A_959, %get3A_960] {strides = array<i32>} : memref<2x125x128xi32, #tpu.memory_space<vmem>>, vector<16xi32>,
      %shift_right_arithmetic3A = arith.constant 4 : i32
      %shift_right_arithmetic3A_962 = vector.broadcast %shift_right_arithmetic3A : i32 to vector<16xi32>
      %shift_right_arithmetic3A_963 = arith.shrsi %get3A_961, %shift_right_arithmetic3A_962 : vector<16xi32>
      %and3A_964 = arith.constant 15 : i32
      %and3A_965 = vector.broadcast %and3A_964 : i32 to vector<16xi32>
      %and3A_966 = arith.andi %get3A_961, %and3A_965 : vector<16xi32>
      tpu.vector_store_idx %arg11[%shift_right_arithmetic3A_963, %and3A_966], %broadcast_in_dim3A_45 {add = true} : memref<625x16xf32, #tpu.memory_space<vmem>>[vector<16xi32>, vector<16xi32>], vector<16xf32>,
      %get3A_967 = arith.constant 1 : i32
      %get3A_968 = arith.index_cast %get3A_967 : i32 to index
      %get3A_969 = arith.index_cast %while3A_956 : i32 to index
      %get3A_970 = arith.constant 16 : index
      %get3A_971 = tpu.vector_load %arg8[%get3A_968, %get3A_969, %get3A_970] {strides = array<i32>} : memref<2x125x128xi32, #tpu.memory_space<vmem>>, vector<16xi32>,
      %shift_right_arithmetic3A_972 = arith.constant 4 : i32
      %shift_right_arithmetic3A_973 = vector.broadcast %shift_right_arithmetic3A_972 : i32 to vector<16xi32>
      %shift_right_arithmetic3A_974 = arith.shrsi %get3A_971, %shift_right_arithmetic3A_973 : vector<16xi32>
      %and3A_975 = arith.constant 15 : i32
      %and3A_976 = vector.broadcast %and3A_975 : i32 to vector<16xi32>
      %and3A_977 = arith.andi %get3A_971, %and3A_976 : vector<16xi32>
      tpu.vector_store_idx %arg11[%shift_right_arithmetic3A_974, %and3A_977], %broadcast_in_dim3A_45 {add = true} : memref<625x16xf32, #tpu.memory_space<vmem>>[vector<16xi32>, vector<16xi32>], vector<16xf32>,
      %get3A_978 = arith.constant 1 : i32
      %get3A_979 = arith.index_cast %get3A_978 : i32 to index
      %get3A_980 = arith.index_cast %while3A_956 : i32 to index
      %get3A_981 = arith.constant 32 : index
      %get3A_982 = tpu.vector_load %arg8[%get3A_979, %get3A_980, %get3A_981] {strides = array<i32>} : memref<2x125x128xi32, #tpu.memory_space<vmem>>, vector<16xi32>,
      %shift_right_arithmetic3A_983 = arith.constant 4 : i32
      %shift_right_arithmetic3A_984 = vector.broadcast %shift_right_arithmetic3A_983 : i32 to vector<16xi32>
      %shift_right_arithmetic3A_985 = arith.shrsi %get3A_982, %shift_right_arithmetic3A_984 : vector<16xi32>
      %and3A_986 = arith.constant 15 : i32
      %and3A_987 = vector.broadcast %and3A_986 : i32 to vector<16xi32>
      %and3A_988 = arith.andi %get3A_982, %and3A_987 : vector<16xi32>
      tpu.vector_store_idx %arg11[%shift_right_arithmetic3A_985, %and3A_988], %broadcast_in_dim3A_45 {add = true} : memref<625x16xf32, #tpu.memory_space<vmem>>[vector<16xi32>, vector<16xi32>], vector<16xf32>,
      %get3A_989 = arith.constant 1 : i32
      %get3A_990 = arith.index_cast %get3A_989 : i32 to index
      %get3A_991 = arith.index_cast %while3A_956 : i32 to index
      %get3A_992 = arith.constant 48 : index
      %get3A_993 = tpu.vector_load %arg8[%get3A_990, %get3A_991, %get3A_992] {strides = array<i32>} : memref<2x125x128xi32, #tpu.memory_space<vmem>>, vector<16xi32>,
      %shift_right_arithmetic3A_994 = arith.constant 4 : i32
      %shift_right_arithmetic3A_995 = vector.broadcast %shift_right_arithmetic3A_994 : i32 to vector<16xi32>
      %shift_right_arithmetic3A_996 = arith.shrsi %get3A_993, %shift_right_arithmetic3A_995 : vector<16xi32>
      %and3A_997 = arith.constant 15 : i32
      %and3A_998 = vector.broadcast %and3A_997 : i32 to vector<16xi32>
      %and3A_999 = arith.andi %get3A_993, %and3A_998 : vector<16xi32>
      tpu.vector_store_idx %arg11[%shift_right_arithmetic3A_996, %and3A_999], %broadcast_in_dim3A_45 {add = true} : memref<625x16xf32, #tpu.memory_space<vmem>>[vector<16xi32>, vector<16xi32>], vector<16xf32>,
      %get3A_1000 = arith.constant 1 : i32
      %get3A_1001 = arith.index_cast %get3A_1000 : i32 to index
      %get3A_1002 = arith.index_cast %while3A_956 : i32 to index
      %get3A_1003 = arith.constant 64 : index
      %get3A_1004 = tpu.vector_load %arg8[%get3A_1001, %get3A_1002, %get3A_1003] {strides = array<i32>} : memref<2x125x128xi32, #tpu.memory_space<vmem>>, vector<16xi32>,
      %shift_right_arithmetic3A_1005 = arith.constant 4 : i32
      %shift_right_arithmetic3A_1006 = vector.broadcast %shift_right_arithmetic3A_1005 : i32 to vector<16xi32>
      %shift_right_arithmetic3A_1007 = arith.shrsi %get3A_1004, %shift_right_arithmetic3A_1006 : vector<16xi32>
      %and3A_1008 = arith.constant 15 : i32
      %and3A_1009 = vector.broadcast %and3A_1008 : i32 to vector<16xi32>
      %and3A_1010 = arith.andi %get3A_1004, %and3A_1009 : vector<16xi32>
      tpu.vector_store_idx %arg11[%shift_right_arithmetic3A_1007, %and3A_1010], %broadcast_in_dim3A_45 {add = true} : memref<625x16xf32, #tpu.memory_space<vmem>>[vector<16xi32>, vector<16xi32>], vector<16xf32>,
      %get3A_1011 = arith.constant 1 : i32
      %get3A_1012 = arith.index_cast %get3A_1011 : i32 to index
      %get3A_1013 = arith.index_cast %while3A_956 : i32 to index
      %get3A_1014 = arith.constant 80 : index
      %get3A_1015 = tpu.vector_load %arg8[%get3A_1012, %get3A_1013, %get3A_1014] {strides = array<i32>} : memref<2x125x128xi32, #tpu.memory_space<vmem>>, vector<16xi32>,
      %shift_right_arithmetic3A_1016 = arith.constant 4 : i32
      %shift_right_arithmetic3A_1017 = vector.broadcast %shift_right_arithmetic3A_1016 : i32 to vector<16xi32>
      %shift_right_arithmetic3A_1018 = arith.shrsi %get3A_1015, %shift_right_arithmetic3A_1017 : vector<16xi32>
      %and3A_1019 = arith.constant 15 : i32
      %and3A_1020 = vector.broadcast %and3A_1019 : i32 to vector<16xi32>
      %and3A_1021 = arith.andi %get3A_1015, %and3A_1020 : vector<16xi32>
      tpu.vector_store_idx %arg11[%shift_right_arithmetic3A_1018, %and3A_1021], %broadcast_in_dim3A_45 {add = true} : memref<625x16xf32, #tpu.memory_space<vmem>>[vector<16xi32>, vector<16xi32>], vector<16xf32>,
      %get3A_1022 = arith.constant 1 : i32
      %get3A_1023 = arith.index_cast %get3A_1022 : i32 to index
      %get3A_1024 = arith.index_cast %while3A_956 : i32 to index
      %get3A_1025 = arith.constant 96 : index
      %get3A_1026 = tpu.vector_load %arg8[%get3A_1023, %get3A_1024, %get3A_1025] {strides = array<i32>} : memref<2x125x128xi32, #tpu.memory_space<vmem>>, vector<16xi32>,
      %shift_right_arithmetic3A_1027 = arith.constant 4 : i32
      %shift_right_arithmetic3A_1028 = vector.broadcast %shift_right_arithmetic3A_1027 : i32 to vector<16xi32>
      %shift_right_arithmetic3A_1029 = arith.shrsi %get3A_1026, %shift_right_arithmetic3A_1028 : vector<16xi32>
      %and3A_1030 = arith.constant 15 : i32
      %and3A_1031 = vector.broadcast %and3A_1030 : i32 to vector<16xi32>
      %and3A_1032 = arith.andi %get3A_1026, %and3A_1031 : vector<16xi32>
      tpu.vector_store_idx %arg11[%shift_right_arithmetic3A_1029, %and3A_1032], %broadcast_in_dim3A_45 {add = true} : memref<625x16xf32, #tpu.memory_space<vmem>>[vector<16xi32>, vector<16xi32>], vector<16xf32>,
      %get3A_1033 = arith.constant 1 : i32
      %get3A_1034 = arith.index_cast %get3A_1033 : i32 to index
      %get3A_1035 = arith.index_cast %while3A_956 : i32 to index
      %get3A_1036 = arith.constant 112 : index
      %get3A_1037 = tpu.vector_load %arg8[%get3A_1034, %get3A_1035, %get3A_1036] {strides = array<i32>} : memref<2x125x128xi32, #tpu.memory_space<vmem>>, vector<16xi32>,
      %shift_right_arithmetic3A_1038 = arith.constant 4 : i32
      %shift_right_arithmetic3A_1039 = vector.broadcast %shift_right_arithmetic3A_1038 : i32 to vector<16xi32>
      %shift_right_arithmetic3A_1040 = arith.shrsi %get3A_1037, %shift_right_arithmetic3A_1039 : vector<16xi32>
      %and3A_1041 = arith.constant 15 : i32
      %and3A_1042 = vector.broadcast %and3A_1041 : i32 to vector<16xi32>
      %and3A_1043 = arith.andi %get3A_1037, %and3A_1042 : vector<16xi32>
      tpu.vector_store_idx %arg11[%shift_right_arithmetic3A_1040, %and3A_1043], %broadcast_in_dim3A_45 {add = true} : memref<625x16xf32, #tpu.memory_space<vmem>>[vector<16xi32>, vector<16xi32>], vector<16xf32>,
      %while3A_1044 = arith.constant 0 : i32
      scf.yield %while3A_1044 : i32
    }
    %while3A_634 = arith.constant 1 : i32
    %while3A_635 = scf.for %while3A_956 = %while3A_631 to %while3A_627 step %while3A_634 iter_args(%while3A_957 = %while3A_633) -> (i32)  : i32 {
      %get3A = arith.constant 1 : i32
      %get3A_958 = arith.index_cast %get3A : i32 to index
      %get3A_959 = arith.index_cast %while3A_956 : i32 to index
      %get3A_960 = arith.constant 0 : index
      %get3A_961 = tpu.vector_load %arg8[%get3A_958, %get3A_959, %get3A_960] {strides = array<i32>} : memref<2x125x128xi32, #tpu.memory_space<vmem>>, vector<16xi32>,
      %shift_right_arithmetic3A = arith.constant 4 : i32
      %shift_right_arithmetic3A_962 = vector.broadcast %shift_right_arithmetic3A : i32 to vector<16xi32>
      %shift_right_arithmetic3A_963 = arith.shrsi %get3A_961, %shift_right_arithmetic3A_962 : vector<16xi32>
      %and3A_964 = arith.constant 15 : i32
      %and3A_965 = vector.broadcast %and3A_964 : i32 to vector<16xi32>
      %and3A_966 = arith.andi %get3A_961, %and3A_965 : vector<16xi32>
      tpu.vector_store_idx %arg11[%shift_right_arithmetic3A_963, %and3A_966], %broadcast_in_dim3A_45 {add = true} : memref<625x16xf32, #tpu.memory_space<vmem>>[vector<16xi32>, vector<16xi32>], vector<16xf32>,
      %get3A_967 = arith.constant 1 : i32
      %get3A_968 = arith.index_cast %get3A_967 : i32 to index
      %get3A_969 = arith.index_cast %while3A_956 : i32 to index
      %get3A_970 = arith.constant 16 : index
      %get3A_971 = tpu.vector_load %arg8[%get3A_968, %get3A_969, %get3A_970] {strides = array<i32>} : memref<2x125x128xi32, #tpu.memory_space<vmem>>, vector<16xi32>,
      %shift_right_arithmetic3A_972 = arith.constant 4 : i32
      %shift_right_arithmetic3A_973 = vector.broadcast %shift_right_arithmetic3A_972 : i32 to vector<16xi32>
      %shift_right_arithmetic3A_974 = arith.shrsi %get3A_971, %shift_right_arithmetic3A_973 : vector<16xi32>
      %and3A_975 = arith.constant 15 : i32
      %and3A_976 = vector.broadcast %and3A_975 : i32 to vector<16xi32>
      %and3A_977 = arith.andi %get3A_971, %and3A_976 : vector<16xi32>
      tpu.vector_store_idx %arg11[%shift_right_arithmetic3A_974, %and3A_977], %broadcast_in_dim3A_45 {add = true} : memref<625x16xf32, #tpu.memory_space<vmem>>[vector<16xi32>, vector<16xi32>], vector<16xf32>,
      %get3A_978 = arith.constant 1 : i32
      %get3A_979 = arith.index_cast %get3A_978 : i32 to index
      %get3A_980 = arith.index_cast %while3A_956 : i32 to index
      %get3A_981 = arith.constant 32 : index
      %get3A_982 = tpu.vector_load %arg8[%get3A_979, %get3A_980, %get3A_981] {strides = array<i32>} : memref<2x125x128xi32, #tpu.memory_space<vmem>>, vector<16xi32>,
      %shift_right_arithmetic3A_983 = arith.constant 4 : i32
      %shift_right_arithmetic3A_984 = vector.broadcast %shift_right_arithmetic3A_983 : i32 to vector<16xi32>
      %shift_right_arithmetic3A_985 = arith.shrsi %get3A_982, %shift_right_arithmetic3A_984 : vector<16xi32>
      %and3A_986 = arith.constant 15 : i32
      %and3A_987 = vector.broadcast %and3A_986 : i32 to vector<16xi32>
      %and3A_988 = arith.andi %get3A_982, %and3A_987 : vector<16xi32>
      tpu.vector_store_idx %arg11[%shift_right_arithmetic3A_985, %and3A_988], %broadcast_in_dim3A_45 {add = true} : memref<625x16xf32, #tpu.memory_space<vmem>>[vector<16xi32>, vector<16xi32>], vector<16xf32>,
      %get3A_989 = arith.constant 1 : i32
      %get3A_990 = arith.index_cast %get3A_989 : i32 to index
      %get3A_991 = arith.index_cast %while3A_956 : i32 to index
      %get3A_992 = arith.constant 48 : index
      %get3A_993 = tpu.vector_load %arg8[%get3A_990, %get3A_991, %get3A_992] {strides = array<i32>} : memref<2x125x128xi32, #tpu.memory_space<vmem>>, vector<16xi32>,
      %shift_right_arithmetic3A_994 = arith.constant 4 : i32
      %shift_right_arithmetic3A_995 = vector.broadcast %shift_right_arithmetic3A_994 : i32 to vector<16xi32>
      %shift_right_arithmetic3A_996 = arith.shrsi %get3A_993, %shift_right_arithmetic3A_995 : vector<16xi32>
      %and3A_997 = arith.constant 15 : i32
      %and3A_998 = vector.broadcast %and3A_997 : i32 to vector<16xi32>
      %and3A_999 = arith.andi %get3A_993, %and3A_998 : vector<16xi32>
      tpu.vector_store_idx %arg11[%shift_right_arithmetic3A_996, %and3A_999], %broadcast_in_dim3A_45 {add = true} : memref<625x16xf32, #tpu.memory_space<vmem>>[vector<16xi32>, vector<16xi32>], vector<16xf32>,
      %get3A_1000 = arith.constant 1 : i32
      %get3A_1001 = arith.index_cast %get3A_1000 : i32 to index
      %get3A_1002 = arith.index_cast %while3A_956 : i32 to index
      %get3A_1003 = arith.constant 64 : index
      %get3A_1004 = tpu.vector_load %arg8[%get3A_1001, %get3A_1002, %get3A_1003] {strides = array<i32>} : memref<2x125x128xi32, #tpu.memory_space<vmem>>, vector<16xi32>,
      %shift_right_arithmetic3A_1005 = arith.constant 4 : i32
      %shift_right_arithmetic3A_1006 = vector.broadcast %shift_right_arithmetic3A_1005 : i32 to vector<16xi32>
      %shift_right_arithmetic3A_1007 = arith.shrsi %get3A_1004, %shift_right_arithmetic3A_1006 : vector<16xi32>
      %and3A_1008 = arith.constant 15 : i32
      %and3A_1009 = vector.broadcast %and3A_1008 : i32 to vector<16xi32>
      %and3A_1010 = arith.andi %get3A_1004, %and3A_1009 : vector<16xi32>
      tpu.vector_store_idx %arg11[%shift_right_arithmetic3A_1007, %and3A_1010], %broadcast_in_dim3A_45 {add = true} : memref<625x16xf32, #tpu.memory_space<vmem>>[vector<16xi32>, vector<16xi32>], vector<16xf32>,
      %get3A_1011 = arith.constant 1 : i32
      %get3A_1012 = arith.index_cast %get3A_1011 : i32 to index
      %get3A_1013 = arith.index_cast %while3A_956 : i32 to index
      %get3A_1014 = arith.constant 80 : index
      %get3A_1015 = tpu.vector_load %arg8[%get3A_1012, %get3A_1013, %get3A_1014] {strides = array<i32>} : memref<2x125x128xi32, #tpu.memory_space<vmem>>, vector<16xi32>,
      %shift_right_arithmetic3A_1016 = arith.constant 4 : i32
      %shift_right_arithmetic3A_1017 = vector.broadcast %shift_right_arithmetic3A_1016 : i32 to vector<16xi32>
      %shift_right_arithmetic3A_1018 = arith.shrsi %get3A_1015, %shift_right_arithmetic3A_1017 : vector<16xi32>
      %and3A_1019 = arith.constant 15 : i32
      %and3A_1020 = vector.broadcast %and3A_1019 : i32 to vector<16xi32>
      %and3A_1021 = arith.andi %get3A_1015, %and3A_1020 : vector<16xi32>
      tpu.vector_store_idx %arg11[%shift_right_arithmetic3A_1018, %and3A_1021], %broadcast_in_dim3A_45 {add = true} : memref<625x16xf32, #tpu.memory_space<vmem>>[vector<16xi32>, vector<16xi32>], vector<16xf32>,
      %get3A_1022 = arith.constant 1 : i32
      %get3A_1023 = arith.index_cast %get3A_1022 : i32 to index
      %get3A_1024 = arith.index_cast %while3A_956 : i32 to index
      %get3A_1025 = arith.constant 96 : index
      %get3A_1026 = tpu.vector_load %arg8[%get3A_1023, %get3A_1024, %get3A_1025] {strides = array<i32>} : memref<2x125x128xi32, #tpu.memory_space<vmem>>, vector<16xi32>,
      %shift_right_arithmetic3A_1027 = arith.constant 4 : i32
      %shift_right_arithmetic3A_1028 = vector.broadcast %shift_right_arithmetic3A_1027 : i32 to vector<16xi32>
      %shift_right_arithmetic3A_1029 = arith.shrsi %get3A_1026, %shift_right_arithmetic3A_1028 : vector<16xi32>
      %and3A_1030 = arith.constant 15 : i32
      %and3A_1031 = vector.broadcast %and3A_1030 : i32 to vector<16xi32>
      %and3A_1032 = arith.andi %get3A_1026, %and3A_1031 : vector<16xi32>
      tpu.vector_store_idx %arg11[%shift_right_arithmetic3A_1029, %and3A_1032], %broadcast_in_dim3A_45 {add = true} : memref<625x16xf32, #tpu.memory_space<vmem>>[vector<16xi32>, vector<16xi32>], vector<16xf32>,
      %get3A_1033 = arith.constant 1 : i32
      %get3A_1034 = arith.index_cast %get3A_1033 : i32 to index
      %get3A_1035 = arith.index_cast %while3A_956 : i32 to index
      %get3A_1036 = arith.constant 112 : index
      %get3A_1037 = tpu.vector_load %arg8[%get3A_1034, %get3A_1035, %get3A_1036] {strides = array<i32>} : memref<2x125x128xi32, #tpu.memory_space<vmem>>, vector<16xi32>,
      %shift_right_arithmetic3A_1038 = arith.constant 4 : i32
      %shift_right_arithmetic3A_1039 = vector.broadcast %shift_right_arithmetic3A_1038 : i32 to vector<16xi32>
      %shift_right_arithmetic3A_1040 = arith.shrsi %get3A_1037, %shift_right_arithmetic3A_1039 : vector<16xi32>
      %and3A_1041 = arith.constant 15 : i32
      %and3A_1042 = vector.broadcast %and3A_1041 : i32 to vector<16xi32>
      %and3A_1043 = arith.andi %get3A_1037, %and3A_1042 : vector<16xi32>
      tpu.vector_store_idx %arg11[%shift_right_arithmetic3A_1040, %and3A_1043], %broadcast_in_dim3A_45 {add = true} : memref<625x16xf32, #tpu.memory_space<vmem>>[vector<16xi32>, vector<16xi32>], vector<16xf32>,
      %while3A_1044 = arith.constant 0 : i32
      scf.yield %while3A_1044 : i32
    }
    %dma_wait3A_636 = arith.constant 0 : i32
    %dma_wait3A_637 = arith.constant 0 : i32
    %dma_wait3A_638 = arith.constant 0 : i32
    %dma_wait3A_639 = tpu.memref_slice %arg7[%dma_wait3A_636, %dma_wait3A_637, %dma_wait3A_638] : memref<2x125x128xf32, #tpu.memory_space<vmem>> -> memref<1x125x128xf32, #tpu.memory_space<vmem>>
    %dma_wait3A_640 = tpu.memref_squeeze %dma_wait3A_639 : memref<1x125x128xf32, #tpu.memory_space<vmem>> -> memref<125x128xf32, #tpu.memory_space<vmem>>
    %dma_wait3A_641 = arith.constant 0 : i32
    %dma_wait3A_642 = tpu.memref_slice %arg2[%select_n3A, %add3A_584, %select_n3A_28, %dma_wait3A_641] : memref<2x2500x8x128xf32, #tpu.memory_space<hbm>> -> memref<1x125x1x128xf32, #tpu.memory_space<hbm>>
    %dma_wait3A_643 = tpu.memref_squeeze %dma_wait3A_642 : memref<1x125x1x128xf32, #tpu.memory_space<hbm>> -> memref<125x128xf32, #tpu.memory_space<hbm>>
    %dma_wait3A_644 = arith.constant 0 : i32
    %dma_wait3A_645 = arith.constant 0 : i32
    %dma_wait3A_646 = tpu.memref_slice %arg7[%dma_wait3A_636, %dma_wait3A_644, %dma_wait3A_645] : memref<2x125x128xf32, #tpu.memory_space<vmem>> -> memref<1x125x128xf32, #tpu.memory_space<vmem>>
    %dma_wait3A_647 = tpu.memref_squeeze %dma_wait3A_646 : memref<1x125x128xf32, #tpu.memory_space<vmem>> -> memref<125x128xf32, #tpu.memory_space<vmem>>
    %dma_wait3A_648 = arith.constant 0 : i32
    %dma_wait3A_649 = tpu.memref_slice %arg2[%select_n3A, %add3A_584, %select_n3A_28, %dma_wait3A_648] : memref<2x2500x8x128xf32, #tpu.memory_space<hbm>> -> memref<1x125x1x128xf32, #tpu.memory_space<hbm>>
    %dma_wait3A_650 = tpu.memref_squeeze %dma_wait3A_649 : memref<1x125x1x128xf32, #tpu.memory_space<hbm>> -> memref<125x128xf32, #tpu.memory_space<hbm>>
    tpu.wait_dma2 semaphore(%arg13 : memref<!tpu.dma_semaphore, #tpu.memory_space<semaphore_mem>>) src(%dma_wait3A_650 : memref<125x128xf32, #tpu.memory_space<hbm>>) dst(%dma_wait3A_647 : memref<125x128xf32, #tpu.memory_space<vmem>>)
    %dma_wait3A_651 = arith.constant 1 : i32
    %dma_wait3A_652 = arith.constant 0 : i32
    %dma_wait3A_653 = arith.constant 0 : i32
    %dma_wait3A_654 = arith.constant 0 : i32
    %dma_wait3A_655 = tpu.memref_slice %arg8[%dma_wait3A_652, %dma_wait3A_653, %dma_wait3A_654] : memref<2x125x128xi32, #tpu.memory_space<vmem>> -> memref<1x125x128xi32, #tpu.memory_space<vmem>>
    %dma_wait3A_656 = tpu.memref_squeeze %dma_wait3A_655 : memref<1x125x128xi32, #tpu.memory_space<vmem>> -> memref<125x128xi32, #tpu.memory_space<vmem>>
    %dma_wait3A_657 = arith.constant 0 : i32
    %dma_wait3A_658 = tpu.memref_slice %arg3[%add3A_601, %dma_wait3A_651, %dma_wait3A_657] : memref<2500x2x128xi32, #tpu.memory_space<hbm>> -> memref<125x1x128xi32, #tpu.memory_space<hbm>>
    %dma_wait3A_659 = tpu.memref_squeeze %dma_wait3A_658 : memref<125x1x128xi32, #tpu.memory_space<hbm>> -> memref<125x128xi32, #tpu.memory_space<hbm>>
    %dma_wait3A_660 = arith.constant 0 : i32
    %dma_wait3A_661 = arith.constant 0 : i32
    %dma_wait3A_662 = tpu.memref_slice %arg8[%dma_wait3A_652, %dma_wait3A_660, %dma_wait3A_661] : memref<2x125x128xi32, #tpu.memory_space<vmem>> -> memref<1x125x128xi32, #tpu.memory_space<vmem>>
    %dma_wait3A_663 = tpu.memref_squeeze %dma_wait3A_662 : memref<1x125x128xi32, #tpu.memory_space<vmem>> -> memref<125x128xi32, #tpu.memory_space<vmem>>
    %dma_wait3A_664 = arith.constant 0 : i32
    %dma_wait3A_665 = tpu.memref_slice %arg3[%add3A_601, %dma_wait3A_651, %dma_wait3A_664] : memref<2500x2x128xi32, #tpu.memory_space<hbm>> -> memref<125x1x128xi32, #tpu.memory_space<hbm>>
    %dma_wait3A_666 = tpu.memref_squeeze %dma_wait3A_665 : memref<125x1x128xi32, #tpu.memory_space<hbm>> -> memref<125x128xi32, #tpu.memory_space<hbm>>
    tpu.wait_dma2 semaphore(%arg13 : memref<!tpu.dma_semaphore, #tpu.memory_space<semaphore_mem>>) src(%dma_wait3A_666 : memref<125x128xi32, #tpu.memory_space<hbm>>) dst(%dma_wait3A_663 : memref<125x128xi32, #tpu.memory_space<vmem>>)
    %add3A_667 = arith.constant 875 : i32
    %add3A_668 = arith.addi %mul3A_44, %add3A_667 : i32
    %dma_start3A_669 = arith.constant 1 : i32
    %dma_start3A_670 = arith.constant 0 : i32
    %dma_start3A_671 = arith.constant 0 : i32
    %dma_start3A_672 = tpu.memref_slice %arg7[%dma_start3A_669, %dma_start3A_670, %dma_start3A_671] : memref<2x125x128xf32, #tpu.memory_space<vmem>> -> memref<1x125x128xf32, #tpu.memory_space<vmem>>
    %dma_start3A_673 = tpu.memref_squeeze %dma_start3A_672 : memref<1x125x128xf32, #tpu.memory_space<vmem>> -> memref<125x128xf32, #tpu.memory_space<vmem>>
    %dma_start3A_674 = arith.constant 0 : i32
    %dma_start3A_675 = tpu.memref_slice %arg2[%select_n3A, %add3A_668, %select_n3A_28, %dma_start3A_674] : memref<2x2500x8x128xf32, #tpu.memory_space<hbm>> -> memref<1x125x1x128xf32, #tpu.memory_space<hbm>>
    %dma_start3A_676 = tpu.memref_squeeze %dma_start3A_675 : memref<1x125x1x128xf32, #tpu.memory_space<hbm>> -> memref<125x128xf32, #tpu.memory_space<hbm>>
    %dma_start3A_677 = arith.constant 0 : i32
    %dma_start3A_678 = arith.constant 0 : i32
    %dma_start3A_679 = tpu.memref_slice %arg7[%dma_start3A_669, %dma_start3A_677, %dma_start3A_678] : memref<2x125x128xf32, #tpu.memory_space<vmem>> -> memref<1x125x128xf32, #tpu.memory_space<vmem>>
    %dma_start3A_680 = tpu.memref_squeeze %dma_start3A_679 : memref<1x125x128xf32, #tpu.memory_space<vmem>> -> memref<125x128xf32, #tpu.memory_space<vmem>>
    %dma_start3A_681 = arith.constant 0 : i32
    %dma_start3A_682 = tpu.memref_slice %arg2[%select_n3A, %add3A_668, %select_n3A_28, %dma_start3A_681] : memref<2x2500x8x128xf32, #tpu.memory_space<hbm>> -> memref<1x125x1x128xf32, #tpu.memory_space<hbm>>
    %dma_start3A_683 = tpu.memref_squeeze %dma_start3A_682 : memref<1x125x1x128xf32, #tpu.memory_space<hbm>> -> memref<125x128xf32, #tpu.memory_space<hbm>>
    tpu.enqueue_dma source(%dma_start3A_683 : memref<125x128xf32, #tpu.memory_space<hbm>>) target(%dma_start3A_680 : memref<125x128xf32, #tpu.memory_space<vmem>>) target_semaphore(%arg13 : memref<!tpu.dma_semaphore, #tpu.memory_space<semaphore_mem>>)
    %add3A_684 = arith.constant 875 : i32
    %add3A_685 = arith.addi %mul3A_44, %add3A_684 : i32
    %dma_start3A_686 = arith.constant 1 : i32
    %dma_start3A_687 = arith.constant 1 : i32
    %dma_start3A_688 = arith.constant 0 : i32
    %dma_start3A_689 = arith.constant 0 : i32
    %dma_start3A_690 = tpu.memref_slice %arg8[%dma_start3A_687, %dma_start3A_688, %dma_start3A_689] : memref<2x125x128xi32, #tpu.memory_space<vmem>> -> memref<1x125x128xi32, #tpu.memory_space<vmem>>
    %dma_start3A_691 = tpu.memref_squeeze %dma_start3A_690 : memref<1x125x128xi32, #tpu.memory_space<vmem>> -> memref<125x128xi32, #tpu.memory_space<vmem>>
    %dma_start3A_692 = arith.constant 0 : i32
    %dma_start3A_693 = tpu.memref_slice %arg3[%add3A_685, %dma_start3A_686, %dma_start3A_692] : memref<2500x2x128xi32, #tpu.memory_space<hbm>> -> memref<125x1x128xi32, #tpu.memory_space<hbm>>
    %dma_start3A_694 = tpu.memref_squeeze %dma_start3A_693 : memref<125x1x128xi32, #tpu.memory_space<hbm>> -> memref<125x128xi32, #tpu.memory_space<hbm>>
    %dma_start3A_695 = arith.constant 0 : i32
    %dma_start3A_696 = arith.constant 0 : i32
    %dma_start3A_697 = tpu.memref_slice %arg8[%dma_start3A_687, %dma_start3A_695, %dma_start3A_696] : memref<2x125x128xi32, #tpu.memory_space<vmem>> -> memref<1x125x128xi32, #tpu.memory_space<vmem>>
    %dma_start3A_698 = tpu.memref_squeeze %dma_start3A_697 : memref<1x125x128xi32, #tpu.memory_space<vmem>> -> memref<125x128xi32, #tpu.memory_space<vmem>>
    %dma_start3A_699 = arith.constant 0 : i32
    %dma_start3A_700 = tpu.memref_slice %arg3[%add3A_685, %dma_start3A_686, %dma_start3A_699] : memref<2500x2x128xi32, #tpu.memory_space<hbm>> -> memref<125x1x128xi32, #tpu.memory_space<hbm>>
    %dma_start3A_701 = tpu.memref_squeeze %dma_start3A_700 : memref<125x1x128xi32, #tpu.memory_space<hbm>> -> memref<125x128xi32, #tpu.memory_space<hbm>>
    tpu.enqueue_dma source(%dma_start3A_701 : memref<125x128xi32, #tpu.memory_space<hbm>>) target(%dma_start3A_698 : memref<125x128xi32, #tpu.memory_space<vmem>>) target_semaphore(%arg13 : memref<!tpu.dma_semaphore, #tpu.memory_space<semaphore_mem>>)
    %scan3A_702 = arith.constant 0 : i32
    %scan3A_703 = arith.constant 0 : i32
    %scan3A_704 = arith.constant 125 : i32
    %scan3A_705 = arith.addi %scan3A_703, %scan3A_704 : i32
    %scan3A_706 = arith.constant 1 : i32
    %scan3A_707 = scf.for %scan3A_956 = %scan3A_703 to %scan3A_705 step %scan3A_706 iter_args(%scan3A_957 = %scan3A_702) -> (i32)  : i32 {
      %get3A = arith.constant 0 : i32
      %get3A_958 = arith.index_cast %get3A : i32 to index
      %get3A_959 = arith.index_cast %scan3A_956 : i32 to index
      %get3A_960 = arith.constant 0 : index
      %get3A_961 = tpu.vector_load %arg8[%get3A_958, %get3A_959, %get3A_960] {strides = array<i32>} : memref<2x125x128xi32, #tpu.memory_space<vmem>>, vector<16xi32>,
      %get3A_962 = arith.constant 0 : i32
      %get3A_963 = arith.index_cast %get3A_962 : i32 to index
      %get3A_964 = arith.index_cast %scan3A_956 : i32 to index
      %get3A_965 = arith.constant 0 : index
      %get3A_966 = tpu.vector_load %arg7[%get3A_963, %get3A_964, %get3A_965] {strides = array<i32>} : memref<2x125x128xf32, #tpu.memory_space<vmem>>, vector<16xf32>,
      %shift_right_arithmetic3A = arith.constant 4 : i32
      %shift_right_arithmetic3A_967 = vector.broadcast %shift_right_arithmetic3A : i32 to vector<16xi32>
      %shift_right_arithmetic3A_968 = arith.shrsi %get3A_961, %shift_right_arithmetic3A_967 : vector<16xi32>
      %and3A_969 = arith.constant 15 : i32
      %and3A_970 = vector.broadcast %and3A_969 : i32 to vector<16xi32>
      %and3A_971 = arith.andi %get3A_961, %and3A_970 : vector<16xi32>
      tpu.vector_store_idx %arg10[%shift_right_arithmetic3A_968, %and3A_971], %get3A_966 {add = true} : memref<625x16xf32, #tpu.memory_space<vmem>>[vector<16xi32>, vector<16xi32>], vector<16xf32>,
      %get3A_972 = arith.constant 0 : i32
      %get3A_973 = arith.index_cast %get3A_972 : i32 to index
      %get3A_974 = arith.index_cast %scan3A_956 : i32 to index
      %get3A_975 = arith.constant 16 : index
      %get3A_976 = tpu.vector_load %arg8[%get3A_973, %get3A_974, %get3A_975] {strides = array<i32>} : memref<2x125x128xi32, #tpu.memory_space<vmem>>, vector<16xi32>,
      %get3A_977 = arith.constant 0 : i32
      %get3A_978 = arith.index_cast %get3A_977 : i32 to index
      %get3A_979 = arith.index_cast %scan3A_956 : i32 to index
      %get3A_980 = arith.constant 16 : index
      %get3A_981 = tpu.vector_load %arg7[%get3A_978, %get3A_979, %get3A_980] {strides = array<i32>} : memref<2x125x128xf32, #tpu.memory_space<vmem>>, vector<16xf32>,
      %shift_right_arithmetic3A_982 = arith.constant 4 : i32
      %shift_right_arithmetic3A_983 = vector.broadcast %shift_right_arithmetic3A_982 : i32 to vector<16xi32>
      %shift_right_arithmetic3A_984 = arith.shrsi %get3A_976, %shift_right_arithmetic3A_983 : vector<16xi32>
      %and3A_985 = arith.constant 15 : i32
      %and3A_986 = vector.broadcast %and3A_985 : i32 to vector<16xi32>
      %and3A_987 = arith.andi %get3A_976, %and3A_986 : vector<16xi32>
      tpu.vector_store_idx %arg10[%shift_right_arithmetic3A_984, %and3A_987], %get3A_981 {add = true} : memref<625x16xf32, #tpu.memory_space<vmem>>[vector<16xi32>, vector<16xi32>], vector<16xf32>,
      %get3A_988 = arith.constant 0 : i32
      %get3A_989 = arith.index_cast %get3A_988 : i32 to index
      %get3A_990 = arith.index_cast %scan3A_956 : i32 to index
      %get3A_991 = arith.constant 32 : index
      %get3A_992 = tpu.vector_load %arg8[%get3A_989, %get3A_990, %get3A_991] {strides = array<i32>} : memref<2x125x128xi32, #tpu.memory_space<vmem>>, vector<16xi32>,
      %get3A_993 = arith.constant 0 : i32
      %get3A_994 = arith.index_cast %get3A_993 : i32 to index
      %get3A_995 = arith.index_cast %scan3A_956 : i32 to index
      %get3A_996 = arith.constant 32 : index
      %get3A_997 = tpu.vector_load %arg7[%get3A_994, %get3A_995, %get3A_996] {strides = array<i32>} : memref<2x125x128xf32, #tpu.memory_space<vmem>>, vector<16xf32>,
      %shift_right_arithmetic3A_998 = arith.constant 4 : i32
      %shift_right_arithmetic3A_999 = vector.broadcast %shift_right_arithmetic3A_998 : i32 to vector<16xi32>
      %shift_right_arithmetic3A_1000 = arith.shrsi %get3A_992, %shift_right_arithmetic3A_999 : vector<16xi32>
      %and3A_1001 = arith.constant 15 : i32
      %and3A_1002 = vector.broadcast %and3A_1001 : i32 to vector<16xi32>
      %and3A_1003 = arith.andi %get3A_992, %and3A_1002 : vector<16xi32>
      tpu.vector_store_idx %arg10[%shift_right_arithmetic3A_1000, %and3A_1003], %get3A_997 {add = true} : memref<625x16xf32, #tpu.memory_space<vmem>>[vector<16xi32>, vector<16xi32>], vector<16xf32>,
      %get3A_1004 = arith.constant 0 : i32
      %get3A_1005 = arith.index_cast %get3A_1004 : i32 to index
      %get3A_1006 = arith.index_cast %scan3A_956 : i32 to index
      %get3A_1007 = arith.constant 48 : index
      %get3A_1008 = tpu.vector_load %arg8[%get3A_1005, %get3A_1006, %get3A_1007] {strides = array<i32>} : memref<2x125x128xi32, #tpu.memory_space<vmem>>, vector<16xi32>,
      %get3A_1009 = arith.constant 0 : i32
      %get3A_1010 = arith.index_cast %get3A_1009 : i32 to index
      %get3A_1011 = arith.index_cast %scan3A_956 : i32 to index
      %get3A_1012 = arith.constant 48 : index
      %get3A_1013 = tpu.vector_load %arg7[%get3A_1010, %get3A_1011, %get3A_1012] {strides = array<i32>} : memref<2x125x128xf32, #tpu.memory_space<vmem>>, vector<16xf32>,
      %shift_right_arithmetic3A_1014 = arith.constant 4 : i32
      %shift_right_arithmetic3A_1015 = vector.broadcast %shift_right_arithmetic3A_1014 : i32 to vector<16xi32>
      %shift_right_arithmetic3A_1016 = arith.shrsi %get3A_1008, %shift_right_arithmetic3A_1015 : vector<16xi32>
      %and3A_1017 = arith.constant 15 : i32
      %and3A_1018 = vector.broadcast %and3A_1017 : i32 to vector<16xi32>
      %and3A_1019 = arith.andi %get3A_1008, %and3A_1018 : vector<16xi32>
      tpu.vector_store_idx %arg10[%shift_right_arithmetic3A_1016, %and3A_1019], %get3A_1013 {add = true} : memref<625x16xf32, #tpu.memory_space<vmem>>[vector<16xi32>, vector<16xi32>], vector<16xf32>,
      %get3A_1020 = arith.constant 0 : i32
      %get3A_1021 = arith.index_cast %get3A_1020 : i32 to index
      %get3A_1022 = arith.index_cast %scan3A_956 : i32 to index
      %get3A_1023 = arith.constant 64 : index
      %get3A_1024 = tpu.vector_load %arg8[%get3A_1021, %get3A_1022, %get3A_1023] {strides = array<i32>} : memref<2x125x128xi32, #tpu.memory_space<vmem>>, vector<16xi32>,
      %get3A_1025 = arith.constant 0 : i32
      %get3A_1026 = arith.index_cast %get3A_1025 : i32 to index
      %get3A_1027 = arith.index_cast %scan3A_956 : i32 to index
      %get3A_1028 = arith.constant 64 : index
      %get3A_1029 = tpu.vector_load %arg7[%get3A_1026, %get3A_1027, %get3A_1028] {strides = array<i32>} : memref<2x125x128xf32, #tpu.memory_space<vmem>>, vector<16xf32>,
      %shift_right_arithmetic3A_1030 = arith.constant 4 : i32
      %shift_right_arithmetic3A_1031 = vector.broadcast %shift_right_arithmetic3A_1030 : i32 to vector<16xi32>
      %shift_right_arithmetic3A_1032 = arith.shrsi %get3A_1024, %shift_right_arithmetic3A_1031 : vector<16xi32>
      %and3A_1033 = arith.constant 15 : i32
      %and3A_1034 = vector.broadcast %and3A_1033 : i32 to vector<16xi32>
      %and3A_1035 = arith.andi %get3A_1024, %and3A_1034 : vector<16xi32>
      tpu.vector_store_idx %arg10[%shift_right_arithmetic3A_1032, %and3A_1035], %get3A_1029 {add = true} : memref<625x16xf32, #tpu.memory_space<vmem>>[vector<16xi32>, vector<16xi32>], vector<16xf32>,
      %get3A_1036 = arith.constant 0 : i32
      %get3A_1037 = arith.index_cast %get3A_1036 : i32 to index
      %get3A_1038 = arith.index_cast %scan3A_956 : i32 to index
      %get3A_1039 = arith.constant 80 : index
      %get3A_1040 = tpu.vector_load %arg8[%get3A_1037, %get3A_1038, %get3A_1039] {strides = array<i32>} : memref<2x125x128xi32, #tpu.memory_space<vmem>>, vector<16xi32>,
      %get3A_1041 = arith.constant 0 : i32
      %get3A_1042 = arith.index_cast %get3A_1041 : i32 to index
      %get3A_1043 = arith.index_cast %scan3A_956 : i32 to index
      %get3A_1044 = arith.constant 80 : index
      %get3A_1045 = tpu.vector_load %arg7[%get3A_1042, %get3A_1043, %get3A_1044] {strides = array<i32>} : memref<2x125x128xf32, #tpu.memory_space<vmem>>, vector<16xf32>,
      %shift_right_arithmetic3A_1046 = arith.constant 4 : i32
      %shift_right_arithmetic3A_1047 = vector.broadcast %shift_right_arithmetic3A_1046 : i32 to vector<16xi32>
      %shift_right_arithmetic3A_1048 = arith.shrsi %get3A_1040, %shift_right_arithmetic3A_1047 : vector<16xi32>
      %and3A_1049 = arith.constant 15 : i32
      %and3A_1050 = vector.broadcast %and3A_1049 : i32 to vector<16xi32>
      %and3A_1051 = arith.andi %get3A_1040, %and3A_1050 : vector<16xi32>
      tpu.vector_store_idx %arg10[%shift_right_arithmetic3A_1048, %and3A_1051], %get3A_1045 {add = true} : memref<625x16xf32, #tpu.memory_space<vmem>>[vector<16xi32>, vector<16xi32>], vector<16xf32>,
      %get3A_1052 = arith.constant 0 : i32
      %get3A_1053 = arith.index_cast %get3A_1052 : i32 to index
      %get3A_1054 = arith.index_cast %scan3A_956 : i32 to index
      %get3A_1055 = arith.constant 96 : index
      %get3A_1056 = tpu.vector_load %arg8[%get3A_1053, %get3A_1054, %get3A_1055] {strides = array<i32>} : memref<2x125x128xi32, #tpu.memory_space<vmem>>, vector<16xi32>,
      %get3A_1057 = arith.constant 0 : i32
      %get3A_1058 = arith.index_cast %get3A_1057 : i32 to index
      %get3A_1059 = arith.index_cast %scan3A_956 : i32 to index
      %get3A_1060 = arith.constant 96 : index
      %get3A_1061 = tpu.vector_load %arg7[%get3A_1058, %get3A_1059, %get3A_1060] {strides = array<i32>} : memref<2x125x128xf32, #tpu.memory_space<vmem>>, vector<16xf32>,
      %shift_right_arithmetic3A_1062 = arith.constant 4 : i32
      %shift_right_arithmetic3A_1063 = vector.broadcast %shift_right_arithmetic3A_1062 : i32 to vector<16xi32>
      %shift_right_arithmetic3A_1064 = arith.shrsi %get3A_1056, %shift_right_arithmetic3A_1063 : vector<16xi32>
      %and3A_1065 = arith.constant 15 : i32
      %and3A_1066 = vector.broadcast %and3A_1065 : i32 to vector<16xi32>
      %and3A_1067 = arith.andi %get3A_1056, %and3A_1066 : vector<16xi32>
      tpu.vector_store_idx %arg10[%shift_right_arithmetic3A_1064, %and3A_1067], %get3A_1061 {add = true} : memref<625x16xf32, #tpu.memory_space<vmem>>[vector<16xi32>, vector<16xi32>], vector<16xf32>,
      %get3A_1068 = arith.constant 0 : i32
      %get3A_1069 = arith.index_cast %get3A_1068 : i32 to index
      %get3A_1070 = arith.index_cast %scan3A_956 : i32 to index
      %get3A_1071 = arith.constant 112 : index
      %get3A_1072 = tpu.vector_load %arg8[%get3A_1069, %get3A_1070, %get3A_1071] {strides = array<i32>} : memref<2x125x128xi32, #tpu.memory_space<vmem>>, vector<16xi32>,
      %get3A_1073 = arith.constant 0 : i32
      %get3A_1074 = arith.index_cast %get3A_1073 : i32 to index
      %get3A_1075 = arith.index_cast %scan3A_956 : i32 to index
      %get3A_1076 = arith.constant 112 : index
      %get3A_1077 = tpu.vector_load %arg7[%get3A_1074, %get3A_1075, %get3A_1076] {strides = array<i32>} : memref<2x125x128xf32, #tpu.memory_space<vmem>>, vector<16xf32>,
      %shift_right_arithmetic3A_1078 = arith.constant 4 : i32
      %shift_right_arithmetic3A_1079 = vector.broadcast %shift_right_arithmetic3A_1078 : i32 to vector<16xi32>
      %shift_right_arithmetic3A_1080 = arith.shrsi %get3A_1072, %shift_right_arithmetic3A_1079 : vector<16xi32>
      %and3A_1081 = arith.constant 15 : i32
      %and3A_1082 = vector.broadcast %and3A_1081 : i32 to vector<16xi32>
      %and3A_1083 = arith.andi %get3A_1072, %and3A_1082 : vector<16xi32>
      tpu.vector_store_idx %arg10[%shift_right_arithmetic3A_1080, %and3A_1083], %get3A_1077 {add = true} : memref<625x16xf32, #tpu.memory_space<vmem>>[vector<16xi32>, vector<16xi32>], vector<16xf32>,
      %scan3A_1084 = arith.constant 0 : i32
      scf.yield %scan3A_1084 : i32
    }
    %scan3A_708 = arith.constant 125 : i32
    %while3A_709 = arith.constant 0 : i32
    %while3A_710 = arith.subi %select_n3A_99, %select_n3A_71 : i32
    %while3A_711 = arith.addi %select_n3A_71, %while3A_710 : i32
    %while3A_712 = arith.constant 1 : i32
    %while3A_713 = arith.divsi %while3A_710, %while3A_712 : i32
    %while3A_714 = arith.muli %while3A_713, %while3A_712 : i32
    %while3A_715 = arith.addi %select_n3A_71, %while3A_714 : i32
    %while3A_716 = arith.constant 1 : i32
    %while3A_717 = scf.for %while3A_956 = %select_n3A_71 to %while3A_715 step %while3A_716 iter_args(%while3A_957 = %while3A_709) -> (i32)  : i32 {
      %get3A = arith.constant 0 : i32
      %get3A_958 = arith.index_cast %get3A : i32 to index
      %get3A_959 = arith.index_cast %while3A_956 : i32 to index
      %get3A_960 = arith.constant 0 : index
      %get3A_961 = tpu.vector_load %arg8[%get3A_958, %get3A_959, %get3A_960] {strides = array<i32>} : memref<2x125x128xi32, #tpu.memory_space<vmem>>, vector<16xi32>,
      %shift_right_arithmetic3A = arith.constant 4 : i32
      %shift_right_arithmetic3A_962 = vector.broadcast %shift_right_arithmetic3A : i32 to vector<16xi32>
      %shift_right_arithmetic3A_963 = arith.shrsi %get3A_961, %shift_right_arithmetic3A_962 : vector<16xi32>
      %and3A_964 = arith.constant 15 : i32
      %and3A_965 = vector.broadcast %and3A_964 : i32 to vector<16xi32>
      %and3A_966 = arith.andi %get3A_961, %and3A_965 : vector<16xi32>
      tpu.vector_store_idx %arg11[%shift_right_arithmetic3A_963, %and3A_966], %broadcast_in_dim3A_45 {add = true} : memref<625x16xf32, #tpu.memory_space<vmem>>[vector<16xi32>, vector<16xi32>], vector<16xf32>,
      %get3A_967 = arith.constant 0 : i32
      %get3A_968 = arith.index_cast %get3A_967 : i32 to index
      %get3A_969 = arith.index_cast %while3A_956 : i32 to index
      %get3A_970 = arith.constant 16 : index
      %get3A_971 = tpu.vector_load %arg8[%get3A_968, %get3A_969, %get3A_970] {strides = array<i32>} : memref<2x125x128xi32, #tpu.memory_space<vmem>>, vector<16xi32>,
      %shift_right_arithmetic3A_972 = arith.constant 4 : i32
      %shift_right_arithmetic3A_973 = vector.broadcast %shift_right_arithmetic3A_972 : i32 to vector<16xi32>
      %shift_right_arithmetic3A_974 = arith.shrsi %get3A_971, %shift_right_arithmetic3A_973 : vector<16xi32>
      %and3A_975 = arith.constant 15 : i32
      %and3A_976 = vector.broadcast %and3A_975 : i32 to vector<16xi32>
      %and3A_977 = arith.andi %get3A_971, %and3A_976 : vector<16xi32>
      tpu.vector_store_idx %arg11[%shift_right_arithmetic3A_974, %and3A_977], %broadcast_in_dim3A_45 {add = true} : memref<625x16xf32, #tpu.memory_space<vmem>>[vector<16xi32>, vector<16xi32>], vector<16xf32>,
      %get3A_978 = arith.constant 0 : i32
      %get3A_979 = arith.index_cast %get3A_978 : i32 to index
      %get3A_980 = arith.index_cast %while3A_956 : i32 to index
      %get3A_981 = arith.constant 32 : index
      %get3A_982 = tpu.vector_load %arg8[%get3A_979, %get3A_980, %get3A_981] {strides = array<i32>} : memref<2x125x128xi32, #tpu.memory_space<vmem>>, vector<16xi32>,
      %shift_right_arithmetic3A_983 = arith.constant 4 : i32
      %shift_right_arithmetic3A_984 = vector.broadcast %shift_right_arithmetic3A_983 : i32 to vector<16xi32>
      %shift_right_arithmetic3A_985 = arith.shrsi %get3A_982, %shift_right_arithmetic3A_984 : vector<16xi32>
      %and3A_986 = arith.constant 15 : i32
      %and3A_987 = vector.broadcast %and3A_986 : i32 to vector<16xi32>
      %and3A_988 = arith.andi %get3A_982, %and3A_987 : vector<16xi32>
      tpu.vector_store_idx %arg11[%shift_right_arithmetic3A_985, %and3A_988], %broadcast_in_dim3A_45 {add = true} : memref<625x16xf32, #tpu.memory_space<vmem>>[vector<16xi32>, vector<16xi32>], vector<16xf32>,
      %get3A_989 = arith.constant 0 : i32
      %get3A_990 = arith.index_cast %get3A_989 : i32 to index
      %get3A_991 = arith.index_cast %while3A_956 : i32 to index
      %get3A_992 = arith.constant 48 : index
      %get3A_993 = tpu.vector_load %arg8[%get3A_990, %get3A_991, %get3A_992] {strides = array<i32>} : memref<2x125x128xi32, #tpu.memory_space<vmem>>, vector<16xi32>,
      %shift_right_arithmetic3A_994 = arith.constant 4 : i32
      %shift_right_arithmetic3A_995 = vector.broadcast %shift_right_arithmetic3A_994 : i32 to vector<16xi32>
      %shift_right_arithmetic3A_996 = arith.shrsi %get3A_993, %shift_right_arithmetic3A_995 : vector<16xi32>
      %and3A_997 = arith.constant 15 : i32
      %and3A_998 = vector.broadcast %and3A_997 : i32 to vector<16xi32>
      %and3A_999 = arith.andi %get3A_993, %and3A_998 : vector<16xi32>
      tpu.vector_store_idx %arg11[%shift_right_arithmetic3A_996, %and3A_999], %broadcast_in_dim3A_45 {add = true} : memref<625x16xf32, #tpu.memory_space<vmem>>[vector<16xi32>, vector<16xi32>], vector<16xf32>,
      %get3A_1000 = arith.constant 0 : i32
      %get3A_1001 = arith.index_cast %get3A_1000 : i32 to index
      %get3A_1002 = arith.index_cast %while3A_956 : i32 to index
      %get3A_1003 = arith.constant 64 : index
      %get3A_1004 = tpu.vector_load %arg8[%get3A_1001, %get3A_1002, %get3A_1003] {strides = array<i32>} : memref<2x125x128xi32, #tpu.memory_space<vmem>>, vector<16xi32>,
      %shift_right_arithmetic3A_1005 = arith.constant 4 : i32
      %shift_right_arithmetic3A_1006 = vector.broadcast %shift_right_arithmetic3A_1005 : i32 to vector<16xi32>
      %shift_right_arithmetic3A_1007 = arith.shrsi %get3A_1004, %shift_right_arithmetic3A_1006 : vector<16xi32>
      %and3A_1008 = arith.constant 15 : i32
      %and3A_1009 = vector.broadcast %and3A_1008 : i32 to vector<16xi32>
      %and3A_1010 = arith.andi %get3A_1004, %and3A_1009 : vector<16xi32>
      tpu.vector_store_idx %arg11[%shift_right_arithmetic3A_1007, %and3A_1010], %broadcast_in_dim3A_45 {add = true} : memref<625x16xf32, #tpu.memory_space<vmem>>[vector<16xi32>, vector<16xi32>], vector<16xf32>,
      %get3A_1011 = arith.constant 0 : i32
      %get3A_1012 = arith.index_cast %get3A_1011 : i32 to index
      %get3A_1013 = arith.index_cast %while3A_956 : i32 to index
      %get3A_1014 = arith.constant 80 : index
      %get3A_1015 = tpu.vector_load %arg8[%get3A_1012, %get3A_1013, %get3A_1014] {strides = array<i32>} : memref<2x125x128xi32, #tpu.memory_space<vmem>>, vector<16xi32>,
      %shift_right_arithmetic3A_1016 = arith.constant 4 : i32
      %shift_right_arithmetic3A_1017 = vector.broadcast %shift_right_arithmetic3A_1016 : i32 to vector<16xi32>
      %shift_right_arithmetic3A_1018 = arith.shrsi %get3A_1015, %shift_right_arithmetic3A_1017 : vector<16xi32>
      %and3A_1019 = arith.constant 15 : i32
      %and3A_1020 = vector.broadcast %and3A_1019 : i32 to vector<16xi32>
      %and3A_1021 = arith.andi %get3A_1015, %and3A_1020 : vector<16xi32>
      tpu.vector_store_idx %arg11[%shift_right_arithmetic3A_1018, %and3A_1021], %broadcast_in_dim3A_45 {add = true} : memref<625x16xf32, #tpu.memory_space<vmem>>[vector<16xi32>, vector<16xi32>], vector<16xf32>,
      %get3A_1022 = arith.constant 0 : i32
      %get3A_1023 = arith.index_cast %get3A_1022 : i32 to index
      %get3A_1024 = arith.index_cast %while3A_956 : i32 to index
      %get3A_1025 = arith.constant 96 : index
      %get3A_1026 = tpu.vector_load %arg8[%get3A_1023, %get3A_1024, %get3A_1025] {strides = array<i32>} : memref<2x125x128xi32, #tpu.memory_space<vmem>>, vector<16xi32>,
      %shift_right_arithmetic3A_1027 = arith.constant 4 : i32
      %shift_right_arithmetic3A_1028 = vector.broadcast %shift_right_arithmetic3A_1027 : i32 to vector<16xi32>
      %shift_right_arithmetic3A_1029 = arith.shrsi %get3A_1026, %shift_right_arithmetic3A_1028 : vector<16xi32>
      %and3A_1030 = arith.constant 15 : i32
      %and3A_1031 = vector.broadcast %and3A_1030 : i32 to vector<16xi32>
      %and3A_1032 = arith.andi %get3A_1026, %and3A_1031 : vector<16xi32>
      tpu.vector_store_idx %arg11[%shift_right_arithmetic3A_1029, %and3A_1032], %broadcast_in_dim3A_45 {add = true} : memref<625x16xf32, #tpu.memory_space<vmem>>[vector<16xi32>, vector<16xi32>], vector<16xf32>,
      %get3A_1033 = arith.constant 0 : i32
      %get3A_1034 = arith.index_cast %get3A_1033 : i32 to index
      %get3A_1035 = arith.index_cast %while3A_956 : i32 to index
      %get3A_1036 = arith.constant 112 : index
      %get3A_1037 = tpu.vector_load %arg8[%get3A_1034, %get3A_1035, %get3A_1036] {strides = array<i32>} : memref<2x125x128xi32, #tpu.memory_space<vmem>>, vector<16xi32>,
      %shift_right_arithmetic3A_1038 = arith.constant 4 : i32
      %shift_right_arithmetic3A_1039 = vector.broadcast %shift_right_arithmetic3A_1038 : i32 to vector<16xi32>
      %shift_right_arithmetic3A_1040 = arith.shrsi %get3A_1037, %shift_right_arithmetic3A_1039 : vector<16xi32>
      %and3A_1041 = arith.constant 15 : i32
      %and3A_1042 = vector.broadcast %and3A_1041 : i32 to vector<16xi32>
      %and3A_1043 = arith.andi %get3A_1037, %and3A_1042 : vector<16xi32>
      tpu.vector_store_idx %arg11[%shift_right_arithmetic3A_1040, %and3A_1043], %broadcast_in_dim3A_45 {add = true} : memref<625x16xf32, #tpu.memory_space<vmem>>[vector<16xi32>, vector<16xi32>], vector<16xf32>,
      %while3A_1044 = arith.constant 0 : i32
      scf.yield %while3A_1044 : i32
    }
    %while3A_718 = arith.constant 1 : i32
    %while3A_719 = scf.for %while3A_956 = %while3A_715 to %while3A_711 step %while3A_718 iter_args(%while3A_957 = %while3A_717) -> (i32)  : i32 {
      %get3A = arith.constant 0 : i32
      %get3A_958 = arith.index_cast %get3A : i32 to index
      %get3A_959 = arith.index_cast %while3A_956 : i32 to index
      %get3A_960 = arith.constant 0 : index
      %get3A_961 = tpu.vector_load %arg8[%get3A_958, %get3A_959, %get3A_960] {strides = array<i32>} : memref<2x125x128xi32, #tpu.memory_space<vmem>>, vector<16xi32>,
      %shift_right_arithmetic3A = arith.constant 4 : i32
      %shift_right_arithmetic3A_962 = vector.broadcast %shift_right_arithmetic3A : i32 to vector<16xi32>
      %shift_right_arithmetic3A_963 = arith.shrsi %get3A_961, %shift_right_arithmetic3A_962 : vector<16xi32>
      %and3A_964 = arith.constant 15 : i32
      %and3A_965 = vector.broadcast %and3A_964 : i32 to vector<16xi32>
      %and3A_966 = arith.andi %get3A_961, %and3A_965 : vector<16xi32>
      tpu.vector_store_idx %arg11[%shift_right_arithmetic3A_963, %and3A_966], %broadcast_in_dim3A_45 {add = true} : memref<625x16xf32, #tpu.memory_space<vmem>>[vector<16xi32>, vector<16xi32>], vector<16xf32>,
      %get3A_967 = arith.constant 0 : i32
      %get3A_968 = arith.index_cast %get3A_967 : i32 to index
      %get3A_969 = arith.index_cast %while3A_956 : i32 to index
      %get3A_970 = arith.constant 16 : index
      %get3A_971 = tpu.vector_load %arg8[%get3A_968, %get3A_969, %get3A_970] {strides = array<i32>} : memref<2x125x128xi32, #tpu.memory_space<vmem>>, vector<16xi32>,
      %shift_right_arithmetic3A_972 = arith.constant 4 : i32
      %shift_right_arithmetic3A_973 = vector.broadcast %shift_right_arithmetic3A_972 : i32 to vector<16xi32>
      %shift_right_arithmetic3A_974 = arith.shrsi %get3A_971, %shift_right_arithmetic3A_973 : vector<16xi32>
      %and3A_975 = arith.constant 15 : i32
      %and3A_976 = vector.broadcast %and3A_975 : i32 to vector<16xi32>
      %and3A_977 = arith.andi %get3A_971, %and3A_976 : vector<16xi32>
      tpu.vector_store_idx %arg11[%shift_right_arithmetic3A_974, %and3A_977], %broadcast_in_dim3A_45 {add = true} : memref<625x16xf32, #tpu.memory_space<vmem>>[vector<16xi32>, vector<16xi32>], vector<16xf32>,
      %get3A_978 = arith.constant 0 : i32
      %get3A_979 = arith.index_cast %get3A_978 : i32 to index
      %get3A_980 = arith.index_cast %while3A_956 : i32 to index
      %get3A_981 = arith.constant 32 : index
      %get3A_982 = tpu.vector_load %arg8[%get3A_979, %get3A_980, %get3A_981] {strides = array<i32>} : memref<2x125x128xi32, #tpu.memory_space<vmem>>, vector<16xi32>,
      %shift_right_arithmetic3A_983 = arith.constant 4 : i32
      %shift_right_arithmetic3A_984 = vector.broadcast %shift_right_arithmetic3A_983 : i32 to vector<16xi32>
      %shift_right_arithmetic3A_985 = arith.shrsi %get3A_982, %shift_right_arithmetic3A_984 : vector<16xi32>
      %and3A_986 = arith.constant 15 : i32
      %and3A_987 = vector.broadcast %and3A_986 : i32 to vector<16xi32>
      %and3A_988 = arith.andi %get3A_982, %and3A_987 : vector<16xi32>
      tpu.vector_store_idx %arg11[%shift_right_arithmetic3A_985, %and3A_988], %broadcast_in_dim3A_45 {add = true} : memref<625x16xf32, #tpu.memory_space<vmem>>[vector<16xi32>, vector<16xi32>], vector<16xf32>,
      %get3A_989 = arith.constant 0 : i32
      %get3A_990 = arith.index_cast %get3A_989 : i32 to index
      %get3A_991 = arith.index_cast %while3A_956 : i32 to index
      %get3A_992 = arith.constant 48 : index
      %get3A_993 = tpu.vector_load %arg8[%get3A_990, %get3A_991, %get3A_992] {strides = array<i32>} : memref<2x125x128xi32, #tpu.memory_space<vmem>>, vector<16xi32>,
      %shift_right_arithmetic3A_994 = arith.constant 4 : i32
      %shift_right_arithmetic3A_995 = vector.broadcast %shift_right_arithmetic3A_994 : i32 to vector<16xi32>
      %shift_right_arithmetic3A_996 = arith.shrsi %get3A_993, %shift_right_arithmetic3A_995 : vector<16xi32>
      %and3A_997 = arith.constant 15 : i32
      %and3A_998 = vector.broadcast %and3A_997 : i32 to vector<16xi32>
      %and3A_999 = arith.andi %get3A_993, %and3A_998 : vector<16xi32>
      tpu.vector_store_idx %arg11[%shift_right_arithmetic3A_996, %and3A_999], %broadcast_in_dim3A_45 {add = true} : memref<625x16xf32, #tpu.memory_space<vmem>>[vector<16xi32>, vector<16xi32>], vector<16xf32>,
      %get3A_1000 = arith.constant 0 : i32
      %get3A_1001 = arith.index_cast %get3A_1000 : i32 to index
      %get3A_1002 = arith.index_cast %while3A_956 : i32 to index
      %get3A_1003 = arith.constant 64 : index
      %get3A_1004 = tpu.vector_load %arg8[%get3A_1001, %get3A_1002, %get3A_1003] {strides = array<i32>} : memref<2x125x128xi32, #tpu.memory_space<vmem>>, vector<16xi32>,
      %shift_right_arithmetic3A_1005 = arith.constant 4 : i32
      %shift_right_arithmetic3A_1006 = vector.broadcast %shift_right_arithmetic3A_1005 : i32 to vector<16xi32>
      %shift_right_arithmetic3A_1007 = arith.shrsi %get3A_1004, %shift_right_arithmetic3A_1006 : vector<16xi32>
      %and3A_1008 = arith.constant 15 : i32
      %and3A_1009 = vector.broadcast %and3A_1008 : i32 to vector<16xi32>
      %and3A_1010 = arith.andi %get3A_1004, %and3A_1009 : vector<16xi32>
      tpu.vector_store_idx %arg11[%shift_right_arithmetic3A_1007, %and3A_1010], %broadcast_in_dim3A_45 {add = true} : memref<625x16xf32, #tpu.memory_space<vmem>>[vector<16xi32>, vector<16xi32>], vector<16xf32>,
      %get3A_1011 = arith.constant 0 : i32
      %get3A_1012 = arith.index_cast %get3A_1011 : i32 to index
      %get3A_1013 = arith.index_cast %while3A_956 : i32 to index
      %get3A_1014 = arith.constant 80 : index
      %get3A_1015 = tpu.vector_load %arg8[%get3A_1012, %get3A_1013, %get3A_1014] {strides = array<i32>} : memref<2x125x128xi32, #tpu.memory_space<vmem>>, vector<16xi32>,
      %shift_right_arithmetic3A_1016 = arith.constant 4 : i32
      %shift_right_arithmetic3A_1017 = vector.broadcast %shift_right_arithmetic3A_1016 : i32 to vector<16xi32>
      %shift_right_arithmetic3A_1018 = arith.shrsi %get3A_1015, %shift_right_arithmetic3A_1017 : vector<16xi32>
      %and3A_1019 = arith.constant 15 : i32
      %and3A_1020 = vector.broadcast %and3A_1019 : i32 to vector<16xi32>
      %and3A_1021 = arith.andi %get3A_1015, %and3A_1020 : vector<16xi32>
      tpu.vector_store_idx %arg11[%shift_right_arithmetic3A_1018, %and3A_1021], %broadcast_in_dim3A_45 {add = true} : memref<625x16xf32, #tpu.memory_space<vmem>>[vector<16xi32>, vector<16xi32>], vector<16xf32>,
      %get3A_1022 = arith.constant 0 : i32
      %get3A_1023 = arith.index_cast %get3A_1022 : i32 to index
      %get3A_1024 = arith.index_cast %while3A_956 : i32 to index
      %get3A_1025 = arith.constant 96 : index
      %get3A_1026 = tpu.vector_load %arg8[%get3A_1023, %get3A_1024, %get3A_1025] {strides = array<i32>} : memref<2x125x128xi32, #tpu.memory_space<vmem>>, vector<16xi32>,
      %shift_right_arithmetic3A_1027 = arith.constant 4 : i32
      %shift_right_arithmetic3A_1028 = vector.broadcast %shift_right_arithmetic3A_1027 : i32 to vector<16xi32>
      %shift_right_arithmetic3A_1029 = arith.shrsi %get3A_1026, %shift_right_arithmetic3A_1028 : vector<16xi32>
      %and3A_1030 = arith.constant 15 : i32
      %and3A_1031 = vector.broadcast %and3A_1030 : i32 to vector<16xi32>
      %and3A_1032 = arith.andi %get3A_1026, %and3A_1031 : vector<16xi32>
      tpu.vector_store_idx %arg11[%shift_right_arithmetic3A_1029, %and3A_1032], %broadcast_in_dim3A_45 {add = true} : memref<625x16xf32, #tpu.memory_space<vmem>>[vector<16xi32>, vector<16xi32>], vector<16xf32>,
      %get3A_1033 = arith.constant 0 : i32
      %get3A_1034 = arith.index_cast %get3A_1033 : i32 to index
      %get3A_1035 = arith.index_cast %while3A_956 : i32 to index
      %get3A_1036 = arith.constant 112 : index
      %get3A_1037 = tpu.vector_load %arg8[%get3A_1034, %get3A_1035, %get3A_1036] {strides = array<i32>} : memref<2x125x128xi32, #tpu.memory_space<vmem>>, vector<16xi32>,
      %shift_right_arithmetic3A_1038 = arith.constant 4 : i32
      %shift_right_arithmetic3A_1039 = vector.broadcast %shift_right_arithmetic3A_1038 : i32 to vector<16xi32>
      %shift_right_arithmetic3A_1040 = arith.shrsi %get3A_1037, %shift_right_arithmetic3A_1039 : vector<16xi32>
      %and3A_1041 = arith.constant 15 : i32
      %and3A_1042 = vector.broadcast %and3A_1041 : i32 to vector<16xi32>
      %and3A_1043 = arith.andi %get3A_1037, %and3A_1042 : vector<16xi32>
      tpu.vector_store_idx %arg11[%shift_right_arithmetic3A_1040, %and3A_1043], %broadcast_in_dim3A_45 {add = true} : memref<625x16xf32, #tpu.memory_space<vmem>>[vector<16xi32>, vector<16xi32>], vector<16xf32>,
      %while3A_1044 = arith.constant 0 : i32
      scf.yield %while3A_1044 : i32
    }
    %dma_wait3A_720 = arith.constant 1 : i32
    %dma_wait3A_721 = arith.constant 0 : i32
    %dma_wait3A_722 = arith.constant 0 : i32
    %dma_wait3A_723 = tpu.memref_slice %arg7[%dma_wait3A_720, %dma_wait3A_721, %dma_wait3A_722] : memref<2x125x128xf32, #tpu.memory_space<vmem>> -> memref<1x125x128xf32, #tpu.memory_space<vmem>>
    %dma_wait3A_724 = tpu.memref_squeeze %dma_wait3A_723 : memref<1x125x128xf32, #tpu.memory_space<vmem>> -> memref<125x128xf32, #tpu.memory_space<vmem>>
    %dma_wait3A_725 = arith.constant 0 : i32
    %dma_wait3A_726 = tpu.memref_slice %arg2[%select_n3A, %add3A_668, %select_n3A_28, %dma_wait3A_725] : memref<2x2500x8x128xf32, #tpu.memory_space<hbm>> -> memref<1x125x1x128xf32, #tpu.memory_space<hbm>>
    %dma_wait3A_727 = tpu.memref_squeeze %dma_wait3A_726 : memref<1x125x1x128xf32, #tpu.memory_space<hbm>> -> memref<125x128xf32, #tpu.memory_space<hbm>>
    %dma_wait3A_728 = arith.constant 0 : i32
    %dma_wait3A_729 = arith.constant 0 : i32
    %dma_wait3A_730 = tpu.memref_slice %arg7[%dma_wait3A_720, %dma_wait3A_728, %dma_wait3A_729] : memref<2x125x128xf32, #tpu.memory_space<vmem>> -> memref<1x125x128xf32, #tpu.memory_space<vmem>>
    %dma_wait3A_731 = tpu.memref_squeeze %dma_wait3A_730 : memref<1x125x128xf32, #tpu.memory_space<vmem>> -> memref<125x128xf32, #tpu.memory_space<vmem>>
    %dma_wait3A_732 = arith.constant 0 : i32
    %dma_wait3A_733 = tpu.memref_slice %arg2[%select_n3A, %add3A_668, %select_n3A_28, %dma_wait3A_732] : memref<2x2500x8x128xf32, #tpu.memory_space<hbm>> -> memref<1x125x1x128xf32, #tpu.memory_space<hbm>>
    %dma_wait3A_734 = tpu.memref_squeeze %dma_wait3A_733 : memref<1x125x1x128xf32, #tpu.memory_space<hbm>> -> memref<125x128xf32, #tpu.memory_space<hbm>>
    tpu.wait_dma2 semaphore(%arg13 : memref<!tpu.dma_semaphore, #tpu.memory_space<semaphore_mem>>) src(%dma_wait3A_734 : memref<125x128xf32, #tpu.memory_space<hbm>>) dst(%dma_wait3A_731 : memref<125x128xf32, #tpu.memory_space<vmem>>)
    %dma_wait3A_735 = arith.constant 1 : i32
    %dma_wait3A_736 = arith.constant 1 : i32
    %dma_wait3A_737 = arith.constant 0 : i32
    %dma_wait3A_738 = arith.constant 0 : i32
    %dma_wait3A_739 = tpu.memref_slice %arg8[%dma_wait3A_736, %dma_wait3A_737, %dma_wait3A_738] : memref<2x125x128xi32, #tpu.memory_space<vmem>> -> memref<1x125x128xi32, #tpu.memory_space<vmem>>
    %dma_wait3A_740 = tpu.memref_squeeze %dma_wait3A_739 : memref<1x125x128xi32, #tpu.memory_space<vmem>> -> memref<125x128xi32, #tpu.memory_space<vmem>>
    %dma_wait3A_741 = arith.constant 0 : i32
    %dma_wait3A_742 = tpu.memref_slice %arg3[%add3A_685, %dma_wait3A_735, %dma_wait3A_741] : memref<2500x2x128xi32, #tpu.memory_space<hbm>> -> memref<125x1x128xi32, #tpu.memory_space<hbm>>
    %dma_wait3A_743 = tpu.memref_squeeze %dma_wait3A_742 : memref<125x1x128xi32, #tpu.memory_space<hbm>> -> memref<125x128xi32, #tpu.memory_space<hbm>>
    %dma_wait3A_744 = arith.constant 0 : i32
    %dma_wait3A_745 = arith.constant 0 : i32
    %dma_wait3A_746 = tpu.memref_slice %arg8[%dma_wait3A_736, %dma_wait3A_744, %dma_wait3A_745] : memref<2x125x128xi32, #tpu.memory_space<vmem>> -> memref<1x125x128xi32, #tpu.memory_space<vmem>>
    %dma_wait3A_747 = tpu.memref_squeeze %dma_wait3A_746 : memref<1x125x128xi32, #tpu.memory_space<vmem>> -> memref<125x128xi32, #tpu.memory_space<vmem>>
    %dma_wait3A_748 = arith.constant 0 : i32
    %dma_wait3A_749 = tpu.memref_slice %arg3[%add3A_685, %dma_wait3A_735, %dma_wait3A_748] : memref<2500x2x128xi32, #tpu.memory_space<hbm>> -> memref<125x1x128xi32, #tpu.memory_space<hbm>>
    %dma_wait3A_750 = tpu.memref_squeeze %dma_wait3A_749 : memref<125x1x128xi32, #tpu.memory_space<hbm>> -> memref<125x128xi32, #tpu.memory_space<hbm>>
    tpu.wait_dma2 semaphore(%arg13 : memref<!tpu.dma_semaphore, #tpu.memory_space<semaphore_mem>>) src(%dma_wait3A_750 : memref<125x128xi32, #tpu.memory_space<hbm>>) dst(%dma_wait3A_747 : memref<125x128xi32, #tpu.memory_space<vmem>>)
    %add3A_751 = arith.constant 1000 : i32
    %add3A_752 = arith.addi %mul3A_44, %add3A_751 : i32
    %dma_start3A_753 = arith.constant 0 : i32
    %dma_start3A_754 = arith.constant 0 : i32
    %dma_start3A_755 = arith.constant 0 : i32
    %dma_start3A_756 = tpu.memref_slice %arg7[%dma_start3A_753, %dma_start3A_754, %dma_start3A_755] : memref<2x125x128xf32, #tpu.memory_space<vmem>> -> memref<1x125x128xf32, #tpu.memory_space<vmem>>
    %dma_start3A_757 = tpu.memref_squeeze %dma_start3A_756 : memref<1x125x128xf32, #tpu.memory_space<vmem>> -> memref<125x128xf32, #tpu.memory_space<vmem>>
    %dma_start3A_758 = arith.constant 0 : i32
    %dma_start3A_759 = tpu.memref_slice %arg2[%select_n3A, %add3A_752, %select_n3A_28, %dma_start3A_758] : memref<2x2500x8x128xf32, #tpu.memory_space<hbm>> -> memref<1x125x1x128xf32, #tpu.memory_space<hbm>>
    %dma_start3A_760 = tpu.memref_squeeze %dma_start3A_759 : memref<1x125x1x128xf32, #tpu.memory_space<hbm>> -> memref<125x128xf32, #tpu.memory_space<hbm>>
    %dma_start3A_761 = arith.constant 0 : i32
    %dma_start3A_762 = arith.constant 0 : i32
    %dma_start3A_763 = tpu.memref_slice %arg7[%dma_start3A_753, %dma_start3A_761, %dma_start3A_762] : memref<2x125x128xf32, #tpu.memory_space<vmem>> -> memref<1x125x128xf32, #tpu.memory_space<vmem>>
    %dma_start3A_764 = tpu.memref_squeeze %dma_start3A_763 : memref<1x125x128xf32, #tpu.memory_space<vmem>> -> memref<125x128xf32, #tpu.memory_space<vmem>>
    %dma_start3A_765 = arith.constant 0 : i32
    %dma_start3A_766 = tpu.memref_slice %arg2[%select_n3A, %add3A_752, %select_n3A_28, %dma_start3A_765] : memref<2x2500x8x128xf32, #tpu.memory_space<hbm>> -> memref<1x125x1x128xf32, #tpu.memory_space<hbm>>
    %dma_start3A_767 = tpu.memref_squeeze %dma_start3A_766 : memref<1x125x1x128xf32, #tpu.memory_space<hbm>> -> memref<125x128xf32, #tpu.memory_space<hbm>>
    tpu.enqueue_dma source(%dma_start3A_767 : memref<125x128xf32, #tpu.memory_space<hbm>>) target(%dma_start3A_764 : memref<125x128xf32, #tpu.memory_space<vmem>>) target_semaphore(%arg13 : memref<!tpu.dma_semaphore, #tpu.memory_space<semaphore_mem>>)
    %add3A_768 = arith.constant 1000 : i32
    %add3A_769 = arith.addi %mul3A_44, %add3A_768 : i32
    %dma_start3A_770 = arith.constant 1 : i32
    %dma_start3A_771 = arith.constant 0 : i32
    %dma_start3A_772 = arith.constant 0 : i32
    %dma_start3A_773 = arith.constant 0 : i32
    %dma_start3A_774 = tpu.memref_slice %arg8[%dma_start3A_771, %dma_start3A_772, %dma_start3A_773] : memref<2x125x128xi32, #tpu.memory_space<vmem>> -> memref<1x125x128xi32, #tpu.memory_space<vmem>>
    %dma_start3A_775 = tpu.memref_squeeze %dma_start3A_774 : memref<1x125x128xi32, #tpu.memory_space<vmem>> -> memref<125x128xi32, #tpu.memory_space<vmem>>
    %dma_start3A_776 = arith.constant 0 : i32
    %dma_start3A_777 = tpu.memref_slice %arg3[%add3A_769, %dma_start3A_770, %dma_start3A_776] : memref<2500x2x128xi32, #tpu.memory_space<hbm>> -> memref<125x1x128xi32, #tpu.memory_space<hbm>>
    %dma_start3A_778 = tpu.memref_squeeze %dma_start3A_777 : memref<125x1x128xi32, #tpu.memory_space<hbm>> -> memref<125x128xi32, #tpu.memory_space<hbm>>
    %dma_start3A_779 = arith.constant 0 : i32
    %dma_start3A_780 = arith.constant 0 : i32
    %dma_start3A_781 = tpu.memref_slice %arg8[%dma_start3A_771, %dma_start3A_779, %dma_start3A_780] : memref<2x125x128xi32, #tpu.memory_space<vmem>> -> memref<1x125x128xi32, #tpu.memory_space<vmem>>
    %dma_start3A_782 = tpu.memref_squeeze %dma_start3A_781 : memref<1x125x128xi32, #tpu.memory_space<vmem>> -> memref<125x128xi32, #tpu.memory_space<vmem>>
    %dma_start3A_783 = arith.constant 0 : i32
    %dma_start3A_784 = tpu.memref_slice %arg3[%add3A_769, %dma_start3A_770, %dma_start3A_783] : memref<2500x2x128xi32, #tpu.memory_space<hbm>> -> memref<125x1x128xi32, #tpu.memory_space<hbm>>
    %dma_start3A_785 = tpu.memref_squeeze %dma_start3A_784 : memref<125x1x128xi32, #tpu.memory_space<hbm>> -> memref<125x128xi32, #tpu.memory_space<hbm>>
    tpu.enqueue_dma source(%dma_start3A_785 : memref<125x128xi32, #tpu.memory_space<hbm>>) target(%dma_start3A_782 : memref<125x128xi32, #tpu.memory_space<vmem>>) target_semaphore(%arg13 : memref<!tpu.dma_semaphore, #tpu.memory_space<semaphore_mem>>)
    %scan3A_786 = arith.constant 0 : i32
    %scan3A_787 = arith.constant 0 : i32
    %scan3A_788 = arith.constant 125 : i32
    %scan3A_789 = arith.addi %scan3A_787, %scan3A_788 : i32
    %scan3A_790 = arith.constant 1 : i32
    %scan3A_791 = scf.for %scan3A_956 = %scan3A_787 to %scan3A_789 step %scan3A_790 iter_args(%scan3A_957 = %scan3A_786) -> (i32)  : i32 {
      %get3A = arith.constant 1 : i32
      %get3A_958 = arith.index_cast %get3A : i32 to index
      %get3A_959 = arith.index_cast %scan3A_956 : i32 to index
      %get3A_960 = arith.constant 0 : index
      %get3A_961 = tpu.vector_load %arg8[%get3A_958, %get3A_959, %get3A_960] {strides = array<i32>} : memref<2x125x128xi32, #tpu.memory_space<vmem>>, vector<16xi32>,
      %get3A_962 = arith.constant 1 : i32
      %get3A_963 = arith.index_cast %get3A_962 : i32 to index
      %get3A_964 = arith.index_cast %scan3A_956 : i32 to index
      %get3A_965 = arith.constant 0 : index
      %get3A_966 = tpu.vector_load %arg7[%get3A_963, %get3A_964, %get3A_965] {strides = array<i32>} : memref<2x125x128xf32, #tpu.memory_space<vmem>>, vector<16xf32>,
      %shift_right_arithmetic3A = arith.constant 4 : i32
      %shift_right_arithmetic3A_967 = vector.broadcast %shift_right_arithmetic3A : i32 to vector<16xi32>
      %shift_right_arithmetic3A_968 = arith.shrsi %get3A_961, %shift_right_arithmetic3A_967 : vector<16xi32>
      %and3A_969 = arith.constant 15 : i32
      %and3A_970 = vector.broadcast %and3A_969 : i32 to vector<16xi32>
      %and3A_971 = arith.andi %get3A_961, %and3A_970 : vector<16xi32>
      tpu.vector_store_idx %arg10[%shift_right_arithmetic3A_968, %and3A_971], %get3A_966 {add = true} : memref<625x16xf32, #tpu.memory_space<vmem>>[vector<16xi32>, vector<16xi32>], vector<16xf32>,
      %get3A_972 = arith.constant 1 : i32
      %get3A_973 = arith.index_cast %get3A_972 : i32 to index
      %get3A_974 = arith.index_cast %scan3A_956 : i32 to index
      %get3A_975 = arith.constant 16 : index
      %get3A_976 = tpu.vector_load %arg8[%get3A_973, %get3A_974, %get3A_975] {strides = array<i32>} : memref<2x125x128xi32, #tpu.memory_space<vmem>>, vector<16xi32>,
      %get3A_977 = arith.constant 1 : i32
      %get3A_978 = arith.index_cast %get3A_977 : i32 to index
      %get3A_979 = arith.index_cast %scan3A_956 : i32 to index
      %get3A_980 = arith.constant 16 : index
      %get3A_981 = tpu.vector_load %arg7[%get3A_978, %get3A_979, %get3A_980] {strides = array<i32>} : memref<2x125x128xf32, #tpu.memory_space<vmem>>, vector<16xf32>,
      %shift_right_arithmetic3A_982 = arith.constant 4 : i32
      %shift_right_arithmetic3A_983 = vector.broadcast %shift_right_arithmetic3A_982 : i32 to vector<16xi32>
      %shift_right_arithmetic3A_984 = arith.shrsi %get3A_976, %shift_right_arithmetic3A_983 : vector<16xi32>
      %and3A_985 = arith.constant 15 : i32
      %and3A_986 = vector.broadcast %and3A_985 : i32 to vector<16xi32>
      %and3A_987 = arith.andi %get3A_976, %and3A_986 : vector<16xi32>
      tpu.vector_store_idx %arg10[%shift_right_arithmetic3A_984, %and3A_987], %get3A_981 {add = true} : memref<625x16xf32, #tpu.memory_space<vmem>>[vector<16xi32>, vector<16xi32>], vector<16xf32>,
      %get3A_988 = arith.constant 1 : i32
      %get3A_989 = arith.index_cast %get3A_988 : i32 to index
      %get3A_990 = arith.index_cast %scan3A_956 : i32 to index
      %get3A_991 = arith.constant 32 : index
      %get3A_992 = tpu.vector_load %arg8[%get3A_989, %get3A_990, %get3A_991] {strides = array<i32>} : memref<2x125x128xi32, #tpu.memory_space<vmem>>, vector<16xi32>,
      %get3A_993 = arith.constant 1 : i32
      %get3A_994 = arith.index_cast %get3A_993 : i32 to index
      %get3A_995 = arith.index_cast %scan3A_956 : i32 to index
      %get3A_996 = arith.constant 32 : index
      %get3A_997 = tpu.vector_load %arg7[%get3A_994, %get3A_995, %get3A_996] {strides = array<i32>} : memref<2x125x128xf32, #tpu.memory_space<vmem>>, vector<16xf32>,
      %shift_right_arithmetic3A_998 = arith.constant 4 : i32
      %shift_right_arithmetic3A_999 = vector.broadcast %shift_right_arithmetic3A_998 : i32 to vector<16xi32>
      %shift_right_arithmetic3A_1000 = arith.shrsi %get3A_992, %shift_right_arithmetic3A_999 : vector<16xi32>
      %and3A_1001 = arith.constant 15 : i32
      %and3A_1002 = vector.broadcast %and3A_1001 : i32 to vector<16xi32>
      %and3A_1003 = arith.andi %get3A_992, %and3A_1002 : vector<16xi32>
      tpu.vector_store_idx %arg10[%shift_right_arithmetic3A_1000, %and3A_1003], %get3A_997 {add = true} : memref<625x16xf32, #tpu.memory_space<vmem>>[vector<16xi32>, vector<16xi32>], vector<16xf32>,
      %get3A_1004 = arith.constant 1 : i32
      %get3A_1005 = arith.index_cast %get3A_1004 : i32 to index
      %get3A_1006 = arith.index_cast %scan3A_956 : i32 to index
      %get3A_1007 = arith.constant 48 : index
      %get3A_1008 = tpu.vector_load %arg8[%get3A_1005, %get3A_1006, %get3A_1007] {strides = array<i32>} : memref<2x125x128xi32, #tpu.memory_space<vmem>>, vector<16xi32>,
      %get3A_1009 = arith.constant 1 : i32
      %get3A_1010 = arith.index_cast %get3A_1009 : i32 to index
      %get3A_1011 = arith.index_cast %scan3A_956 : i32 to index
      %get3A_1012 = arith.constant 48 : index
      %get3A_1013 = tpu.vector_load %arg7[%get3A_1010, %get3A_1011, %get3A_1012] {strides = array<i32>} : memref<2x125x128xf32, #tpu.memory_space<vmem>>, vector<16xf32>,
      %shift_right_arithmetic3A_1014 = arith.constant 4 : i32
      %shift_right_arithmetic3A_1015 = vector.broadcast %shift_right_arithmetic3A_1014 : i32 to vector<16xi32>
      %shift_right_arithmetic3A_1016 = arith.shrsi %get3A_1008, %shift_right_arithmetic3A_1015 : vector<16xi32>
      %and3A_1017 = arith.constant 15 : i32
      %and3A_1018 = vector.broadcast %and3A_1017 : i32 to vector<16xi32>
      %and3A_1019 = arith.andi %get3A_1008, %and3A_1018 : vector<16xi32>
      tpu.vector_store_idx %arg10[%shift_right_arithmetic3A_1016, %and3A_1019], %get3A_1013 {add = true} : memref<625x16xf32, #tpu.memory_space<vmem>>[vector<16xi32>, vector<16xi32>], vector<16xf32>,
      %get3A_1020 = arith.constant 1 : i32
      %get3A_1021 = arith.index_cast %get3A_1020 : i32 to index
      %get3A_1022 = arith.index_cast %scan3A_956 : i32 to index
      %get3A_1023 = arith.constant 64 : index
      %get3A_1024 = tpu.vector_load %arg8[%get3A_1021, %get3A_1022, %get3A_1023] {strides = array<i32>} : memref<2x125x128xi32, #tpu.memory_space<vmem>>, vector<16xi32>,
      %get3A_1025 = arith.constant 1 : i32
      %get3A_1026 = arith.index_cast %get3A_1025 : i32 to index
      %get3A_1027 = arith.index_cast %scan3A_956 : i32 to index
      %get3A_1028 = arith.constant 64 : index
      %get3A_1029 = tpu.vector_load %arg7[%get3A_1026, %get3A_1027, %get3A_1028] {strides = array<i32>} : memref<2x125x128xf32, #tpu.memory_space<vmem>>, vector<16xf32>,
      %shift_right_arithmetic3A_1030 = arith.constant 4 : i32
      %shift_right_arithmetic3A_1031 = vector.broadcast %shift_right_arithmetic3A_1030 : i32 to vector<16xi32>
      %shift_right_arithmetic3A_1032 = arith.shrsi %get3A_1024, %shift_right_arithmetic3A_1031 : vector<16xi32>
      %and3A_1033 = arith.constant 15 : i32
      %and3A_1034 = vector.broadcast %and3A_1033 : i32 to vector<16xi32>
      %and3A_1035 = arith.andi %get3A_1024, %and3A_1034 : vector<16xi32>
      tpu.vector_store_idx %arg10[%shift_right_arithmetic3A_1032, %and3A_1035], %get3A_1029 {add = true} : memref<625x16xf32, #tpu.memory_space<vmem>>[vector<16xi32>, vector<16xi32>], vector<16xf32>,
      %get3A_1036 = arith.constant 1 : i32
      %get3A_1037 = arith.index_cast %get3A_1036 : i32 to index
      %get3A_1038 = arith.index_cast %scan3A_956 : i32 to index
      %get3A_1039 = arith.constant 80 : index
      %get3A_1040 = tpu.vector_load %arg8[%get3A_1037, %get3A_1038, %get3A_1039] {strides = array<i32>} : memref<2x125x128xi32, #tpu.memory_space<vmem>>, vector<16xi32>,
      %get3A_1041 = arith.constant 1 : i32
      %get3A_1042 = arith.index_cast %get3A_1041 : i32 to index
      %get3A_1043 = arith.index_cast %scan3A_956 : i32 to index
      %get3A_1044 = arith.constant 80 : index
      %get3A_1045 = tpu.vector_load %arg7[%get3A_1042, %get3A_1043, %get3A_1044] {strides = array<i32>} : memref<2x125x128xf32, #tpu.memory_space<vmem>>, vector<16xf32>,
      %shift_right_arithmetic3A_1046 = arith.constant 4 : i32
      %shift_right_arithmetic3A_1047 = vector.broadcast %shift_right_arithmetic3A_1046 : i32 to vector<16xi32>
      %shift_right_arithmetic3A_1048 = arith.shrsi %get3A_1040, %shift_right_arithmetic3A_1047 : vector<16xi32>
      %and3A_1049 = arith.constant 15 : i32
      %and3A_1050 = vector.broadcast %and3A_1049 : i32 to vector<16xi32>
      %and3A_1051 = arith.andi %get3A_1040, %and3A_1050 : vector<16xi32>
      tpu.vector_store_idx %arg10[%shift_right_arithmetic3A_1048, %and3A_1051], %get3A_1045 {add = true} : memref<625x16xf32, #tpu.memory_space<vmem>>[vector<16xi32>, vector<16xi32>], vector<16xf32>,
      %get3A_1052 = arith.constant 1 : i32
      %get3A_1053 = arith.index_cast %get3A_1052 : i32 to index
      %get3A_1054 = arith.index_cast %scan3A_956 : i32 to index
      %get3A_1055 = arith.constant 96 : index
      %get3A_1056 = tpu.vector_load %arg8[%get3A_1053, %get3A_1054, %get3A_1055] {strides = array<i32>} : memref<2x125x128xi32, #tpu.memory_space<vmem>>, vector<16xi32>,
      %get3A_1057 = arith.constant 1 : i32
      %get3A_1058 = arith.index_cast %get3A_1057 : i32 to index
      %get3A_1059 = arith.index_cast %scan3A_956 : i32 to index
      %get3A_1060 = arith.constant 96 : index
      %get3A_1061 = tpu.vector_load %arg7[%get3A_1058, %get3A_1059, %get3A_1060] {strides = array<i32>} : memref<2x125x128xf32, #tpu.memory_space<vmem>>, vector<16xf32>,
      %shift_right_arithmetic3A_1062 = arith.constant 4 : i32
      %shift_right_arithmetic3A_1063 = vector.broadcast %shift_right_arithmetic3A_1062 : i32 to vector<16xi32>
      %shift_right_arithmetic3A_1064 = arith.shrsi %get3A_1056, %shift_right_arithmetic3A_1063 : vector<16xi32>
      %and3A_1065 = arith.constant 15 : i32
      %and3A_1066 = vector.broadcast %and3A_1065 : i32 to vector<16xi32>
      %and3A_1067 = arith.andi %get3A_1056, %and3A_1066 : vector<16xi32>
      tpu.vector_store_idx %arg10[%shift_right_arithmetic3A_1064, %and3A_1067], %get3A_1061 {add = true} : memref<625x16xf32, #tpu.memory_space<vmem>>[vector<16xi32>, vector<16xi32>], vector<16xf32>,
      %get3A_1068 = arith.constant 1 : i32
      %get3A_1069 = arith.index_cast %get3A_1068 : i32 to index
      %get3A_1070 = arith.index_cast %scan3A_956 : i32 to index
      %get3A_1071 = arith.constant 112 : index
      %get3A_1072 = tpu.vector_load %arg8[%get3A_1069, %get3A_1070, %get3A_1071] {strides = array<i32>} : memref<2x125x128xi32, #tpu.memory_space<vmem>>, vector<16xi32>,
      %get3A_1073 = arith.constant 1 : i32
      %get3A_1074 = arith.index_cast %get3A_1073 : i32 to index
      %get3A_1075 = arith.index_cast %scan3A_956 : i32 to index
      %get3A_1076 = arith.constant 112 : index
      %get3A_1077 = tpu.vector_load %arg7[%get3A_1074, %get3A_1075, %get3A_1076] {strides = array<i32>} : memref<2x125x128xf32, #tpu.memory_space<vmem>>, vector<16xf32>,
      %shift_right_arithmetic3A_1078 = arith.constant 4 : i32
      %shift_right_arithmetic3A_1079 = vector.broadcast %shift_right_arithmetic3A_1078 : i32 to vector<16xi32>
      %shift_right_arithmetic3A_1080 = arith.shrsi %get3A_1072, %shift_right_arithmetic3A_1079 : vector<16xi32>
      %and3A_1081 = arith.constant 15 : i32
      %and3A_1082 = vector.broadcast %and3A_1081 : i32 to vector<16xi32>
      %and3A_1083 = arith.andi %get3A_1072, %and3A_1082 : vector<16xi32>
      tpu.vector_store_idx %arg10[%shift_right_arithmetic3A_1080, %and3A_1083], %get3A_1077 {add = true} : memref<625x16xf32, #tpu.memory_space<vmem>>[vector<16xi32>, vector<16xi32>], vector<16xf32>,
      %scan3A_1084 = arith.constant 0 : i32
      scf.yield %scan3A_1084 : i32
    }
    %scan3A_792 = arith.constant 125 : i32
    %while3A_793 = arith.constant 0 : i32
    %while3A_794 = arith.subi %select_n3A_99, %select_n3A_71 : i32
    %while3A_795 = arith.addi %select_n3A_71, %while3A_794 : i32
    %while3A_796 = arith.constant 1 : i32
    %while3A_797 = arith.divsi %while3A_794, %while3A_796 : i32
    %while3A_798 = arith.muli %while3A_797, %while3A_796 : i32
    %while3A_799 = arith.addi %select_n3A_71, %while3A_798 : i32
    %while3A_800 = arith.constant 1 : i32
    %while3A_801 = scf.for %while3A_956 = %select_n3A_71 to %while3A_799 step %while3A_800 iter_args(%while3A_957 = %while3A_793) -> (i32)  : i32 {
      %get3A = arith.constant 1 : i32
      %get3A_958 = arith.index_cast %get3A : i32 to index
      %get3A_959 = arith.index_cast %while3A_956 : i32 to index
      %get3A_960 = arith.constant 0 : index
      %get3A_961 = tpu.vector_load %arg8[%get3A_958, %get3A_959, %get3A_960] {strides = array<i32>} : memref<2x125x128xi32, #tpu.memory_space<vmem>>, vector<16xi32>,
      %shift_right_arithmetic3A = arith.constant 4 : i32
      %shift_right_arithmetic3A_962 = vector.broadcast %shift_right_arithmetic3A : i32 to vector<16xi32>
      %shift_right_arithmetic3A_963 = arith.shrsi %get3A_961, %shift_right_arithmetic3A_962 : vector<16xi32>
      %and3A_964 = arith.constant 15 : i32
      %and3A_965 = vector.broadcast %and3A_964 : i32 to vector<16xi32>
      %and3A_966 = arith.andi %get3A_961, %and3A_965 : vector<16xi32>
      tpu.vector_store_idx %arg11[%shift_right_arithmetic3A_963, %and3A_966], %broadcast_in_dim3A_45 {add = true} : memref<625x16xf32, #tpu.memory_space<vmem>>[vector<16xi32>, vector<16xi32>], vector<16xf32>,
      %get3A_967 = arith.constant 1 : i32
      %get3A_968 = arith.index_cast %get3A_967 : i32 to index
      %get3A_969 = arith.index_cast %while3A_956 : i32 to index
      %get3A_970 = arith.constant 16 : index
      %get3A_971 = tpu.vector_load %arg8[%get3A_968, %get3A_969, %get3A_970] {strides = array<i32>} : memref<2x125x128xi32, #tpu.memory_space<vmem>>, vector<16xi32>,
      %shift_right_arithmetic3A_972 = arith.constant 4 : i32
      %shift_right_arithmetic3A_973 = vector.broadcast %shift_right_arithmetic3A_972 : i32 to vector<16xi32>
      %shift_right_arithmetic3A_974 = arith.shrsi %get3A_971, %shift_right_arithmetic3A_973 : vector<16xi32>
      %and3A_975 = arith.constant 15 : i32
      %and3A_976 = vector.broadcast %and3A_975 : i32 to vector<16xi32>
      %and3A_977 = arith.andi %get3A_971, %and3A_976 : vector<16xi32>
      tpu.vector_store_idx %arg11[%shift_right_arithmetic3A_974, %and3A_977], %broadcast_in_dim3A_45 {add = true} : memref<625x16xf32, #tpu.memory_space<vmem>>[vector<16xi32>, vector<16xi32>], vector<16xf32>,
      %get3A_978 = arith.constant 1 : i32
      %get3A_979 = arith.index_cast %get3A_978 : i32 to index
      %get3A_980 = arith.index_cast %while3A_956 : i32 to index
      %get3A_981 = arith.constant 32 : index
      %get3A_982 = tpu.vector_load %arg8[%get3A_979, %get3A_980, %get3A_981] {strides = array<i32>} : memref<2x125x128xi32, #tpu.memory_space<vmem>>, vector<16xi32>,
      %shift_right_arithmetic3A_983 = arith.constant 4 : i32
      %shift_right_arithmetic3A_984 = vector.broadcast %shift_right_arithmetic3A_983 : i32 to vector<16xi32>
      %shift_right_arithmetic3A_985 = arith.shrsi %get3A_982, %shift_right_arithmetic3A_984 : vector<16xi32>
      %and3A_986 = arith.constant 15 : i32
      %and3A_987 = vector.broadcast %and3A_986 : i32 to vector<16xi32>
      %and3A_988 = arith.andi %get3A_982, %and3A_987 : vector<16xi32>
      tpu.vector_store_idx %arg11[%shift_right_arithmetic3A_985, %and3A_988], %broadcast_in_dim3A_45 {add = true} : memref<625x16xf32, #tpu.memory_space<vmem>>[vector<16xi32>, vector<16xi32>], vector<16xf32>,
      %get3A_989 = arith.constant 1 : i32
      %get3A_990 = arith.index_cast %get3A_989 : i32 to index
      %get3A_991 = arith.index_cast %while3A_956 : i32 to index
      %get3A_992 = arith.constant 48 : index
      %get3A_993 = tpu.vector_load %arg8[%get3A_990, %get3A_991, %get3A_992] {strides = array<i32>} : memref<2x125x128xi32, #tpu.memory_space<vmem>>, vector<16xi32>,
      %shift_right_arithmetic3A_994 = arith.constant 4 : i32
      %shift_right_arithmetic3A_995 = vector.broadcast %shift_right_arithmetic3A_994 : i32 to vector<16xi32>
      %shift_right_arithmetic3A_996 = arith.shrsi %get3A_993, %shift_right_arithmetic3A_995 : vector<16xi32>
      %and3A_997 = arith.constant 15 : i32
      %and3A_998 = vector.broadcast %and3A_997 : i32 to vector<16xi32>
      %and3A_999 = arith.andi %get3A_993, %and3A_998 : vector<16xi32>
      tpu.vector_store_idx %arg11[%shift_right_arithmetic3A_996, %and3A_999], %broadcast_in_dim3A_45 {add = true} : memref<625x16xf32, #tpu.memory_space<vmem>>[vector<16xi32>, vector<16xi32>], vector<16xf32>,
      %get3A_1000 = arith.constant 1 : i32
      %get3A_1001 = arith.index_cast %get3A_1000 : i32 to index
      %get3A_1002 = arith.index_cast %while3A_956 : i32 to index
      %get3A_1003 = arith.constant 64 : index
      %get3A_1004 = tpu.vector_load %arg8[%get3A_1001, %get3A_1002, %get3A_1003] {strides = array<i32>} : memref<2x125x128xi32, #tpu.memory_space<vmem>>, vector<16xi32>,
      %shift_right_arithmetic3A_1005 = arith.constant 4 : i32
      %shift_right_arithmetic3A_1006 = vector.broadcast %shift_right_arithmetic3A_1005 : i32 to vector<16xi32>
      %shift_right_arithmetic3A_1007 = arith.shrsi %get3A_1004, %shift_right_arithmetic3A_1006 : vector<16xi32>
      %and3A_1008 = arith.constant 15 : i32
      %and3A_1009 = vector.broadcast %and3A_1008 : i32 to vector<16xi32>
      %and3A_1010 = arith.andi %get3A_1004, %and3A_1009 : vector<16xi32>
      tpu.vector_store_idx %arg11[%shift_right_arithmetic3A_1007, %and3A_1010], %broadcast_in_dim3A_45 {add = true} : memref<625x16xf32, #tpu.memory_space<vmem>>[vector<16xi32>, vector<16xi32>], vector<16xf32>,
      %get3A_1011 = arith.constant 1 : i32
      %get3A_1012 = arith.index_cast %get3A_1011 : i32 to index
      %get3A_1013 = arith.index_cast %while3A_956 : i32 to index
      %get3A_1014 = arith.constant 80 : index
      %get3A_1015 = tpu.vector_load %arg8[%get3A_1012, %get3A_1013, %get3A_1014] {strides = array<i32>} : memref<2x125x128xi32, #tpu.memory_space<vmem>>, vector<16xi32>,
      %shift_right_arithmetic3A_1016 = arith.constant 4 : i32
      %shift_right_arithmetic3A_1017 = vector.broadcast %shift_right_arithmetic3A_1016 : i32 to vector<16xi32>
      %shift_right_arithmetic3A_1018 = arith.shrsi %get3A_1015, %shift_right_arithmetic3A_1017 : vector<16xi32>
      %and3A_1019 = arith.constant 15 : i32
      %and3A_1020 = vector.broadcast %and3A_1019 : i32 to vector<16xi32>
      %and3A_1021 = arith.andi %get3A_1015, %and3A_1020 : vector<16xi32>
      tpu.vector_store_idx %arg11[%shift_right_arithmetic3A_1018, %and3A_1021], %broadcast_in_dim3A_45 {add = true} : memref<625x16xf32, #tpu.memory_space<vmem>>[vector<16xi32>, vector<16xi32>], vector<16xf32>,
      %get3A_1022 = arith.constant 1 : i32
      %get3A_1023 = arith.index_cast %get3A_1022 : i32 to index
      %get3A_1024 = arith.index_cast %while3A_956 : i32 to index
      %get3A_1025 = arith.constant 96 : index
      %get3A_1026 = tpu.vector_load %arg8[%get3A_1023, %get3A_1024, %get3A_1025] {strides = array<i32>} : memref<2x125x128xi32, #tpu.memory_space<vmem>>, vector<16xi32>,
      %shift_right_arithmetic3A_1027 = arith.constant 4 : i32
      %shift_right_arithmetic3A_1028 = vector.broadcast %shift_right_arithmetic3A_1027 : i32 to vector<16xi32>
      %shift_right_arithmetic3A_1029 = arith.shrsi %get3A_1026, %shift_right_arithmetic3A_1028 : vector<16xi32>
      %and3A_1030 = arith.constant 15 : i32
      %and3A_1031 = vector.broadcast %and3A_1030 : i32 to vector<16xi32>
      %and3A_1032 = arith.andi %get3A_1026, %and3A_1031 : vector<16xi32>
      tpu.vector_store_idx %arg11[%shift_right_arithmetic3A_1029, %and3A_1032], %broadcast_in_dim3A_45 {add = true} : memref<625x16xf32, #tpu.memory_space<vmem>>[vector<16xi32>, vector<16xi32>], vector<16xf32>,
      %get3A_1033 = arith.constant 1 : i32
      %get3A_1034 = arith.index_cast %get3A_1033 : i32 to index
      %get3A_1035 = arith.index_cast %while3A_956 : i32 to index
      %get3A_1036 = arith.constant 112 : index
      %get3A_1037 = tpu.vector_load %arg8[%get3A_1034, %get3A_1035, %get3A_1036] {strides = array<i32>} : memref<2x125x128xi32, #tpu.memory_space<vmem>>, vector<16xi32>,
      %shift_right_arithmetic3A_1038 = arith.constant 4 : i32
      %shift_right_arithmetic3A_1039 = vector.broadcast %shift_right_arithmetic3A_1038 : i32 to vector<16xi32>
      %shift_right_arithmetic3A_1040 = arith.shrsi %get3A_1037, %shift_right_arithmetic3A_1039 : vector<16xi32>
      %and3A_1041 = arith.constant 15 : i32
      %and3A_1042 = vector.broadcast %and3A_1041 : i32 to vector<16xi32>
      %and3A_1043 = arith.andi %get3A_1037, %and3A_1042 : vector<16xi32>
      tpu.vector_store_idx %arg11[%shift_right_arithmetic3A_1040, %and3A_1043], %broadcast_in_dim3A_45 {add = true} : memref<625x16xf32, #tpu.memory_space<vmem>>[vector<16xi32>, vector<16xi32>], vector<16xf32>,
      %while3A_1044 = arith.constant 0 : i32
      scf.yield %while3A_1044 : i32
    }
    %while3A_802 = arith.constant 1 : i32
    %while3A_803 = scf.for %while3A_956 = %while3A_799 to %while3A_795 step %while3A_802 iter_args(%while3A_957 = %while3A_801) -> (i32)  : i32 {
      %get3A = arith.constant 1 : i32
      %get3A_958 = arith.index_cast %get3A : i32 to index
      %get3A_959 = arith.index_cast %while3A_956 : i32 to index
      %get3A_960 = arith.constant 0 : index
      %get3A_961 = tpu.vector_load %arg8[%get3A_958, %get3A_959, %get3A_960] {strides = array<i32>} : memref<2x125x128xi32, #tpu.memory_space<vmem>>, vector<16xi32>,
      %shift_right_arithmetic3A = arith.constant 4 : i32
      %shift_right_arithmetic3A_962 = vector.broadcast %shift_right_arithmetic3A : i32 to vector<16xi32>
      %shift_right_arithmetic3A_963 = arith.shrsi %get3A_961, %shift_right_arithmetic3A_962 : vector<16xi32>
      %and3A_964 = arith.constant 15 : i32
      %and3A_965 = vector.broadcast %and3A_964 : i32 to vector<16xi32>
      %and3A_966 = arith.andi %get3A_961, %and3A_965 : vector<16xi32>
      tpu.vector_store_idx %arg11[%shift_right_arithmetic3A_963, %and3A_966], %broadcast_in_dim3A_45 {add = true} : memref<625x16xf32, #tpu.memory_space<vmem>>[vector<16xi32>, vector<16xi32>], vector<16xf32>,
      %get3A_967 = arith.constant 1 : i32
      %get3A_968 = arith.index_cast %get3A_967 : i32 to index
      %get3A_969 = arith.index_cast %while3A_956 : i32 to index
      %get3A_970 = arith.constant 16 : index
      %get3A_971 = tpu.vector_load %arg8[%get3A_968, %get3A_969, %get3A_970] {strides = array<i32>} : memref<2x125x128xi32, #tpu.memory_space<vmem>>, vector<16xi32>,
      %shift_right_arithmetic3A_972 = arith.constant 4 : i32
      %shift_right_arithmetic3A_973 = vector.broadcast %shift_right_arithmetic3A_972 : i32 to vector<16xi32>
      %shift_right_arithmetic3A_974 = arith.shrsi %get3A_971, %shift_right_arithmetic3A_973 : vector<16xi32>
      %and3A_975 = arith.constant 15 : i32
      %and3A_976 = vector.broadcast %and3A_975 : i32 to vector<16xi32>
      %and3A_977 = arith.andi %get3A_971, %and3A_976 : vector<16xi32>
      tpu.vector_store_idx %arg11[%shift_right_arithmetic3A_974, %and3A_977], %broadcast_in_dim3A_45 {add = true} : memref<625x16xf32, #tpu.memory_space<vmem>>[vector<16xi32>, vector<16xi32>], vector<16xf32>,
      %get3A_978 = arith.constant 1 : i32
      %get3A_979 = arith.index_cast %get3A_978 : i32 to index
      %get3A_980 = arith.index_cast %while3A_956 : i32 to index
      %get3A_981 = arith.constant 32 : index
      %get3A_982 = tpu.vector_load %arg8[%get3A_979, %get3A_980, %get3A_981] {strides = array<i32>} : memref<2x125x128xi32, #tpu.memory_space<vmem>>, vector<16xi32>,
      %shift_right_arithmetic3A_983 = arith.constant 4 : i32
      %shift_right_arithmetic3A_984 = vector.broadcast %shift_right_arithmetic3A_983 : i32 to vector<16xi32>
      %shift_right_arithmetic3A_985 = arith.shrsi %get3A_982, %shift_right_arithmetic3A_984 : vector<16xi32>
      %and3A_986 = arith.constant 15 : i32
      %and3A_987 = vector.broadcast %and3A_986 : i32 to vector<16xi32>
      %and3A_988 = arith.andi %get3A_982, %and3A_987 : vector<16xi32>
      tpu.vector_store_idx %arg11[%shift_right_arithmetic3A_985, %and3A_988], %broadcast_in_dim3A_45 {add = true} : memref<625x16xf32, #tpu.memory_space<vmem>>[vector<16xi32>, vector<16xi32>], vector<16xf32>,
      %get3A_989 = arith.constant 1 : i32
      %get3A_990 = arith.index_cast %get3A_989 : i32 to index
      %get3A_991 = arith.index_cast %while3A_956 : i32 to index
      %get3A_992 = arith.constant 48 : index
      %get3A_993 = tpu.vector_load %arg8[%get3A_990, %get3A_991, %get3A_992] {strides = array<i32>} : memref<2x125x128xi32, #tpu.memory_space<vmem>>, vector<16xi32>,
      %shift_right_arithmetic3A_994 = arith.constant 4 : i32
      %shift_right_arithmetic3A_995 = vector.broadcast %shift_right_arithmetic3A_994 : i32 to vector<16xi32>
      %shift_right_arithmetic3A_996 = arith.shrsi %get3A_993, %shift_right_arithmetic3A_995 : vector<16xi32>
      %and3A_997 = arith.constant 15 : i32
      %and3A_998 = vector.broadcast %and3A_997 : i32 to vector<16xi32>
      %and3A_999 = arith.andi %get3A_993, %and3A_998 : vector<16xi32>
      tpu.vector_store_idx %arg11[%shift_right_arithmetic3A_996, %and3A_999], %broadcast_in_dim3A_45 {add = true} : memref<625x16xf32, #tpu.memory_space<vmem>>[vector<16xi32>, vector<16xi32>], vector<16xf32>,
      %get3A_1000 = arith.constant 1 : i32
      %get3A_1001 = arith.index_cast %get3A_1000 : i32 to index
      %get3A_1002 = arith.index_cast %while3A_956 : i32 to index
      %get3A_1003 = arith.constant 64 : index
      %get3A_1004 = tpu.vector_load %arg8[%get3A_1001, %get3A_1002, %get3A_1003] {strides = array<i32>} : memref<2x125x128xi32, #tpu.memory_space<vmem>>, vector<16xi32>,
      %shift_right_arithmetic3A_1005 = arith.constant 4 : i32
      %shift_right_arithmetic3A_1006 = vector.broadcast %shift_right_arithmetic3A_1005 : i32 to vector<16xi32>
      %shift_right_arithmetic3A_1007 = arith.shrsi %get3A_1004, %shift_right_arithmetic3A_1006 : vector<16xi32>
      %and3A_1008 = arith.constant 15 : i32
      %and3A_1009 = vector.broadcast %and3A_1008 : i32 to vector<16xi32>
      %and3A_1010 = arith.andi %get3A_1004, %and3A_1009 : vector<16xi32>
      tpu.vector_store_idx %arg11[%shift_right_arithmetic3A_1007, %and3A_1010], %broadcast_in_dim3A_45 {add = true} : memref<625x16xf32, #tpu.memory_space<vmem>>[vector<16xi32>, vector<16xi32>], vector<16xf32>,
      %get3A_1011 = arith.constant 1 : i32
      %get3A_1012 = arith.index_cast %get3A_1011 : i32 to index
      %get3A_1013 = arith.index_cast %while3A_956 : i32 to index
      %get3A_1014 = arith.constant 80 : index
      %get3A_1015 = tpu.vector_load %arg8[%get3A_1012, %get3A_1013, %get3A_1014] {strides = array<i32>} : memref<2x125x128xi32, #tpu.memory_space<vmem>>, vector<16xi32>,
      %shift_right_arithmetic3A_1016 = arith.constant 4 : i32
      %shift_right_arithmetic3A_1017 = vector.broadcast %shift_right_arithmetic3A_1016 : i32 to vector<16xi32>
      %shift_right_arithmetic3A_1018 = arith.shrsi %get3A_1015, %shift_right_arithmetic3A_1017 : vector<16xi32>
      %and3A_1019 = arith.constant 15 : i32
      %and3A_1020 = vector.broadcast %and3A_1019 : i32 to vector<16xi32>
      %and3A_1021 = arith.andi %get3A_1015, %and3A_1020 : vector<16xi32>
      tpu.vector_store_idx %arg11[%shift_right_arithmetic3A_1018, %and3A_1021], %broadcast_in_dim3A_45 {add = true} : memref<625x16xf32, #tpu.memory_space<vmem>>[vector<16xi32>, vector<16xi32>], vector<16xf32>,
      %get3A_1022 = arith.constant 1 : i32
      %get3A_1023 = arith.index_cast %get3A_1022 : i32 to index
      %get3A_1024 = arith.index_cast %while3A_956 : i32 to index
      %get3A_1025 = arith.constant 96 : index
      %get3A_1026 = tpu.vector_load %arg8[%get3A_1023, %get3A_1024, %get3A_1025] {strides = array<i32>} : memref<2x125x128xi32, #tpu.memory_space<vmem>>, vector<16xi32>,
      %shift_right_arithmetic3A_1027 = arith.constant 4 : i32
      %shift_right_arithmetic3A_1028 = vector.broadcast %shift_right_arithmetic3A_1027 : i32 to vector<16xi32>
      %shift_right_arithmetic3A_1029 = arith.shrsi %get3A_1026, %shift_right_arithmetic3A_1028 : vector<16xi32>
      %and3A_1030 = arith.constant 15 : i32
      %and3A_1031 = vector.broadcast %and3A_1030 : i32 to vector<16xi32>
      %and3A_1032 = arith.andi %get3A_1026, %and3A_1031 : vector<16xi32>
      tpu.vector_store_idx %arg11[%shift_right_arithmetic3A_1029, %and3A_1032], %broadcast_in_dim3A_45 {add = true} : memref<625x16xf32, #tpu.memory_space<vmem>>[vector<16xi32>, vector<16xi32>], vector<16xf32>,
      %get3A_1033 = arith.constant 1 : i32
      %get3A_1034 = arith.index_cast %get3A_1033 : i32 to index
      %get3A_1035 = arith.index_cast %while3A_956 : i32 to index
      %get3A_1036 = arith.constant 112 : index
      %get3A_1037 = tpu.vector_load %arg8[%get3A_1034, %get3A_1035, %get3A_1036] {strides = array<i32>} : memref<2x125x128xi32, #tpu.memory_space<vmem>>, vector<16xi32>,
      %shift_right_arithmetic3A_1038 = arith.constant 4 : i32
      %shift_right_arithmetic3A_1039 = vector.broadcast %shift_right_arithmetic3A_1038 : i32 to vector<16xi32>
      %shift_right_arithmetic3A_1040 = arith.shrsi %get3A_1037, %shift_right_arithmetic3A_1039 : vector<16xi32>
      %and3A_1041 = arith.constant 15 : i32
      %and3A_1042 = vector.broadcast %and3A_1041 : i32 to vector<16xi32>
      %and3A_1043 = arith.andi %get3A_1037, %and3A_1042 : vector<16xi32>
      tpu.vector_store_idx %arg11[%shift_right_arithmetic3A_1040, %and3A_1043], %broadcast_in_dim3A_45 {add = true} : memref<625x16xf32, #tpu.memory_space<vmem>>[vector<16xi32>, vector<16xi32>], vector<16xf32>,
      %while3A_1044 = arith.constant 0 : i32
      scf.yield %while3A_1044 : i32
    }
    %dma_wait3A_804 = arith.constant 0 : i32
    %dma_wait3A_805 = arith.constant 0 : i32
    %dma_wait3A_806 = arith.constant 0 : i32
    %dma_wait3A_807 = tpu.memref_slice %arg7[%dma_wait3A_804, %dma_wait3A_805, %dma_wait3A_806] : memref<2x125x128xf32, #tpu.memory_space<vmem>> -> memref<1x125x128xf32, #tpu.memory_space<vmem>>
    %dma_wait3A_808 = tpu.memref_squeeze %dma_wait3A_807 : memref<1x125x128xf32, #tpu.memory_space<vmem>> -> memref<125x128xf32, #tpu.memory_space<vmem>>
    %dma_wait3A_809 = arith.constant 0 : i32
    %dma_wait3A_810 = tpu.memref_slice %arg2[%select_n3A, %add3A_752, %select_n3A_28, %dma_wait3A_809] : memref<2x2500x8x128xf32, #tpu.memory_space<hbm>> -> memref<1x125x1x128xf32, #tpu.memory_space<hbm>>
    %dma_wait3A_811 = tpu.memref_squeeze %dma_wait3A_810 : memref<1x125x1x128xf32, #tpu.memory_space<hbm>> -> memref<125x128xf32, #tpu.memory_space<hbm>>
    %dma_wait3A_812 = arith.constant 0 : i32
    %dma_wait3A_813 = arith.constant 0 : i32
    %dma_wait3A_814 = tpu.memref_slice %arg7[%dma_wait3A_804, %dma_wait3A_812, %dma_wait3A_813] : memref<2x125x128xf32, #tpu.memory_space<vmem>> -> memref<1x125x128xf32, #tpu.memory_space<vmem>>
    %dma_wait3A_815 = tpu.memref_squeeze %dma_wait3A_814 : memref<1x125x128xf32, #tpu.memory_space<vmem>> -> memref<125x128xf32, #tpu.memory_space<vmem>>
    %dma_wait3A_816 = arith.constant 0 : i32
    %dma_wait3A_817 = tpu.memref_slice %arg2[%select_n3A, %add3A_752, %select_n3A_28, %dma_wait3A_816] : memref<2x2500x8x128xf32, #tpu.memory_space<hbm>> -> memref<1x125x1x128xf32, #tpu.memory_space<hbm>>
    %dma_wait3A_818 = tpu.memref_squeeze %dma_wait3A_817 : memref<1x125x1x128xf32, #tpu.memory_space<hbm>> -> memref<125x128xf32, #tpu.memory_space<hbm>>
    tpu.wait_dma2 semaphore(%arg13 : memref<!tpu.dma_semaphore, #tpu.memory_space<semaphore_mem>>) src(%dma_wait3A_818 : memref<125x128xf32, #tpu.memory_space<hbm>>) dst(%dma_wait3A_815 : memref<125x128xf32, #tpu.memory_space<vmem>>)
    %dma_wait3A_819 = arith.constant 1 : i32
    %dma_wait3A_820 = arith.constant 0 : i32
    %dma_wait3A_821 = arith.constant 0 : i32
    %dma_wait3A_822 = arith.constant 0 : i32
    %dma_wait3A_823 = tpu.memref_slice %arg8[%dma_wait3A_820, %dma_wait3A_821, %dma_wait3A_822] : memref<2x125x128xi32, #tpu.memory_space<vmem>> -> memref<1x125x128xi32, #tpu.memory_space<vmem>>
    %dma_wait3A_824 = tpu.memref_squeeze %dma_wait3A_823 : memref<1x125x128xi32, #tpu.memory_space<vmem>> -> memref<125x128xi32, #tpu.memory_space<vmem>>
    %dma_wait3A_825 = arith.constant 0 : i32
    %dma_wait3A_826 = tpu.memref_slice %arg3[%add3A_769, %dma_wait3A_819, %dma_wait3A_825] : memref<2500x2x128xi32, #tpu.memory_space<hbm>> -> memref<125x1x128xi32, #tpu.memory_space<hbm>>
    %dma_wait3A_827 = tpu.memref_squeeze %dma_wait3A_826 : memref<125x1x128xi32, #tpu.memory_space<hbm>> -> memref<125x128xi32, #tpu.memory_space<hbm>>
    %dma_wait3A_828 = arith.constant 0 : i32
    %dma_wait3A_829 = arith.constant 0 : i32
    %dma_wait3A_830 = tpu.memref_slice %arg8[%dma_wait3A_820, %dma_wait3A_828, %dma_wait3A_829] : memref<2x125x128xi32, #tpu.memory_space<vmem>> -> memref<1x125x128xi32, #tpu.memory_space<vmem>>
    %dma_wait3A_831 = tpu.memref_squeeze %dma_wait3A_830 : memref<1x125x128xi32, #tpu.memory_space<vmem>> -> memref<125x128xi32, #tpu.memory_space<vmem>>
    %dma_wait3A_832 = arith.constant 0 : i32
    %dma_wait3A_833 = tpu.memref_slice %arg3[%add3A_769, %dma_wait3A_819, %dma_wait3A_832] : memref<2500x2x128xi32, #tpu.memory_space<hbm>> -> memref<125x1x128xi32, #tpu.memory_space<hbm>>
    %dma_wait3A_834 = tpu.memref_squeeze %dma_wait3A_833 : memref<125x1x128xi32, #tpu.memory_space<hbm>> -> memref<125x128xi32, #tpu.memory_space<hbm>>
    tpu.wait_dma2 semaphore(%arg13 : memref<!tpu.dma_semaphore, #tpu.memory_space<semaphore_mem>>) src(%dma_wait3A_834 : memref<125x128xi32, #tpu.memory_space<hbm>>) dst(%dma_wait3A_831 : memref<125x128xi32, #tpu.memory_space<vmem>>)
    %add3A_835 = arith.constant 1125 : i32
    %add3A_836 = arith.addi %mul3A_44, %add3A_835 : i32
    %dma_start3A_837 = arith.constant 1 : i32
    %dma_start3A_838 = arith.constant 0 : i32
    %dma_start3A_839 = arith.constant 0 : i32
    %dma_start3A_840 = tpu.memref_slice %arg7[%dma_start3A_837, %dma_start3A_838, %dma_start3A_839] : memref<2x125x128xf32, #tpu.memory_space<vmem>> -> memref<1x125x128xf32, #tpu.memory_space<vmem>>
    %dma_start3A_841 = tpu.memref_squeeze %dma_start3A_840 : memref<1x125x128xf32, #tpu.memory_space<vmem>> -> memref<125x128xf32, #tpu.memory_space<vmem>>
    %dma_start3A_842 = arith.constant 0 : i32
    %dma_start3A_843 = tpu.memref_slice %arg2[%select_n3A, %add3A_836, %select_n3A_28, %dma_start3A_842] : memref<2x2500x8x128xf32, #tpu.memory_space<hbm>> -> memref<1x125x1x128xf32, #tpu.memory_space<hbm>>
    %dma_start3A_844 = tpu.memref_squeeze %dma_start3A_843 : memref<1x125x1x128xf32, #tpu.memory_space<hbm>> -> memref<125x128xf32, #tpu.memory_space<hbm>>
    %dma_start3A_845 = arith.constant 0 : i32
    %dma_start3A_846 = arith.constant 0 : i32
    %dma_start3A_847 = tpu.memref_slice %arg7[%dma_start3A_837, %dma_start3A_845, %dma_start3A_846] : memref<2x125x128xf32, #tpu.memory_space<vmem>> -> memref<1x125x128xf32, #tpu.memory_space<vmem>>
    %dma_start3A_848 = tpu.memref_squeeze %dma_start3A_847 : memref<1x125x128xf32, #tpu.memory_space<vmem>> -> memref<125x128xf32, #tpu.memory_space<vmem>>
    %dma_start3A_849 = arith.constant 0 : i32
    %dma_start3A_850 = tpu.memref_slice %arg2[%select_n3A, %add3A_836, %select_n3A_28, %dma_start3A_849] : memref<2x2500x8x128xf32, #tpu.memory_space<hbm>> -> memref<1x125x1x128xf32, #tpu.memory_space<hbm>>
    %dma_start3A_851 = tpu.memref_squeeze %dma_start3A_850 : memref<1x125x1x128xf32, #tpu.memory_space<hbm>> -> memref<125x128xf32, #tpu.memory_space<hbm>>
    tpu.enqueue_dma source(%dma_start3A_851 : memref<125x128xf32, #tpu.memory_space<hbm>>) target(%dma_start3A_848 : memref<125x128xf32, #tpu.memory_space<vmem>>) target_semaphore(%arg13 : memref<!tpu.dma_semaphore, #tpu.memory_space<semaphore_mem>>)
    %add3A_852 = arith.constant 1125 : i32
    %add3A_853 = arith.addi %mul3A_44, %add3A_852 : i32
    %dma_start3A_854 = arith.constant 1 : i32
    %dma_start3A_855 = arith.constant 1 : i32
    %dma_start3A_856 = arith.constant 0 : i32
    %dma_start3A_857 = arith.constant 0 : i32
    %dma_start3A_858 = tpu.memref_slice %arg8[%dma_start3A_855, %dma_start3A_856, %dma_start3A_857] : memref<2x125x128xi32, #tpu.memory_space<vmem>> -> memref<1x125x128xi32, #tpu.memory_space<vmem>>
    %dma_start3A_859 = tpu.memref_squeeze %dma_start3A_858 : memref<1x125x128xi32, #tpu.memory_space<vmem>> -> memref<125x128xi32, #tpu.memory_space<vmem>>
    %dma_start3A_860 = arith.constant 0 : i32
    %dma_start3A_861 = tpu.memref_slice %arg3[%add3A_853, %dma_start3A_854, %dma_start3A_860] : memref<2500x2x128xi32, #tpu.memory_space<hbm>> -> memref<125x1x128xi32, #tpu.memory_space<hbm>>
    %dma_start3A_862 = tpu.memref_squeeze %dma_start3A_861 : memref<125x1x128xi32, #tpu.memory_space<hbm>> -> memref<125x128xi32, #tpu.memory_space<hbm>>
    %dma_start3A_863 = arith.constant 0 : i32
    %dma_start3A_864 = arith.constant 0 : i32
    %dma_start3A_865 = tpu.memref_slice %arg8[%dma_start3A_855, %dma_start3A_863, %dma_start3A_864] : memref<2x125x128xi32, #tpu.memory_space<vmem>> -> memref<1x125x128xi32, #tpu.memory_space<vmem>>
    %dma_start3A_866 = tpu.memref_squeeze %dma_start3A_865 : memref<1x125x128xi32, #tpu.memory_space<vmem>> -> memref<125x128xi32, #tpu.memory_space<vmem>>
    %dma_start3A_867 = arith.constant 0 : i32
    %dma_start3A_868 = tpu.memref_slice %arg3[%add3A_853, %dma_start3A_854, %dma_start3A_867] : memref<2500x2x128xi32, #tpu.memory_space<hbm>> -> memref<125x1x128xi32, #tpu.memory_space<hbm>>
    %dma_start3A_869 = tpu.memref_squeeze %dma_start3A_868 : memref<125x1x128xi32, #tpu.memory_space<hbm>> -> memref<125x128xi32, #tpu.memory_space<hbm>>
    tpu.enqueue_dma source(%dma_start3A_869 : memref<125x128xi32, #tpu.memory_space<hbm>>) target(%dma_start3A_866 : memref<125x128xi32, #tpu.memory_space<vmem>>) target_semaphore(%arg13 : memref<!tpu.dma_semaphore, #tpu.memory_space<semaphore_mem>>)
    %scan3A_870 = arith.constant 0 : i32
    %scan3A_871 = arith.constant 0 : i32
    %scan3A_872 = arith.constant 125 : i32
    %scan3A_873 = arith.addi %scan3A_871, %scan3A_872 : i32
    %scan3A_874 = arith.constant 1 : i32
    %scan3A_875 = scf.for %scan3A_956 = %scan3A_871 to %scan3A_873 step %scan3A_874 iter_args(%scan3A_957 = %scan3A_870) -> (i32)  : i32 {
      %get3A = arith.constant 0 : i32
      %get3A_958 = arith.index_cast %get3A : i32 to index
      %get3A_959 = arith.index_cast %scan3A_956 : i32 to index
      %get3A_960 = arith.constant 0 : index
      %get3A_961 = tpu.vector_load %arg8[%get3A_958, %get3A_959, %get3A_960] {strides = array<i32>} : memref<2x125x128xi32, #tpu.memory_space<vmem>>, vector<16xi32>,
      %get3A_962 = arith.constant 0 : i32
      %get3A_963 = arith.index_cast %get3A_962 : i32 to index
      %get3A_964 = arith.index_cast %scan3A_956 : i32 to index
      %get3A_965 = arith.constant 0 : index
      %get3A_966 = tpu.vector_load %arg7[%get3A_963, %get3A_964, %get3A_965] {strides = array<i32>} : memref<2x125x128xf32, #tpu.memory_space<vmem>>, vector<16xf32>,
      %shift_right_arithmetic3A = arith.constant 4 : i32
      %shift_right_arithmetic3A_967 = vector.broadcast %shift_right_arithmetic3A : i32 to vector<16xi32>
      %shift_right_arithmetic3A_968 = arith.shrsi %get3A_961, %shift_right_arithmetic3A_967 : vector<16xi32>
      %and3A_969 = arith.constant 15 : i32
      %and3A_970 = vector.broadcast %and3A_969 : i32 to vector<16xi32>
      %and3A_971 = arith.andi %get3A_961, %and3A_970 : vector<16xi32>
      tpu.vector_store_idx %arg10[%shift_right_arithmetic3A_968, %and3A_971], %get3A_966 {add = true} : memref<625x16xf32, #tpu.memory_space<vmem>>[vector<16xi32>, vector<16xi32>], vector<16xf32>,
      %get3A_972 = arith.constant 0 : i32
      %get3A_973 = arith.index_cast %get3A_972 : i32 to index
      %get3A_974 = arith.index_cast %scan3A_956 : i32 to index
      %get3A_975 = arith.constant 16 : index
      %get3A_976 = tpu.vector_load %arg8[%get3A_973, %get3A_974, %get3A_975] {strides = array<i32>} : memref<2x125x128xi32, #tpu.memory_space<vmem>>, vector<16xi32>,
      %get3A_977 = arith.constant 0 : i32
      %get3A_978 = arith.index_cast %get3A_977 : i32 to index
      %get3A_979 = arith.index_cast %scan3A_956 : i32 to index
      %get3A_980 = arith.constant 16 : index
      %get3A_981 = tpu.vector_load %arg7[%get3A_978, %get3A_979, %get3A_980] {strides = array<i32>} : memref<2x125x128xf32, #tpu.memory_space<vmem>>, vector<16xf32>,
      %shift_right_arithmetic3A_982 = arith.constant 4 : i32
      %shift_right_arithmetic3A_983 = vector.broadcast %shift_right_arithmetic3A_982 : i32 to vector<16xi32>
      %shift_right_arithmetic3A_984 = arith.shrsi %get3A_976, %shift_right_arithmetic3A_983 : vector<16xi32>
      %and3A_985 = arith.constant 15 : i32
      %and3A_986 = vector.broadcast %and3A_985 : i32 to vector<16xi32>
      %and3A_987 = arith.andi %get3A_976, %and3A_986 : vector<16xi32>
      tpu.vector_store_idx %arg10[%shift_right_arithmetic3A_984, %and3A_987], %get3A_981 {add = true} : memref<625x16xf32, #tpu.memory_space<vmem>>[vector<16xi32>, vector<16xi32>], vector<16xf32>,
      %get3A_988 = arith.constant 0 : i32
      %get3A_989 = arith.index_cast %get3A_988 : i32 to index
      %get3A_990 = arith.index_cast %scan3A_956 : i32 to index
      %get3A_991 = arith.constant 32 : index
      %get3A_992 = tpu.vector_load %arg8[%get3A_989, %get3A_990, %get3A_991] {strides = array<i32>} : memref<2x125x128xi32, #tpu.memory_space<vmem>>, vector<16xi32>,
      %get3A_993 = arith.constant 0 : i32
      %get3A_994 = arith.index_cast %get3A_993 : i32 to index
      %get3A_995 = arith.index_cast %scan3A_956 : i32 to index
      %get3A_996 = arith.constant 32 : index
      %get3A_997 = tpu.vector_load %arg7[%get3A_994, %get3A_995, %get3A_996] {strides = array<i32>} : memref<2x125x128xf32, #tpu.memory_space<vmem>>, vector<16xf32>,
      %shift_right_arithmetic3A_998 = arith.constant 4 : i32
      %shift_right_arithmetic3A_999 = vector.broadcast %shift_right_arithmetic3A_998 : i32 to vector<16xi32>
      %shift_right_arithmetic3A_1000 = arith.shrsi %get3A_992, %shift_right_arithmetic3A_999 : vector<16xi32>
      %and3A_1001 = arith.constant 15 : i32
      %and3A_1002 = vector.broadcast %and3A_1001 : i32 to vector<16xi32>
      %and3A_1003 = arith.andi %get3A_992, %and3A_1002 : vector<16xi32>
      tpu.vector_store_idx %arg10[%shift_right_arithmetic3A_1000, %and3A_1003], %get3A_997 {add = true} : memref<625x16xf32, #tpu.memory_space<vmem>>[vector<16xi32>, vector<16xi32>], vector<16xf32>,
      %get3A_1004 = arith.constant 0 : i32
      %get3A_1005 = arith.index_cast %get3A_1004 : i32 to index
      %get3A_1006 = arith.index_cast %scan3A_956 : i32 to index
      %get3A_1007 = arith.constant 48 : index
      %get3A_1008 = tpu.vector_load %arg8[%get3A_1005, %get3A_1006, %get3A_1007] {strides = array<i32>} : memref<2x125x128xi32, #tpu.memory_space<vmem>>, vector<16xi32>,
      %get3A_1009 = arith.constant 0 : i32
      %get3A_1010 = arith.index_cast %get3A_1009 : i32 to index
      %get3A_1011 = arith.index_cast %scan3A_956 : i32 to index
      %get3A_1012 = arith.constant 48 : index
      %get3A_1013 = tpu.vector_load %arg7[%get3A_1010, %get3A_1011, %get3A_1012] {strides = array<i32>} : memref<2x125x128xf32, #tpu.memory_space<vmem>>, vector<16xf32>,
      %shift_right_arithmetic3A_1014 = arith.constant 4 : i32
      %shift_right_arithmetic3A_1015 = vector.broadcast %shift_right_arithmetic3A_1014 : i32 to vector<16xi32>
      %shift_right_arithmetic3A_1016 = arith.shrsi %get3A_1008, %shift_right_arithmetic3A_1015 : vector<16xi32>
      %and3A_1017 = arith.constant 15 : i32
      %and3A_1018 = vector.broadcast %and3A_1017 : i32 to vector<16xi32>
      %and3A_1019 = arith.andi %get3A_1008, %and3A_1018 : vector<16xi32>
      tpu.vector_store_idx %arg10[%shift_right_arithmetic3A_1016, %and3A_1019], %get3A_1013 {add = true} : memref<625x16xf32, #tpu.memory_space<vmem>>[vector<16xi32>, vector<16xi32>], vector<16xf32>,
      %get3A_1020 = arith.constant 0 : i32
      %get3A_1021 = arith.index_cast %get3A_1020 : i32 to index
      %get3A_1022 = arith.index_cast %scan3A_956 : i32 to index
      %get3A_1023 = arith.constant 64 : index
      %get3A_1024 = tpu.vector_load %arg8[%get3A_1021, %get3A_1022, %get3A_1023] {strides = array<i32>} : memref<2x125x128xi32, #tpu.memory_space<vmem>>, vector<16xi32>,
      %get3A_1025 = arith.constant 0 : i32
      %get3A_1026 = arith.index_cast %get3A_1025 : i32 to index
      %get3A_1027 = arith.index_cast %scan3A_956 : i32 to index
      %get3A_1028 = arith.constant 64 : index
      %get3A_1029 = tpu.vector_load %arg7[%get3A_1026, %get3A_1027, %get3A_1028] {strides = array<i32>} : memref<2x125x128xf32, #tpu.memory_space<vmem>>, vector<16xf32>,
      %shift_right_arithmetic3A_1030 = arith.constant 4 : i32
      %shift_right_arithmetic3A_1031 = vector.broadcast %shift_right_arithmetic3A_1030 : i32 to vector<16xi32>
      %shift_right_arithmetic3A_1032 = arith.shrsi %get3A_1024, %shift_right_arithmetic3A_1031 : vector<16xi32>
      %and3A_1033 = arith.constant 15 : i32
      %and3A_1034 = vector.broadcast %and3A_1033 : i32 to vector<16xi32>
      %and3A_1035 = arith.andi %get3A_1024, %and3A_1034 : vector<16xi32>
      tpu.vector_store_idx %arg10[%shift_right_arithmetic3A_1032, %and3A_1035], %get3A_1029 {add = true} : memref<625x16xf32, #tpu.memory_space<vmem>>[vector<16xi32>, vector<16xi32>], vector<16xf32>,
      %get3A_1036 = arith.constant 0 : i32
      %get3A_1037 = arith.index_cast %get3A_1036 : i32 to index
      %get3A_1038 = arith.index_cast %scan3A_956 : i32 to index
      %get3A_1039 = arith.constant 80 : index
      %get3A_1040 = tpu.vector_load %arg8[%get3A_1037, %get3A_1038, %get3A_1039] {strides = array<i32>} : memref<2x125x128xi32, #tpu.memory_space<vmem>>, vector<16xi32>,
      %get3A_1041 = arith.constant 0 : i32
      %get3A_1042 = arith.index_cast %get3A_1041 : i32 to index
      %get3A_1043 = arith.index_cast %scan3A_956 : i32 to index
      %get3A_1044 = arith.constant 80 : index
      %get3A_1045 = tpu.vector_load %arg7[%get3A_1042, %get3A_1043, %get3A_1044] {strides = array<i32>} : memref<2x125x128xf32, #tpu.memory_space<vmem>>, vector<16xf32>,
      %shift_right_arithmetic3A_1046 = arith.constant 4 : i32
      %shift_right_arithmetic3A_1047 = vector.broadcast %shift_right_arithmetic3A_1046 : i32 to vector<16xi32>
      %shift_right_arithmetic3A_1048 = arith.shrsi %get3A_1040, %shift_right_arithmetic3A_1047 : vector<16xi32>
      %and3A_1049 = arith.constant 15 : i32
      %and3A_1050 = vector.broadcast %and3A_1049 : i32 to vector<16xi32>
      %and3A_1051 = arith.andi %get3A_1040, %and3A_1050 : vector<16xi32>
      tpu.vector_store_idx %arg10[%shift_right_arithmetic3A_1048, %and3A_1051], %get3A_1045 {add = true} : memref<625x16xf32, #tpu.memory_space<vmem>>[vector<16xi32>, vector<16xi32>], vector<16xf32>,
      %get3A_1052 = arith.constant 0 : i32
      %get3A_1053 = arith.index_cast %get3A_1052 : i32 to index
      %get3A_1054 = arith.index_cast %scan3A_956 : i32 to index
      %get3A_1055 = arith.constant 96 : index
      %get3A_1056 = tpu.vector_load %arg8[%get3A_1053, %get3A_1054, %get3A_1055] {strides = array<i32>} : memref<2x125x128xi32, #tpu.memory_space<vmem>>, vector<16xi32>,
      %get3A_1057 = arith.constant 0 : i32
      %get3A_1058 = arith.index_cast %get3A_1057 : i32 to index
      %get3A_1059 = arith.index_cast %scan3A_956 : i32 to index
      %get3A_1060 = arith.constant 96 : index
      %get3A_1061 = tpu.vector_load %arg7[%get3A_1058, %get3A_1059, %get3A_1060] {strides = array<i32>} : memref<2x125x128xf32, #tpu.memory_space<vmem>>, vector<16xf32>,
      %shift_right_arithmetic3A_1062 = arith.constant 4 : i32
      %shift_right_arithmetic3A_1063 = vector.broadcast %shift_right_arithmetic3A_1062 : i32 to vector<16xi32>
      %shift_right_arithmetic3A_1064 = arith.shrsi %get3A_1056, %shift_right_arithmetic3A_1063 : vector<16xi32>
      %and3A_1065 = arith.constant 15 : i32
      %and3A_1066 = vector.broadcast %and3A_1065 : i32 to vector<16xi32>
      %and3A_1067 = arith.andi %get3A_1056, %and3A_1066 : vector<16xi32>
      tpu.vector_store_idx %arg10[%shift_right_arithmetic3A_1064, %and3A_1067], %get3A_1061 {add = true} : memref<625x16xf32, #tpu.memory_space<vmem>>[vector<16xi32>, vector<16xi32>], vector<16xf32>,
      %get3A_1068 = arith.constant 0 : i32
      %get3A_1069 = arith.index_cast %get3A_1068 : i32 to index
      %get3A_1070 = arith.index_cast %scan3A_956 : i32 to index
      %get3A_1071 = arith.constant 112 : index
      %get3A_1072 = tpu.vector_load %arg8[%get3A_1069, %get3A_1070, %get3A_1071] {strides = array<i32>} : memref<2x125x128xi32, #tpu.memory_space<vmem>>, vector<16xi32>,
      %get3A_1073 = arith.constant 0 : i32
      %get3A_1074 = arith.index_cast %get3A_1073 : i32 to index
      %get3A_1075 = arith.index_cast %scan3A_956 : i32 to index
      %get3A_1076 = arith.constant 112 : index
      %get3A_1077 = tpu.vector_load %arg7[%get3A_1074, %get3A_1075, %get3A_1076] {strides = array<i32>} : memref<2x125x128xf32, #tpu.memory_space<vmem>>, vector<16xf32>,
      %shift_right_arithmetic3A_1078 = arith.constant 4 : i32
      %shift_right_arithmetic3A_1079 = vector.broadcast %shift_right_arithmetic3A_1078 : i32 to vector<16xi32>
      %shift_right_arithmetic3A_1080 = arith.shrsi %get3A_1072, %shift_right_arithmetic3A_1079 : vector<16xi32>
      %and3A_1081 = arith.constant 15 : i32
      %and3A_1082 = vector.broadcast %and3A_1081 : i32 to vector<16xi32>
      %and3A_1083 = arith.andi %get3A_1072, %and3A_1082 : vector<16xi32>
      tpu.vector_store_idx %arg10[%shift_right_arithmetic3A_1080, %and3A_1083], %get3A_1077 {add = true} : memref<625x16xf32, #tpu.memory_space<vmem>>[vector<16xi32>, vector<16xi32>], vector<16xf32>,
      %scan3A_1084 = arith.constant 0 : i32
      scf.yield %scan3A_1084 : i32
    }
    %scan3A_876 = arith.constant 125 : i32
    %while3A_877 = arith.constant 0 : i32
    %while3A_878 = arith.subi %select_n3A_99, %select_n3A_71 : i32
    %while3A_879 = arith.addi %select_n3A_71, %while3A_878 : i32
    %while3A_880 = arith.constant 1 : i32
    %while3A_881 = arith.divsi %while3A_878, %while3A_880 : i32
    %while3A_882 = arith.muli %while3A_881, %while3A_880 : i32
    %while3A_883 = arith.addi %select_n3A_71, %while3A_882 : i32
    %while3A_884 = arith.constant 1 : i32
    %while3A_885 = scf.for %while3A_956 = %select_n3A_71 to %while3A_883 step %while3A_884 iter_args(%while3A_957 = %while3A_877) -> (i32)  : i32 {
      %get3A = arith.constant 0 : i32
      %get3A_958 = arith.index_cast %get3A : i32 to index
      %get3A_959 = arith.index_cast %while3A_956 : i32 to index
      %get3A_960 = arith.constant 0 : index
      %get3A_961 = tpu.vector_load %arg8[%get3A_958, %get3A_959, %get3A_960] {strides = array<i32>} : memref<2x125x128xi32, #tpu.memory_space<vmem>>, vector<16xi32>,
      %shift_right_arithmetic3A = arith.constant 4 : i32
      %shift_right_arithmetic3A_962 = vector.broadcast %shift_right_arithmetic3A : i32 to vector<16xi32>
      %shift_right_arithmetic3A_963 = arith.shrsi %get3A_961, %shift_right_arithmetic3A_962 : vector<16xi32>
      %and3A_964 = arith.constant 15 : i32
      %and3A_965 = vector.broadcast %and3A_964 : i32 to vector<16xi32>
      %and3A_966 = arith.andi %get3A_961, %and3A_965 : vector<16xi32>
      tpu.vector_store_idx %arg11[%shift_right_arithmetic3A_963, %and3A_966], %broadcast_in_dim3A_45 {add = true} : memref<625x16xf32, #tpu.memory_space<vmem>>[vector<16xi32>, vector<16xi32>], vector<16xf32>,
      %get3A_967 = arith.constant 0 : i32
      %get3A_968 = arith.index_cast %get3A_967 : i32 to index
      %get3A_969 = arith.index_cast %while3A_956 : i32 to index
      %get3A_970 = arith.constant 16 : index
      %get3A_971 = tpu.vector_load %arg8[%get3A_968, %get3A_969, %get3A_970] {strides = array<i32>} : memref<2x125x128xi32, #tpu.memory_space<vmem>>, vector<16xi32>,
      %shift_right_arithmetic3A_972 = arith.constant 4 : i32
      %shift_right_arithmetic3A_973 = vector.broadcast %shift_right_arithmetic3A_972 : i32 to vector<16xi32>
      %shift_right_arithmetic3A_974 = arith.shrsi %get3A_971, %shift_right_arithmetic3A_973 : vector<16xi32>
      %and3A_975 = arith.constant 15 : i32
      %and3A_976 = vector.broadcast %and3A_975 : i32 to vector<16xi32>
      %and3A_977 = arith.andi %get3A_971, %and3A_976 : vector<16xi32>
      tpu.vector_store_idx %arg11[%shift_right_arithmetic3A_974, %and3A_977], %broadcast_in_dim3A_45 {add = true} : memref<625x16xf32, #tpu.memory_space<vmem>>[vector<16xi32>, vector<16xi32>], vector<16xf32>,
      %get3A_978 = arith.constant 0 : i32
      %get3A_979 = arith.index_cast %get3A_978 : i32 to index
      %get3A_980 = arith.index_cast %while3A_956 : i32 to index
      %get3A_981 = arith.constant 32 : index
      %get3A_982 = tpu.vector_load %arg8[%get3A_979, %get3A_980, %get3A_981] {strides = array<i32>} : memref<2x125x128xi32, #tpu.memory_space<vmem>>, vector<16xi32>,
      %shift_right_arithmetic3A_983 = arith.constant 4 : i32
      %shift_right_arithmetic3A_984 = vector.broadcast %shift_right_arithmetic3A_983 : i32 to vector<16xi32>
      %shift_right_arithmetic3A_985 = arith.shrsi %get3A_982, %shift_right_arithmetic3A_984 : vector<16xi32>
      %and3A_986 = arith.constant 15 : i32
      %and3A_987 = vector.broadcast %and3A_986 : i32 to vector<16xi32>
      %and3A_988 = arith.andi %get3A_982, %and3A_987 : vector<16xi32>
      tpu.vector_store_idx %arg11[%shift_right_arithmetic3A_985, %and3A_988], %broadcast_in_dim3A_45 {add = true} : memref<625x16xf32, #tpu.memory_space<vmem>>[vector<16xi32>, vector<16xi32>], vector<16xf32>,
      %get3A_989 = arith.constant 0 : i32
      %get3A_990 = arith.index_cast %get3A_989 : i32 to index
      %get3A_991 = arith.index_cast %while3A_956 : i32 to index
      %get3A_992 = arith.constant 48 : index
      %get3A_993 = tpu.vector_load %arg8[%get3A_990, %get3A_991, %get3A_992] {strides = array<i32>} : memref<2x125x128xi32, #tpu.memory_space<vmem>>, vector<16xi32>,
      %shift_right_arithmetic3A_994 = arith.constant 4 : i32
      %shift_right_arithmetic3A_995 = vector.broadcast %shift_right_arithmetic3A_994 : i32 to vector<16xi32>
      %shift_right_arithmetic3A_996 = arith.shrsi %get3A_993, %shift_right_arithmetic3A_995 : vector<16xi32>
      %and3A_997 = arith.constant 15 : i32
      %and3A_998 = vector.broadcast %and3A_997 : i32 to vector<16xi32>
      %and3A_999 = arith.andi %get3A_993, %and3A_998 : vector<16xi32>
      tpu.vector_store_idx %arg11[%shift_right_arithmetic3A_996, %and3A_999], %broadcast_in_dim3A_45 {add = true} : memref<625x16xf32, #tpu.memory_space<vmem>>[vector<16xi32>, vector<16xi32>], vector<16xf32>,
      %get3A_1000 = arith.constant 0 : i32
      %get3A_1001 = arith.index_cast %get3A_1000 : i32 to index
      %get3A_1002 = arith.index_cast %while3A_956 : i32 to index
      %get3A_1003 = arith.constant 64 : index
      %get3A_1004 = tpu.vector_load %arg8[%get3A_1001, %get3A_1002, %get3A_1003] {strides = array<i32>} : memref<2x125x128xi32, #tpu.memory_space<vmem>>, vector<16xi32>,
      %shift_right_arithmetic3A_1005 = arith.constant 4 : i32
      %shift_right_arithmetic3A_1006 = vector.broadcast %shift_right_arithmetic3A_1005 : i32 to vector<16xi32>
      %shift_right_arithmetic3A_1007 = arith.shrsi %get3A_1004, %shift_right_arithmetic3A_1006 : vector<16xi32>
      %and3A_1008 = arith.constant 15 : i32
      %and3A_1009 = vector.broadcast %and3A_1008 : i32 to vector<16xi32>
      %and3A_1010 = arith.andi %get3A_1004, %and3A_1009 : vector<16xi32>
      tpu.vector_store_idx %arg11[%shift_right_arithmetic3A_1007, %and3A_1010], %broadcast_in_dim3A_45 {add = true} : memref<625x16xf32, #tpu.memory_space<vmem>>[vector<16xi32>, vector<16xi32>], vector<16xf32>,
      %get3A_1011 = arith.constant 0 : i32
      %get3A_1012 = arith.index_cast %get3A_1011 : i32 to index
      %get3A_1013 = arith.index_cast %while3A_956 : i32 to index
      %get3A_1014 = arith.constant 80 : index
      %get3A_1015 = tpu.vector_load %arg8[%get3A_1012, %get3A_1013, %get3A_1014] {strides = array<i32>} : memref<2x125x128xi32, #tpu.memory_space<vmem>>, vector<16xi32>,
      %shift_right_arithmetic3A_1016 = arith.constant 4 : i32
      %shift_right_arithmetic3A_1017 = vector.broadcast %shift_right_arithmetic3A_1016 : i32 to vector<16xi32>
      %shift_right_arithmetic3A_1018 = arith.shrsi %get3A_1015, %shift_right_arithmetic3A_1017 : vector<16xi32>
      %and3A_1019 = arith.constant 15 : i32
      %and3A_1020 = vector.broadcast %and3A_1019 : i32 to vector<16xi32>
      %and3A_1021 = arith.andi %get3A_1015, %and3A_1020 : vector<16xi32>
      tpu.vector_store_idx %arg11[%shift_right_arithmetic3A_1018, %and3A_1021], %broadcast_in_dim3A_45 {add = true} : memref<625x16xf32, #tpu.memory_space<vmem>>[vector<16xi32>, vector<16xi32>], vector<16xf32>,
      %get3A_1022 = arith.constant 0 : i32
      %get3A_1023 = arith.index_cast %get3A_1022 : i32 to index
      %get3A_1024 = arith.index_cast %while3A_956 : i32 to index
      %get3A_1025 = arith.constant 96 : index
      %get3A_1026 = tpu.vector_load %arg8[%get3A_1023, %get3A_1024, %get3A_1025] {strides = array<i32>} : memref<2x125x128xi32, #tpu.memory_space<vmem>>, vector<16xi32>,
      %shift_right_arithmetic3A_1027 = arith.constant 4 : i32
      %shift_right_arithmetic3A_1028 = vector.broadcast %shift_right_arithmetic3A_1027 : i32 to vector<16xi32>
      %shift_right_arithmetic3A_1029 = arith.shrsi %get3A_1026, %shift_right_arithmetic3A_1028 : vector<16xi32>
      %and3A_1030 = arith.constant 15 : i32
      %and3A_1031 = vector.broadcast %and3A_1030 : i32 to vector<16xi32>
      %and3A_1032 = arith.andi %get3A_1026, %and3A_1031 : vector<16xi32>
      tpu.vector_store_idx %arg11[%shift_right_arithmetic3A_1029, %and3A_1032], %broadcast_in_dim3A_45 {add = true} : memref<625x16xf32, #tpu.memory_space<vmem>>[vector<16xi32>, vector<16xi32>], vector<16xf32>,
      %get3A_1033 = arith.constant 0 : i32
      %get3A_1034 = arith.index_cast %get3A_1033 : i32 to index
      %get3A_1035 = arith.index_cast %while3A_956 : i32 to index
      %get3A_1036 = arith.constant 112 : index
      %get3A_1037 = tpu.vector_load %arg8[%get3A_1034, %get3A_1035, %get3A_1036] {strides = array<i32>} : memref<2x125x128xi32, #tpu.memory_space<vmem>>, vector<16xi32>,
      %shift_right_arithmetic3A_1038 = arith.constant 4 : i32
      %shift_right_arithmetic3A_1039 = vector.broadcast %shift_right_arithmetic3A_1038 : i32 to vector<16xi32>
      %shift_right_arithmetic3A_1040 = arith.shrsi %get3A_1037, %shift_right_arithmetic3A_1039 : vector<16xi32>
      %and3A_1041 = arith.constant 15 : i32
      %and3A_1042 = vector.broadcast %and3A_1041 : i32 to vector<16xi32>
      %and3A_1043 = arith.andi %get3A_1037, %and3A_1042 : vector<16xi32>
      tpu.vector_store_idx %arg11[%shift_right_arithmetic3A_1040, %and3A_1043], %broadcast_in_dim3A_45 {add = true} : memref<625x16xf32, #tpu.memory_space<vmem>>[vector<16xi32>, vector<16xi32>], vector<16xf32>,
      %while3A_1044 = arith.constant 0 : i32
      scf.yield %while3A_1044 : i32
    }
    %while3A_886 = arith.constant 1 : i32
    %while3A_887 = scf.for %while3A_956 = %while3A_883 to %while3A_879 step %while3A_886 iter_args(%while3A_957 = %while3A_885) -> (i32)  : i32 {
      %get3A = arith.constant 0 : i32
      %get3A_958 = arith.index_cast %get3A : i32 to index
      %get3A_959 = arith.index_cast %while3A_956 : i32 to index
      %get3A_960 = arith.constant 0 : index
      %get3A_961 = tpu.vector_load %arg8[%get3A_958, %get3A_959, %get3A_960] {strides = array<i32>} : memref<2x125x128xi32, #tpu.memory_space<vmem>>, vector<16xi32>,
      %shift_right_arithmetic3A = arith.constant 4 : i32
      %shift_right_arithmetic3A_962 = vector.broadcast %shift_right_arithmetic3A : i32 to vector<16xi32>
      %shift_right_arithmetic3A_963 = arith.shrsi %get3A_961, %shift_right_arithmetic3A_962 : vector<16xi32>
      %and3A_964 = arith.constant 15 : i32
      %and3A_965 = vector.broadcast %and3A_964 : i32 to vector<16xi32>
      %and3A_966 = arith.andi %get3A_961, %and3A_965 : vector<16xi32>
      tpu.vector_store_idx %arg11[%shift_right_arithmetic3A_963, %and3A_966], %broadcast_in_dim3A_45 {add = true} : memref<625x16xf32, #tpu.memory_space<vmem>>[vector<16xi32>, vector<16xi32>], vector<16xf32>,
      %get3A_967 = arith.constant 0 : i32
      %get3A_968 = arith.index_cast %get3A_967 : i32 to index
      %get3A_969 = arith.index_cast %while3A_956 : i32 to index
      %get3A_970 = arith.constant 16 : index
      %get3A_971 = tpu.vector_load %arg8[%get3A_968, %get3A_969, %get3A_970] {strides = array<i32>} : memref<2x125x128xi32, #tpu.memory_space<vmem>>, vector<16xi32>,
      %shift_right_arithmetic3A_972 = arith.constant 4 : i32
      %shift_right_arithmetic3A_973 = vector.broadcast %shift_right_arithmetic3A_972 : i32 to vector<16xi32>
      %shift_right_arithmetic3A_974 = arith.shrsi %get3A_971, %shift_right_arithmetic3A_973 : vector<16xi32>
      %and3A_975 = arith.constant 15 : i32
      %and3A_976 = vector.broadcast %and3A_975 : i32 to vector<16xi32>
      %and3A_977 = arith.andi %get3A_971, %and3A_976 : vector<16xi32>
      tpu.vector_store_idx %arg11[%shift_right_arithmetic3A_974, %and3A_977], %broadcast_in_dim3A_45 {add = true} : memref<625x16xf32, #tpu.memory_space<vmem>>[vector<16xi32>, vector<16xi32>], vector<16xf32>,
      %get3A_978 = arith.constant 0 : i32
      %get3A_979 = arith.index_cast %get3A_978 : i32 to index
      %get3A_980 = arith.index_cast %while3A_956 : i32 to index
      %get3A_981 = arith.constant 32 : index
      %get3A_982 = tpu.vector_load %arg8[%get3A_979, %get3A_980, %get3A_981] {strides = array<i32>} : memref<2x125x128xi32, #tpu.memory_space<vmem>>, vector<16xi32>,
      %shift_right_arithmetic3A_983 = arith.constant 4 : i32
      %shift_right_arithmetic3A_984 = vector.broadcast %shift_right_arithmetic3A_983 : i32 to vector<16xi32>
      %shift_right_arithmetic3A_985 = arith.shrsi %get3A_982, %shift_right_arithmetic3A_984 : vector<16xi32>
      %and3A_986 = arith.constant 15 : i32
      %and3A_987 = vector.broadcast %and3A_986 : i32 to vector<16xi32>
      %and3A_988 = arith.andi %get3A_982, %and3A_987 : vector<16xi32>
      tpu.vector_store_idx %arg11[%shift_right_arithmetic3A_985, %and3A_988], %broadcast_in_dim3A_45 {add = true} : memref<625x16xf32, #tpu.memory_space<vmem>>[vector<16xi32>, vector<16xi32>], vector<16xf32>,
      %get3A_989 = arith.constant 0 : i32
      %get3A_990 = arith.index_cast %get3A_989 : i32 to index
      %get3A_991 = arith.index_cast %while3A_956 : i32 to index
      %get3A_992 = arith.constant 48 : index
      %get3A_993 = tpu.vector_load %arg8[%get3A_990, %get3A_991, %get3A_992] {strides = array<i32>} : memref<2x125x128xi32, #tpu.memory_space<vmem>>, vector<16xi32>,
      %shift_right_arithmetic3A_994 = arith.constant 4 : i32
      %shift_right_arithmetic3A_995 = vector.broadcast %shift_right_arithmetic3A_994 : i32 to vector<16xi32>
      %shift_right_arithmetic3A_996 = arith.shrsi %get3A_993, %shift_right_arithmetic3A_995 : vector<16xi32>
      %and3A_997 = arith.constant 15 : i32
      %and3A_998 = vector.broadcast %and3A_997 : i32 to vector<16xi32>
      %and3A_999 = arith.andi %get3A_993, %and3A_998 : vector<16xi32>
      tpu.vector_store_idx %arg11[%shift_right_arithmetic3A_996, %and3A_999], %broadcast_in_dim3A_45 {add = true} : memref<625x16xf32, #tpu.memory_space<vmem>>[vector<16xi32>, vector<16xi32>], vector<16xf32>,
      %get3A_1000 = arith.constant 0 : i32
      %get3A_1001 = arith.index_cast %get3A_1000 : i32 to index
      %get3A_1002 = arith.index_cast %while3A_956 : i32 to index
      %get3A_1003 = arith.constant 64 : index
      %get3A_1004 = tpu.vector_load %arg8[%get3A_1001, %get3A_1002, %get3A_1003] {strides = array<i32>} : memref<2x125x128xi32, #tpu.memory_space<vmem>>, vector<16xi32>,
      %shift_right_arithmetic3A_1005 = arith.constant 4 : i32
      %shift_right_arithmetic3A_1006 = vector.broadcast %shift_right_arithmetic3A_1005 : i32 to vector<16xi32>
      %shift_right_arithmetic3A_1007 = arith.shrsi %get3A_1004, %shift_right_arithmetic3A_1006 : vector<16xi32>
      %and3A_1008 = arith.constant 15 : i32
      %and3A_1009 = vector.broadcast %and3A_1008 : i32 to vector<16xi32>
      %and3A_1010 = arith.andi %get3A_1004, %and3A_1009 : vector<16xi32>
      tpu.vector_store_idx %arg11[%shift_right_arithmetic3A_1007, %and3A_1010], %broadcast_in_dim3A_45 {add = true} : memref<625x16xf32, #tpu.memory_space<vmem>>[vector<16xi32>, vector<16xi32>], vector<16xf32>,
      %get3A_1011 = arith.constant 0 : i32
      %get3A_1012 = arith.index_cast %get3A_1011 : i32 to index
      %get3A_1013 = arith.index_cast %while3A_956 : i32 to index
      %get3A_1014 = arith.constant 80 : index
      %get3A_1015 = tpu.vector_load %arg8[%get3A_1012, %get3A_1013, %get3A_1014] {strides = array<i32>} : memref<2x125x128xi32, #tpu.memory_space<vmem>>, vector<16xi32>,
      %shift_right_arithmetic3A_1016 = arith.constant 4 : i32
      %shift_right_arithmetic3A_1017 = vector.broadcast %shift_right_arithmetic3A_1016 : i32 to vector<16xi32>
      %shift_right_arithmetic3A_1018 = arith.shrsi %get3A_1015, %shift_right_arithmetic3A_1017 : vector<16xi32>
      %and3A_1019 = arith.constant 15 : i32
      %and3A_1020 = vector.broadcast %and3A_1019 : i32 to vector<16xi32>
      %and3A_1021 = arith.andi %get3A_1015, %and3A_1020 : vector<16xi32>
      tpu.vector_store_idx %arg11[%shift_right_arithmetic3A_1018, %and3A_1021], %broadcast_in_dim3A_45 {add = true} : memref<625x16xf32, #tpu.memory_space<vmem>>[vector<16xi32>, vector<16xi32>], vector<16xf32>,
      %get3A_1022 = arith.constant 0 : i32
      %get3A_1023 = arith.index_cast %get3A_1022 : i32 to index
      %get3A_1024 = arith.index_cast %while3A_956 : i32 to index
      %get3A_1025 = arith.constant 96 : index
      %get3A_1026 = tpu.vector_load %arg8[%get3A_1023, %get3A_1024, %get3A_1025] {strides = array<i32>} : memref<2x125x128xi32, #tpu.memory_space<vmem>>, vector<16xi32>,
      %shift_right_arithmetic3A_1027 = arith.constant 4 : i32
      %shift_right_arithmetic3A_1028 = vector.broadcast %shift_right_arithmetic3A_1027 : i32 to vector<16xi32>
      %shift_right_arithmetic3A_1029 = arith.shrsi %get3A_1026, %shift_right_arithmetic3A_1028 : vector<16xi32>
      %and3A_1030 = arith.constant 15 : i32
      %and3A_1031 = vector.broadcast %and3A_1030 : i32 to vector<16xi32>
      %and3A_1032 = arith.andi %get3A_1026, %and3A_1031 : vector<16xi32>
      tpu.vector_store_idx %arg11[%shift_right_arithmetic3A_1029, %and3A_1032], %broadcast_in_dim3A_45 {add = true} : memref<625x16xf32, #tpu.memory_space<vmem>>[vector<16xi32>, vector<16xi32>], vector<16xf32>,
      %get3A_1033 = arith.constant 0 : i32
      %get3A_1034 = arith.index_cast %get3A_1033 : i32 to index
      %get3A_1035 = arith.index_cast %while3A_956 : i32 to index
      %get3A_1036 = arith.constant 112 : index
      %get3A_1037 = tpu.vector_load %arg8[%get3A_1034, %get3A_1035, %get3A_1036] {strides = array<i32>} : memref<2x125x128xi32, #tpu.memory_space<vmem>>, vector<16xi32>,
      %shift_right_arithmetic3A_1038 = arith.constant 4 : i32
      %shift_right_arithmetic3A_1039 = vector.broadcast %shift_right_arithmetic3A_1038 : i32 to vector<16xi32>
      %shift_right_arithmetic3A_1040 = arith.shrsi %get3A_1037, %shift_right_arithmetic3A_1039 : vector<16xi32>
      %and3A_1041 = arith.constant 15 : i32
      %and3A_1042 = vector.broadcast %and3A_1041 : i32 to vector<16xi32>
      %and3A_1043 = arith.andi %get3A_1037, %and3A_1042 : vector<16xi32>
      tpu.vector_store_idx %arg11[%shift_right_arithmetic3A_1040, %and3A_1043], %broadcast_in_dim3A_45 {add = true} : memref<625x16xf32, #tpu.memory_space<vmem>>[vector<16xi32>, vector<16xi32>], vector<16xf32>,
      %while3A_1044 = arith.constant 0 : i32
      scf.yield %while3A_1044 : i32
    }
    %dma_wait3A_888 = arith.constant 1 : i32
    %dma_wait3A_889 = arith.constant 0 : i32
    %dma_wait3A_890 = arith.constant 0 : i32
    %dma_wait3A_891 = tpu.memref_slice %arg7[%dma_wait3A_888, %dma_wait3A_889, %dma_wait3A_890] : memref<2x125x128xf32, #tpu.memory_space<vmem>> -> memref<1x125x128xf32, #tpu.memory_space<vmem>>
    %dma_wait3A_892 = tpu.memref_squeeze %dma_wait3A_891 : memref<1x125x128xf32, #tpu.memory_space<vmem>> -> memref<125x128xf32, #tpu.memory_space<vmem>>
    %dma_wait3A_893 = arith.constant 0 : i32
    %dma_wait3A_894 = tpu.memref_slice %arg2[%select_n3A, %add3A_836, %select_n3A_28, %dma_wait3A_893] : memref<2x2500x8x128xf32, #tpu.memory_space<hbm>> -> memref<1x125x1x128xf32, #tpu.memory_space<hbm>>
    %dma_wait3A_895 = tpu.memref_squeeze %dma_wait3A_894 : memref<1x125x1x128xf32, #tpu.memory_space<hbm>> -> memref<125x128xf32, #tpu.memory_space<hbm>>
    %dma_wait3A_896 = arith.constant 0 : i32
    %dma_wait3A_897 = arith.constant 0 : i32
    %dma_wait3A_898 = tpu.memref_slice %arg7[%dma_wait3A_888, %dma_wait3A_896, %dma_wait3A_897] : memref<2x125x128xf32, #tpu.memory_space<vmem>> -> memref<1x125x128xf32, #tpu.memory_space<vmem>>
    %dma_wait3A_899 = tpu.memref_squeeze %dma_wait3A_898 : memref<1x125x128xf32, #tpu.memory_space<vmem>> -> memref<125x128xf32, #tpu.memory_space<vmem>>
    %dma_wait3A_900 = arith.constant 0 : i32
    %dma_wait3A_901 = tpu.memref_slice %arg2[%select_n3A, %add3A_836, %select_n3A_28, %dma_wait3A_900] : memref<2x2500x8x128xf32, #tpu.memory_space<hbm>> -> memref<1x125x1x128xf32, #tpu.memory_space<hbm>>
    %dma_wait3A_902 = tpu.memref_squeeze %dma_wait3A_901 : memref<1x125x1x128xf32, #tpu.memory_space<hbm>> -> memref<125x128xf32, #tpu.memory_space<hbm>>
    tpu.wait_dma2 semaphore(%arg13 : memref<!tpu.dma_semaphore, #tpu.memory_space<semaphore_mem>>) src(%dma_wait3A_902 : memref<125x128xf32, #tpu.memory_space<hbm>>) dst(%dma_wait3A_899 : memref<125x128xf32, #tpu.memory_space<vmem>>)
    %dma_wait3A_903 = arith.constant 1 : i32
    %dma_wait3A_904 = arith.constant 1 : i32
    %dma_wait3A_905 = arith.constant 0 : i32
    %dma_wait3A_906 = arith.constant 0 : i32
    %dma_wait3A_907 = tpu.memref_slice %arg8[%dma_wait3A_904, %dma_wait3A_905, %dma_wait3A_906] : memref<2x125x128xi32, #tpu.memory_space<vmem>> -> memref<1x125x128xi32, #tpu.memory_space<vmem>>
    %dma_wait3A_908 = tpu.memref_squeeze %dma_wait3A_907 : memref<1x125x128xi32, #tpu.memory_space<vmem>> -> memref<125x128xi32, #tpu.memory_space<vmem>>
    %dma_wait3A_909 = arith.constant 0 : i32
    %dma_wait3A_910 = tpu.memref_slice %arg3[%add3A_853, %dma_wait3A_903, %dma_wait3A_909] : memref<2500x2x128xi32, #tpu.memory_space<hbm>> -> memref<125x1x128xi32, #tpu.memory_space<hbm>>
    %dma_wait3A_911 = tpu.memref_squeeze %dma_wait3A_910 : memref<125x1x128xi32, #tpu.memory_space<hbm>> -> memref<125x128xi32, #tpu.memory_space<hbm>>
    %dma_wait3A_912 = arith.constant 0 : i32
    %dma_wait3A_913 = arith.constant 0 : i32
    %dma_wait3A_914 = tpu.memref_slice %arg8[%dma_wait3A_904, %dma_wait3A_912, %dma_wait3A_913] : memref<2x125x128xi32, #tpu.memory_space<vmem>> -> memref<1x125x128xi32, #tpu.memory_space<vmem>>
    %dma_wait3A_915 = tpu.memref_squeeze %dma_wait3A_914 : memref<1x125x128xi32, #tpu.memory_space<vmem>> -> memref<125x128xi32, #tpu.memory_space<vmem>>
    %dma_wait3A_916 = arith.constant 0 : i32
    %dma_wait3A_917 = tpu.memref_slice %arg3[%add3A_853, %dma_wait3A_903, %dma_wait3A_916] : memref<2500x2x128xi32, #tpu.memory_space<hbm>> -> memref<125x1x128xi32, #tpu.memory_space<hbm>>
    %dma_wait3A_918 = tpu.memref_squeeze %dma_wait3A_917 : memref<125x1x128xi32, #tpu.memory_space<hbm>> -> memref<125x128xi32, #tpu.memory_space<hbm>>
    tpu.wait_dma2 semaphore(%arg13 : memref<!tpu.dma_semaphore, #tpu.memory_space<semaphore_mem>>) src(%dma_wait3A_918 : memref<125x128xi32, #tpu.memory_space<hbm>>) dst(%dma_wait3A_915 : memref<125x128xi32, #tpu.memory_space<vmem>>)
    %scan3A_919 = arith.constant 0 : i32
    %scan3A_920 = arith.constant 0 : i32
    %scan3A_921 = arith.constant 125 : i32
    %scan3A_922 = arith.addi %scan3A_920, %scan3A_921 : i32
    %scan3A_923 = arith.constant 1 : i32
    %scan3A_924 = scf.for %scan3A_956 = %scan3A_920 to %scan3A_922 step %scan3A_923 iter_args(%scan3A_957 = %scan3A_919) -> (i32)  : i32 {
      %get3A = arith.constant 1 : i32
      %get3A_958 = arith.index_cast %get3A : i32 to index
      %get3A_959 = arith.index_cast %scan3A_956 : i32 to index
      %get3A_960 = arith.constant 0 : index
      %get3A_961 = tpu.vector_load %arg8[%get3A_958, %get3A_959, %get3A_960] {strides = array<i32>} : memref<2x125x128xi32, #tpu.memory_space<vmem>>, vector<16xi32>,
      %get3A_962 = arith.constant 1 : i32
      %get3A_963 = arith.index_cast %get3A_962 : i32 to index
      %get3A_964 = arith.index_cast %scan3A_956 : i32 to index
      %get3A_965 = arith.constant 0 : index
      %get3A_966 = tpu.vector_load %arg7[%get3A_963, %get3A_964, %get3A_965] {strides = array<i32>} : memref<2x125x128xf32, #tpu.memory_space<vmem>>, vector<16xf32>,
      %shift_right_arithmetic3A = arith.constant 4 : i32
      %shift_right_arithmetic3A_967 = vector.broadcast %shift_right_arithmetic3A : i32 to vector<16xi32>
      %shift_right_arithmetic3A_968 = arith.shrsi %get3A_961, %shift_right_arithmetic3A_967 : vector<16xi32>
      %and3A_969 = arith.constant 15 : i32
      %and3A_970 = vector.broadcast %and3A_969 : i32 to vector<16xi32>
      %and3A_971 = arith.andi %get3A_961, %and3A_970 : vector<16xi32>
      tpu.vector_store_idx %arg10[%shift_right_arithmetic3A_968, %and3A_971], %get3A_966 {add = true} : memref<625x16xf32, #tpu.memory_space<vmem>>[vector<16xi32>, vector<16xi32>], vector<16xf32>,
      %get3A_972 = arith.constant 1 : i32
      %get3A_973 = arith.index_cast %get3A_972 : i32 to index
      %get3A_974 = arith.index_cast %scan3A_956 : i32 to index
      %get3A_975 = arith.constant 16 : index
      %get3A_976 = tpu.vector_load %arg8[%get3A_973, %get3A_974, %get3A_975] {strides = array<i32>} : memref<2x125x128xi32, #tpu.memory_space<vmem>>, vector<16xi32>,
      %get3A_977 = arith.constant 1 : i32
      %get3A_978 = arith.index_cast %get3A_977 : i32 to index
      %get3A_979 = arith.index_cast %scan3A_956 : i32 to index
      %get3A_980 = arith.constant 16 : index
      %get3A_981 = tpu.vector_load %arg7[%get3A_978, %get3A_979, %get3A_980] {strides = array<i32>} : memref<2x125x128xf32, #tpu.memory_space<vmem>>, vector<16xf32>,
      %shift_right_arithmetic3A_982 = arith.constant 4 : i32
      %shift_right_arithmetic3A_983 = vector.broadcast %shift_right_arithmetic3A_982 : i32 to vector<16xi32>
      %shift_right_arithmetic3A_984 = arith.shrsi %get3A_976, %shift_right_arithmetic3A_983 : vector<16xi32>
      %and3A_985 = arith.constant 15 : i32
      %and3A_986 = vector.broadcast %and3A_985 : i32 to vector<16xi32>
      %and3A_987 = arith.andi %get3A_976, %and3A_986 : vector<16xi32>
      tpu.vector_store_idx %arg10[%shift_right_arithmetic3A_984, %and3A_987], %get3A_981 {add = true} : memref<625x16xf32, #tpu.memory_space<vmem>>[vector<16xi32>, vector<16xi32>], vector<16xf32>,
      %get3A_988 = arith.constant 1 : i32
      %get3A_989 = arith.index_cast %get3A_988 : i32 to index
      %get3A_990 = arith.index_cast %scan3A_956 : i32 to index
      %get3A_991 = arith.constant 32 : index
      %get3A_992 = tpu.vector_load %arg8[%get3A_989, %get3A_990, %get3A_991] {strides = array<i32>} : memref<2x125x128xi32, #tpu.memory_space<vmem>>, vector<16xi32>,
      %get3A_993 = arith.constant 1 : i32
      %get3A_994 = arith.index_cast %get3A_993 : i32 to index
      %get3A_995 = arith.index_cast %scan3A_956 : i32 to index
      %get3A_996 = arith.constant 32 : index
      %get3A_997 = tpu.vector_load %arg7[%get3A_994, %get3A_995, %get3A_996] {strides = array<i32>} : memref<2x125x128xf32, #tpu.memory_space<vmem>>, vector<16xf32>,
      %shift_right_arithmetic3A_998 = arith.constant 4 : i32
      %shift_right_arithmetic3A_999 = vector.broadcast %shift_right_arithmetic3A_998 : i32 to vector<16xi32>
      %shift_right_arithmetic3A_1000 = arith.shrsi %get3A_992, %shift_right_arithmetic3A_999 : vector<16xi32>
      %and3A_1001 = arith.constant 15 : i32
      %and3A_1002 = vector.broadcast %and3A_1001 : i32 to vector<16xi32>
      %and3A_1003 = arith.andi %get3A_992, %and3A_1002 : vector<16xi32>
      tpu.vector_store_idx %arg10[%shift_right_arithmetic3A_1000, %and3A_1003], %get3A_997 {add = true} : memref<625x16xf32, #tpu.memory_space<vmem>>[vector<16xi32>, vector<16xi32>], vector<16xf32>,
      %get3A_1004 = arith.constant 1 : i32
      %get3A_1005 = arith.index_cast %get3A_1004 : i32 to index
      %get3A_1006 = arith.index_cast %scan3A_956 : i32 to index
      %get3A_1007 = arith.constant 48 : index
      %get3A_1008 = tpu.vector_load %arg8[%get3A_1005, %get3A_1006, %get3A_1007] {strides = array<i32>} : memref<2x125x128xi32, #tpu.memory_space<vmem>>, vector<16xi32>,
      %get3A_1009 = arith.constant 1 : i32
      %get3A_1010 = arith.index_cast %get3A_1009 : i32 to index
      %get3A_1011 = arith.index_cast %scan3A_956 : i32 to index
      %get3A_1012 = arith.constant 48 : index
      %get3A_1013 = tpu.vector_load %arg7[%get3A_1010, %get3A_1011, %get3A_1012] {strides = array<i32>} : memref<2x125x128xf32, #tpu.memory_space<vmem>>, vector<16xf32>,
      %shift_right_arithmetic3A_1014 = arith.constant 4 : i32
      %shift_right_arithmetic3A_1015 = vector.broadcast %shift_right_arithmetic3A_1014 : i32 to vector<16xi32>
      %shift_right_arithmetic3A_1016 = arith.shrsi %get3A_1008, %shift_right_arithmetic3A_1015 : vector<16xi32>
      %and3A_1017 = arith.constant 15 : i32
      %and3A_1018 = vector.broadcast %and3A_1017 : i32 to vector<16xi32>
      %and3A_1019 = arith.andi %get3A_1008, %and3A_1018 : vector<16xi32>
      tpu.vector_store_idx %arg10[%shift_right_arithmetic3A_1016, %and3A_1019], %get3A_1013 {add = true} : memref<625x16xf32, #tpu.memory_space<vmem>>[vector<16xi32>, vector<16xi32>], vector<16xf32>,
      %get3A_1020 = arith.constant 1 : i32
      %get3A_1021 = arith.index_cast %get3A_1020 : i32 to index
      %get3A_1022 = arith.index_cast %scan3A_956 : i32 to index
      %get3A_1023 = arith.constant 64 : index
      %get3A_1024 = tpu.vector_load %arg8[%get3A_1021, %get3A_1022, %get3A_1023] {strides = array<i32>} : memref<2x125x128xi32, #tpu.memory_space<vmem>>, vector<16xi32>,
      %get3A_1025 = arith.constant 1 : i32
      %get3A_1026 = arith.index_cast %get3A_1025 : i32 to index
      %get3A_1027 = arith.index_cast %scan3A_956 : i32 to index
      %get3A_1028 = arith.constant 64 : index
      %get3A_1029 = tpu.vector_load %arg7[%get3A_1026, %get3A_1027, %get3A_1028] {strides = array<i32>} : memref<2x125x128xf32, #tpu.memory_space<vmem>>, vector<16xf32>,
      %shift_right_arithmetic3A_1030 = arith.constant 4 : i32
      %shift_right_arithmetic3A_1031 = vector.broadcast %shift_right_arithmetic3A_1030 : i32 to vector<16xi32>
      %shift_right_arithmetic3A_1032 = arith.shrsi %get3A_1024, %shift_right_arithmetic3A_1031 : vector<16xi32>
      %and3A_1033 = arith.constant 15 : i32
      %and3A_1034 = vector.broadcast %and3A_1033 : i32 to vector<16xi32>
      %and3A_1035 = arith.andi %get3A_1024, %and3A_1034 : vector<16xi32>
      tpu.vector_store_idx %arg10[%shift_right_arithmetic3A_1032, %and3A_1035], %get3A_1029 {add = true} : memref<625x16xf32, #tpu.memory_space<vmem>>[vector<16xi32>, vector<16xi32>], vector<16xf32>,
      %get3A_1036 = arith.constant 1 : i32
      %get3A_1037 = arith.index_cast %get3A_1036 : i32 to index
      %get3A_1038 = arith.index_cast %scan3A_956 : i32 to index
      %get3A_1039 = arith.constant 80 : index
      %get3A_1040 = tpu.vector_load %arg8[%get3A_1037, %get3A_1038, %get3A_1039] {strides = array<i32>} : memref<2x125x128xi32, #tpu.memory_space<vmem>>, vector<16xi32>,
      %get3A_1041 = arith.constant 1 : i32
      %get3A_1042 = arith.index_cast %get3A_1041 : i32 to index
      %get3A_1043 = arith.index_cast %scan3A_956 : i32 to index
      %get3A_1044 = arith.constant 80 : index
      %get3A_1045 = tpu.vector_load %arg7[%get3A_1042, %get3A_1043, %get3A_1044] {strides = array<i32>} : memref<2x125x128xf32, #tpu.memory_space<vmem>>, vector<16xf32>,
      %shift_right_arithmetic3A_1046 = arith.constant 4 : i32
      %shift_right_arithmetic3A_1047 = vector.broadcast %shift_right_arithmetic3A_1046 : i32 to vector<16xi32>
      %shift_right_arithmetic3A_1048 = arith.shrsi %get3A_1040, %shift_right_arithmetic3A_1047 : vector<16xi32>
      %and3A_1049 = arith.constant 15 : i32
      %and3A_1050 = vector.broadcast %and3A_1049 : i32 to vector<16xi32>
      %and3A_1051 = arith.andi %get3A_1040, %and3A_1050 : vector<16xi32>
      tpu.vector_store_idx %arg10[%shift_right_arithmetic3A_1048, %and3A_1051], %get3A_1045 {add = true} : memref<625x16xf32, #tpu.memory_space<vmem>>[vector<16xi32>, vector<16xi32>], vector<16xf32>,
      %get3A_1052 = arith.constant 1 : i32
      %get3A_1053 = arith.index_cast %get3A_1052 : i32 to index
      %get3A_1054 = arith.index_cast %scan3A_956 : i32 to index
      %get3A_1055 = arith.constant 96 : index
      %get3A_1056 = tpu.vector_load %arg8[%get3A_1053, %get3A_1054, %get3A_1055] {strides = array<i32>} : memref<2x125x128xi32, #tpu.memory_space<vmem>>, vector<16xi32>,
      %get3A_1057 = arith.constant 1 : i32
      %get3A_1058 = arith.index_cast %get3A_1057 : i32 to index
      %get3A_1059 = arith.index_cast %scan3A_956 : i32 to index
      %get3A_1060 = arith.constant 96 : index
      %get3A_1061 = tpu.vector_load %arg7[%get3A_1058, %get3A_1059, %get3A_1060] {strides = array<i32>} : memref<2x125x128xf32, #tpu.memory_space<vmem>>, vector<16xf32>,
      %shift_right_arithmetic3A_1062 = arith.constant 4 : i32
      %shift_right_arithmetic3A_1063 = vector.broadcast %shift_right_arithmetic3A_1062 : i32 to vector<16xi32>
      %shift_right_arithmetic3A_1064 = arith.shrsi %get3A_1056, %shift_right_arithmetic3A_1063 : vector<16xi32>
      %and3A_1065 = arith.constant 15 : i32
      %and3A_1066 = vector.broadcast %and3A_1065 : i32 to vector<16xi32>
      %and3A_1067 = arith.andi %get3A_1056, %and3A_1066 : vector<16xi32>
      tpu.vector_store_idx %arg10[%shift_right_arithmetic3A_1064, %and3A_1067], %get3A_1061 {add = true} : memref<625x16xf32, #tpu.memory_space<vmem>>[vector<16xi32>, vector<16xi32>], vector<16xf32>,
      %get3A_1068 = arith.constant 1 : i32
      %get3A_1069 = arith.index_cast %get3A_1068 : i32 to index
      %get3A_1070 = arith.index_cast %scan3A_956 : i32 to index
      %get3A_1071 = arith.constant 112 : index
      %get3A_1072 = tpu.vector_load %arg8[%get3A_1069, %get3A_1070, %get3A_1071] {strides = array<i32>} : memref<2x125x128xi32, #tpu.memory_space<vmem>>, vector<16xi32>,
      %get3A_1073 = arith.constant 1 : i32
      %get3A_1074 = arith.index_cast %get3A_1073 : i32 to index
      %get3A_1075 = arith.index_cast %scan3A_956 : i32 to index
      %get3A_1076 = arith.constant 112 : index
      %get3A_1077 = tpu.vector_load %arg7[%get3A_1074, %get3A_1075, %get3A_1076] {strides = array<i32>} : memref<2x125x128xf32, #tpu.memory_space<vmem>>, vector<16xf32>,
      %shift_right_arithmetic3A_1078 = arith.constant 4 : i32
      %shift_right_arithmetic3A_1079 = vector.broadcast %shift_right_arithmetic3A_1078 : i32 to vector<16xi32>
      %shift_right_arithmetic3A_1080 = arith.shrsi %get3A_1072, %shift_right_arithmetic3A_1079 : vector<16xi32>
      %and3A_1081 = arith.constant 15 : i32
      %and3A_1082 = vector.broadcast %and3A_1081 : i32 to vector<16xi32>
      %and3A_1083 = arith.andi %get3A_1072, %and3A_1082 : vector<16xi32>
      tpu.vector_store_idx %arg10[%shift_right_arithmetic3A_1080, %and3A_1083], %get3A_1077 {add = true} : memref<625x16xf32, #tpu.memory_space<vmem>>[vector<16xi32>, vector<16xi32>], vector<16xf32>,
      %scan3A_1084 = arith.constant 0 : i32
      scf.yield %scan3A_1084 : i32
    }
    %scan3A_925 = arith.constant 125 : i32
    %while3A_926 = arith.constant 0 : i32
    %while3A_927 = arith.subi %select_n3A_99, %select_n3A_71 : i32
    %while3A_928 = arith.addi %select_n3A_71, %while3A_927 : i32
    %while3A_929 = arith.constant 1 : i32
    %while3A_930 = arith.divsi %while3A_927, %while3A_929 : i32
    %while3A_931 = arith.muli %while3A_930, %while3A_929 : i32
    %while3A_932 = arith.addi %select_n3A_71, %while3A_931 : i32
    %while3A_933 = arith.constant 1 : i32
    %while3A_934 = scf.for %while3A_956 = %select_n3A_71 to %while3A_932 step %while3A_933 iter_args(%while3A_957 = %while3A_926) -> (i32)  : i32 {
      %get3A = arith.constant 1 : i32
      %get3A_958 = arith.index_cast %get3A : i32 to index
      %get3A_959 = arith.index_cast %while3A_956 : i32 to index
      %get3A_960 = arith.constant 0 : index
      %get3A_961 = tpu.vector_load %arg8[%get3A_958, %get3A_959, %get3A_960] {strides = array<i32>} : memref<2x125x128xi32, #tpu.memory_space<vmem>>, vector<16xi32>,
      %shift_right_arithmetic3A = arith.constant 4 : i32
      %shift_right_arithmetic3A_962 = vector.broadcast %shift_right_arithmetic3A : i32 to vector<16xi32>
      %shift_right_arithmetic3A_963 = arith.shrsi %get3A_961, %shift_right_arithmetic3A_962 : vector<16xi32>
      %and3A_964 = arith.constant 15 : i32
      %and3A_965 = vector.broadcast %and3A_964 : i32 to vector<16xi32>
      %and3A_966 = arith.andi %get3A_961, %and3A_965 : vector<16xi32>
      tpu.vector_store_idx %arg11[%shift_right_arithmetic3A_963, %and3A_966], %broadcast_in_dim3A_45 {add = true} : memref<625x16xf32, #tpu.memory_space<vmem>>[vector<16xi32>, vector<16xi32>], vector<16xf32>,
      %get3A_967 = arith.constant 1 : i32
      %get3A_968 = arith.index_cast %get3A_967 : i32 to index
      %get3A_969 = arith.index_cast %while3A_956 : i32 to index
      %get3A_970 = arith.constant 16 : index
      %get3A_971 = tpu.vector_load %arg8[%get3A_968, %get3A_969, %get3A_970] {strides = array<i32>} : memref<2x125x128xi32, #tpu.memory_space<vmem>>, vector<16xi32>,
      %shift_right_arithmetic3A_972 = arith.constant 4 : i32
      %shift_right_arithmetic3A_973 = vector.broadcast %shift_right_arithmetic3A_972 : i32 to vector<16xi32>
      %shift_right_arithmetic3A_974 = arith.shrsi %get3A_971, %shift_right_arithmetic3A_973 : vector<16xi32>
      %and3A_975 = arith.constant 15 : i32
      %and3A_976 = vector.broadcast %and3A_975 : i32 to vector<16xi32>
      %and3A_977 = arith.andi %get3A_971, %and3A_976 : vector<16xi32>
      tpu.vector_store_idx %arg11[%shift_right_arithmetic3A_974, %and3A_977], %broadcast_in_dim3A_45 {add = true} : memref<625x16xf32, #tpu.memory_space<vmem>>[vector<16xi32>, vector<16xi32>], vector<16xf32>,
      %get3A_978 = arith.constant 1 : i32
      %get3A_979 = arith.index_cast %get3A_978 : i32 to index
      %get3A_980 = arith.index_cast %while3A_956 : i32 to index
      %get3A_981 = arith.constant 32 : index
      %get3A_982 = tpu.vector_load %arg8[%get3A_979, %get3A_980, %get3A_981] {strides = array<i32>} : memref<2x125x128xi32, #tpu.memory_space<vmem>>, vector<16xi32>,
      %shift_right_arithmetic3A_983 = arith.constant 4 : i32
      %shift_right_arithmetic3A_984 = vector.broadcast %shift_right_arithmetic3A_983 : i32 to vector<16xi32>
      %shift_right_arithmetic3A_985 = arith.shrsi %get3A_982, %shift_right_arithmetic3A_984 : vector<16xi32>
      %and3A_986 = arith.constant 15 : i32
      %and3A_987 = vector.broadcast %and3A_986 : i32 to vector<16xi32>
      %and3A_988 = arith.andi %get3A_982, %and3A_987 : vector<16xi32>
      tpu.vector_store_idx %arg11[%shift_right_arithmetic3A_985, %and3A_988], %broadcast_in_dim3A_45 {add = true} : memref<625x16xf32, #tpu.memory_space<vmem>>[vector<16xi32>, vector<16xi32>], vector<16xf32>,
      %get3A_989 = arith.constant 1 : i32
      %get3A_990 = arith.index_cast %get3A_989 : i32 to index
      %get3A_991 = arith.index_cast %while3A_956 : i32 to index
      %get3A_992 = arith.constant 48 : index
      %get3A_993 = tpu.vector_load %arg8[%get3A_990, %get3A_991, %get3A_992] {strides = array<i32>} : memref<2x125x128xi32, #tpu.memory_space<vmem>>, vector<16xi32>,
      %shift_right_arithmetic3A_994 = arith.constant 4 : i32
      %shift_right_arithmetic3A_995 = vector.broadcast %shift_right_arithmetic3A_994 : i32 to vector<16xi32>
      %shift_right_arithmetic3A_996 = arith.shrsi %get3A_993, %shift_right_arithmetic3A_995 : vector<16xi32>
      %and3A_997 = arith.constant 15 : i32
      %and3A_998 = vector.broadcast %and3A_997 : i32 to vector<16xi32>
      %and3A_999 = arith.andi %get3A_993, %and3A_998 : vector<16xi32>
      tpu.vector_store_idx %arg11[%shift_right_arithmetic3A_996, %and3A_999], %broadcast_in_dim3A_45 {add = true} : memref<625x16xf32, #tpu.memory_space<vmem>>[vector<16xi32>, vector<16xi32>], vector<16xf32>,
      %get3A_1000 = arith.constant 1 : i32
      %get3A_1001 = arith.index_cast %get3A_1000 : i32 to index
      %get3A_1002 = arith.index_cast %while3A_956 : i32 to index
      %get3A_1003 = arith.constant 64 : index
      %get3A_1004 = tpu.vector_load %arg8[%get3A_1001, %get3A_1002, %get3A_1003] {strides = array<i32>} : memref<2x125x128xi32, #tpu.memory_space<vmem>>, vector<16xi32>,
      %shift_right_arithmetic3A_1005 = arith.constant 4 : i32
      %shift_right_arithmetic3A_1006 = vector.broadcast %shift_right_arithmetic3A_1005 : i32 to vector<16xi32>
      %shift_right_arithmetic3A_1007 = arith.shrsi %get3A_1004, %shift_right_arithmetic3A_1006 : vector<16xi32>
      %and3A_1008 = arith.constant 15 : i32
      %and3A_1009 = vector.broadcast %and3A_1008 : i32 to vector<16xi32>
      %and3A_1010 = arith.andi %get3A_1004, %and3A_1009 : vector<16xi32>
      tpu.vector_store_idx %arg11[%shift_right_arithmetic3A_1007, %and3A_1010], %broadcast_in_dim3A_45 {add = true} : memref<625x16xf32, #tpu.memory_space<vmem>>[vector<16xi32>, vector<16xi32>], vector<16xf32>,
      %get3A_1011 = arith.constant 1 : i32
      %get3A_1012 = arith.index_cast %get3A_1011 : i32 to index
      %get3A_1013 = arith.index_cast %while3A_956 : i32 to index
      %get3A_1014 = arith.constant 80 : index
      %get3A_1015 = tpu.vector_load %arg8[%get3A_1012, %get3A_1013, %get3A_1014] {strides = array<i32>} : memref<2x125x128xi32, #tpu.memory_space<vmem>>, vector<16xi32>,
      %shift_right_arithmetic3A_1016 = arith.constant 4 : i32
      %shift_right_arithmetic3A_1017 = vector.broadcast %shift_right_arithmetic3A_1016 : i32 to vector<16xi32>
      %shift_right_arithmetic3A_1018 = arith.shrsi %get3A_1015, %shift_right_arithmetic3A_1017 : vector<16xi32>
      %and3A_1019 = arith.constant 15 : i32
      %and3A_1020 = vector.broadcast %and3A_1019 : i32 to vector<16xi32>
      %and3A_1021 = arith.andi %get3A_1015, %and3A_1020 : vector<16xi32>
      tpu.vector_store_idx %arg11[%shift_right_arithmetic3A_1018, %and3A_1021], %broadcast_in_dim3A_45 {add = true} : memref<625x16xf32, #tpu.memory_space<vmem>>[vector<16xi32>, vector<16xi32>], vector<16xf32>,
      %get3A_1022 = arith.constant 1 : i32
      %get3A_1023 = arith.index_cast %get3A_1022 : i32 to index
      %get3A_1024 = arith.index_cast %while3A_956 : i32 to index
      %get3A_1025 = arith.constant 96 : index
      %get3A_1026 = tpu.vector_load %arg8[%get3A_1023, %get3A_1024, %get3A_1025] {strides = array<i32>} : memref<2x125x128xi32, #tpu.memory_space<vmem>>, vector<16xi32>,
      %shift_right_arithmetic3A_1027 = arith.constant 4 : i32
      %shift_right_arithmetic3A_1028 = vector.broadcast %shift_right_arithmetic3A_1027 : i32 to vector<16xi32>
      %shift_right_arithmetic3A_1029 = arith.shrsi %get3A_1026, %shift_right_arithmetic3A_1028 : vector<16xi32>
      %and3A_1030 = arith.constant 15 : i32
      %and3A_1031 = vector.broadcast %and3A_1030 : i32 to vector<16xi32>
      %and3A_1032 = arith.andi %get3A_1026, %and3A_1031 : vector<16xi32>
      tpu.vector_store_idx %arg11[%shift_right_arithmetic3A_1029, %and3A_1032], %broadcast_in_dim3A_45 {add = true} : memref<625x16xf32, #tpu.memory_space<vmem>>[vector<16xi32>, vector<16xi32>], vector<16xf32>,
      %get3A_1033 = arith.constant 1 : i32
      %get3A_1034 = arith.index_cast %get3A_1033 : i32 to index
      %get3A_1035 = arith.index_cast %while3A_956 : i32 to index
      %get3A_1036 = arith.constant 112 : index
      %get3A_1037 = tpu.vector_load %arg8[%get3A_1034, %get3A_1035, %get3A_1036] {strides = array<i32>} : memref<2x125x128xi32, #tpu.memory_space<vmem>>, vector<16xi32>,
      %shift_right_arithmetic3A_1038 = arith.constant 4 : i32
      %shift_right_arithmetic3A_1039 = vector.broadcast %shift_right_arithmetic3A_1038 : i32 to vector<16xi32>
      %shift_right_arithmetic3A_1040 = arith.shrsi %get3A_1037, %shift_right_arithmetic3A_1039 : vector<16xi32>
      %and3A_1041 = arith.constant 15 : i32
      %and3A_1042 = vector.broadcast %and3A_1041 : i32 to vector<16xi32>
      %and3A_1043 = arith.andi %get3A_1037, %and3A_1042 : vector<16xi32>
      tpu.vector_store_idx %arg11[%shift_right_arithmetic3A_1040, %and3A_1043], %broadcast_in_dim3A_45 {add = true} : memref<625x16xf32, #tpu.memory_space<vmem>>[vector<16xi32>, vector<16xi32>], vector<16xf32>,
      %while3A_1044 = arith.constant 0 : i32
      scf.yield %while3A_1044 : i32
    }
    %while3A_935 = arith.constant 1 : i32
    %while3A_936 = scf.for %while3A_956 = %while3A_932 to %while3A_928 step %while3A_935 iter_args(%while3A_957 = %while3A_934) -> (i32)  : i32 {
      %get3A = arith.constant 1 : i32
      %get3A_958 = arith.index_cast %get3A : i32 to index
      %get3A_959 = arith.index_cast %while3A_956 : i32 to index
      %get3A_960 = arith.constant 0 : index
      %get3A_961 = tpu.vector_load %arg8[%get3A_958, %get3A_959, %get3A_960] {strides = array<i32>} : memref<2x125x128xi32, #tpu.memory_space<vmem>>, vector<16xi32>,
      %shift_right_arithmetic3A = arith.constant 4 : i32
      %shift_right_arithmetic3A_962 = vector.broadcast %shift_right_arithmetic3A : i32 to vector<16xi32>
      %shift_right_arithmetic3A_963 = arith.shrsi %get3A_961, %shift_right_arithmetic3A_962 : vector<16xi32>
      %and3A_964 = arith.constant 15 : i32
      %and3A_965 = vector.broadcast %and3A_964 : i32 to vector<16xi32>
      %and3A_966 = arith.andi %get3A_961, %and3A_965 : vector<16xi32>
      tpu.vector_store_idx %arg11[%shift_right_arithmetic3A_963, %and3A_966], %broadcast_in_dim3A_45 {add = true} : memref<625x16xf32, #tpu.memory_space<vmem>>[vector<16xi32>, vector<16xi32>], vector<16xf32>,
      %get3A_967 = arith.constant 1 : i32
      %get3A_968 = arith.index_cast %get3A_967 : i32 to index
      %get3A_969 = arith.index_cast %while3A_956 : i32 to index
      %get3A_970 = arith.constant 16 : index
      %get3A_971 = tpu.vector_load %arg8[%get3A_968, %get3A_969, %get3A_970] {strides = array<i32>} : memref<2x125x128xi32, #tpu.memory_space<vmem>>, vector<16xi32>,
      %shift_right_arithmetic3A_972 = arith.constant 4 : i32
      %shift_right_arithmetic3A_973 = vector.broadcast %shift_right_arithmetic3A_972 : i32 to vector<16xi32>
      %shift_right_arithmetic3A_974 = arith.shrsi %get3A_971, %shift_right_arithmetic3A_973 : vector<16xi32>
      %and3A_975 = arith.constant 15 : i32
      %and3A_976 = vector.broadcast %and3A_975 : i32 to vector<16xi32>
      %and3A_977 = arith.andi %get3A_971, %and3A_976 : vector<16xi32>
      tpu.vector_store_idx %arg11[%shift_right_arithmetic3A_974, %and3A_977], %broadcast_in_dim3A_45 {add = true} : memref<625x16xf32, #tpu.memory_space<vmem>>[vector<16xi32>, vector<16xi32>], vector<16xf32>,
      %get3A_978 = arith.constant 1 : i32
      %get3A_979 = arith.index_cast %get3A_978 : i32 to index
      %get3A_980 = arith.index_cast %while3A_956 : i32 to index
      %get3A_981 = arith.constant 32 : index
      %get3A_982 = tpu.vector_load %arg8[%get3A_979, %get3A_980, %get3A_981] {strides = array<i32>} : memref<2x125x128xi32, #tpu.memory_space<vmem>>, vector<16xi32>,
      %shift_right_arithmetic3A_983 = arith.constant 4 : i32
      %shift_right_arithmetic3A_984 = vector.broadcast %shift_right_arithmetic3A_983 : i32 to vector<16xi32>
      %shift_right_arithmetic3A_985 = arith.shrsi %get3A_982, %shift_right_arithmetic3A_984 : vector<16xi32>
      %and3A_986 = arith.constant 15 : i32
      %and3A_987 = vector.broadcast %and3A_986 : i32 to vector<16xi32>
      %and3A_988 = arith.andi %get3A_982, %and3A_987 : vector<16xi32>
      tpu.vector_store_idx %arg11[%shift_right_arithmetic3A_985, %and3A_988], %broadcast_in_dim3A_45 {add = true} : memref<625x16xf32, #tpu.memory_space<vmem>>[vector<16xi32>, vector<16xi32>], vector<16xf32>,
      %get3A_989 = arith.constant 1 : i32
      %get3A_990 = arith.index_cast %get3A_989 : i32 to index
      %get3A_991 = arith.index_cast %while3A_956 : i32 to index
      %get3A_992 = arith.constant 48 : index
      %get3A_993 = tpu.vector_load %arg8[%get3A_990, %get3A_991, %get3A_992] {strides = array<i32>} : memref<2x125x128xi32, #tpu.memory_space<vmem>>, vector<16xi32>,
      %shift_right_arithmetic3A_994 = arith.constant 4 : i32
      %shift_right_arithmetic3A_995 = vector.broadcast %shift_right_arithmetic3A_994 : i32 to vector<16xi32>
      %shift_right_arithmetic3A_996 = arith.shrsi %get3A_993, %shift_right_arithmetic3A_995 : vector<16xi32>
      %and3A_997 = arith.constant 15 : i32
      %and3A_998 = vector.broadcast %and3A_997 : i32 to vector<16xi32>
      %and3A_999 = arith.andi %get3A_993, %and3A_998 : vector<16xi32>
      tpu.vector_store_idx %arg11[%shift_right_arithmetic3A_996, %and3A_999], %broadcast_in_dim3A_45 {add = true} : memref<625x16xf32, #tpu.memory_space<vmem>>[vector<16xi32>, vector<16xi32>], vector<16xf32>,
      %get3A_1000 = arith.constant 1 : i32
      %get3A_1001 = arith.index_cast %get3A_1000 : i32 to index
      %get3A_1002 = arith.index_cast %while3A_956 : i32 to index
      %get3A_1003 = arith.constant 64 : index
      %get3A_1004 = tpu.vector_load %arg8[%get3A_1001, %get3A_1002, %get3A_1003] {strides = array<i32>} : memref<2x125x128xi32, #tpu.memory_space<vmem>>, vector<16xi32>,
      %shift_right_arithmetic3A_1005 = arith.constant 4 : i32
      %shift_right_arithmetic3A_1006 = vector.broadcast %shift_right_arithmetic3A_1005 : i32 to vector<16xi32>
      %shift_right_arithmetic3A_1007 = arith.shrsi %get3A_1004, %shift_right_arithmetic3A_1006 : vector<16xi32>
      %and3A_1008 = arith.constant 15 : i32
      %and3A_1009 = vector.broadcast %and3A_1008 : i32 to vector<16xi32>
      %and3A_1010 = arith.andi %get3A_1004, %and3A_1009 : vector<16xi32>
      tpu.vector_store_idx %arg11[%shift_right_arithmetic3A_1007, %and3A_1010], %broadcast_in_dim3A_45 {add = true} : memref<625x16xf32, #tpu.memory_space<vmem>>[vector<16xi32>, vector<16xi32>], vector<16xf32>,
      %get3A_1011 = arith.constant 1 : i32
      %get3A_1012 = arith.index_cast %get3A_1011 : i32 to index
      %get3A_1013 = arith.index_cast %while3A_956 : i32 to index
      %get3A_1014 = arith.constant 80 : index
      %get3A_1015 = tpu.vector_load %arg8[%get3A_1012, %get3A_1013, %get3A_1014] {strides = array<i32>} : memref<2x125x128xi32, #tpu.memory_space<vmem>>, vector<16xi32>,
      %shift_right_arithmetic3A_1016 = arith.constant 4 : i32
      %shift_right_arithmetic3A_1017 = vector.broadcast %shift_right_arithmetic3A_1016 : i32 to vector<16xi32>
      %shift_right_arithmetic3A_1018 = arith.shrsi %get3A_1015, %shift_right_arithmetic3A_1017 : vector<16xi32>
      %and3A_1019 = arith.constant 15 : i32
      %and3A_1020 = vector.broadcast %and3A_1019 : i32 to vector<16xi32>
      %and3A_1021 = arith.andi %get3A_1015, %and3A_1020 : vector<16xi32>
      tpu.vector_store_idx %arg11[%shift_right_arithmetic3A_1018, %and3A_1021], %broadcast_in_dim3A_45 {add = true} : memref<625x16xf32, #tpu.memory_space<vmem>>[vector<16xi32>, vector<16xi32>], vector<16xf32>,
      %get3A_1022 = arith.constant 1 : i32
      %get3A_1023 = arith.index_cast %get3A_1022 : i32 to index
      %get3A_1024 = arith.index_cast %while3A_956 : i32 to index
      %get3A_1025 = arith.constant 96 : index
      %get3A_1026 = tpu.vector_load %arg8[%get3A_1023, %get3A_1024, %get3A_1025] {strides = array<i32>} : memref<2x125x128xi32, #tpu.memory_space<vmem>>, vector<16xi32>,
      %shift_right_arithmetic3A_1027 = arith.constant 4 : i32
      %shift_right_arithmetic3A_1028 = vector.broadcast %shift_right_arithmetic3A_1027 : i32 to vector<16xi32>
      %shift_right_arithmetic3A_1029 = arith.shrsi %get3A_1026, %shift_right_arithmetic3A_1028 : vector<16xi32>
      %and3A_1030 = arith.constant 15 : i32
      %and3A_1031 = vector.broadcast %and3A_1030 : i32 to vector<16xi32>
      %and3A_1032 = arith.andi %get3A_1026, %and3A_1031 : vector<16xi32>
      tpu.vector_store_idx %arg11[%shift_right_arithmetic3A_1029, %and3A_1032], %broadcast_in_dim3A_45 {add = true} : memref<625x16xf32, #tpu.memory_space<vmem>>[vector<16xi32>, vector<16xi32>], vector<16xf32>,
      %get3A_1033 = arith.constant 1 : i32
      %get3A_1034 = arith.index_cast %get3A_1033 : i32 to index
      %get3A_1035 = arith.index_cast %while3A_956 : i32 to index
      %get3A_1036 = arith.constant 112 : index
      %get3A_1037 = tpu.vector_load %arg8[%get3A_1034, %get3A_1035, %get3A_1036] {strides = array<i32>} : memref<2x125x128xi32, #tpu.memory_space<vmem>>, vector<16xi32>,
      %shift_right_arithmetic3A_1038 = arith.constant 4 : i32
      %shift_right_arithmetic3A_1039 = vector.broadcast %shift_right_arithmetic3A_1038 : i32 to vector<16xi32>
      %shift_right_arithmetic3A_1040 = arith.shrsi %get3A_1037, %shift_right_arithmetic3A_1039 : vector<16xi32>
      %and3A_1041 = arith.constant 15 : i32
      %and3A_1042 = vector.broadcast %and3A_1041 : i32 to vector<16xi32>
      %and3A_1043 = arith.andi %get3A_1037, %and3A_1042 : vector<16xi32>
      tpu.vector_store_idx %arg11[%shift_right_arithmetic3A_1040, %and3A_1043], %broadcast_in_dim3A_45 {add = true} : memref<625x16xf32, #tpu.memory_space<vmem>>[vector<16xi32>, vector<16xi32>], vector<16xf32>,
      %while3A_1044 = arith.constant 0 : i32
      scf.yield %while3A_1044 : i32
    }
    "tpu.region"() ({
      %run_scoped3A = tpu.sem_alloc : memref<!tpu.dma_semaphore, #tpu.memory_space<semaphore_mem>>
      %dma_start3A_956 = arith.constant 0 : i32
      %dma_start3A_957 = arith.constant 0 : i32
      %dma_start3A_958 = tpu.memref_slice %arg5[%arg0, %arg1, %dma_start3A_956, %dma_start3A_957] : memref<2x16x625x16xf32, #tpu.memory_space<hbm>> -> memref<1x1x625x16xf32, #tpu.memory_space<hbm>>
      %dma_start3A_959 = tpu.memref_squeeze %dma_start3A_958 : memref<1x1x625x16xf32, #tpu.memory_space<hbm>> -> memref<625x16xf32, #tpu.memory_space<hbm>>
      %dma_start3A_960 = arith.constant 0 : i32
      %dma_start3A_961 = arith.constant 0 : i32
      %dma_start3A_962 = tpu.memref_slice %arg5[%arg0, %arg1, %dma_start3A_960, %dma_start3A_961] : memref<2x16x625x16xf32, #tpu.memory_space<hbm>> -> memref<1x1x625x16xf32, #tpu.memory_space<hbm>>
      %dma_start3A_963 = tpu.memref_squeeze %dma_start3A_962 : memref<1x1x625x16xf32, #tpu.memory_space<hbm>> -> memref<625x16xf32, #tpu.memory_space<hbm>>
      tpu.enqueue_dma source(%arg10 : memref<625x16xf32, #tpu.memory_space<vmem>>) target(%dma_start3A_963 : memref<625x16xf32, #tpu.memory_space<hbm>>) target_semaphore(%run_scoped3A : memref<!tpu.dma_semaphore, #tpu.memory_space<semaphore_mem>>)
      %dma_wait3A_964 = arith.constant 0 : i32
      %dma_wait3A_965 = arith.constant 0 : i32
      %dma_wait3A_966 = tpu.memref_slice %arg5[%arg0, %arg1, %dma_wait3A_964, %dma_wait3A_965] : memref<2x16x625x16xf32, #tpu.memory_space<hbm>> -> memref<1x1x625x16xf32, #tpu.memory_space<hbm>>
      %dma_wait3A_967 = tpu.memref_squeeze %dma_wait3A_966 : memref<1x1x625x16xf32, #tpu.memory_space<hbm>> -> memref<625x16xf32, #tpu.memory_space<hbm>>
      %dma_wait3A_968 = arith.constant 0 : i32
      %dma_wait3A_969 = arith.constant 0 : i32
      %dma_wait3A_970 = tpu.memref_slice %arg5[%arg0, %arg1, %dma_wait3A_968, %dma_wait3A_969] : memref<2x16x625x16xf32, #tpu.memory_space<hbm>> -> memref<1x1x625x16xf32, #tpu.memory_space<hbm>>
      %dma_wait3A_971 = tpu.memref_squeeze %dma_wait3A_970 : memref<1x1x625x16xf32, #tpu.memory_space<hbm>> -> memref<625x16xf32, #tpu.memory_space<hbm>>
      tpu.wait_dma2 semaphore(%run_scoped3A : memref<!tpu.dma_semaphore, #tpu.memory_space<semaphore_mem>>) src(%arg10 : memref<625x16xf32, #tpu.memory_space<vmem>>) dst(%dma_wait3A_971 : memref<625x16xf32, #tpu.memory_space<hbm>>)
      tpu.yield
    }) : () -> ()
    %scan3A_937 = arith.constant 0 : i32
    %scan3A_938 = arith.constant 0 : i32
    %scan3A_939 = arith.constant 5 : i32
    %scan3A_940 = arith.addi %scan3A_938, %scan3A_939 : i32
    %scan3A_941 = arith.constant 1 : i32
    %scan3A_942 = scf.for %scan3A_956 = %scan3A_938 to %scan3A_940 step %scan3A_941 iter_args(%scan3A_957 = %scan3A_937) -> (i32)  : i32 {
      %mul3A_958 = arith.constant 125 : i32
      %mul3A_959 = arith.muli %scan3A_956, %mul3A_958 : i32
      %dma_start3A_960 = arith.constant 0 : i32
      %dma_start3A_961 = tpu.memref_slice %arg11[%mul3A_959, %dma_start3A_960] : memref<625x16xf32, #tpu.memory_space<vmem>> -> memref<125x16xf32, #tpu.memory_space<vmem>>
      %dma_start3A_962 = arith.constant 0 : i32
      %dma_start3A_963 = tpu.memref_slice %arg9[%scan3A_956, %dma_start3A_962] : memref<5x125xi32, #tpu.memory_space<vmem>> -> memref<1x125xi32, #tpu.memory_space<vmem>>
      %dma_start3A_964 = tpu.memref_squeeze %dma_start3A_963 : memref<1x125xi32, #tpu.memory_space<vmem>> -> memref<125xi32, #tpu.memory_space<vmem>>
      %dma_start3A_965 = arith.constant 0 : i32
      %dma_start3A_966 = arith.constant 0 : i32
      %dma_start3A_967 = tpu.memref_slice %arg12[%dma_start3A_965, %dma_start3A_966] : memref<640x16xf32, #tpu.memory_space<vmem_shared>> -> memref<640x16xf32, #tpu.memory_space<vmem_shared>>
      tpu.enqueue_indirect_dma source(%dma_start3A_961 : memref<125x16xf32, #tpu.memory_space<vmem>>) target(%dma_start3A_967 : memref<640x16xf32, #tpu.memory_space<vmem_shared>>) offsets(%dma_start3A_964 : memref<125xi32, #tpu.memory_space<vmem>>) semaphore(%arg14 : memref<!tpu.dma_semaphore, #tpu.memory_space<semaphore_mem>>) {add = true}
      %scan3A_968 = arith.constant 0 : i32
      scf.yield %scan3A_968 : i32
    }
    %scan3A_943 = arith.constant 5 : i32
    %dma_wait3A_944 = arith.constant 0 : i32
    %dma_wait3A_945 = arith.constant 0 : i32
    %dma_wait3A_946 = tpu.memref_slice %arg6[%arg0, %dma_wait3A_944, %dma_wait3A_945] : memref<2x640x16xf32, #tpu.memory_space<hbm>> -> memref<1x625x16xf32, #tpu.memory_space<hbm>>
    %dma_wait3A_947 = tpu.memref_squeeze %dma_wait3A_946 : memref<1x625x16xf32, #tpu.memory_space<hbm>> -> memref<625x16xf32, #tpu.memory_space<hbm>>
    %dma_wait3A_948 = arith.constant 0 : i32
    %dma_wait3A_949 = arith.constant 0 : i32
    %dma_wait3A_950 = tpu.memref_slice %arg6[%arg0, %dma_wait3A_948, %dma_wait3A_949] : memref<2x640x16xf32, #tpu.memory_space<hbm>> -> memref<1x625x16xf32, #tpu.memory_space<hbm>>
    %dma_wait3A_951 = tpu.memref_squeeze %dma_wait3A_950 : memref<1x625x16xf32, #tpu.memory_space<hbm>> -> memref<625x16xf32, #tpu.memory_space<hbm>>
    tpu.wait_dma2 semaphore(%arg14 : memref<!tpu.dma_semaphore, #tpu.memory_space<semaphore_mem>>) src(%dma_wait3A_951 : memref<625x16xf32, #tpu.memory_space<hbm>>) dst(%arg11 : memref<625x16xf32, #tpu.memory_space<vmem>>)
    %barrier3A_952 = arith.constant 0 : index
    tpu.barrier barrier_id(%barrier3A_952)
    %eq3A_953 = arith.constant 0 : i32
    %eq3A_954 = arith.cmpi eq, %arg1, %eq3A_953 : i32
    %convert_element_type3A = arith.extui %eq3A_954 : i1 to i32
    %cond3A = arith.constant 0 : i32
    %cond3A_955 = arith.cmpi ne, %convert_element_type3A, %cond3A : i32
    scf.if %cond3A_955 {
      "tpu.region"() ({
        %run_scoped3A = tpu.sem_alloc : memref<!tpu.dma_semaphore, #tpu.memory_space<semaphore_mem>>
        %dma_start3A_956 = arith.constant 0 : i32
        %dma_start3A_957 = arith.constant 0 : i32
        %dma_start3A_958 = tpu.memref_slice %arg6[%arg0, %dma_start3A_956, %dma_start3A_957] : memref<2x640x16xf32, #tpu.memory_space<hbm>> -> memref<1x640x16xf32, #tpu.memory_space<hbm>>
        %dma_start3A_959 = tpu.memref_squeeze %dma_start3A_958 : memref<1x640x16xf32, #tpu.memory_space<hbm>> -> memref<640x16xf32, #tpu.memory_space<hbm>>
        tpu.enqueue_dma source(%arg12 : memref<640x16xf32, #tpu.memory_space<vmem_shared>>) target(%dma_start3A_959 : memref<640x16xf32, #tpu.memory_space<hbm>>) target_semaphore(%run_scoped3A : memref<!tpu.dma_semaphore, #tpu.memory_space<semaphore_mem>>)
        %dma_wait3A_960 = arith.constant 0 : i32
        %dma_wait3A_961 = arith.constant 0 : i32
        %dma_wait3A_962 = tpu.memref_slice %arg6[%arg0, %dma_wait3A_960, %dma_wait3A_961] : memref<2x640x16xf32, #tpu.memory_space<hbm>> -> memref<1x640x16xf32, #tpu.memory_space<hbm>>
        %dma_wait3A_963 = tpu.memref_squeeze %dma_wait3A_962 : memref<1x640x16xf32, #tpu.memory_space<hbm>> -> memref<640x16xf32, #tpu.memory_space<hbm>>
        tpu.wait_dma2 semaphore(%run_scoped3A : memref<!tpu.dma_semaphore, #tpu.memory_space<semaphore_mem>>) src(%arg12 : memref<640x16xf32, #tpu.memory_space<vmem_shared>>) dst(%dma_wait3A_963 : memref<640x16xf32, #tpu.memory_space<hbm>>)
        tpu.yield
      }) : () -> ()
    } else {
    }
    return
  }
}

module attributes {stable_mosaic.version = 14 : i64} {
  func.func @body(%arg0: memref<10000x128xf32, #tpu.memory_space<vmem>>, %arg1: memref<10000x1xi32, #tpu.memory_space<vmem>>, %arg2: memref<16x16xf32, #tpu.memory_space<vmem>>, %arg3: memref<128x160xf32, #tpu.memory_space<vmem>>, %arg4: memref<1x128xf32, #tpu.memory_space<vmem>>, %arg5: memref<10000x128xf32, #tpu.memory_space<vmem>>) attributes {dimension_semantics = [], scalar_prefetch = 0 : i64, scratch_operands = 0 : i64, tpu.core_type = #tpu.core_type<tc>} {
    %get3A = arith.constant 0 : index
    %get3A_0 = arith.constant 0 : index
    %get3A_1 = vector.load %arg1[%get3A, %get3A_0] : memref<10000x1xi32, #tpu.memory_space<vmem>>, vector<10000x1xi32>
    %iota3A = tpu.iota {dimensions = array<i32: 1>} : vector<10000x16xi32>
    %eq3A = vector.broadcast %get3A_1 : vector<10000x1xi32> to vector<10000x16xi32>
    %eq3A_2 = arith.cmpi eq, %eq3A, %iota3A : vector<10000x16xi32>
    %convert_element_type3A = arith.extui %eq3A_2 : vector<10000x16xi1> to vector<10000x16xi32>
    %convert_element_type3A_3 = arith.sitofp %convert_element_type3A : vector<10000x16xi32> to vector<10000x16xf32>
    %get3A_4 = arith.constant 0 : index
    %get3A_5 = arith.constant 0 : index
    %get3A_6 = vector.load %arg2[%get3A_4, %get3A_5] : memref<16x16xf32, #tpu.memory_space<vmem>>, vector<16x16xf32>
    %dot_general3A = arith.constant dense<0.000000e+00> : vector<10000x16xf32>
    %dot_general3A_7 = tpu.matmul %convert_element_type3A_3, %get3A_6, %dot_general3A {dimension_numbers = #tpu.dot_dimension_numbers<[1], [0], [0], [1], [0, 0, 1, 1], [], []>, transpose_lhs_hint = false} : vector<10000x16xf32>, vector<16x16xf32>, vector<10000x16xf32> -> vector<10000x16xf32>
    %get3A_8 = arith.constant 0 : index
    %get3A_9 = arith.constant 0 : index
    %get3A_10 = vector.load %arg0[%get3A_8, %get3A_9] : memref<10000x128xf32, #tpu.memory_space<vmem>>, vector<10000x128xf32>
    %get3A_11 = arith.constant 0 : index
    %get3A_12 = arith.constant 0 : index
    %get3A_13 = vector.load %arg3[%get3A_11, %get3A_12] : memref<128x160xf32, #tpu.memory_space<vmem>>, vector<128x128xf32>
    %dot_general3A_14 = arith.constant dense<0.000000e+00> : vector<10000x128xf32>
    %dot_general3A_15 = tpu.matmul %get3A_10, %get3A_13, %dot_general3A_14 {dimension_numbers = #tpu.dot_dimension_numbers<[1], [1], [0], [0], [0, 0, 1, 0], [], []>, transpose_lhs_hint = false} : vector<10000x128xf32>, vector<128x128xf32>, vector<10000x128xf32> -> vector<10000x128xf32>
    %get3A_16 = arith.constant 0 : index
    %get3A_17 = arith.constant 144 : index
    %get3A_18 = vector.load %arg3[%get3A_16, %get3A_17] : memref<128x160xf32, #tpu.memory_space<vmem>>, vector<128x16xf32>
    %dot_general3A_19 = arith.constant dense<0.000000e+00> : vector<10000x128xf32>
    %dot_general3A_20 = tpu.matmul %dot_general3A_7, %get3A_18, %dot_general3A_19 {dimension_numbers = #tpu.dot_dimension_numbers<[1], [1], [0], [0], [0, 0, 1, 0], [], []>, transpose_lhs_hint = false} : vector<10000x16xf32>, vector<128x16xf32>, vector<10000x128xf32> -> vector<10000x128xf32>
    %add3A = arith.addf %dot_general3A_15, %dot_general3A_20 : vector<10000x128xf32>
    %get3A_21 = arith.constant 0 : index
    %get3A_22 = arith.constant 0 : index
    %get3A_23 = vector.load %arg4[%get3A_21, %get3A_22] : memref<1x128xf32, #tpu.memory_space<vmem>>, vector<1x128xf32>
    %add3A_24 = vector.broadcast %get3A_23 : vector<1x128xf32> to vector<10000x128xf32>
    %add3A_25 = arith.addf %add3A, %add3A_24 : vector<10000x128xf32>
    %swap3A = arith.constant 0 : index
    %swap3A_26 = arith.constant 0 : index
    %swap3A_27 = vector.load %arg5[%swap3A, %swap3A_26] : memref<10000x128xf32, #tpu.memory_space<vmem>>, vector<10000x128xf32>
    tpu.vector_store %arg5[%swap3A, %swap3A_26], %add3A_25 {strides = array<i32>} : memref<10000x128xf32, #tpu.memory_space<vmem>>, vector<10000x128xf32>,
    return
  }
}

module attributes {stable_mosaic.version = 14 : i64} {
  func.func @body(%arg0: memref<10000x128xf32, #tpu.memory_space<vmem>>, %arg1: memref<16x10000xf32, #tpu.memory_space<vmem>>, %arg2: memref<16x10000xf32, #tpu.memory_space<vmem>>, %arg3: memref<1x10000xf32, #tpu.memory_space<vmem>>, %arg4: memref<1x10000xf32, #tpu.memory_space<vmem>>, %arg5: memref<128x160xf32, #tpu.memory_space<vmem>>, %arg6: memref<1x128xf32, #tpu.memory_space<vmem>>, %arg7: memref<1x128xf32, #tpu.memory_space<vmem>>, %arg8: memref<128x128xf32, #tpu.memory_space<vmem>>, %arg9: memref<1x128xf32, #tpu.memory_space<vmem>>, %arg10: memref<10000x128xf32, #tpu.memory_space<vmem>>) attributes {dimension_semantics = [], scalar_prefetch = 0 : i64, scratch_operands = 0 : i64, tpu.core_type = #tpu.core_type<tc>} {
    %get3A = arith.constant 0 : index
    %get3A_0 = arith.constant 0 : index
    %get3A_1 = vector.load %arg1[%get3A, %get3A_0] : memref<16x10000xf32, #tpu.memory_space<vmem>>, vector<16x10000xf32>
    %get3A_2 = arith.constant 0 : index
    %get3A_3 = arith.constant 0 : index
    %get3A_4 = vector.load %arg2[%get3A_2, %get3A_3] : memref<16x10000xf32, #tpu.memory_space<vmem>>, vector<16x10000xf32>
    %add3A = arith.addf %get3A_1, %get3A_4 : vector<16x10000xf32>
    %get3A_5 = arith.constant 0 : index
    %get3A_6 = arith.constant 0 : index
    %get3A_7 = vector.load %arg3[%get3A_5, %get3A_6] : memref<1x10000xf32, #tpu.memory_space<vmem>>, vector<1x10000xf32>
    %get3A_8 = arith.constant 0 : index
    %get3A_9 = arith.constant 0 : index
    %get3A_10 = vector.load %arg4[%get3A_8, %get3A_9] : memref<1x10000xf32, #tpu.memory_space<vmem>>, vector<1x10000xf32>
    %add3A_11 = arith.addf %get3A_7, %get3A_10 : vector<1x10000xf32>
    %max3A = arith.constant 1.000000e+00 : f32
    %max3A_12 = vector.broadcast %max3A : f32 to vector<1x10000xf32>
    %max3A_13 = arith.maximumf %add3A_11, %max3A_12 : vector<1x10000xf32>
    %div3A = vector.broadcast %max3A_13 : vector<1x10000xf32> to vector<16x10000xf32>
    %div3A_14 = arith.divf %add3A, %div3A : vector<16x10000xf32>
    %get3A_15 = arith.constant 0 : index
    %get3A_16 = arith.constant 128 : index
    %get3A_17 = vector.load %arg5[%get3A_15, %get3A_16] : memref<128x160xf32, #tpu.memory_space<vmem>>, vector<128x16xf32>
    %dot_general3A = arith.constant dense<0.000000e+00> : vector<10000x128xf32>
    %dot_general3A_18 = tpu.matmul %div3A_14, %get3A_17, %dot_general3A {dimension_numbers = #tpu.dot_dimension_numbers<[0], [1], [1], [0], [0, 1, 1, 0], [], []>, transpose_lhs_hint = false} : vector<16x10000xf32>, vector<128x16xf32>, vector<10000x128xf32> -> vector<10000x128xf32>
    %get3A_19 = arith.constant 0 : index
    %get3A_20 = arith.constant 0 : index
    %get3A_21 = vector.load %arg0[%get3A_19, %get3A_20] : memref<10000x128xf32, #tpu.memory_space<vmem>>, vector<10000x128xf32>
    %add3A_22 = arith.addf %get3A_21, %dot_general3A_18 : vector<10000x128xf32>
    %reduce_sum3A = arith.constant dense<0.000000e+00> : vector<128xf32>
    %reduce_sum3A_23 = vector.multi_reduction <add>, %add3A_22, %reduce_sum3A [0] : vector<10000x128xf32> to vector<128xf32>
    %broadcast_in_dim3A = vector.shape_cast %reduce_sum3A_23 : vector<128xf32> to vector<1x128xf32>
    %div3A_24 = arith.constant 1.000000e+04 : f32
    %div3A_25 = vector.broadcast %div3A_24 : f32 to vector<1x128xf32>
    %div3A_26 = arith.divf %broadcast_in_dim3A, %div3A_25 : vector<1x128xf32>
    %sub3A = vector.broadcast %div3A_26 : vector<1x128xf32> to vector<10000x128xf32>
    %sub3A_27 = arith.subf %add3A_22, %sub3A : vector<10000x128xf32>
    %integer_pow3A = arith.mulf %sub3A_27, %sub3A_27 : vector<10000x128xf32>
    %reduce_sum3A_28 = arith.constant dense<0.000000e+00> : vector<128xf32>
    %reduce_sum3A_29 = vector.multi_reduction <add>, %integer_pow3A, %reduce_sum3A_28 [0] : vector<10000x128xf32> to vector<128xf32>
    %broadcast_in_dim3A_30 = vector.shape_cast %reduce_sum3A_29 : vector<128xf32> to vector<1x128xf32>
    %div3A_31 = arith.constant 1.000000e+04 : f32
    %div3A_32 = vector.broadcast %div3A_31 : f32 to vector<1x128xf32>
    %div3A_33 = arith.divf %broadcast_in_dim3A_30, %div3A_32 : vector<1x128xf32>
    %sub3A_34 = vector.broadcast %div3A_26 : vector<1x128xf32> to vector<10000x128xf32>
    %sub3A_35 = arith.subf %add3A_22, %sub3A_34 : vector<10000x128xf32>
    %add3A_36 = arith.constant 9.99999974E-6 : f32
    %add3A_37 = vector.broadcast %add3A_36 : f32 to vector<1x128xf32>
    %add3A_38 = arith.addf %div3A_33, %add3A_37 : vector<1x128xf32>
    %sqrt3A = math.sqrt %add3A_38 : vector<1x128xf32>
    %div3A_39 = vector.broadcast %sqrt3A : vector<1x128xf32> to vector<10000x128xf32>
    %div3A_40 = arith.divf %sub3A_35, %div3A_39 : vector<10000x128xf32>
    %get3A_41 = arith.constant 0 : index
    %get3A_42 = arith.constant 0 : index
    %get3A_43 = vector.load %arg6[%get3A_41, %get3A_42] : memref<1x128xf32, #tpu.memory_space<vmem>>, vector<1x128xf32>
    %mul3A = vector.broadcast %get3A_43 : vector<1x128xf32> to vector<10000x128xf32>
    %mul3A_44 = arith.mulf %div3A_40, %mul3A : vector<10000x128xf32>
    %get3A_45 = arith.constant 0 : index
    %get3A_46 = arith.constant 0 : index
    %get3A_47 = vector.load %arg7[%get3A_45, %get3A_46] : memref<1x128xf32, #tpu.memory_space<vmem>>, vector<1x128xf32>
    %add3A_48 = vector.broadcast %get3A_47 : vector<1x128xf32> to vector<10000x128xf32>
    %add3A_49 = arith.addf %mul3A_44, %add3A_48 : vector<10000x128xf32>
    %max3A_50 = arith.constant 0.000000e+00 : f32
    %max3A_51 = vector.broadcast %max3A_50 : f32 to vector<10000x128xf32>
    %max3A_52 = arith.maximumf %add3A_49, %max3A_51 : vector<10000x128xf32>
    %get3A_53 = arith.constant 0 : index
    %get3A_54 = arith.constant 0 : index
    %get3A_55 = vector.load %arg8[%get3A_53, %get3A_54] : memref<128x128xf32, #tpu.memory_space<vmem>>, vector<128x128xf32>
    %dot_general3A_56 = arith.constant dense<0.000000e+00> : vector<10000x128xf32>
    %dot_general3A_57 = tpu.matmul %max3A_52, %get3A_55, %dot_general3A_56 {dimension_numbers = #tpu.dot_dimension_numbers<[1], [1], [0], [0], [0, 0, 1, 0], [], []>, transpose_lhs_hint = false} : vector<10000x128xf32>, vector<128x128xf32>, vector<10000x128xf32> -> vector<10000x128xf32>
    %get3A_58 = arith.constant 0 : index
    %get3A_59 = arith.constant 0 : index
    %get3A_60 = vector.load %arg9[%get3A_58, %get3A_59] : memref<1x128xf32, #tpu.memory_space<vmem>>, vector<1x128xf32>
    %add3A_61 = vector.broadcast %get3A_60 : vector<1x128xf32> to vector<10000x128xf32>
    %add3A_62 = arith.addf %dot_general3A_57, %add3A_61 : vector<10000x128xf32>
    %swap3A = arith.constant 0 : index
    %swap3A_63 = arith.constant 0 : index
    %swap3A_64 = vector.load %arg10[%swap3A, %swap3A_63] : memref<10000x128xf32, #tpu.memory_space<vmem>>, vector<10000x128xf32>
    tpu.vector_store %arg10[%swap3A, %swap3A_63], %add3A_62 {strides = array<i32>} : memref<10000x128xf32, #tpu.memory_space<vmem>>, vector<10000x128xf32>,
    return
  }
}

</mosaic_0001>

<sc_bundles>
// kernel: kernel.5.cloned.1.call-start
scs
__scs_entry_jumppad:
0x0: {  	(pc) =	sbr.rel $0x88, $3  }
0x1: {  	(tag) =	ssettag $0x0;
	lr =	simm.s32 $0x1  }
0x2: {  	[smem:$0x3F96] =	sst lr;
	_ =	strace $0xD0000000  }
0x3: {  	_ = 	snop  }
0x4: {  	_ = 	snop  }
0x5: {  	_ = 	snop  }
0x6: {  	_ = 	snop  }
0x7: {  	_ = 	snop  }
__scs_overlays_trampoline_lowered:
0x8: {  	[smem:$0x3FA5] =	sst s0  }
0x9: {  	[smem:$0x3FA6] =	sst s1  }
0xa: {  	[smem:$0x3FA7] =	sst s2  }
0xb: {  	[smem:$0x3FA8] =	sst s3  }
0xc: {  	[smem:$0x3FA9] =	sst s4  }
0xd: {  	[smem:$0x3FAA] =	sst s5  }
0xe: {  	[smem:$0x3FAB] =	sst s6  }
0xf: {  	[smem:$0x3FAC] =	sst s7  }
0x10: {  	[smem:$0x3FAD] =	sst s8  }
0x11: {  	[smem:$0x3FAE] =	sst s9;
	s0 =	simm.s32 @!p0 $0x0  }
0x12: {  	s1 =	sld [smem:$0x3F94];
	s0 =	simm.s32 @p0 $0x1  }
0x13: {  	[smem:$0x3FAF] =	sst s0;
	s0 =	simm.s32 @!p1 $0x0  }
0x14: {  	s2 =	sld [smem:$0x3F93];
	s0 =	simm.s32 @p1 $0x1  }
0x15: {  	[smem:$0x3FB0] =	sst s0;
	s0 =	simm.s32 @!p2 $0x0  }
0x16: {  	s3 =	sld [smem:$0x3FDB];
	s0 =	simm.s32 @p2 $0x1  }
0x17: {  	s4 =	simm.s32 $0x1BF5;
	[smem:$0x3FB2] =	sst s0  }
0x18: {  	s0 =	sld [smem:$0x3F95];
	_ =	swait.ge [sflag:s4], $0x0  }
0x19: {  	s7 =	sld [smem:$0x3F96]  }
0x1a: {  	s8 =	sadd.s32 $0xFFFFE003, lr  }
0x1b: {  	s9 =	sadd.s32 $0xFFFFFEF7, lr;
	s5 =	simm.s32 $0xFFFFFFFF;
	p2 =	slt.u32 s8, $0xFFFFF086  }
0x1c: {  	p1 =	slt.u32 s9, $0xF7A;
	s5 =	simm.s32 @!p2 $0x0  }
0x1d: {  	s5 =	simm.s32 @p1 $0x1;
	p0 =	seq.s32 s7, s2  }
0x1e: {  	s7 =	smul.u32 @!p0 $0xF7A, s2;
	p2 =	seq.s32 @!p0 s5, $0x0  }
0x1f: {  	s9 =	smul.u32 $0xF7A, s1;
	s8 =	simm.s32 @!p0 $0x1BF5;
	p2 =	por !p2, p0  }
0x20: {  	[sflag:s8] =	ssyncset.s32 @!p0 $0xFFFFF086;
	s6 =	sadd.s32 @!p0 s3, s7;
	s7 =	simm.s32 @!p0 $0x108  }
0x21: {  	s3 =	sadd.s32 s3, s9;
	s6 =	sadd.s32 @!p0 $0x88, s6;
	s7 =	simm.s32 @p2 $0x1082  }
0x22: {  	[simem:s7], [sflag:s8] =	dma.local @!p0 [hbm:s6], $0xF7A  }
0x23: {  	s9 =	sor.u32 $0xD0000000, s2;
	s6 =	simm.s32 $0x108;
	_ =	swait.ge @!p0 [sflag:s8], $0x0  }
0x24: {  	s3 =	sadd.s32 $0x88, s3;
	s6 =	simm.s32 @!p1 $0x1082;
	[sflag:s4] =	ssyncset.s32 $0xFFFFF086  }
0x25: {  	[simem:s6], [sflag:s4] =	dma.local [hbm:s3], $0xF7A  }
0x26: {  	[smem:$0x3F96] =	sst s1;
	(tag) =	ssettag s2;
	_ =	strace s9  }
0x27: {  	s1 =	sld [smem:$0x3FA6]  }
0x28: {  	s2 =	sld [smem:$0x3FA7]  }
0x29: {  	s4 =	sld [smem:$0x3FA9]  }
0x2a: {  	p0 =	seq.s32 s5, $0x0;
	s5 =	sld [smem:$0x3FAA]  }
0x2b: {  	s6 =	sld [smem:$0x3FAB]  }
0x2c: {  	s7 =	sld [smem:$0x3FAC]  }
0x2d: {  	s3 =	simm.s32 $0x108;
	s8 =	sld [smem:$0x3FAD]  }
0x2e: {  	s3 =	simm.s32 @!p0 $0x1082;
	s9 =	sld [smem:$0x3FAE]  }
0x2f: {  	lr =	sadd.s32 s0, s3;
	s0 =	sld [smem:$0x3FA5]  }
0x30: {  	s3 =	sld [smem:$0x3FA8]  }
0x31: {  	[smem:$0x3FB1] =	sst s10  }
0x32: {  	s10 =	sld [smem:$0x3FAF];
	_ =	sdelay $0x3  }
0x33: {  	p0 =	seq.s32 s10, $0x1;
	s10 =	sld [smem:$0x3FB1];
	_ =	sdelay $0x3  }
0x34: {  	[smem:$0x3FB1] =	sst s10  }
0x35: {  	s10 =	sld [smem:$0x3FB0];
	_ =	sdelay $0x3  }
0x36: {  	p1 =	seq.s32 s10, $0x1;
	s10 =	sld [smem:$0x3FB1];
	_ =	sdelay $0x3  }
0x37: {  	[smem:$0x3FB1] =	sst s10  }
0x38: {  	s10 =	sld [smem:$0x3FB2]  }
0x39: {  	_ = 	snop;
	(pc) =	sbr.ind lr, $3  }
0x3a: {  	_ = 	snop  }
0x3b: {  	_ = 	snop  }
0x3c: {  	p2 =	seq.s32 s10, $0x1;
	s10 =	sld [smem:$0x3FB1]  }
0x3d: {  	_ =	shalt  }
0x3e: {  	_ =	shalt  }
0x3f: {  	_ =	shalt  }
0x40: {  	_ =	shalt  }
0x41: {  	_ =	shalt  }
0x42: {  	_ =	shalt  }
0x43: {  	_ =	shalt  }
0x44: {  	_ =	shalt  }
0x45: {  	_ =	shalt  }
0x46: {  	_ =	shalt  }
0x47: {  	_ =	shalt  }
0x48: {  	_ =	shalt  }
0x49: {  	_ =	shalt  }
0x4a: {  	_ =	shalt  }
0x4b: {  	_ =	shalt  }
0x4c: {  	_ =	shalt  }
0x4d: {  	_ =	shalt  }
0x4e: {  	_ =	shalt  }
0x4f: {  	_ =	shalt  }
0x50: {  	_ =	shalt  }
0x51: {  	_ =	shalt  }
0x52: {  	_ =	shalt  }
0x53: {  	_ =	shalt  }
0x54: {  	_ =	shalt  }
0x55: {  	_ =	shalt  }
0x56: {  	_ =	shalt  }
0x57: {  	_ =	shalt  }
0x58: {  	_ =	shalt  }
0x59: {  	_ =	shalt  }
0x5a: {  	_ =	shalt  }
0x5b: {  	_ =	shalt  }
0x5c: {  	_ =	shalt  }
0x5d: {  	_ =	shalt  }
0x5e: {  	_ =	shalt  }
0x5f: {  	_ =	shalt  }
0x60: {  	_ =	shalt  }
0x61: {  	_ =	shalt  }
0x62: {  	_ =	shalt  }
0x63: {  	_ =	shalt  }
0x64: {  	_ =	shalt  }
0x65: {  	_ =	shalt  }
0x66: {  	_ =	shalt  }
0x67: {  	_ =	shalt  }
0x68: {  	_ =	shalt  }
0x69: {  	_ =	shalt  }
0x6a: {  	_ =	shalt  }
0x6b: {  	_ =	shalt  }
0x6c: {  	_ =	shalt  }
0x6d: {  	_ =	shalt  }
0x6e: {  	_ =	shalt  }
0x6f: {  	_ =	shalt  }
0x70: {  	_ =	shalt  }
0x71: {  	_ =	shalt  }
0x72: {  	_ =	shalt  }
0x73: {  	_ =	shalt  }
0x74: {  	_ =	shalt  }
0x75: {  	_ =	shalt  }
0x76: {  	_ =	shalt  }
0x77: {  	_ =	shalt  }
0x78: {  	_ =	shalt  }
0x79: {  	_ =	shalt  }
0x7a: {  	_ =	shalt  }
0x7b: {  	_ =	shalt  }
0x7c: {  	_ =	shalt  }
0x7d: {  	_ =	shalt  }
0x7e: {  	_ =	shalt  }
0x7f: {  	_ =	shalt  }
0x80: {  	_ =	shalt  }
0x81: {  	_ =	shalt  }
0x82: {  	_ =	shalt  }
0x83: {  	_ =	shalt  }
0x84: {  	_ =	shalt  }
0x85: {  	_ =	shalt  }
0x86: {  	_ =	shalt  }
0x87: {  	_ =	shalt  }
.Lfunc_end0:
.L_simem_size_0:
called_computation_lowered:
.L_overlay_start_0:
0x88: {  	s2 =	sld [smem:$0x3FD9]  }
0x89: {  	s3 =	sld [smem:$0x3FFE];
	_ =	sdelay $0x1  }
0x8a: {  	s1 =	srdreg.scid  }
0x8b: {  	s0 =	sand.u32 $0x1, s1  }
0x8c: {  	s17 =	sshll.u32 s0, $0xA;
	s2 =	sadd.s32 s3, s2  }
0x8d: {  	s2 =	sadd.s32 s2, s17  }
0x8e: {  	[smem:$0x3FBD] =	sst s2  }
0x8f: {  	_ = 	snop  }
0x90: {  	s2 =	sld [smem:$0x3FC8]  }
0x91: {  	s18 =	sld [smem:$0x3FC7]  }
0x92: {  	s4 =	sld [smem:$0x3FD0];
	(tm) =	ssettm $0x1  }
0x93: {  	s5 =	sld [smem:$0x3FFB];
	_ =	sdelay $0x3  }
0x94: {  	_ =	strace s5  }
0x95: {  	s5 =	sld [smem:$0x3FFC];
	_ =	sdelay $0x3  }
0x96: {  	_ =	strace s5  }
0x97: {  	s5 =	sld [smem:$0x3FFD];
	_ =	sdelay $0x3  }
0x98: {  	_ =	strace s5  }
0x99: {  	_ =	strace $0x8FFFFFFF  }
0x9a: {  	s19 =	sld [smem:$0x3FDB];
	_ =	sdelay $0x1  }
0x9b: {  	s6 =	simm.s32 $_scs_section_size  }
0x9c: {  	s7 =	simm.s32 $_size__tile_overlayer_lowered;
	s8 =	simm.s32 $_tile_overlayer_lowered  }
0x9d: {  	s22 =	simm.s32 $0x1BFF;
	s21 =	sshll.u32 s8, $0x1;
	s5 =	sadd.s32 s6, s19  }
0x9e: {  	s9 =	simm.s32 $0x0;
	s20 =	sshll.u32 s7, $0x1;
	s7 =	sadd.s32 s21, s5  }
0x9f: {  	[timem:s9], [sflag:s22] =	dma.local [hbm:s7], s20  }
0xa0: {  	_ =	swait.ge [sflag:s22], s20  }
0xa1: {  	s6 =	ssub.s32 $0x0, s20;
	[sflag:s22] =	ssyncset.done $0x0  }
0xa2: {  	[sflag:s22] =	ssyncadd.s32 s6;
	_ =	sdelay $0x1  }
0xa3: {  	s23 =	simm.s32 $0x1B8B  }
0xa4: {  	_ =	swait.ge [sflag:s23], $0x1  }
0xa5: {  	[sflag:s23] =	ssyncset.done $0x0  }
0xa6: {  	s25 =	simm.s32 $0x1B8E;
	s24 =	sld [smem:$0x3FFE];
	[sflag:s23] =	ssyncadd.s32 $0xFFFFFFFF  }
0xa7: {  	s26 =	simm.s32 $execute0_lowered;
	[smem:$0x3FD2] =	sst s25  }
0xa8: {  	s7 =	sshll.u32 s26, $0x1;
	_ =	strace $0x80000046;
	[dreg:$0x1] =	wrdreg $0xFFFFFFFF  }
0xa9: {  	s28 =	simm.s32 $_size_execute0_lowered;
	s5 =	sadd.s32 s5, s7;
	[dreg:$0x0] =	wrdreg $0x0  }
0xaa: {  	s7 =	sshll.u32 s28, $0x1;
	[dreg:$0x2] =	wrdreg s5  }
0xab: {  	[dreg:$0x3] =	wrdreg s7  }
0xac: {  	[dreg:$0x4] =	wrdreg $0xC0  }
0xad: {  	_ =	task [dreg:s9], $0x5FFFF  }
0xae: {  	[dreg:$0x1] =	wrdreg $0xFFFFFFFF  }
0xaf: {  	[dreg:$0x0] =	wrdreg $0x60  }
0xb0: {  	[dreg:$0x2] =	wrdreg s18  }
0xb1: {  	[dreg:$0x3] =	wrdreg s2  }
0xb2: {  	[dreg:$0x4] =	wrdreg s24  }
0xb3: {  	[dreg:$0x5] =	wrdreg s4  }
0xb4: {  	[dreg:$0x6] =	wrdreg $0x14AA00  }
0xb5: {  	[dreg:$0x7] =	wrdreg $0x9  }
0xb6: {  	_ =	task.clear_ibuf [dreg:s9], $0x8FFFF;
	_ =	strace $0x90000046  }
0xb7: {  	s29 =	simm.s32 $0x9;
	_ =	strace $0x80000048  }
0xb8: {  	_ =	swait.ge [sflag:s29], $0x1  }
0xb9: {  	[sflag:s29] =	ssyncadd.s32 $0xFFFFFFFF  }
0xba: {  	_ =	strace $0x90000048  }
0xbb: {  	_ =	sfence  }
0xbc: {  	s30 =	sld [smem:$0x0];
	_ =	sdelay $0x2  }
0xbd: {  	s31 =	sshll.u32 s1, $0xD;
	s1 =	sshrl.u32 s1, $0x2  }
0xbe: {  	s3 =	sand.u32 $0x4000, s31;
	s1 =	sadd.s32 s1, s30  }
0xbf: {  	s0 =	sor.u32 s3, s0;
	s1 =	sshll.u32 s1, $0x11  }
0xc0: {  	s0 =	sor.u32 s1, s0  }
0xc1: {  	s0 =	sadd.s32 $0x8F2B, s0  }
0xc2: {  	[sflag:s0] =	ssyncadd.remote.s32 $0x1  }
0xc3: {  	_ =	sfence.sel $0xFFFF  }
0xc4: {  	[dreg:$0x0] =	wrdreg $0xFFFFFFFF;
	(pc) =	sbr.abs _section_cstart, $3  }
0xc5: {  	[dreg:$0x1] =	wrdreg $0xFFFFFFFF  }
0xc6: {  	_ =	task.clear_ibuf [dreg:s9], $0x2FFFF;
	_ =	strace $0x9FFFFFFF  }
0xc7: {  	(tm) =	ssettm $0x7FFFFFFF  }
tec
execute0_lowered:
.L_overlay_start_1:
0x0: {  	(tag) =	ssettag $0x1  }
0x1: {  	s0 =	srdreg.scid;
	s3 =	rddreg [dreg:$0x0]  }
0x2: {  	s8 =	rddreg [dreg:$0x1];
	s2 =	sand.u32 $0x1, s0  }
0x3: {  	s0 =	stileid.u32;
	s8 =	sadd.s32 $0x10, s8;
	s4 =	smul.u32 $0x4E2, s2  }
0x4: {  	s1 =	sshrl.u32 s0, $0x3;
	s5 =	ssub.s32 $0x2, s2;
	s7 =	smul.u32 $0x138800, s2  }
0x5: {  	s29 =	sshll.u32 s0, $0x7;
	p0 =	sne.s32 s0, $0x0;
	s26 =	sshrl.u32 s5, $0x1  }
0x6: {  	s6 =	smul.u32 $0x271000, s1;
	s1 =	ssub.s32 s5, s26;
	s9 =	sadd.s32 $0x7D, s4  }
0x7: {  	s10 =	sadd.s32 $0xFA, s4;
	s13 =	sadd.s32 $0x177, s4;
	s15 =	sadd.s32 $0x1F4, s4  }
0x8: {  	s16 =	sadd.s32 $0x271, s4;
	s19 =	sadd.s32 $0x2EE, s4;
	s21 =	sadd.s32 $0x36B, s4  }
0x9: {  	s22 =	sadd.s32 $0x3E8, s4;
	s4 =	sadd.s32 $0x465, s4;
	s26 =	simm.s32 $0x0  }
0xa: {  	s5 =	sand.u32 $0x380, s29;
	s29 =	smul.u32 $0x9C40, s2;
	s7 =	sadd.s32 s7, s6  }
0xb: {  	s11 =	sshll.u32 s9, $0xA;
	s12 =	sshll.u32 s10, $0xA;
	s14 =	sshll.u32 s13, $0xA  }
0xc: {  	s17 =	sshll.u32 s15, $0xA;
	s18 =	sshll.u32 s16, $0xA;
	s20 =	sshll.u32 s19, $0xA  }
0xd: {  	s23 =	sshll.u32 s21, $0xA;
	s24 =	sshll.u32 s22, $0xA;
	s25 =	sshll.u32 s4, $0xA  }
0xe: {  	[smem:$0x7FF] =	sst s26;
	s4 =	sshll.u32 s4, $0x5;
	s28 =	smax.u32 s1, $0x1  }
0xf: {  	s1 =	simm.s32 $0xFA00;
	s11 =	sadd.s32 s6, s11;
	s12 =	sadd.s32 s6, s12  }
0x10: {  	s14 =	sadd.s32 s6, s14;
	s17 =	sadd.s32 s6, s17;
	s18 =	sadd.s32 s6, s18  }
0x11: {  	s20 =	sadd.s32 s6, s20;
	s23 =	sadd.s32 s6, s23;
	s24 =	sadd.s32 s6, s24  }
0x12: {  	s6 =	sadd.s32 s6, s25;
	s7 =	sor.u32 s5, s7;
	s25 =	sshll.u32 s10, $0x5  }
0x13: {  	s11 =	sor.u32 s5, s11;
	s12 =	sor.u32 s5, s12;
	s14 =	sor.u32 s5, s14  }
0x14: {  	s17 =	sor.u32 s5, s17;
	s18 =	sor.u32 s5, s18;
	s20 =	sor.u32 s5, s20  }
0x15: {  	s23 =	sor.u32 s5, s23;
	s24 =	sor.u32 s5, s24;
	s5 =	sor.u32 s5, s6  }
0x16: {  	s7 =	sshrl.u32 s7, $0x3;
	s6 =	sadd.s32 s29, s8;
	s29 =	sadd.s32 s25, s8  }
0x17: {  	s11 =	sshrl.u32 s11, $0x3;
	s7 =	sadd.s32 s3, s7;
	[dreg:$0x7] =	wrdreg s6  }
0x18: {  	s12 =	sshrl.u32 s12, $0x3;
	[dreg:$0xb] =	wrdreg s29;
	s10 =	sshrl.u32 s17, $0x3  }
0x19: {  	s23 =	sshrl.u32 s23, $0x3;
	s29 =	sshrl.u32 s24, $0x3;
	s5 =	sshrl.u32 s5, $0x3  }
0x1a: {  	[dreg:$0x6] =	wrdreg s7;
	s7 =	sadd.s32 s3, s11;
	s11 =	sshll.u32 s9, $0x5  }
0x1b: {  	s26 =	sadd.s32 s3, s12;
	s9 =	sshll.u32 s13, $0x5;
	s12 =	sadd.s32 s3, s10  }
0x1c: {  	s13 =	sshll.u32 s15, $0x5;
	s10 =	sshll.u32 s22, $0x5;
	s22 =	rddreg [dreg:$0x4]  }
0x1d: {  	s15 =	sshll.u32 s16, $0x5;
	[dreg:$0x8] =	wrdreg s7;
	s6 =	sadd.s32 s11, s8  }
0x1e: {  	[dreg:$0xa] =	wrdreg s26;
	s7 =	sshrl.u32 s14, $0x3;
	s11 =	sadd.s32 s9, s8  }
0x1f: {  	[dreg:$0xe] =	wrdreg s12;
	s14 =	sshrl.u32 s18, $0x3;
	s17 =	sadd.s32 s15, s8  }
0x20: {  	s18 =	sshrl.u32 s20, $0x3;
	s20 =	sshll.u32 s19, $0x5;
	s15 =	sadd.s32 s3, s23  }
0x21: {  	s26 =	sshll.u32 s21, $0x5;
	s9 =	smul.u32 $0x27100, s2;
	s12 =	rddreg [dreg:$0x2]  }
0x22: {  	s19 =	sadd.s32 s10, s8;
	s2 =	smul.u32 $0x500, s2;
	[dreg:$0x9] =	wrdreg s6  }
0x23: {  	s10 =	simm.s32 $0x7D;
	s6 =	sadd.s32 s3, s7;
	[dreg:$0xd] =	wrdreg s11  }
0x24: {  	s16 =	sadd.s32 s3, s14;
	[dreg:$0x11] =	wrdreg s17;
	s11 =	smul.u32 $0x2710, s0  }
0x25: {  	s25 =	sadd.s32 s20, s8;
	s17 =	sadd.s32 s3, s5;
	s14 =	smul.u32 $0xA00, s0  }
0x26: {  	s20 =	sadd.s32 s4, s8;
	s0 =	smul.u32 $0x7D, s0;
	[dreg:$0xc] =	wrdreg s6  }
0x27: {  	s24 =	sadd.s32 $0x2000, s12;
	s4 =	simm.s32 $0x100;
	[dreg:$0x10] =	wrdreg s16  }
0x28: {  	s5 =	simm.s32 $0x7D00;
	s7 =	simm.s32 $0x3E80;
	[dreg:$0x13] =	wrdreg s25  }
0x29: {  	s6 =	sadd.s32 s13, s8;
	s16 =	sadd.s32 s3, s29;
	s13 =	rddreg [dreg:$0x3]  }
0x2a: {  	s2 =	sadd.s32 s2, s12;
	s12 =	simm.s32 $0x0;
	[dreg:$0xf] =	wrdreg s6  }
0x2b: {  	s6 =	sadd.s32 s3, s18;
	s18 =	sadd.s32 s26, s8;
	s3 =	sadd.s32 s11, s9  }
0x2c: {  	s21 =	sshrl.u32 s0, $0x4;
	s0 =	sadd.s32 $0x7D, s0;
	s26 =	sadd.s32 $0x2200, s2  }
0x2d: {  	s2 =	simm.s32 $0x80;
	s8 =	simm.s32 $0xBB80;
	s9 =	simm.s32 $0xFC80  }
0x2e: {  	s11 =	simm.s32 $0x2;
	[dreg:$0x12] =	wrdreg s6;
	s3 =	sshrl.u32 s3, $0x3  }
.Ltmp0:
0x2f: {  	s0 =	sshrl.u32 s0, $0x4;
	s29 =	sshll.u32 s21, $0x7;
	(pc) =	sbr.rel .LBB2_1-.Ltmp0, $4  }
0x30: {  	s6 =	simm.s32 $0x1;
	s23 =	sadd.s32 s13, s3;
	_ =	strace $0x80000047  }
0x31: {  	s3 =	sshrl.u32 s14, $0x2;
	p1 =	sgt.u32 s0, s21;
	s14 =	ssub.s32 s0, s21  }
0x32: {  	s30 =	sadd.s32 $0x7D40, s29;
	s31 =	sadd.s32 $0xBBF0, s29;
	s21 =	simm.s32 $0x12390  }
0x33: {  	v0 =	vimm.f32 $0.0e+00;
	v1 =	vimm.f32 $1.000000000e+00;
	s0 =	simm.s32 $0x3;
	s25 =	sadd.s32 s3, s22;
	s3 =	simm.s32 $0x400  }
.LBB2_45:
0x34: {  	s13 =	simm.s32 $0x0  }
0x35: {  	[hbm4b:s23+s13] =	stream.linear.scatter [tilespmem:s9], [sflag:$0x3], $0x2710, $0x38;
	[tilespmem:$0x14D20] =	vst v63  }
0x36: {  	_ =	swait.ge [sflag:s0], $0x2710  }
0x37: {  	[sflag:s0] =	ssyncset.done $0x0  }
0x38: {  	[sflag:s0] =	ssyncadd.s32 $0xFFFFD8F0  }
0x39: {  	[spmem:s22] =	stream.indirect.scatter.add.f32 [tilespmem:s21], [sflag:$0x2], $0x10, s1, s10, $0xb8;
	[tilespmem:$0x14D20] =	vst v63  }
0x3a: {  	s29 =	simm.s32 $0x12B60;
	s13 =	simm.s32 $0xFA80  }
0x3b: {  	[spmem:s22] =	stream.indirect.scatter.add.f32 [tilespmem:s29], [sflag:$0x2], $0x10, s13, s10, $0xb8;
	[tilespmem:$0x14D20] =	vst v63  }
0x3c: {  	s13 =	simm.s32 $0xFB00;
	s29 =	simm.s32 $0x13330  }
0x3d: {  	[spmem:s22] =	stream.indirect.scatter.add.f32 [tilespmem:s29], [sflag:$0x2], $0x10, s13, s10, $0xb8;
	[tilespmem:$0x14D20] =	vst v63  }
0x3e: {  	s13 =	simm.s32 $0xFB80;
	s29 =	simm.s32 $0x13B00  }
0x3f: {  	[spmem:s22] =	stream.indirect.scatter.add.f32 [tilespmem:s29], [sflag:$0x2], $0x10, s13, s10, $0xb8;
	[tilespmem:$0x14D20] =	vst v63  }
0x40: {  	s13 =	simm.s32 $0xFC00;
	s29 =	simm.s32 $0x142D0  }
0x41: {  	[spmem:s22] =	stream.indirect.scatter.add.f32 [tilespmem:s29], [sflag:$0x2], $0x10, s13, s10, $0xb8;
	[tilespmem:$0x14D20] =	vst v63  }
0x42: {  	_ =	swait.ge [sflag:s11], $0x2710  }
0x43: {  	s12 =	sadd.s32 $0x1, s12;
	[sflag:s11] =	ssyncset.done $0x0  }
0x44: {  	p2 =	sne.s32 s12, s28;
	[sflag:s11] =	ssyncadd.s32 $0xFFFFD8F0  }
0x45: {  	s13 =	sshrl.u32 @!p0 s22, $0x3;
	s29 =	simm.s32 @!p0 $0x1C03;
	[bflag:$0x0] =	sbarrier.arrive $0xFFFF  }
0x46: {  	[hbm:s26], [sflag:s29] =	dma.local @!p0 [spmem:s13], $0x500  }
.Ltmp1:
0x47: {  	_ = 	snop;
	(pc) =	sbr.rel @!p2 .LBB2_46-.Ltmp1, $4  }
0x48: {  	s13 =	simm.s32 @!p0 $0x3  }
0x49: {  	_ =	swait.ge @!p0 [sflag:s13], $0x500  }
0x4a: {  	[sflag:s13] =	ssyncset.done @!p0 $0x0  }
0x4b: {  	[sflag:s13] =	ssyncadd.s32 @!p0 $0xFFFFFB00  }
.LBB2_1:
0x4c: {  	s13 =	simm.s32 $0x0  }
.LBB2_2:
0x4d: {  	p2 =	sne.s32 s13, $0x9C00  }
.Ltmp2:
0x4e: {  	_ = 	snop;
	(pc) =	sbr.rel @p2 .LBB2_2-.Ltmp2, $3  }
0x4f: {  	_ =	sdelay $0x1  }
0x50: {  	s29 =	sshra.s32 s13, $0x2  }
0x51: {  	s13 =	sadd.s32 $0x40, s13;
	[tilespmem:s29+$0xFC80] =	vst v0  }
0x52: {  	s13 =	simm.s32 $0x40;
	s29 =	simm.s32 $0x0  }
.LBB2_4:
0x53: {  	p2 =	sne.s32 s13, $0x9C00;
	[tilespmem:s29+$0x12390] =	vst v0;
	s29 =	smov.u32 s13;
	s13 =	sadd.s32 $0x40, s13  }
.Ltmp3:
0x54: {  	(pc) =	sbr.rel @p2 .LBB2_4-.Ltmp3, $2  }
0x55: {  	_ =	sdelay $0x2  }
0x56: {  	s29 =	sshra.s32 s29, $0x2  }
0x57: {  	[tilespmem:s29+$0x12390] =	vst v0  }
0x58: {  	[spmem:s25] =	stream.linear.scatter [tilespmem:s21], [sflag:$0x3], $0x280, $0x38;
	[tilespmem:$0x14D20] =	vst v63  }
0x59: {  	_ =	swait.ge [sflag:s0], $0x280  }
0x5a: {  	[sflag:s0] =	ssyncset.done $0x0  }
0x5b: {  	s13 =	simm.s32 $0x0;
	[sflag:s0] =	ssyncadd.s32 $0xFFFFFD80  }
0x5c: {  	[tilespmem:s1], [sflag:$0x3] =	stream.linear.gather [hbm4b:s24+s13], $0x280, $0x38;
	[tilespmem:$0x14D20] =	vst v63  }
0x5d: {  	_ =	swait.ge [sflag:s0], $0x280  }
0x5e: {  	[sflag:s0] =	ssyncset.done $0x0  }
0x5f: {  	[sflag:s0] =	ssyncadd.s32 $0xFFFFFD80  }
0x60: {  	[bflag:$0x0] =	sbarrier.arrive $0xFFFF  }
0x61: {  	s29 =	rddreg [dreg:$0x6]  }
0x62: {  	[tilespmem:s13], [sflag:$0x1] =	stream.strided.gather [hbm4b:s29+s2], $0x3E80, s3, s2, $0x38;
	[tilespmem:$0x14D20] =	vst v63  }
0x63: {  	s29 =	rddreg [dreg:$0x7]  }
0x64: {  	[tilespmem:s5], [sflag:$0x1] =	stream.strided.gather [hbm4b:s29+s2], $0x3E80, s4, s2, $0x38;
	[tilespmem:$0x14D20] =	vst v63  }
0x65: {  	_ =	swait.ge [sflag:s6], $0x3E80  }
0x66: {  	[sflag:s6] =	ssyncset.done $0x0  }
0x67: {  	[sflag:s6] =	ssyncadd.s32 $0xFFFFC180  }
0x68: {  	_ =	swait.ge [sflag:s6], $0x3E80  }
0x69: {  	[sflag:s6] =	ssyncset.done $0x0  }
0x6a: {  	s29 =	rddreg [dreg:$0x8];
	[sflag:s6] =	ssyncadd.s32 $0xFFFFC180  }
0x6b: {  	[tilespmem:s7], [sflag:$0x1] =	stream.strided.gather [hbm4b:s29+s2], $0x3E80, s3, s2, $0x38;
	[tilespmem:$0x14D20] =	vst v63  }
0x6c: {  	s29 =	rddreg [dreg:$0x9]  }
0x6d: {  	[tilespmem:s8], [sflag:$0x1] =	stream.strided.gather [hbm4b:s29+s2], $0x3E80, s4, s2, $0x38;
	[tilespmem:$0x14D20] =	vst v63  }
.LBB2_6:
0x6e: {  	s29 =	sshra.s32 s13, $0x2  }
0x6f: {  	v2 =	vld [tilespmem:s29+$0x7D00];
	_ =	sdelay $0x2  }
0x70: {  	v3 =	vld [tilespmem:s29+$0x0];
	_ =	sdelay $0x4  }
0x71: {  	[tilespmem:v2+s9+$0x0] =	vst.idx.add.f32.msk $0xffff, v3  }
0x72: {  	v2 =	vld [tilespmem:s29+$0x7D10];
	_ =	sdelay $0x2  }
0x73: {  	v3 =	vld [tilespmem:s29+$0x10];
	_ =	sdelay $0x4  }
0x74: {  	[tilespmem:v2+s9+$0x0] =	vst.idx.add.f32.msk $0xffff, v3  }
0x75: {  	v2 =	vld [tilespmem:s29+$0x7D20];
	_ =	sdelay $0x2  }
0x76: {  	v3 =	vld [tilespmem:s29+$0x20];
	_ =	sdelay $0x4  }
0x77: {  	[tilespmem:v2+s9+$0x0] =	vst.idx.add.f32.msk $0xffff, v3  }
0x78: {  	v2 =	vld [tilespmem:s29+$0x7D30];
	_ =	sdelay $0x2  }
0x79: {  	v3 =	vld [tilespmem:s29+$0x30];
	_ =	sdelay $0x4  }
0x7a: {  	[tilespmem:v2+s9+$0x0] =	vst.idx.add.f32.msk $0xffff, v3  }
0x7b: {  	v2 =	vld [tilespmem:s29+$0x7D40];
	_ =	sdelay $0x2  }
0x7c: {  	v3 =	vld [tilespmem:s29+$0x40];
	_ =	sdelay $0x4  }
0x7d: {  	[tilespmem:v2+s9+$0x0] =	vst.idx.add.f32.msk $0xffff, v3  }
0x7e: {  	v2 =	vld [tilespmem:s29+$0x7D50];
	_ =	sdelay $0x2  }
0x7f: {  	v3 =	vld [tilespmem:s29+$0x50];
	_ =	sdelay $0x4  }
0x80: {  	[tilespmem:v2+s9+$0x0] =	vst.idx.add.f32.msk $0xffff, v3  }
0x81: {  	v2 =	vld [tilespmem:s29+$0x7D60];
	_ =	sdelay $0x2  }
0x82: {  	v3 =	vld [tilespmem:s29+$0x60];
	_ =	sdelay $0x4  }
0x83: {  	[tilespmem:v2+s9+$0x0] =	vst.idx.add.f32.msk $0xffff, v3  }
0x84: {  	v2 =	vld [tilespmem:s29+$0x7D70];
	_ =	sdelay $0x2  }
0x85: {  	p2 =	seq.s32 s13, $0xF800;
	v3 =	vld [tilespmem:s29+$0x70]  }
.Ltmp4:
0x86: {  	_ = 	snop;
	(pc) =	sbr.rel @!p2 .LBB2_6-.Ltmp4, $2  }
0x87: {  	_ =	sdelay $0x2  }
0x88: {  	s13 =	sadd.s32 $0x200, s13;
	[tilespmem:v2+s9+$0x0] =	vst.idx.add.f32.msk $0xffff, v3  }
.Ltmp5:
0x89: {  	(pc) =	sbr.rel @!p1 .LBB2_9-.Ltmp5, $2  }
0x8a: {  	_ =	sdelay $0x2  }
0x8b: {  	s13 =	smov.u32 s30;
	s29 =	smov.u32 s14  }
.LBB2_8:
0x8c: {  	v2 =	vld [tilespmem:s13+$0xFFFFFFC0];
	_ =	sdelay $0x7  }
0x8d: {  	[tilespmem:v2+s21+$0x0] =	vst.idx.add.f32.msk $0xffff, v1  }
0x8e: {  	v2 =	vld [tilespmem:s13+$0xFFFFFFD0];
	_ =	sdelay $0x7  }
0x8f: {  	[tilespmem:v2+s21+$0x0] =	vst.idx.add.f32.msk $0xffff, v1  }
0x90: {  	v2 =	vld [tilespmem:s13+$0xFFFFFFE0];
	_ =	sdelay $0x7  }
0x91: {  	[tilespmem:v2+s21+$0x0] =	vst.idx.add.f32.msk $0xffff, v1  }
0x92: {  	v2 =	vld [tilespmem:s13+$0xFFFFFFF0];
	_ =	sdelay $0x7  }
0x93: {  	[tilespmem:v2+s21+$0x0] =	vst.idx.add.f32.msk $0xffff, v1  }
0x94: {  	v2 =	vld [tilespmem:s13+$0x0];
	_ =	sdelay $0x7  }
0x95: {  	[tilespmem:v2+s21+$0x0] =	vst.idx.add.f32.msk $0xffff, v1  }
0x96: {  	v2 =	vld [tilespmem:s13+$0x10];
	_ =	sdelay $0x7  }
0x97: {  	[tilespmem:v2+s21+$0x0] =	vst.idx.add.f32.msk $0xffff, v1  }
0x98: {  	v2 =	vld [tilespmem:s13+$0x20];
	_ =	sdelay $0x7  }
0x99: {  	[tilespmem:v2+s21+$0x0] =	vst.idx.add.f32.msk $0xffff, v1  }
0x9a: {  	v2 =	vld [tilespmem:s13+$0x30];
	_ =	sdelay $0x2  }
0x9b: {  	p2 =	sne.s32 s29, $0x1  }
.Ltmp6:
0x9c: {  	_ = 	snop;
	(pc) =	sbr.rel @p2 .LBB2_8-.Ltmp6, $2  }
0x9d: {  	_ =	sdelay $0x2  }
0x9e: {  	s29 =	sadd.s32 $0xFFFFFFFF, s29;
	s13 =	sadd.s32 $0x80, s13;
	[tilespmem:v2+s21+$0x0] =	vst.idx.add.f32.msk $0xffff, v1  }
.LBB2_9:
0x9f: {  	_ =	swait.ge [sflag:s6], $0x3E80  }
0xa0: {  	[sflag:s6] =	ssyncset.done $0x0  }
0xa1: {  	[sflag:s6] =	ssyncadd.s32 $0xFFFFC180  }
0xa2: {  	_ =	swait.ge [sflag:s6], $0x3E80  }
0xa3: {  	[sflag:s6] =	ssyncset.done $0x0  }
0xa4: {  	s13 =	simm.s32 $0x0;
	s29 =	rddreg [dreg:$0xa];
	[sflag:s6] =	ssyncadd.s32 $0xFFFFC180  }
0xa5: {  	[tilespmem:s13], [sflag:$0x1] =	stream.strided.gather [hbm4b:s29+s2], $0x3E80, s3, s2, $0x38;
	[tilespmem:$0x14D20] =	vst v63  }
0xa6: {  	s29 =	rddreg [dreg:$0xb]  }
0xa7: {  	[tilespmem:s5], [sflag:$0x1] =	stream.strided.gather [hbm4b:s29+s2], $0x3E80, s4, s2, $0x38;
	[tilespmem:$0x14D20] =	vst v63  }
.LBB2_10:
0xa8: {  	s29 =	sshra.s32 s13, $0x2  }
0xa9: {  	v2 =	vld [tilespmem:s29+$0xBB80];
	_ =	sdelay $0x2  }
0xaa: {  	v3 =	vld [tilespmem:s29+$0x3E80];
	_ =	sdelay $0x4  }
0xab: {  	[tilespmem:v2+s9+$0x0] =	vst.idx.add.f32.msk $0xffff, v3  }
0xac: {  	v2 =	vld [tilespmem:s29+$0xBB90];
	_ =	sdelay $0x2  }
0xad: {  	v3 =	vld [tilespmem:s29+$0x3E90];
	_ =	sdelay $0x4  }
0xae: {  	[tilespmem:v2+s9+$0x0] =	vst.idx.add.f32.msk $0xffff, v3  }
0xaf: {  	v2 =	vld [tilespmem:s29+$0xBBA0];
	_ =	sdelay $0x2  }
0xb0: {  	v3 =	vld [tilespmem:s29+$0x3EA0];
	_ =	sdelay $0x4  }
0xb1: {  	[tilespmem:v2+s9+$0x0] =	vst.idx.add.f32.msk $0xffff, v3  }
0xb2: {  	v2 =	vld [tilespmem:s29+$0xBBB0];
	_ =	sdelay $0x2  }
0xb3: {  	v3 =	vld [tilespmem:s29+$0x3EB0];
	_ =	sdelay $0x4  }
0xb4: {  	[tilespmem:v2+s9+$0x0] =	vst.idx.add.f32.msk $0xffff, v3  }
0xb5: {  	v2 =	vld [tilespmem:s29+$0xBBC0];
	_ =	sdelay $0x2  }
0xb6: {  	v3 =	vld [tilespmem:s29+$0x3EC0];
	_ =	sdelay $0x4  }
0xb7: {  	[tilespmem:v2+s9+$0x0] =	vst.idx.add.f32.msk $0xffff, v3  }
0xb8: {  	v2 =	vld [tilespmem:s29+$0xBBD0];
	_ =	sdelay $0x2  }
0xb9: {  	v3 =	vld [tilespmem:s29+$0x3ED0];
	_ =	sdelay $0x4  }
0xba: {  	[tilespmem:v2+s9+$0x0] =	vst.idx.add.f32.msk $0xffff, v3  }
0xbb: {  	v2 =	vld [tilespmem:s29+$0xBBE0];
	_ =	sdelay $0x2  }
0xbc: {  	v3 =	vld [tilespmem:s29+$0x3EE0];
	_ =	sdelay $0x4  }
0xbd: {  	[tilespmem:v2+s9+$0x0] =	vst.idx.add.f32.msk $0xffff, v3  }
0xbe: {  	v2 =	vld [tilespmem:s29+$0xBBF0];
	_ =	sdelay $0x2  }
0xbf: {  	p2 =	seq.s32 s13, $0xF800;
	v3 =	vld [tilespmem:s29+$0x3EF0]  }
.Ltmp7:
0xc0: {  	_ = 	snop;
	(pc) =	sbr.rel @!p2 .LBB2_10-.Ltmp7, $2  }
0xc1: {  	_ =	sdelay $0x2  }
0xc2: {  	s13 =	sadd.s32 $0x200, s13;
	[tilespmem:v2+s9+$0x0] =	vst.idx.add.f32.msk $0xffff, v3  }
.Ltmp8:
0xc3: {  	(pc) =	sbr.rel @!p1 .LBB2_13-.Ltmp8, $2  }
0xc4: {  	_ =	sdelay $0x2  }
0xc5: {  	s13 =	smov.u32 s31;
	s29 =	smov.u32 s14  }
.LBB2_12:
0xc6: {  	v2 =	vld [tilespmem:s13+$0xFFFFFF90];
	_ =	sdelay $0x7  }
0xc7: {  	[tilespmem:v2+s21+$0x0] =	vst.idx.add.f32.msk $0xffff, v1  }
0xc8: {  	v2 =	vld [tilespmem:s13+$0xFFFFFFA0];
	_ =	sdelay $0x7  }
0xc9: {  	[tilespmem:v2+s21+$0x0] =	vst.idx.add.f32.msk $0xffff, v1  }
0xca: {  	v2 =	vld [tilespmem:s13+$0xFFFFFFB0];
	_ =	sdelay $0x7  }
0xcb: {  	[tilespmem:v2+s21+$0x0] =	vst.idx.add.f32.msk $0xffff, v1  }
0xcc: {  	v2 =	vld [tilespmem:s13+$0xFFFFFFC0];
	_ =	sdelay $0x7  }
0xcd: {  	[tilespmem:v2+s21+$0x0] =	vst.idx.add.f32.msk $0xffff, v1  }
0xce: {  	v2 =	vld [tilespmem:s13+$0xFFFFFFD0];
	_ =	sdelay $0x7  }
0xcf: {  	[tilespmem:v2+s21+$0x0] =	vst.idx.add.f32.msk $0xffff, v1  }
0xd0: {  	v2 =	vld [tilespmem:s13+$0xFFFFFFE0];
	_ =	sdelay $0x7  }
0xd1: {  	[tilespmem:v2+s21+$0x0] =	vst.idx.add.f32.msk $0xffff, v1  }
0xd2: {  	v2 =	vld [tilespmem:s13+$0xFFFFFFF0];
	_ =	sdelay $0x7  }
0xd3: {  	[tilespmem:v2+s21+$0x0] =	vst.idx.add.f32.msk $0xffff, v1  }
0xd4: {  	v2 =	vld [tilespmem:s13+$0x0];
	_ =	sdelay $0x2  }
0xd5: {  	p2 =	sne.s32 s29, $0x1  }
.Ltmp9:
0xd6: {  	_ = 	snop;
	(pc) =	sbr.rel @p2 .LBB2_12-.Ltmp9, $2  }
0xd7: {  	_ =	sdelay $0x2  }
0xd8: {  	s29 =	sadd.s32 $0xFFFFFFFF, s29;
	s13 =	sadd.s32 $0x80, s13;
	[tilespmem:v2+s21+$0x0] =	vst.idx.add.f32.msk $0xffff, v1  }
.LBB2_13:
0xd9: {  	_ =	swait.ge [sflag:s6], $0x3E80  }
0xda: {  	[sflag:s6] =	ssyncset.done $0x0  }
0xdb: {  	[sflag:s6] =	ssyncadd.s32 $0xFFFFC180  }
0xdc: {  	_ =	swait.ge [sflag:s6], $0x3E80  }
0xdd: {  	[sflag:s6] =	ssyncset.done $0x0  }
0xde: {  	s13 =	rddreg [dreg:$0xc];
	[sflag:s6] =	ssyncadd.s32 $0xFFFFC180  }
0xdf: {  	[tilespmem:s7], [sflag:$0x1] =	stream.strided.gather [hbm4b:s13+s2], $0x3E80, s3, s2, $0x38;
	[tilespmem:$0x14D20] =	vst v63  }
0xe0: {  	s29 =	rddreg [dreg:$0xd];
	s13 =	simm.s32 $0x0  }
0xe1: {  	[tilespmem:s8], [sflag:$0x1] =	stream.strided.gather [hbm4b:s29+s2], $0x3E80, s4, s2, $0x38;
	[tilespmem:$0x14D20] =	vst v63  }
.LBB2_14:
0xe2: {  	s29 =	sshra.s32 s13, $0x2  }
0xe3: {  	v2 =	vld [tilespmem:s29+$0x7D00];
	_ =	sdelay $0x2  }
0xe4: {  	v3 =	vld [tilespmem:s29+$0x0];
	_ =	sdelay $0x4  }
0xe5: {  	[tilespmem:v2+s9+$0x0] =	vst.idx.add.f32.msk $0xffff, v3  }
0xe6: {  	v2 =	vld [tilespmem:s29+$0x7D10];
	_ =	sdelay $0x2  }
0xe7: {  	v3 =	vld [tilespmem:s29+$0x10];
	_ =	sdelay $0x4  }
0xe8: {  	[tilespmem:v2+s9+$0x0] =	vst.idx.add.f32.msk $0xffff, v3  }
0xe9: {  	v2 =	vld [tilespmem:s29+$0x7D20];
	_ =	sdelay $0x2  }
0xea: {  	v3 =	vld [tilespmem:s29+$0x20];
	_ =	sdelay $0x4  }
0xeb: {  	[tilespmem:v2+s9+$0x0] =	vst.idx.add.f32.msk $0xffff, v3  }
0xec: {  	v2 =	vld [tilespmem:s29+$0x7D30];
	_ =	sdelay $0x2  }
0xed: {  	v3 =	vld [tilespmem:s29+$0x30];
	_ =	sdelay $0x4  }
0xee: {  	[tilespmem:v2+s9+$0x0] =	vst.idx.add.f32.msk $0xffff, v3  }
0xef: {  	v2 =	vld [tilespmem:s29+$0x7D40];
	_ =	sdelay $0x2  }
0xf0: {  	v3 =	vld [tilespmem:s29+$0x40];
	_ =	sdelay $0x4  }
0xf1: {  	[tilespmem:v2+s9+$0x0] =	vst.idx.add.f32.msk $0xffff, v3  }
0xf2: {  	v2 =	vld [tilespmem:s29+$0x7D50];
	_ =	sdelay $0x2  }
0xf3: {  	v3 =	vld [tilespmem:s29+$0x50];
	_ =	sdelay $0x4  }
0xf4: {  	[tilespmem:v2+s9+$0x0] =	vst.idx.add.f32.msk $0xffff, v3  }
0xf5: {  	v2 =	vld [tilespmem:s29+$0x7D60];
	_ =	sdelay $0x2  }
0xf6: {  	v3 =	vld [tilespmem:s29+$0x60];
	_ =	sdelay $0x4  }
0xf7: {  	[tilespmem:v2+s9+$0x0] =	vst.idx.add.f32.msk $0xffff, v3  }
0xf8: {  	v2 =	vld [tilespmem:s29+$0x7D70];
	_ =	sdelay $0x2  }
0xf9: {  	p2 =	seq.s32 s13, $0xF800;
	v3 =	vld [tilespmem:s29+$0x70]  }
.Ltmp10:
0xfa: {  	_ = 	snop;
	(pc) =	sbr.rel @!p2 .LBB2_14-.Ltmp10, $2  }
0xfb: {  	_ =	sdelay $0x2  }
0xfc: {  	s13 =	sadd.s32 $0x200, s13;
	[tilespmem:v2+s9+$0x0] =	vst.idx.add.f32.msk $0xffff, v3  }
.Ltmp11:
0xfd: {  	(pc) =	sbr.rel @!p1 .LBB2_17-.Ltmp11, $2  }
0xfe: {  	_ =	sdelay $0x2  }
0xff: {  	s13 =	smov.u32 s30;
	s29 =	smov.u32 s14  }
.LBB2_16:
0x100: {  	v2 =	vld [tilespmem:s13+$0xFFFFFFC0];
	_ =	sdelay $0x7  }
0x101: {  	[tilespmem:v2+s21+$0x0] =	vst.idx.add.f32.msk $0xffff, v1  }
0x102: {  	v2 =	vld [tilespmem:s13+$0xFFFFFFD0];
	_ =	sdelay $0x7  }
0x103: {  	[tilespmem:v2+s21+$0x0] =	vst.idx.add.f32.msk $0xffff, v1  }
0x104: {  	v2 =	vld [tilespmem:s13+$0xFFFFFFE0];
	_ =	sdelay $0x7  }
0x105: {  	[tilespmem:v2+s21+$0x0] =	vst.idx.add.f32.msk $0xffff, v1  }
0x106: {  	v2 =	vld [tilespmem:s13+$0xFFFFFFF0];
	_ =	sdelay $0x7  }
0x107: {  	[tilespmem:v2+s21+$0x0] =	vst.idx.add.f32.msk $0xffff, v1  }
0x108: {  	v2 =	vld [tilespmem:s13+$0x0];
	_ =	sdelay $0x7  }
0x109: {  	[tilespmem:v2+s21+$0x0] =	vst.idx.add.f32.msk $0xffff, v1  }
0x10a: {  	v2 =	vld [tilespmem:s13+$0x10];
	_ =	sdelay $0x7  }
0x10b: {  	[tilespmem:v2+s21+$0x0] =	vst.idx.add.f32.msk $0xffff, v1  }
0x10c: {  	v2 =	vld [tilespmem:s13+$0x20];
	_ =	sdelay $0x7  }
0x10d: {  	[tilespmem:v2+s21+$0x0] =	vst.idx.add.f32.msk $0xffff, v1  }
0x10e: {  	v2 =	vld [tilespmem:s13+$0x30];
	_ =	sdelay $0x2  }
0x10f: {  	p2 =	sne.s32 s29, $0x1  }
.Ltmp12:
0x110: {  	_ = 	snop;
	(pc) =	sbr.rel @p2 .LBB2_16-.Ltmp12, $2  }
0x111: {  	_ =	sdelay $0x2  }
0x112: {  	s29 =	sadd.s32 $0xFFFFFFFF, s29;
	s13 =	sadd.s32 $0x80, s13;
	[tilespmem:v2+s21+$0x0] =	vst.idx.add.f32.msk $0xffff, v1  }
.LBB2_17:
0x113: {  	_ =	swait.ge [sflag:s6], $0x3E80  }
0x114: {  	[sflag:s6] =	ssyncset.done $0x0  }
0x115: {  	[sflag:s6] =	ssyncadd.s32 $0xFFFFC180  }
0x116: {  	_ =	swait.ge [sflag:s6], $0x3E80  }
0x117: {  	[sflag:s6] =	ssyncset.done $0x0  }
0x118: {  	s13 =	simm.s32 $0x0;
	s29 =	rddreg [dreg:$0xe];
	[sflag:s6] =	ssyncadd.s32 $0xFFFFC180  }
0x119: {  	[tilespmem:s13], [sflag:$0x1] =	stream.strided.gather [hbm4b:s29+s2], $0x3E80, s3, s2, $0x38;
	[tilespmem:$0x14D20] =	vst v63  }
0x11a: {  	s29 =	rddreg [dreg:$0xf]  }
0x11b: {  	[tilespmem:s5], [sflag:$0x1] =	stream.strided.gather [hbm4b:s29+s2], $0x3E80, s4, s2, $0x38;
	[tilespmem:$0x14D20] =	vst v63  }
.LBB2_18:
0x11c: {  	s29 =	sshra.s32 s13, $0x2  }
0x11d: {  	v2 =	vld [tilespmem:s29+$0xBB80];
	_ =	sdelay $0x2  }
0x11e: {  	v3 =	vld [tilespmem:s29+$0x3E80];
	_ =	sdelay $0x4  }
0x11f: {  	[tilespmem:v2+s9+$0x0] =	vst.idx.add.f32.msk $0xffff, v3  }
0x120: {  	v2 =	vld [tilespmem:s29+$0xBB90];
	_ =	sdelay $0x2  }
0x121: {  	v3 =	vld [tilespmem:s29+$0x3E90];
	_ =	sdelay $0x4  }
0x122: {  	[tilespmem:v2+s9+$0x0] =	vst.idx.add.f32.msk $0xffff, v3  }
0x123: {  	v2 =	vld [tilespmem:s29+$0xBBA0];
	_ =	sdelay $0x2  }
0x124: {  	v3 =	vld [tilespmem:s29+$0x3EA0];
	_ =	sdelay $0x4  }
0x125: {  	[tilespmem:v2+s9+$0x0] =	vst.idx.add.f32.msk $0xffff, v3  }
0x126: {  	v2 =	vld [tilespmem:s29+$0xBBB0];
	_ =	sdelay $0x2  }
0x127: {  	v3 =	vld [tilespmem:s29+$0x3EB0];
	_ =	sdelay $0x4  }
0x128: {  	[tilespmem:v2+s9+$0x0] =	vst.idx.add.f32.msk $0xffff, v3  }
0x129: {  	v2 =	vld [tilespmem:s29+$0xBBC0];
	_ =	sdelay $0x2  }
0x12a: {  	v3 =	vld [tilespmem:s29+$0x3EC0];
	_ =	sdelay $0x4  }
0x12b: {  	[tilespmem:v2+s9+$0x0] =	vst.idx.add.f32.msk $0xffff, v3  }
0x12c: {  	v2 =	vld [tilespmem:s29+$0xBBD0];
	_ =	sdelay $0x2  }
0x12d: {  	v3 =	vld [tilespmem:s29+$0x3ED0];
	_ =	sdelay $0x4  }
0x12e: {  	[tilespmem:v2+s9+$0x0] =	vst.idx.add.f32.msk $0xffff, v3  }
0x12f: {  	v2 =	vld [tilespmem:s29+$0xBBE0];
	_ =	sdelay $0x2  }
0x130: {  	v3 =	vld [tilespmem:s29+$0x3EE0];
	_ =	sdelay $0x4  }
0x131: {  	[tilespmem:v2+s9+$0x0] =	vst.idx.add.f32.msk $0xffff, v3  }
0x132: {  	v2 =	vld [tilespmem:s29+$0xBBF0];
	_ =	sdelay $0x2  }
0x133: {  	p2 =	seq.s32 s13, $0xF800;
	v3 =	vld [tilespmem:s29+$0x3EF0]  }
.Ltmp13:
0x134: {  	_ = 	snop;
	(pc) =	sbr.rel @!p2 .LBB2_18-.Ltmp13, $2  }
0x135: {  	_ =	sdelay $0x2  }
0x136: {  	s13 =	sadd.s32 $0x200, s13;
	[tilespmem:v2+s9+$0x0] =	vst.idx.add.f32.msk $0xffff, v3  }
.Ltmp14:
0x137: {  	(pc) =	sbr.rel @!p1 .LBB2_21-.Ltmp14, $2  }
0x138: {  	_ =	sdelay $0x2  }
0x139: {  	s13 =	smov.u32 s31;
	s29 =	smov.u32 s14  }
.LBB2_20:
0x13a: {  	v2 =	vld [tilespmem:s13+$0xFFFFFF90];
	_ =	sdelay $0x7  }
0x13b: {  	[tilespmem:v2+s21+$0x0] =	vst.idx.add.f32.msk $0xffff, v1  }
0x13c: {  	v2 =	vld [tilespmem:s13+$0xFFFFFFA0];
	_ =	sdelay $0x7  }
0x13d: {  	[tilespmem:v2+s21+$0x0] =	vst.idx.add.f32.msk $0xffff, v1  }
0x13e: {  	v2 =	vld [tilespmem:s13+$0xFFFFFFB0];
	_ =	sdelay $0x7  }
0x13f: {  	[tilespmem:v2+s21+$0x0] =	vst.idx.add.f32.msk $0xffff, v1  }
0x140: {  	v2 =	vld [tilespmem:s13+$0xFFFFFFC0];
	_ =	sdelay $0x7  }
0x141: {  	[tilespmem:v2+s21+$0x0] =	vst.idx.add.f32.msk $0xffff, v1  }
0x142: {  	v2 =	vld [tilespmem:s13+$0xFFFFFFD0];
	_ =	sdelay $0x7  }
0x143: {  	[tilespmem:v2+s21+$0x0] =	vst.idx.add.f32.msk $0xffff, v1  }
0x144: {  	v2 =	vld [tilespmem:s13+$0xFFFFFFE0];
	_ =	sdelay $0x7  }
0x145: {  	[tilespmem:v2+s21+$0x0] =	vst.idx.add.f32.msk $0xffff, v1  }
0x146: {  	v2 =	vld [tilespmem:s13+$0xFFFFFFF0];
	_ =	sdelay $0x7  }
0x147: {  	[tilespmem:v2+s21+$0x0] =	vst.idx.add.f32.msk $0xffff, v1  }
0x148: {  	v2 =	vld [tilespmem:s13+$0x0];
	_ =	sdelay $0x2  }
0x149: {  	p2 =	sne.s32 s29, $0x1  }
.Ltmp15:
0x14a: {  	_ = 	snop;
	(pc) =	sbr.rel @p2 .LBB2_20-.Ltmp15, $2  }
0x14b: {  	_ =	sdelay $0x2  }
0x14c: {  	s29 =	sadd.s32 $0xFFFFFFFF, s29;
	s13 =	sadd.s32 $0x80, s13;
	[tilespmem:v2+s21+$0x0] =	vst.idx.add.f32.msk $0xffff, v1  }
.LBB2_21:
0x14d: {  	_ =	swait.ge [sflag:s6], $0x3E80  }
0x14e: {  	[sflag:s6] =	ssyncset.done $0x0  }
0x14f: {  	[sflag:s6] =	ssyncadd.s32 $0xFFFFC180  }
0x150: {  	_ =	swait.ge [sflag:s6], $0x3E80  }
0x151: {  	[sflag:s6] =	ssyncset.done $0x0  }
0x152: {  	s13 =	rddreg [dreg:$0x10];
	[sflag:s6] =	ssyncadd.s32 $0xFFFFC180  }
0x153: {  	[tilespmem:s7], [sflag:$0x1] =	stream.strided.gather [hbm4b:s13+s2], $0x3E80, s3, s2, $0x38;
	[tilespmem:$0x14D20] =	vst v63  }
0x154: {  	s29 =	rddreg [dreg:$0x11];
	s13 =	simm.s32 $0x0  }
0x155: {  	[tilespmem:s8], [sflag:$0x1] =	stream.strided.gather [hbm4b:s29+s2], $0x3E80, s4, s2, $0x38;
	[tilespmem:$0x14D20] =	vst v63  }
.LBB2_22:
0x156: {  	s29 =	sshra.s32 s13, $0x2  }
0x157: {  	v2 =	vld [tilespmem:s29+$0x7D00];
	_ =	sdelay $0x2  }
0x158: {  	v3 =	vld [tilespmem:s29+$0x0];
	_ =	sdelay $0x4  }
0x159: {  	[tilespmem:v2+s9+$0x0] =	vst.idx.add.f32.msk $0xffff, v3  }
0x15a: {  	v2 =	vld [tilespmem:s29+$0x7D10];
	_ =	sdelay $0x2  }
0x15b: {  	v3 =	vld [tilespmem:s29+$0x10];
	_ =	sdelay $0x4  }
0x15c: {  	[tilespmem:v2+s9+$0x0] =	vst.idx.add.f32.msk $0xffff, v3  }
0x15d: {  	v2 =	vld [tilespmem:s29+$0x7D20];
	_ =	sdelay $0x2  }
0x15e: {  	v3 =	vld [tilespmem:s29+$0x20];
	_ =	sdelay $0x4  }
0x15f: {  	[tilespmem:v2+s9+$0x0] =	vst.idx.add.f32.msk $0xffff, v3  }
0x160: {  	v2 =	vld [tilespmem:s29+$0x7D30];
	_ =	sdelay $0x2  }
0x161: {  	v3 =	vld [tilespmem:s29+$0x30];
	_ =	sdelay $0x4  }
0x162: {  	[tilespmem:v2+s9+$0x0] =	vst.idx.add.f32.msk $0xffff, v3  }
0x163: {  	v2 =	vld [tilespmem:s29+$0x7D40];
	_ =	sdelay $0x2  }
0x164: {  	v3 =	vld [tilespmem:s29+$0x40];
	_ =	sdelay $0x4  }
0x165: {  	[tilespmem:v2+s9+$0x0] =	vst.idx.add.f32.msk $0xffff, v3  }
0x166: {  	v2 =	vld [tilespmem:s29+$0x7D50];
	_ =	sdelay $0x2  }
0x167: {  	v3 =	vld [tilespmem:s29+$0x50];
	_ =	sdelay $0x4  }
0x168: {  	[tilespmem:v2+s9+$0x0] =	vst.idx.add.f32.msk $0xffff, v3  }
0x169: {  	v2 =	vld [tilespmem:s29+$0x7D60];
	_ =	sdelay $0x2  }
0x16a: {  	v3 =	vld [tilespmem:s29+$0x60];
	_ =	sdelay $0x4  }
0x16b: {  	[tilespmem:v2+s9+$0x0] =	vst.idx.add.f32.msk $0xffff, v3  }
0x16c: {  	v2 =	vld [tilespmem:s29+$0x7D70];
	_ =	sdelay $0x2  }
0x16d: {  	p2 =	seq.s32 s13, $0xF800;
	v3 =	vld [tilespmem:s29+$0x70]  }
.Ltmp16:
0x16e: {  	_ = 	snop;
	(pc) =	sbr.rel @!p2 .LBB2_22-.Ltmp16, $2  }
0x16f: {  	_ =	sdelay $0x2  }
0x170: {  	s13 =	sadd.s32 $0x200, s13;
	[tilespmem:v2+s9+$0x0] =	vst.idx.add.f32.msk $0xffff, v3  }
.Ltmp17:
0x171: {  	(pc) =	sbr.rel @!p1 .LBB2_25-.Ltmp17, $2  }
0x172: {  	_ =	sdelay $0x2  }
0x173: {  	s13 =	smov.u32 s30;
	s29 =	smov.u32 s14  }
.LBB2_24:
0x174: {  	v2 =	vld [tilespmem:s13+$0xFFFFFFC0];
	_ =	sdelay $0x7  }
0x175: {  	[tilespmem:v2+s21+$0x0] =	vst.idx.add.f32.msk $0xffff, v1  }
0x176: {  	v2 =	vld [tilespmem:s13+$0xFFFFFFD0];
	_ =	sdelay $0x7  }
0x177: {  	[tilespmem:v2+s21+$0x0] =	vst.idx.add.f32.msk $0xffff, v1  }
0x178: {  	v2 =	vld [tilespmem:s13+$0xFFFFFFE0];
	_ =	sdelay $0x7  }
0x179: {  	[tilespmem:v2+s21+$0x0] =	vst.idx.add.f32.msk $0xffff, v1  }
0x17a: {  	v2 =	vld [tilespmem:s13+$0xFFFFFFF0];
	_ =	sdelay $0x7  }
0x17b: {  	[tilespmem:v2+s21+$0x0] =	vst.idx.add.f32.msk $0xffff, v1  }
0x17c: {  	v2 =	vld [tilespmem:s13+$0x0];
	_ =	sdelay $0x7  }
0x17d: {  	[tilespmem:v2+s21+$0x0] =	vst.idx.add.f32.msk $0xffff, v1  }
0x17e: {  	v2 =	vld [tilespmem:s13+$0x10];
	_ =	sdelay $0x7  }
0x17f: {  	[tilespmem:v2+s21+$0x0] =	vst.idx.add.f32.msk $0xffff, v1  }
0x180: {  	v2 =	vld [tilespmem:s13+$0x20];
	_ =	sdelay $0x7  }
0x181: {  	[tilespmem:v2+s21+$0x0] =	vst.idx.add.f32.msk $0xffff, v1  }
0x182: {  	v2 =	vld [tilespmem:s13+$0x30];
	_ =	sdelay $0x2  }
0x183: {  	p2 =	sne.s32 s29, $0x1  }
.Ltmp18:
0x184: {  	_ = 	snop;
	(pc) =	sbr.rel @p2 .LBB2_24-.Ltmp18, $2  }
0x185: {  	_ =	sdelay $0x2  }
0x186: {  	s29 =	sadd.s32 $0xFFFFFFFF, s29;
	s13 =	sadd.s32 $0x80, s13;
	[tilespmem:v2+s21+$0x0] =	vst.idx.add.f32.msk $0xffff, v1  }
.LBB2_25:
0x187: {  	_ =	swait.ge [sflag:s6], $0x3E80  }
0x188: {  	[sflag:s6] =	ssyncset.done $0x0  }
0x189: {  	[sflag:s6] =	ssyncadd.s32 $0xFFFFC180  }
0x18a: {  	_ =	swait.ge [sflag:s6], $0x3E80  }
0x18b: {  	[sflag:s6] =	ssyncset.done $0x0  }
0x18c: {  	s13 =	simm.s32 $0x0;
	s29 =	rddreg [dreg:$0x12];
	[sflag:s6] =	ssyncadd.s32 $0xFFFFC180  }
0x18d: {  	[tilespmem:s13], [sflag:$0x1] =	stream.strided.gather [hbm4b:s29+s2], $0x3E80, s3, s2, $0x38;
	[tilespmem:$0x14D20] =	vst v63  }
0x18e: {  	s29 =	rddreg [dreg:$0x13]  }
0x18f: {  	[tilespmem:s5], [sflag:$0x1] =	stream.strided.gather [hbm4b:s29+s2], $0x3E80, s4, s2, $0x38;
	[tilespmem:$0x14D20] =	vst v63  }
.LBB2_26:
0x190: {  	s29 =	sshra.s32 s13, $0x2  }
0x191: {  	v2 =	vld [tilespmem:s29+$0xBB80];
	_ =	sdelay $0x2  }
0x192: {  	v3 =	vld [tilespmem:s29+$0x3E80];
	_ =	sdelay $0x4  }
0x193: {  	[tilespmem:v2+s9+$0x0] =	vst.idx.add.f32.msk $0xffff, v3  }
0x194: {  	v2 =	vld [tilespmem:s29+$0xBB90];
	_ =	sdelay $0x2  }
0x195: {  	v3 =	vld [tilespmem:s29+$0x3E90];
	_ =	sdelay $0x4  }
0x196: {  	[tilespmem:v2+s9+$0x0] =	vst.idx.add.f32.msk $0xffff, v3  }
0x197: {  	v2 =	vld [tilespmem:s29+$0xBBA0];
	_ =	sdelay $0x2  }
0x198: {  	v3 =	vld [tilespmem:s29+$0x3EA0];
	_ =	sdelay $0x4  }
0x199: {  	[tilespmem:v2+s9+$0x0] =	vst.idx.add.f32.msk $0xffff, v3  }
0x19a: {  	v2 =	vld [tilespmem:s29+$0xBBB0];
	_ =	sdelay $0x2  }
0x19b: {  	v3 =	vld [tilespmem:s29+$0x3EB0];
	_ =	sdelay $0x4  }
0x19c: {  	[tilespmem:v2+s9+$0x0] =	vst.idx.add.f32.msk $0xffff, v3  }
0x19d: {  	v2 =	vld [tilespmem:s29+$0xBBC0];
	_ =	sdelay $0x2  }
0x19e: {  	v3 =	vld [tilespmem:s29+$0x3EC0];
	_ =	sdelay $0x4  }
0x19f: {  	[tilespmem:v2+s9+$0x0] =	vst.idx.add.f32.msk $0xffff, v3  }
0x1a0: {  	v2 =	vld [tilespmem:s29+$0xBBD0];
	_ =	sdelay $0x2  }
0x1a1: {  	v3 =	vld [tilespmem:s29+$0x3ED0];
	_ =	sdelay $0x4  }
0x1a2: {  	[tilespmem:v2+s9+$0x0] =	vst.idx.add.f32.msk $0xffff, v3  }
0x1a3: {  	v2 =	vld [tilespmem:s29+$0xBBE0];
	_ =	sdelay $0x2  }
0x1a4: {  	v3 =	vld [tilespmem:s29+$0x3EE0];
	_ =	sdelay $0x4  }
0x1a5: {  	[tilespmem:v2+s9+$0x0] =	vst.idx.add.f32.msk $0xffff, v3  }
0x1a6: {  	v2 =	vld [tilespmem:s29+$0xBBF0];
	_ =	sdelay $0x2  }
0x1a7: {  	p2 =	seq.s32 s13, $0xF800;
	v3 =	vld [tilespmem:s29+$0x3EF0]  }
.Ltmp19:
0x1a8: {  	_ = 	snop;
	(pc) =	sbr.rel @!p2 .LBB2_26-.Ltmp19, $2  }
0x1a9: {  	_ =	sdelay $0x2  }
0x1aa: {  	s13 =	sadd.s32 $0x200, s13;
	[tilespmem:v2+s9+$0x0] =	vst.idx.add.f32.msk $0xffff, v3  }
.Ltmp20:
0x1ab: {  	(pc) =	sbr.rel @!p1 .LBB2_29-.Ltmp20, $2  }
0x1ac: {  	_ =	sdelay $0x2  }
0x1ad: {  	s13 =	smov.u32 s31;
	s29 =	smov.u32 s14  }
.LBB2_28:
0x1ae: {  	v2 =	vld [tilespmem:s13+$0xFFFFFF90];
	_ =	sdelay $0x7  }
0x1af: {  	[tilespmem:v2+s21+$0x0] =	vst.idx.add.f32.msk $0xffff, v1  }
0x1b0: {  	v2 =	vld [tilespmem:s13+$0xFFFFFFA0];
	_ =	sdelay $0x7  }
0x1b1: {  	[tilespmem:v2+s21+$0x0] =	vst.idx.add.f32.msk $0xffff, v1  }
0x1b2: {  	v2 =	vld [tilespmem:s13+$0xFFFFFFB0];
	_ =	sdelay $0x7  }
0x1b3: {  	[tilespmem:v2+s21+$0x0] =	vst.idx.add.f32.msk $0xffff, v1  }
0x1b4: {  	v2 =	vld [tilespmem:s13+$0xFFFFFFC0];
	_ =	sdelay $0x7  }
0x1b5: {  	[tilespmem:v2+s21+$0x0] =	vst.idx.add.f32.msk $0xffff, v1  }
0x1b6: {  	v2 =	vld [tilespmem:s13+$0xFFFFFFD0];
	_ =	sdelay $0x7  }
0x1b7: {  	[tilespmem:v2+s21+$0x0] =	vst.idx.add.f32.msk $0xffff, v1  }
0x1b8: {  	v2 =	vld [tilespmem:s13+$0xFFFFFFE0];
	_ =	sdelay $0x7  }
0x1b9: {  	[tilespmem:v2+s21+$0x0] =	vst.idx.add.f32.msk $0xffff, v1  }
0x1ba: {  	v2 =	vld [tilespmem:s13+$0xFFFFFFF0];
	_ =	sdelay $0x7  }
0x1bb: {  	[tilespmem:v2+s21+$0x0] =	vst.idx.add.f32.msk $0xffff, v1  }
0x1bc: {  	v2 =	vld [tilespmem:s13+$0x0];
	_ =	sdelay $0x2  }
0x1bd: {  	p2 =	sne.s32 s29, $0x1  }
.Ltmp21:
0x1be: {  	_ = 	snop;
	(pc) =	sbr.rel @p2 .LBB2_28-.Ltmp21, $2  }
0x1bf: {  	_ =	sdelay $0x2  }
0x1c0: {  	s29 =	sadd.s32 $0xFFFFFFFF, s29;
	s13 =	sadd.s32 $0x80, s13;
	[tilespmem:v2+s21+$0x0] =	vst.idx.add.f32.msk $0xffff, v1  }
.LBB2_29:
0x1c1: {  	_ =	swait.ge [sflag:s6], $0x3E80  }
0x1c2: {  	[sflag:s6] =	ssyncset.done $0x0  }
0x1c3: {  	[sflag:s6] =	ssyncadd.s32 $0xFFFFC180  }
0x1c4: {  	_ =	swait.ge [sflag:s6], $0x3E80  }
0x1c5: {  	[sflag:s6] =	ssyncset.done $0x0  }
0x1c6: {  	[sflag:s6] =	ssyncadd.s32 $0xFFFFC180  }
0x1c7: {  	[tilespmem:s7], [sflag:$0x1] =	stream.strided.gather [hbm4b:s15+s2], $0x3E80, s3, s2, $0x38;
	[tilespmem:$0x14D20] =	vst v63  }
0x1c8: {  	s13 =	simm.s32 $0x0  }
0x1c9: {  	[tilespmem:s8], [sflag:$0x1] =	stream.strided.gather [hbm4b:s18+s2], $0x3E80, s4, s2, $0x38;
	[tilespmem:$0x14D20] =	vst v63  }
.LBB2_30:
0x1ca: {  	s29 =	sshra.s32 s13, $0x2  }
0x1cb: {  	v2 =	vld [tilespmem:s29+$0x7D00];
	_ =	sdelay $0x2  }
0x1cc: {  	v3 =	vld [tilespmem:s29+$0x0];
	_ =	sdelay $0x4  }
0x1cd: {  	[tilespmem:v2+s9+$0x0] =	vst.idx.add.f32.msk $0xffff, v3  }
0x1ce: {  	v2 =	vld [tilespmem:s29+$0x7D10];
	_ =	sdelay $0x2  }
0x1cf: {  	v3 =	vld [tilespmem:s29+$0x10];
	_ =	sdelay $0x4  }
0x1d0: {  	[tilespmem:v2+s9+$0x0] =	vst.idx.add.f32.msk $0xffff, v3  }
0x1d1: {  	v2 =	vld [tilespmem:s29+$0x7D20];
	_ =	sdelay $0x2  }
0x1d2: {  	v3 =	vld [tilespmem:s29+$0x20];
	_ =	sdelay $0x4  }
0x1d3: {  	[tilespmem:v2+s9+$0x0] =	vst.idx.add.f32.msk $0xffff, v3  }
0x1d4: {  	v2 =	vld [tilespmem:s29+$0x7D30];
	_ =	sdelay $0x2  }
0x1d5: {  	v3 =	vld [tilespmem:s29+$0x30];
	_ =	sdelay $0x4  }
0x1d6: {  	[tilespmem:v2+s9+$0x0] =	vst.idx.add.f32.msk $0xffff, v3  }
0x1d7: {  	v2 =	vld [tilespmem:s29+$0x7D40];
	_ =	sdelay $0x2  }
0x1d8: {  	v3 =	vld [tilespmem:s29+$0x40];
	_ =	sdelay $0x4  }
0x1d9: {  	[tilespmem:v2+s9+$0x0] =	vst.idx.add.f32.msk $0xffff, v3  }
0x1da: {  	v2 =	vld [tilespmem:s29+$0x7D50];
	_ =	sdelay $0x2  }
0x1db: {  	v3 =	vld [tilespmem:s29+$0x50];
	_ =	sdelay $0x4  }
0x1dc: {  	[tilespmem:v2+s9+$0x0] =	vst.idx.add.f32.msk $0xffff, v3  }
0x1dd: {  	v2 =	vld [tilespmem:s29+$0x7D60];
	_ =	sdelay $0x2  }
0x1de: {  	v3 =	vld [tilespmem:s29+$0x60];
	_ =	sdelay $0x4  }
0x1df: {  	[tilespmem:v2+s9+$0x0] =	vst.idx.add.f32.msk $0xffff, v3  }
0x1e0: {  	v2 =	vld [tilespmem:s29+$0x7D70];
	_ =	sdelay $0x2  }
0x1e1: {  	p2 =	seq.s32 s13, $0xF800;
	v3 =	vld [tilespmem:s29+$0x70]  }
.Ltmp22:
0x1e2: {  	_ = 	snop;
	(pc) =	sbr.rel @!p2 .LBB2_30-.Ltmp22, $2  }
0x1e3: {  	_ =	sdelay $0x2  }
0x1e4: {  	s13 =	sadd.s32 $0x200, s13;
	[tilespmem:v2+s9+$0x0] =	vst.idx.add.f32.msk $0xffff, v3  }
.Ltmp23:
0x1e5: {  	(pc) =	sbr.rel @!p1 .LBB2_33-.Ltmp23, $2  }
0x1e6: {  	_ =	sdelay $0x2  }
0x1e7: {  	s13 =	smov.u32 s30;
	s29 =	smov.u32 s14  }
.LBB2_32:
0x1e8: {  	v2 =	vld [tilespmem:s13+$0xFFFFFFC0];
	_ =	sdelay $0x7  }
0x1e9: {  	[tilespmem:v2+s21+$0x0] =	vst.idx.add.f32.msk $0xffff, v1  }
0x1ea: {  	v2 =	vld [tilespmem:s13+$0xFFFFFFD0];
	_ =	sdelay $0x7  }
0x1eb: {  	[tilespmem:v2+s21+$0x0] =	vst.idx.add.f32.msk $0xffff, v1  }
0x1ec: {  	v2 =	vld [tilespmem:s13+$0xFFFFFFE0];
	_ =	sdelay $0x7  }
0x1ed: {  	[tilespmem:v2+s21+$0x0] =	vst.idx.add.f32.msk $0xffff, v1  }
0x1ee: {  	v2 =	vld [tilespmem:s13+$0xFFFFFFF0];
	_ =	sdelay $0x7  }
0x1ef: {  	[tilespmem:v2+s21+$0x0] =	vst.idx.add.f32.msk $0xffff, v1  }
0x1f0: {  	v2 =	vld [tilespmem:s13+$0x0];
	_ =	sdelay $0x7  }
0x1f1: {  	[tilespmem:v2+s21+$0x0] =	vst.idx.add.f32.msk $0xffff, v1  }
0x1f2: {  	v2 =	vld [tilespmem:s13+$0x10];
	_ =	sdelay $0x7  }
0x1f3: {  	[tilespmem:v2+s21+$0x0] =	vst.idx.add.f32.msk $0xffff, v1  }
0x1f4: {  	v2 =	vld [tilespmem:s13+$0x20];
	_ =	sdelay $0x7  }
0x1f5: {  	[tilespmem:v2+s21+$0x0] =	vst.idx.add.f32.msk $0xffff, v1  }
0x1f6: {  	v2 =	vld [tilespmem:s13+$0x30];
	_ =	sdelay $0x2  }
0x1f7: {  	p2 =	sne.s32 s29, $0x1  }
.Ltmp24:
0x1f8: {  	_ = 	snop;
	(pc) =	sbr.rel @p2 .LBB2_32-.Ltmp24, $2  }
0x1f9: {  	_ =	sdelay $0x2  }
0x1fa: {  	s29 =	sadd.s32 $0xFFFFFFFF, s29;
	s13 =	sadd.s32 $0x80, s13;
	[tilespmem:v2+s21+$0x0] =	vst.idx.add.f32.msk $0xffff, v1  }
.LBB2_33:
0x1fb: {  	_ =	swait.ge [sflag:s6], $0x3E80  }
0x1fc: {  	[sflag:s6] =	ssyncset.done $0x0  }
0x1fd: {  	[sflag:s6] =	ssyncadd.s32 $0xFFFFC180  }
0x1fe: {  	_ =	swait.ge [sflag:s6], $0x3E80  }
0x1ff: {  	[sflag:s6] =	ssyncset.done $0x0  }
0x200: {  	s13 =	simm.s32 $0x0;
	[sflag:s6] =	ssyncadd.s32 $0xFFFFC180  }
0x201: {  	[tilespmem:s13], [sflag:$0x1] =	stream.strided.gather [hbm4b:s16+s2], $0x3E80, s3, s2, $0x38;
	[tilespmem:$0x14D20] =	vst v63  }
0x202: {  	_ = 	snop  }
0x203: {  	[tilespmem:s5], [sflag:$0x1] =	stream.strided.gather [hbm4b:s19+s2], $0x3E80, s4, s2, $0x38;
	[tilespmem:$0x14D20] =	vst v63  }
.LBB2_34:
0x204: {  	s29 =	sshra.s32 s13, $0x2  }
0x205: {  	v2 =	vld [tilespmem:s29+$0xBB80];
	_ =	sdelay $0x2  }
0x206: {  	v3 =	vld [tilespmem:s29+$0x3E80];
	_ =	sdelay $0x4  }
0x207: {  	[tilespmem:v2+s9+$0x0] =	vst.idx.add.f32.msk $0xffff, v3  }
0x208: {  	v2 =	vld [tilespmem:s29+$0xBB90];
	_ =	sdelay $0x2  }
0x209: {  	v3 =	vld [tilespmem:s29+$0x3E90];
	_ =	sdelay $0x4  }
0x20a: {  	[tilespmem:v2+s9+$0x0] =	vst.idx.add.f32.msk $0xffff, v3  }
0x20b: {  	v2 =	vld [tilespmem:s29+$0xBBA0];
	_ =	sdelay $0x2  }
0x20c: {  	v3 =	vld [tilespmem:s29+$0x3EA0];
	_ =	sdelay $0x4  }
0x20d: {  	[tilespmem:v2+s9+$0x0] =	vst.idx.add.f32.msk $0xffff, v3  }
0x20e: {  	v2 =	vld [tilespmem:s29+$0xBBB0];
	_ =	sdelay $0x2  }
0x20f: {  	v3 =	vld [tilespmem:s29+$0x3EB0];
	_ =	sdelay $0x4  }
0x210: {  	[tilespmem:v2+s9+$0x0] =	vst.idx.add.f32.msk $0xffff, v3  }
0x211: {  	v2 =	vld [tilespmem:s29+$0xBBC0];
	_ =	sdelay $0x2  }
0x212: {  	v3 =	vld [tilespmem:s29+$0x3EC0];
	_ =	sdelay $0x4  }
0x213: {  	[tilespmem:v2+s9+$0x0] =	vst.idx.add.f32.msk $0xffff, v3  }
0x214: {  	v2 =	vld [tilespmem:s29+$0xBBD0];
	_ =	sdelay $0x2  }
0x215: {  	v3 =	vld [tilespmem:s29+$0x3ED0];
	_ =	sdelay $0x4  }
0x216: {  	[tilespmem:v2+s9+$0x0] =	vst.idx.add.f32.msk $0xffff, v3  }
0x217: {  	v2 =	vld [tilespmem:s29+$0xBBE0];
	_ =	sdelay $0x2  }
0x218: {  	v3 =	vld [tilespmem:s29+$0x3EE0];
	_ =	sdelay $0x4  }
0x219: {  	[tilespmem:v2+s9+$0x0] =	vst.idx.add.f32.msk $0xffff, v3  }
0x21a: {  	v2 =	vld [tilespmem:s29+$0xBBF0];
	_ =	sdelay $0x2  }
0x21b: {  	p2 =	seq.s32 s13, $0xF800;
	v3 =	vld [tilespmem:s29+$0x3EF0]  }
.Ltmp25:
0x21c: {  	_ = 	snop;
	(pc) =	sbr.rel @!p2 .LBB2_34-.Ltmp25, $2  }
0x21d: {  	_ =	sdelay $0x2  }
0x21e: {  	s13 =	sadd.s32 $0x200, s13;
	[tilespmem:v2+s9+$0x0] =	vst.idx.add.f32.msk $0xffff, v3  }
.Ltmp26:
0x21f: {  	(pc) =	sbr.rel @!p1 .LBB2_37-.Ltmp26, $2  }
0x220: {  	_ =	sdelay $0x2  }
0x221: {  	s13 =	smov.u32 s31;
	s29 =	smov.u32 s14  }
.LBB2_36:
0x222: {  	v2 =	vld [tilespmem:s13+$0xFFFFFF90];
	_ =	sdelay $0x7  }
0x223: {  	[tilespmem:v2+s21+$0x0] =	vst.idx.add.f32.msk $0xffff, v1  }
0x224: {  	v2 =	vld [tilespmem:s13+$0xFFFFFFA0];
	_ =	sdelay $0x7  }
0x225: {  	[tilespmem:v2+s21+$0x0] =	vst.idx.add.f32.msk $0xffff, v1  }
0x226: {  	v2 =	vld [tilespmem:s13+$0xFFFFFFB0];
	_ =	sdelay $0x7  }
0x227: {  	[tilespmem:v2+s21+$0x0] =	vst.idx.add.f32.msk $0xffff, v1  }
0x228: {  	v2 =	vld [tilespmem:s13+$0xFFFFFFC0];
	_ =	sdelay $0x7  }
0x229: {  	[tilespmem:v2+s21+$0x0] =	vst.idx.add.f32.msk $0xffff, v1  }
0x22a: {  	v2 =	vld [tilespmem:s13+$0xFFFFFFD0];
	_ =	sdelay $0x7  }
0x22b: {  	[tilespmem:v2+s21+$0x0] =	vst.idx.add.f32.msk $0xffff, v1  }
0x22c: {  	v2 =	vld [tilespmem:s13+$0xFFFFFFE0];
	_ =	sdelay $0x7  }
0x22d: {  	[tilespmem:v2+s21+$0x0] =	vst.idx.add.f32.msk $0xffff, v1  }
0x22e: {  	v2 =	vld [tilespmem:s13+$0xFFFFFFF0];
	_ =	sdelay $0x7  }
0x22f: {  	[tilespmem:v2+s21+$0x0] =	vst.idx.add.f32.msk $0xffff, v1  }
0x230: {  	v2 =	vld [tilespmem:s13+$0x0];
	_ =	sdelay $0x2  }
0x231: {  	p2 =	sne.s32 s29, $0x1  }
.Ltmp27:
0x232: {  	_ = 	snop;
	(pc) =	sbr.rel @p2 .LBB2_36-.Ltmp27, $2  }
0x233: {  	_ =	sdelay $0x2  }
0x234: {  	s29 =	sadd.s32 $0xFFFFFFFF, s29;
	s13 =	sadd.s32 $0x80, s13;
	[tilespmem:v2+s21+$0x0] =	vst.idx.add.f32.msk $0xffff, v1  }
.LBB2_37:
0x235: {  	_ =	swait.ge [sflag:s6], $0x3E80  }
0x236: {  	[sflag:s6] =	ssyncset.done $0x0  }
0x237: {  	[sflag:s6] =	ssyncadd.s32 $0xFFFFC180  }
0x238: {  	_ =	swait.ge [sflag:s6], $0x3E80  }
0x239: {  	[sflag:s6] =	ssyncset.done $0x0  }
0x23a: {  	[sflag:s6] =	ssyncadd.s32 $0xFFFFC180  }
0x23b: {  	[tilespmem:s7], [sflag:$0x1] =	stream.strided.gather [hbm4b:s17+s2], $0x3E80, s3, s2, $0x38;
	[tilespmem:$0x14D20] =	vst v63  }
0x23c: {  	s13 =	simm.s32 $0x0  }
0x23d: {  	[tilespmem:s8], [sflag:$0x1] =	stream.strided.gather [hbm4b:s20+s2], $0x3E80, s4, s2, $0x38;
	[tilespmem:$0x14D20] =	vst v63  }
.LBB2_38:
0x23e: {  	s29 =	sshra.s32 s13, $0x2  }
0x23f: {  	v2 =	vld [tilespmem:s29+$0x7D00];
	_ =	sdelay $0x2  }
0x240: {  	v3 =	vld [tilespmem:s29+$0x0];
	_ =	sdelay $0x4  }
0x241: {  	[tilespmem:v2+s9+$0x0] =	vst.idx.add.f32.msk $0xffff, v3  }
0x242: {  	v2 =	vld [tilespmem:s29+$0x7D10];
	_ =	sdelay $0x2  }
0x243: {  	v3 =	vld [tilespmem:s29+$0x10];
	_ =	sdelay $0x4  }
0x244: {  	[tilespmem:v2+s9+$0x0] =	vst.idx.add.f32.msk $0xffff, v3  }
0x245: {  	v2 =	vld [tilespmem:s29+$0x7D20];
	_ =	sdelay $0x2  }
0x246: {  	v3 =	vld [tilespmem:s29+$0x20];
	_ =	sdelay $0x4  }
0x247: {  	[tilespmem:v2+s9+$0x0] =	vst.idx.add.f32.msk $0xffff, v3  }
0x248: {  	v2 =	vld [tilespmem:s29+$0x7D30];
	_ =	sdelay $0x2  }
0x249: {  	v3 =	vld [tilespmem:s29+$0x30];
	_ =	sdelay $0x4  }
0x24a: {  	[tilespmem:v2+s9+$0x0] =	vst.idx.add.f32.msk $0xffff, v3  }
0x24b: {  	v2 =	vld [tilespmem:s29+$0x7D40];
	_ =	sdelay $0x2  }
0x24c: {  	v3 =	vld [tilespmem:s29+$0x40];
	_ =	sdelay $0x4  }
0x24d: {  	[tilespmem:v2+s9+$0x0] =	vst.idx.add.f32.msk $0xffff, v3  }
0x24e: {  	v2 =	vld [tilespmem:s29+$0x7D50];
	_ =	sdelay $0x2  }
0x24f: {  	v3 =	vld [tilespmem:s29+$0x50];
	_ =	sdelay $0x4  }
0x250: {  	[tilespmem:v2+s9+$0x0] =	vst.idx.add.f32.msk $0xffff, v3  }
0x251: {  	v2 =	vld [tilespmem:s29+$0x7D60];
	_ =	sdelay $0x2  }
0x252: {  	v3 =	vld [tilespmem:s29+$0x60];
	_ =	sdelay $0x4  }
0x253: {  	[tilespmem:v2+s9+$0x0] =	vst.idx.add.f32.msk $0xffff, v3  }
0x254: {  	v2 =	vld [tilespmem:s29+$0x7D70];
	_ =	sdelay $0x2  }
0x255: {  	p2 =	seq.s32 s13, $0xF800;
	v3 =	vld [tilespmem:s29+$0x70]  }
.Ltmp28:
0x256: {  	_ = 	snop;
	(pc) =	sbr.rel @!p2 .LBB2_38-.Ltmp28, $2  }
0x257: {  	_ =	sdelay $0x2  }
0x258: {  	s13 =	sadd.s32 $0x200, s13;
	[tilespmem:v2+s9+$0x0] =	vst.idx.add.f32.msk $0xffff, v3  }
.Ltmp29:
0x259: {  	(pc) =	sbr.rel @!p1 .LBB2_41-.Ltmp29, $2  }
0x25a: {  	_ =	sdelay $0x2  }
0x25b: {  	s13 =	smov.u32 s30;
	s29 =	smov.u32 s14  }
.LBB2_40:
0x25c: {  	v2 =	vld [tilespmem:s13+$0xFFFFFFC0];
	_ =	sdelay $0x7  }
0x25d: {  	[tilespmem:v2+s21+$0x0] =	vst.idx.add.f32.msk $0xffff, v1  }
0x25e: {  	v2 =	vld [tilespmem:s13+$0xFFFFFFD0];
	_ =	sdelay $0x7  }
0x25f: {  	[tilespmem:v2+s21+$0x0] =	vst.idx.add.f32.msk $0xffff, v1  }
0x260: {  	v2 =	vld [tilespmem:s13+$0xFFFFFFE0];
	_ =	sdelay $0x7  }
0x261: {  	[tilespmem:v2+s21+$0x0] =	vst.idx.add.f32.msk $0xffff, v1  }
0x262: {  	v2 =	vld [tilespmem:s13+$0xFFFFFFF0];
	_ =	sdelay $0x7  }
0x263: {  	[tilespmem:v2+s21+$0x0] =	vst.idx.add.f32.msk $0xffff, v1  }
0x264: {  	v2 =	vld [tilespmem:s13+$0x0];
	_ =	sdelay $0x7  }
0x265: {  	[tilespmem:v2+s21+$0x0] =	vst.idx.add.f32.msk $0xffff, v1  }
0x266: {  	v2 =	vld [tilespmem:s13+$0x10];
	_ =	sdelay $0x7  }
0x267: {  	[tilespmem:v2+s21+$0x0] =	vst.idx.add.f32.msk $0xffff, v1  }
0x268: {  	v2 =	vld [tilespmem:s13+$0x20];
	_ =	sdelay $0x7  }
0x269: {  	[tilespmem:v2+s21+$0x0] =	vst.idx.add.f32.msk $0xffff, v1  }
0x26a: {  	v2 =	vld [tilespmem:s13+$0x30];
	_ =	sdelay $0x2  }
0x26b: {  	p2 =	sne.s32 s29, $0x1  }
.Ltmp30:
0x26c: {  	_ = 	snop;
	(pc) =	sbr.rel @p2 .LBB2_40-.Ltmp30, $2  }
0x26d: {  	_ =	sdelay $0x2  }
0x26e: {  	s29 =	sadd.s32 $0xFFFFFFFF, s29;
	s13 =	sadd.s32 $0x80, s13;
	[tilespmem:v2+s21+$0x0] =	vst.idx.add.f32.msk $0xffff, v1  }
.LBB2_41:
0x26f: {  	_ =	swait.ge [sflag:s6], $0x3E80  }
0x270: {  	[sflag:s6] =	ssyncset.done $0x0  }
0x271: {  	[sflag:s6] =	ssyncadd.s32 $0xFFFFC180  }
0x272: {  	_ =	swait.ge [sflag:s6], $0x3E80  }
0x273: {  	[sflag:s6] =	ssyncset.done $0x0  }
0x274: {  	s13 =	simm.s32 $0x0;
	[sflag:s6] =	ssyncadd.s32 $0xFFFFC180  }
.LBB2_42:
0x275: {  	s29 =	sshra.s32 s13, $0x2  }
0x276: {  	v2 =	vld [tilespmem:s29+$0xBB80];
	_ =	sdelay $0x2  }
0x277: {  	v3 =	vld [tilespmem:s29+$0x3E80];
	_ =	sdelay $0x4  }
0x278: {  	[tilespmem:v2+s9+$0x0] =	vst.idx.add.f32.msk $0xffff, v3  }
0x279: {  	v2 =	vld [tilespmem:s29+$0xBB90];
	_ =	sdelay $0x2  }
0x27a: {  	v3 =	vld [tilespmem:s29+$0x3E90];
	_ =	sdelay $0x4  }
0x27b: {  	[tilespmem:v2+s9+$0x0] =	vst.idx.add.f32.msk $0xffff, v3  }
0x27c: {  	v2 =	vld [tilespmem:s29+$0xBBA0];
	_ =	sdelay $0x2  }
0x27d: {  	v3 =	vld [tilespmem:s29+$0x3EA0];
	_ =	sdelay $0x4  }
0x27e: {  	[tilespmem:v2+s9+$0x0] =	vst.idx.add.f32.msk $0xffff, v3  }
0x27f: {  	v2 =	vld [tilespmem:s29+$0xBBB0];
	_ =	sdelay $0x2  }
0x280: {  	v3 =	vld [tilespmem:s29+$0x3EB0];
	_ =	sdelay $0x4  }
0x281: {  	[tilespmem:v2+s9+$0x0] =	vst.idx.add.f32.msk $0xffff, v3  }
0x282: {  	v2 =	vld [tilespmem:s29+$0xBBC0];
	_ =	sdelay $0x2  }
0x283: {  	v3 =	vld [tilespmem:s29+$0x3EC0];
	_ =	sdelay $0x4  }
0x284: {  	[tilespmem:v2+s9+$0x0] =	vst.idx.add.f32.msk $0xffff, v3  }
0x285: {  	v2 =	vld [tilespmem:s29+$0xBBD0];
	_ =	sdelay $0x2  }
0x286: {  	v3 =	vld [tilespmem:s29+$0x3ED0];
	_ =	sdelay $0x4  }
0x287: {  	[tilespmem:v2+s9+$0x0] =	vst.idx.add.f32.msk $0xffff, v3  }
0x288: {  	v2 =	vld [tilespmem:s29+$0xBBE0];
	_ =	sdelay $0x2  }
0x289: {  	v3 =	vld [tilespmem:s29+$0x3EE0];
	_ =	sdelay $0x4  }
0x28a: {  	[tilespmem:v2+s9+$0x0] =	vst.idx.add.f32.msk $0xffff, v3  }
0x28b: {  	v2 =	vld [tilespmem:s29+$0xBBF0];
	_ =	sdelay $0x2  }
0x28c: {  	p2 =	seq.s32 s13, $0xF800;
	v3 =	vld [tilespmem:s29+$0x3EF0]  }
.Ltmp31:
0x28d: {  	_ = 	snop;
	(pc) =	sbr.rel @!p2 .LBB2_42-.Ltmp31, $2  }
0x28e: {  	_ =	sdelay $0x2  }
0x28f: {  	s13 =	sadd.s32 $0x200, s13;
	[tilespmem:v2+s9+$0x0] =	vst.idx.add.f32.msk $0xffff, v3  }
.Ltmp32:
0x290: {  	(pc) =	sbr.rel @!p1 .LBB2_45-.Ltmp32, $2  }
0x291: {  	_ =	sdelay $0x2  }
0x292: {  	s13 =	smov.u32 s31;
	s29 =	smov.u32 s14  }
.LBB2_44:
0x293: {  	v2 =	vld [tilespmem:s13+$0xFFFFFF90];
	_ =	sdelay $0x7  }
0x294: {  	[tilespmem:v2+s21+$0x0] =	vst.idx.add.f32.msk $0xffff, v1  }
0x295: {  	v2 =	vld [tilespmem:s13+$0xFFFFFFA0];
	_ =	sdelay $0x7  }
0x296: {  	[tilespmem:v2+s21+$0x0] =	vst.idx.add.f32.msk $0xffff, v1  }
0x297: {  	v2 =	vld [tilespmem:s13+$0xFFFFFFB0];
	_ =	sdelay $0x7  }
0x298: {  	[tilespmem:v2+s21+$0x0] =	vst.idx.add.f32.msk $0xffff, v1  }
0x299: {  	v2 =	vld [tilespmem:s13+$0xFFFFFFC0];
	_ =	sdelay $0x7  }
0x29a: {  	[tilespmem:v2+s21+$0x0] =	vst.idx.add.f32.msk $0xffff, v1  }
0x29b: {  	v2 =	vld [tilespmem:s13+$0xFFFFFFD0];
	_ =	sdelay $0x7  }
0x29c: {  	[tilespmem:v2+s21+$0x0] =	vst.idx.add.f32.msk $0xffff, v1  }
0x29d: {  	v2 =	vld [tilespmem:s13+$0xFFFFFFE0];
	_ =	sdelay $0x7  }
0x29e: {  	[tilespmem:v2+s21+$0x0] =	vst.idx.add.f32.msk $0xffff, v1  }
0x29f: {  	v2 =	vld [tilespmem:s13+$0xFFFFFFF0];
	_ =	sdelay $0x7  }
0x2a0: {  	[tilespmem:v2+s21+$0x0] =	vst.idx.add.f32.msk $0xffff, v1  }
0x2a1: {  	v2 =	vld [tilespmem:s13+$0x0];
	_ =	sdelay $0x2  }
0x2a2: {  	p2 =	sne.s32 s29, $0x1  }
.Ltmp33:
0x2a3: {  	_ = 	snop;
	(pc) =	sbr.rel @p2 .LBB2_44-.Ltmp33, $2  }
0x2a4: {  	_ =	sdelay $0x2  }
0x2a5: {  	s29 =	sadd.s32 $0xFFFFFFFF, s29;
	s13 =	sadd.s32 $0x80, s13;
	[tilespmem:v2+s21+$0x0] =	vst.idx.add.f32.msk $0xffff, v1  }
.Ltmp34:
0x2a6: {  	_ = 	snop;
	(pc) =	sbr.rel .LBB2_45-.Ltmp34, $1  }
0x2a7: {  	_ =	sdelay $0x3  }
.LBB2_46:
0x2a8: {  	_ =	sfence.sel $0x180000  }
0x2a9: {  	[bflag:$0x0] =	sbarrier.arrive $0xFFFF  }
0x2aa: {  	_ =	strace $0x90000047  }
0x2ab: {  	[bflag:$0x2] =	sbarrier.arrive $0xFFFF  }
0x2ac: {  	s0 =	rddreg [dreg:$0x5]  }
0x2ad: {  	s0 =	sadd.s32 @!p0 $0x100000, s0  }
0x2ae: {  	[sflag:s0] =	ssyncadd.tile.s32 @!p0 $0x1;
	_ =	shalt  }
.Lfunc_end2:
_tile_overlayer_lowered:
.L_overlay_start_2:
0x2af: {  	(tag) =	ssettag $0x2  }
0x2b0: {  	s0 =	rddreg [dreg:$0x0];
	s2 =	stileid.u32  }
0x2b1: {  	s1 =	rddreg [dreg:$0x1];
	p0 =	sne.s32 s2, $0x0  }
0x2b2: {  	s3 =	rddreg [dreg:$0x2];
	[bflag:$0x3] =	sbarrier.arrive $0xFFFF;
	s2 =	simm.s32 @!p0 $0x1C03  }
0x2b3: {  	[timem:s3], [sflag:s2] =	dma.local @!p0 [hbm:s0], s1  }
0x2b4: {  	s0 =	simm.s32 @!p0 $0x3  }
0x2b5: {  	_ =	swait.ge @!p0 [sflag:s0], s1  }
0x2b6: {  	s1 =	ssub.s32 @!p0 $0x0, s1;
	[sflag:s0] =	ssyncset.done @!p0 $0x0  }
0x2b7: {  	[sflag:s0] =	ssyncadd.s32 @!p0 s1  }
0x2b8: {  	[bflag:$0x3] =	sbarrier.arrive $0xFFFF  }
0x2b9: {  	_ =	shalt  }

</sc_bundles>
